<compile_context>
chip_gen: v7x
topology: tpu7x:2x2x1
jax: 0.10.2.dev20260603
libtpu: 0.0.44.dev20260713+nightly
codegen_flags: <defaults>
</compile_context>

<pallas_src>
import functools

import jax
import jax.numpy as jnp
from jax import lax
from jax.experimental import pallas as pl
from jax.experimental.pallas import tpu as pltpu
from jax.experimental.pallas import tpu_sc as plsc

N = 10000
E = 320000
G = 64
CIN = 128
HID = 128

NC = 2
NS = 16
NW = NC * NS
EPW = E // NW
CH = 80
NCHUNK = EPW // CH
RPT = 624
TAIL = N - RPT * NS

BLK = 2000
NBLK = N // BLK

_MESH = plsc.VectorSubcoreMesh(core_axis_name="c", subcore_axis_name="s",
                               num_cores=NC, num_subcores=NS)



@functools.partial(
    pl.kernel,
    out_type=jax.ShapeDtypeStruct((NC, N, 16), jnp.float32),
    mesh=_MESH,
    scratch_types=[
        pltpu.VMEM((NCHUNK, CH), jnp.int32),
        pltpu.VMEM((CH, 16), jnp.float32),
        pltpu.VMEM_SHARED((N, 16), jnp.float32),
        pltpu.SemaphoreType.DMA,
    ],
)
def _sc_deg(dst3_hbm, zero16_hbm, out_hbm, dsts_v, ones_v, deg_sh, sem):
    cid = lax.axis_index("c")
    sid = lax.axis_index("s")
    w = sid * NC + cid
    r0 = sid * RPT
    pltpu.sync_copy(dst3_hbm.at[w], dsts_v)
    pltpu.sync_copy(zero16_hbm.at[pl.ds(r0, RPT)], deg_sh.at[pl.ds(r0, RPT)])

    @pl.when(sid == NS - 1)
    def _():
        pltpu.sync_copy(zero16_hbm.at[pl.ds(RPT * NS, TAIL)],
                        deg_sh.at[pl.ds(RPT * NS, TAIL)])

    one = jnp.ones((16,), jnp.float32)
    for r in range(CH):
        ones_v[r, :] = one
    plsc.subcore_barrier()

    def scat(c):
        return pltpu.async_copy(ones_v, deg_sh.at[dsts_v.at[c]], sem, add=True)

    def wait_scat():
        pltpu.make_async_copy(ones_v, deg_sh.at[dsts_v.at[0]], sem).wait()

    scat(0)
    scat(1)

    def body(k, _):
        scat(k + 2)
        wait_scat()
        return 0

    lax.fori_loop(0, NCHUNK - 2, body, 0)
    wait_scat()
    wait_scat()
    plsc.subcore_barrier()
    pltpu.sync_copy(deg_sh.at[pl.ds(r0, RPT)], out_hbm.at[cid, pl.ds(r0, RPT)])

    @pl.when(sid == NS - 1)
    def _():
        pltpu.sync_copy(deg_sh.at[pl.ds(RPT * NS, TAIL)],
                        out_hbm.at[cid, pl.ds(RPT * NS, TAIL)])


@functools.partial(
    pl.kernel,
    out_type=jax.ShapeDtypeStruct((NC, N, HID), jnp.float32),
    mesh=_MESH,
    scratch_types=[
        pltpu.VMEM((NCHUNK, CH), jnp.int32),
        pltpu.VMEM((2, CH), jnp.int32),
        pltpu.VMEM((2, CH, HID), jnp.float32),
        pltpu.VMEM_SHARED((N, HID), jnp.float32),
        pltpu.SemaphoreType.DMA,
        pltpu.SemaphoreType.DMA,
    ],
)
def _sc_hop(p_hbm, src3_hbm, dst3_hbm, zero_hbm, out_hbm,
            srcs_v, dsts2_v, rows_v, q_sh, sem_g, sem_i):
    cid = lax.axis_index("c")
    sid = lax.axis_index("s")
    w = sid * NC + cid
    r0 = sid * RPT
    pltpu.sync_copy(src3_hbm.at[w], srcs_v)

    @pl.when(cid == 0)
    def _():
        pltpu.sync_copy(p_hbm.at[pl.ds(r0, RPT)], q_sh.at[pl.ds(r0, RPT)])

        @pl.when(sid == NS - 1)
        def _():
            pltpu.sync_copy(p_hbm.at[pl.ds(RPT * NS, TAIL)],
                            q_sh.at[pl.ds(RPT * NS, TAIL)])

    @pl.when(cid == 1)
    def _():
        pltpu.sync_copy(zero_hbm.at[pl.ds(r0, RPT)], q_sh.at[pl.ds(r0, RPT)])

        @pl.when(sid == NS - 1)
        def _():
            pltpu.sync_copy(zero_hbm.at[pl.ds(RPT * NS, TAIL)],
                            q_sh.at[pl.ds(RPT * NS, TAIL)])

    plsc.subcore_barrier()

    def gather(c, b):
        pltpu.async_copy(p_hbm.at[srcs_v.at[c]], rows_v.at[b], sem_g)

    def wait_gather(b):
        pltpu.make_async_copy(p_hbm.at[srcs_v.at[0]], rows_v.at[b], sem_g).wait()

    def load_dst(c, b):
        pltpu.async_copy(dst3_hbm.at[w, c], dsts2_v.at[b], sem_i)

    def wait_dst(b):
        pltpu.make_async_copy(dst3_hbm.at[w, 0], dsts2_v.at[b], sem_i).wait()

    def scatter(b):
        pltpu.sync_copy(rows_v.at[b], q_sh.at[dsts2_v.at[b]], add=True)

    load_dst(0, 0)
    gather(0, 0)

    def substep(c, b, fire=True):
        if fire:
            gather(c + 1, 1 - b)
            load_dst(c + 1, 1 - b)
        wait_gather(b)
        wait_dst(b)
        scatter(b)

    def body(j, _):
        substep(2 * j, 0)
        substep(2 * j + 1, 1)
        return 0

    lax.fori_loop(0, (NCHUNK - 1) // 2, body, 0)
    substep(NCHUNK - 1, 0, fire=False)
    plsc.subcore_barrier()
    pltpu.sync_copy(q_sh.at[pl.ds(r0, RPT)], out_hbm.at[cid, pl.ds(r0, RPT)])

    @pl.when(sid == NS - 1)
    def _():
        pltpu.sync_copy(q_sh.at[pl.ds(RPT * NS, TAIL)],
                        out_hbm.at[cid, pl.ds(RPT * NS, TAIL)])



def _tc_prep_body(degA_ref, degB_ref, x_ref, dinv_ref, dinv2_ref, p1_ref):
    deg = degA_ref[:, 0:1] + degB_ref[:, 0:1] + 1.0
    dinv = lax.rsqrt(deg)
    dinv_ref[...] = dinv
    dinv2_ref[...] = 1.0 / deg
    p1_ref[...] = x_ref[...] * dinv


def _tc_prep(degA, degB, x):
    return pl.pallas_call(
        _tc_prep_body,
        grid=(NBLK,),
        in_specs=[
            pl.BlockSpec((BLK, 16), lambda i: (i, 0)),
            pl.BlockSpec((BLK, 16), lambda i: (i, 0)),
            pl.BlockSpec((BLK, CIN), lambda i: (i, 0)),
        ],
        out_specs=[
            pl.BlockSpec((BLK, 1), lambda i: (i, 0)),
            pl.BlockSpec((BLK, 1), lambda i: (i, 0)),
            pl.BlockSpec((BLK, CIN), lambda i: (i, 0)),
        ],
        out_shape=[
            jax.ShapeDtypeStruct((N, 1), jnp.float32),
            jax.ShapeDtypeStruct((N, 1), jnp.float32),
            jax.ShapeDtypeStruct((N, CIN), jnp.float32),
        ],
    )(degA, degB, x)


def _tc_comb_body(qA_ref, qB_ref, dinv2_ref, out_ref):
    out_ref[...] = (qA_ref[...] + qB_ref[...]) * dinv2_ref[...]


def _tc_comb(qA, qB, dinv2):
    return pl.pallas_call(
        _tc_comb_body,
        grid=(NBLK,),
        in_specs=[
            pl.BlockSpec((BLK, HID), lambda i: (i, 0)),
            pl.BlockSpec((BLK, HID), lambda i: (i, 0)),
            pl.BlockSpec((BLK, 1), lambda i: (i, 0)),
        ],
        out_specs=pl.BlockSpec((BLK, HID), lambda i: (i, 0)),
        out_shape=jax.ShapeDtypeStruct((N, HID), jnp.float32),
    )(qA, qB, dinv2)


def _tc_tail_body(qA_ref, qB_ref, dinv_ref, batch_ref,
                  W_ref, b_ref, W1_ref, b1_ref, W2_ref, b2_ref,
                  out_ref, sums_ref, cnt_ref):
    i = pl.program_id(0)
    h = (qA_ref[...] + qB_ref[...]) * dinv_ref[...]
    hW = lax.dot_general(h, W_ref[...], (((1,), (0,)), ((), ())),
                         preferred_element_type=jnp.float32) + b_ref[...]
    hW = jnp.maximum(hW, 0.0)
    bt = batch_ref[0]
    gi = lax.broadcasted_iota(jnp.int32, (G, 1), 0)
    ohT = (bt == gi).astype(jnp.float32)
    part = lax.dot_general(ohT, hW, (((1,), (0,)), ((), ())),
                           preferred_element_type=jnp.float32)
    cntp = jnp.sum(ohT, axis=1, keepdims=True)

    @pl.when(i == 0)
    def _():
        sums_ref[...] = part
        cnt_ref[...] = cntp

    @pl.when(i > 0)
    def _():
        sums_ref[...] = sums_ref[...] + part
        cnt_ref[...] = cnt_ref[...] + cntp

    @pl.when(i == NBLK - 1)
    def _():
        havg = sums_ref[...] / jnp.maximum(cnt_ref[...], 1.0)
        z = lax.dot_general(havg, W1_ref[...], (((1,), (0,)), ((), ())),
                            preferred_element_type=jnp.float32) + b1_ref[...]
        z = jnp.maximum(z, 0.0)
        logits = lax.dot_general(z, W2_ref[...], (((1,), (0,)), ((), ())),
                                 preferred_element_type=jnp.float32) + b2_ref[...]
        out_ref[...] = logits


def _tc_tail(qA, qB, dinv, batch3, W, b2d, W1, b12d, W2, b22d):
    return pl.pallas_call(
        _tc_tail_body,
        grid=(NBLK,),
        in_specs=[
            pl.BlockSpec((BLK, HID), lambda i: (i, 0)),
            pl.BlockSpec((BLK, HID), lambda i: (i, 0)),
            pl.BlockSpec((BLK, 1), lambda i: (i, 0)),
            pl.BlockSpec((1, 1, BLK), lambda i: (i, 0, 0)),
            pl.BlockSpec((HID, HID), lambda i: (0, 0)),
            pl.BlockSpec((1, HID), lambda i: (0, 0)),
            pl.BlockSpec((HID, HID // 2), lambda i: (0, 0)),
            pl.BlockSpec((1, HID // 2), lambda i: (0, 0)),
            pl.BlockSpec((HID // 2, 10), lambda i: (0, 0)),
            pl.BlockSpec((1, 10), lambda i: (0, 0)),
        ],
        out_specs=pl.BlockSpec((G, 10), lambda i: (0, 0)),
        out_shape=jax.ShapeDtypeStruct((G, 10), jnp.float32),
        scratch_shapes=[
            pltpu.VMEM((G, HID), jnp.float32),
            pltpu.VMEM((G, 1), jnp.float32),
        ],
    )(qA, qB, dinv, batch3, W, b2d, W1, b12d, W2, b22d)



def kernel(x, edge_index, batch, W, b, W1, b1, W2, b2):
    src3 = edge_index[0].reshape(NW, NCHUNK, CH)
    dst3 = edge_index[1].reshape(NW, NCHUNK, CH)
    zeros16 = jnp.zeros((N, 16), jnp.float32)
    zeros128 = jnp.zeros((N, HID), jnp.float32)

    deg_parts = _sc_deg(dst3, zeros16)
    dinv, dinv2, p1 = _tc_prep(deg_parts[0], deg_parts[1], x)

    q1 = _sc_hop(p1, src3, dst3, zeros128)
    p2 = _tc_comb(q1[0], q1[1], dinv2)
    q2 = _sc_hop(p2, src3, dst3, zeros128)
    p3 = _tc_comb(q2[0], q2[1], dinv2)
    q3 = _sc_hop(p3, src3, dst3, zeros128)

    batch3 = batch.reshape(NBLK, 1, BLK)
    logits = _tc_tail(q3[0], q3[1], dinv, batch3,
                      W, b.reshape(1, HID), W1, b1.reshape(1, HID // 2),
                      W2, b2.reshape(1, 10))
    return logits

# --- scband reference (transcript-rebuilt; emitter-appended) ---
"""Pipeline reference for scband-sub-gcn-16080357556240 (READ-ONLY COPY).

The authoritative reference and input builder live on the scoring server;
editing this copy changes nothing except your own understanding.
"""

import jax, jax.numpy as jnp
import numpy as np

N = 10000
E = 320000
G = 64
C_IN = 128
HID = 128
NC = 10


def setup_inputs(seed: int = 0) -> dict:
    key = jax.random.key(seed)
    ks = jax.random.split(key, 10)
    x = jax.random.normal(ks[0], (N, C_IN), dtype=jnp.float32)
    edge_index = jax.random.randint(ks[1], (2, E), 0, N, dtype=jnp.int32)
    batch = jnp.sort(jax.random.randint(ks[2], (N,), 0, G, dtype=jnp.int32))
    # SGConv linear (c_in -> hidden)
    W = jax.random.normal(ks[3], (C_IN, HID), dtype=jnp.float32) * (1.0 / np.sqrt(C_IN))
    b = jnp.zeros((HID,), dtype=jnp.float32)
    # classifier: Linear(hidden, hidden//2) -> ReLU -> Linear(hidden//2, nc)
    W1 = jax.random.normal(ks[4], (HID, HID // 2), dtype=jnp.float32) * (1.0 / np.sqrt(HID))
    b1 = jnp.zeros((HID // 2,), dtype=jnp.float32)
    W2 = jax.random.normal(ks[5], (HID // 2, NC), dtype=jnp.float32) * (1.0 / np.sqrt(HID // 2))
    b2 = jnp.zeros((NC,), dtype=jnp.float32)
    return {"x": x, "edge_index": edge_index, "batch": batch, "W": W, "b": b, "W1": W1, "b1": b1, "W2": W2, "b2": b2}


def reference(x, edge_index, batch, W, b, W1, b1, W2, b2):
    n = x.shape[0]
    src = edge_index[0]
    dst = edge_index[1]
    # gcn_norm with self loops (SGConv default: add_self_loops=True, sym norm)
    loop = jnp.arange(n, dtype=src.dtype)
    src = jnp.concatenate([src, loop])
    dst = jnp.concatenate([dst, loop])
    ew = jnp.ones(src.shape[0], dtype=x.dtype)
    deg = jax.ops.segment_sum(ew, dst, num_segments=n)
    dinv = jnp.where(deg > 0, 1.0 / jnp.sqrt(deg), 0.0)
    norm = dinv[src] * ew * dinv[dst]
    # K=3 propagation: h = (D^-1/2 (A+I) D^-1/2)^3 x
    h = x
    for _ in range(3):
        msg = h[src] * norm[:, None]
        h = jax.ops.segment_sum(msg, dst, num_segments=n)
    # SGConv linear, then outer ReLU
    h = h @ W + b
    h = jax.nn.relu(h)
    # global_mean_pool over batch assignment
    sums = jax.ops.segment_sum(h, batch, num_segments=G)
    cnt = jax.ops.segment_sum(jnp.ones((n,), dtype=h.dtype), batch, num_segments=G)
    h_avg = sums / jnp.clip(cnt, 1.0, None)[:, None]
    # classifier (Dropout is identity in eval mode)
    z = jax.nn.relu(h_avg @ W1 + b1)
    logits = z @ W2 + b2
    return logits

if __name__ == "__main__":
    import jax
    _d = setup_inputs()
    print(jax.jit(kernel)(*tuple(_d.values())))

</pallas_src>

<mosaic_0001>
#map = affine_map<(d0, d1) -> (0, 0, 0)>
#map1 = affine_map<(d0, d1) -> (0, 0)>
module attributes {stable_mosaic.version = 14 : i64} {
  func.func @_sc_deg(%arg0: i32, %arg1: i32, %arg2: memref<32x125x80xi32, #tpu.memory_space<hbm>>, %arg3: memref<10000x16xf32, #tpu.memory_space<hbm>>, %arg4: memref<2x10000x16xf32, #tpu.memory_space<hbm>>, %arg5: memref<125x80xi32, #tpu.memory_space<vmem>>, %arg6: memref<80x16xf32, #tpu.memory_space<vmem>>, %arg7: memref<10000x16xf32, #tpu.memory_space<vmem_shared>>, %arg8: memref<!tpu.dma_semaphore, #tpu.memory_space<semaphore_mem>>) attributes {dimension_semantics = [#tpu.dimension_semantics<core_parallel>, #tpu.dimension_semantics<subcore_parallel>], iteration_bounds = array<i64: 2, 16>, scalar_prefetch = 0 : i64, scratch_operands = 4 : i64, tpu.core_type = #tpu.core_type<sc_vector_subcore>, window_params = [{transform_indices = #map}, {transform_indices = #map1}, {transform_indices = #map}]} {
    %mul3A = arith.constant 10 : i32
    %mul3A_0 = arith.muli %arg1, %mul3A : i32
    %add3A = arith.addi %mul3A_0, %arg0 : i32
    %mul3A_1 = arith.constant 624 : i32
    %mul3A_2 = arith.muli %arg1, %mul3A_1 : i32
    "tpu.region"() ({
      %run_scoped3A = tpu.sem_alloc : memref<!tpu.dma_semaphore, #tpu.memory_space<semaphore_mem>>
      %dma_start3A_523 = arith.constant 0 : i32
      %dma_start3A_524 = arith.constant 0 : i32
      %dma_start3A_525 = tpu.memref_slice %arg2[%add3A, %dma_start3A_523, %dma_start3A_524] : memref<32x125x80xi32, #tpu.memory_space<hbm>> -> memref<1x125x80xi32, #tpu.memory_space<hbm>>
      %dma_start3A_526 = tpu.memref_squeeze %dma_start3A_525 : memref<1x125x80xi32, #tpu.memory_space<hbm>> -> memref<125x80xi32, #tpu.memory_space<hbm>>
      %dma_start3A_527 = arith.constant 0 : i32
      %dma_start3A_528 = arith.constant 0 : i32
      %dma_start3A_529 = tpu.memref_slice %arg2[%add3A, %dma_start3A_527, %dma_start3A_528] : memref<32x125x80xi32, #tpu.memory_space<hbm>> -> memref<1x125x80xi32, #tpu.memory_space<hbm>>
      %dma_start3A_530 = tpu.memref_squeeze %dma_start3A_529 : memref<1x125x80xi32, #tpu.memory_space<hbm>> -> memref<125x80xi32, #tpu.memory_space<hbm>>
      tpu.enqueue_dma source(%dma_start3A_530 : memref<125x80xi32, #tpu.memory_space<hbm>>) target(%arg5 : memref<125x80xi32, #tpu.memory_space<vmem>>) target_semaphore(%run_scoped3A : memref<!tpu.dma_semaphore, #tpu.memory_space<semaphore_mem>>)
      %dma_wait3A_531 = arith.constant 0 : i32
      %dma_wait3A_532 = arith.constant 0 : i32
      %dma_wait3A_533 = tpu.memref_slice %arg2[%add3A, %dma_wait3A_531, %dma_wait3A_532] : memref<32x125x80xi32, #tpu.memory_space<hbm>> -> memref<1x125x80xi32, #tpu.memory_space<hbm>>
      %dma_wait3A_534 = tpu.memref_squeeze %dma_wait3A_533 : memref<1x125x80xi32, #tpu.memory_space<hbm>> -> memref<125x80xi32, #tpu.memory_space<hbm>>
      %dma_wait3A_535 = arith.constant 0 : i32
      %dma_wait3A_536 = arith.constant 0 : i32
      %dma_wait3A_537 = tpu.memref_slice %arg2[%add3A, %dma_wait3A_535, %dma_wait3A_536] : memref<32x125x80xi32, #tpu.memory_space<hbm>> -> memref<1x125x80xi32, #tpu.memory_space<hbm>>
      %dma_wait3A_538 = tpu.memref_squeeze %dma_wait3A_537 : memref<1x125x80xi32, #tpu.memory_space<hbm>> -> memref<125x80xi32, #tpu.memory_space<hbm>>
      tpu.wait_dma2 semaphore(%run_scoped3A : memref<!tpu.dma_semaphore, #tpu.memory_space<semaphore_mem>>) src(%dma_wait3A_538 : memref<125x80xi32, #tpu.memory_space<hbm>>) dst(%arg5 : memref<125x80xi32, #tpu.memory_space<vmem>>)
      tpu.yield
    }) : () -> ()
    "tpu.region"() ({
      %run_scoped3A = tpu.sem_alloc : memref<!tpu.dma_semaphore, #tpu.memory_space<semaphore_mem>>
      %dma_start3A_523 = arith.constant 0 : i32
      %dma_start3A_524 = tpu.memref_slice %arg7[%mul3A_2, %dma_start3A_523] : memref<10000x16xf32, #tpu.memory_space<vmem_shared>> -> memref<624x16xf32, #tpu.memory_space<vmem_shared>>
      %dma_start3A_525 = arith.constant 0 : i32
      %dma_start3A_526 = tpu.memref_slice %arg3[%mul3A_2, %dma_start3A_525] : memref<10000x16xf32, #tpu.memory_space<hbm>> -> memref<624x16xf32, #tpu.memory_space<hbm>>
      tpu.enqueue_dma source(%dma_start3A_526 : memref<624x16xf32, #tpu.memory_space<hbm>>) target(%dma_start3A_524 : memref<624x16xf32, #tpu.memory_space<vmem_shared>>) target_semaphore(%run_scoped3A : memref<!tpu.dma_semaphore, #tpu.memory_space<semaphore_mem>>)
      %dma_wait3A_527 = arith.constant 0 : i32
      %dma_wait3A_528 = tpu.memref_slice %arg7[%mul3A_2, %dma_wait3A_527] : memref<10000x16xf32, #tpu.memory_space<vmem_shared>> -> memref<624x16xf32, #tpu.memory_space<vmem_shared>>
      %dma_wait3A_529 = arith.constant 0 : i32
      %dma_wait3A_530 = tpu.memref_slice %arg3[%mul3A_2, %dma_wait3A_529] : memref<10000x16xf32, #tpu.memory_space<hbm>> -> memref<624x16xf32, #tpu.memory_space<hbm>>
      tpu.wait_dma2 semaphore(%run_scoped3A : memref<!tpu.dma_semaphore, #tpu.memory_space<semaphore_mem>>) src(%dma_wait3A_530 : memref<624x16xf32, #tpu.memory_space<hbm>>) dst(%dma_wait3A_528 : memref<624x16xf32, #tpu.memory_space<vmem_shared>>)
      tpu.yield
    }) : () -> ()
    %eq3A = arith.constant 15 : i32
    %eq3A_3 = arith.cmpi eq, %arg1, %eq3A : i32
    %convert_element_type3A = arith.extui %eq3A_3 : i1 to i32
    %cond3A = arith.constant 0 : i32
    %cond3A_4 = arith.cmpi ne, %convert_element_type3A, %cond3A : i32
    scf.if %cond3A_4 {
      "tpu.region"() ({
        %run_scoped3A = tpu.sem_alloc : memref<!tpu.dma_semaphore, #tpu.memory_space<semaphore_mem>>
        %dma_start3A_523 = arith.constant 9984 : i32
        %dma_start3A_524 = arith.constant 0 : i32
        %dma_start3A_525 = tpu.memref_slice %arg7[%dma_start3A_523, %dma_start3A_524] : memref<10000x16xf32, #tpu.memory_space<vmem_shared>> -> memref<16x16xf32, #tpu.memory_space<vmem_shared>>
        %dma_start3A_526 = arith.constant 9984 : i32
        %dma_start3A_527 = arith.constant 0 : i32
        %dma_start3A_528 = tpu.memref_slice %arg3[%dma_start3A_526, %dma_start3A_527] : memref<10000x16xf32, #tpu.memory_space<hbm>> -> memref<16x16xf32, #tpu.memory_space<hbm>>
        tpu.enqueue_dma source(%dma_start3A_528 : memref<16x16xf32, #tpu.memory_space<hbm>>) target(%dma_start3A_525 : memref<16x16xf32, #tpu.memory_space<vmem_shared>>) target_semaphore(%run_scoped3A : memref<!tpu.dma_semaphore, #tpu.memory_space<semaphore_mem>>)
        %dma_wait3A_529 = arith.constant 9984 : i32
        %dma_wait3A_530 = arith.constant 0 : i32
        %dma_wait3A_531 = tpu.memref_slice %arg7[%dma_wait3A_529, %dma_wait3A_530] : memref<10000x16xf32, #tpu.memory_space<vmem_shared>> -> memref<16x16xf32, #tpu.memory_space<vmem_shared>>
        %dma_wait3A_532 = arith.constant 9984 : i32
        %dma_wait3A_533 = arith.constant 0 : i32
        %dma_wait3A_534 = tpu.memref_slice %arg3[%dma_wait3A_532, %dma_wait3A_533] : memref<10000x16xf32, #tpu.memory_space<hbm>> -> memref<16x16xf32, #tpu.memory_space<hbm>>
        tpu.wait_dma2 semaphore(%run_scoped3A : memref<!tpu.dma_semaphore, #tpu.memory_space<semaphore_mem>>) src(%dma_wait3A_534 : memref<16x16xf32, #tpu.memory_space<hbm>>) dst(%dma_wait3A_531 : memref<16x16xf32, #tpu.memory_space<vmem_shared>>)
        tpu.yield
      }) : () -> ()
    } else {
    }
    %broadcast_in_dim3A = arith.constant 1.000000e+00 : f32
    %broadcast_in_dim3A_5 = vector.broadcast %broadcast_in_dim3A : f32 to vector<16xf32>
    %swap3A = arith.constant 0 : i32
    %swap3A_6 = arith.index_cast %swap3A : i32 to index
    %swap3A_7 = arith.constant 0 : index
    %swap3A_8 = tpu.vector_load %arg6[%swap3A_6, %swap3A_7] {strides = array<i32>} : memref<80x16xf32, #tpu.memory_space<vmem>>, vector<1x16xf32>,
    %swap3A_9 = vector.shape_cast %swap3A_8 : vector<1x16xf32> to vector<16xf32>
    %swap3A_10 = vector.shape_cast %broadcast_in_dim3A_5 : vector<16xf32> to vector<1x16xf32>
    tpu.vector_store %arg6[%swap3A_6, %swap3A_7], %swap3A_10 {strides = array<i32>} : memref<80x16xf32, #tpu.memory_space<vmem>>, vector<1x16xf32>,
    %swap3A_11 = arith.constant 1 : i32
    %swap3A_12 = arith.index_cast %swap3A_11 : i32 to index
    %swap3A_13 = arith.constant 0 : index
    %swap3A_14 = tpu.vector_load %arg6[%swap3A_12, %swap3A_13] {strides = array<i32>} : memref<80x16xf32, #tpu.memory_space<vmem>>, vector<1x16xf32>,
    %swap3A_15 = vector.shape_cast %swap3A_14 : vector<1x16xf32> to vector<16xf32>
    %swap3A_16 = vector.shape_cast %broadcast_in_dim3A_5 : vector<16xf32> to vector<1x16xf32>
    tpu.vector_store %arg6[%swap3A_12, %swap3A_13], %swap3A_16 {strides = array<i32>} : memref<80x16xf32, #tpu.memory_space<vmem>>, vector<1x16xf32>,
    %swap3A_17 = arith.constant 2 : i32
    %swap3A_18 = arith.index_cast %swap3A_17 : i32 to index
    %swap3A_19 = arith.constant 0 : index
    %swap3A_20 = tpu.vector_load %arg6[%swap3A_18, %swap3A_19] {strides = array<i32>} : memref<80x16xf32, #tpu.memory_space<vmem>>, vector<1x16xf32>,
    %swap3A_21 = vector.shape_cast %swap3A_20 : vector<1x16xf32> to vector<16xf32>
    %swap3A_22 = vector.shape_cast %broadcast_in_dim3A_5 : vector<16xf32> to vector<1x16xf32>
    tpu.vector_store %arg6[%swap3A_18, %swap3A_19], %swap3A_22 {strides = array<i32>} : memref<80x16xf32, #tpu.memory_space<vmem>>, vector<1x16xf32>,
    %swap3A_23 = arith.constant 3 : i32
    %swap3A_24 = arith.index_cast %swap3A_23 : i32 to index
    %swap3A_25 = arith.constant 0 : index
    %swap3A_26 = tpu.vector_load %arg6[%swap3A_24, %swap3A_25] {strides = array<i32>} : memref<80x16xf32, #tpu.memory_space<vmem>>, vector<1x16xf32>,
    %swap3A_27 = vector.shape_cast %swap3A_26 : vector<1x16xf32> to vector<16xf32>
    %swap3A_28 = vector.shape_cast %broadcast_in_dim3A_5 : vector<16xf32> to vector<1x16xf32>
    tpu.vector_store %arg6[%swap3A_24, %swap3A_25], %swap3A_28 {strides = array<i32>} : memref<80x16xf32, #tpu.memory_space<vmem>>, vector<1x16xf32>,
    %swap3A_29 = arith.constant 4 : i32
    %swap3A_30 = arith.index_cast %swap3A_29 : i32 to index
    %swap3A_31 = arith.constant 0 : index
    %swap3A_32 = tpu.vector_load %arg6[%swap3A_30, %swap3A_31] {strides = array<i32>} : memref<80x16xf32, #tpu.memory_space<vmem>>, vector<1x16xf32>,
    %swap3A_33 = vector.shape_cast %swap3A_32 : vector<1x16xf32> to vector<16xf32>
    %swap3A_34 = vector.shape_cast %broadcast_in_dim3A_5 : vector<16xf32> to vector<1x16xf32>
    tpu.vector_store %arg6[%swap3A_30, %swap3A_31], %swap3A_34 {strides = array<i32>} : memref<80x16xf32, #tpu.memory_space<vmem>>, vector<1x16xf32>,
    %swap3A_35 = arith.constant 5 : i32
    %swap3A_36 = arith.index_cast %swap3A_35 : i32 to index
    %swap3A_37 = arith.constant 0 : index
    %swap3A_38 = tpu.vector_load %arg6[%swap3A_36, %swap3A_37] {strides = array<i32>} : memref<80x16xf32, #tpu.memory_space<vmem>>, vector<1x16xf32>,
    %swap3A_39 = vector.shape_cast %swap3A_38 : vector<1x16xf32> to vector<16xf32>
    %swap3A_40 = vector.shape_cast %broadcast_in_dim3A_5 : vector<16xf32> to vector<1x16xf32>
    tpu.vector_store %arg6[%swap3A_36, %swap3A_37], %swap3A_40 {strides = array<i32>} : memref<80x16xf32, #tpu.memory_space<vmem>>, vector<1x16xf32>,
    %swap3A_41 = arith.constant 6 : i32
    %swap3A_42 = arith.index_cast %swap3A_41 : i32 to index
    %swap3A_43 = arith.constant 0 : index
    %swap3A_44 = tpu.vector_load %arg6[%swap3A_42, %swap3A_43] {strides = array<i32>} : memref<80x16xf32, #tpu.memory_space<vmem>>, vector<1x16xf32>,
    %swap3A_45 = vector.shape_cast %swap3A_44 : vector<1x16xf32> to vector<16xf32>
    %swap3A_46 = vector.shape_cast %broadcast_in_dim3A_5 : vector<16xf32> to vector<1x16xf32>
    tpu.vector_store %arg6[%swap3A_42, %swap3A_43], %swap3A_46 {strides = array<i32>} : memref<80x16xf32, #tpu.memory_space<vmem>>, vector<1x16xf32>,
    %swap3A_47 = arith.constant 7 : i32
    %swap3A_48 = arith.index_cast %swap3A_47 : i32 to index
    %swap3A_49 = arith.constant 0 : index
    %swap3A_50 = tpu.vector_load %arg6[%swap3A_48, %swap3A_49] {strides = array<i32>} : memref<80x16xf32, #tpu.memory_space<vmem>>, vector<1x16xf32>,
    %swap3A_51 = vector.shape_cast %swap3A_50 : vector<1x16xf32> to vector<16xf32>
    %swap3A_52 = vector.shape_cast %broadcast_in_dim3A_5 : vector<16xf32> to vector<1x16xf32>
    tpu.vector_store %arg6[%swap3A_48, %swap3A_49], %swap3A_52 {strides = array<i32>} : memref<80x16xf32, #tpu.memory_space<vmem>>, vector<1x16xf32>,
    %swap3A_53 = arith.constant 8 : i32
    %swap3A_54 = arith.index_cast %swap3A_53 : i32 to index
    %swap3A_55 = arith.constant 0 : index
    %swap3A_56 = tpu.vector_load %arg6[%swap3A_54, %swap3A_55] {strides = array<i32>} : memref<80x16xf32, #tpu.memory_space<vmem>>, vector<1x16xf32>,
    %swap3A_57 = vector.shape_cast %swap3A_56 : vector<1x16xf32> to vector<16xf32>
    %swap3A_58 = vector.shape_cast %broadcast_in_dim3A_5 : vector<16xf32> to vector<1x16xf32>
    tpu.vector_store %arg6[%swap3A_54, %swap3A_55], %swap3A_58 {strides = array<i32>} : memref<80x16xf32, #tpu.memory_space<vmem>>, vector<1x16xf32>,
    %swap3A_59 = arith.constant 9 : i32
    %swap3A_60 = arith.index_cast %swap3A_59 : i32 to index
    %swap3A_61 = arith.constant 0 : index
    %swap3A_62 = tpu.vector_load %arg6[%swap3A_60, %swap3A_61] {strides = array<i32>} : memref<80x16xf32, #tpu.memory_space<vmem>>, vector<1x16xf32>,
    %swap3A_63 = vector.shape_cast %swap3A_62 : vector<1x16xf32> to vector<16xf32>
    %swap3A_64 = vector.shape_cast %broadcast_in_dim3A_5 : vector<16xf32> to vector<1x16xf32>
    tpu.vector_store %arg6[%swap3A_60, %swap3A_61], %swap3A_64 {strides = array<i32>} : memref<80x16xf32, #tpu.memory_space<vmem>>, vector<1x16xf32>,
    %swap3A_65 = arith.constant 10 : i32
    %swap3A_66 = arith.index_cast %swap3A_65 : i32 to index
    %swap3A_67 = arith.constant 0 : index
    %swap3A_68 = tpu.vector_load %arg6[%swap3A_66, %swap3A_67] {strides = array<i32>} : memref<80x16xf32, #tpu.memory_space<vmem>>, vector<1x16xf32>,
    %swap3A_69 = vector.shape_cast %swap3A_68 : vector<1x16xf32> to vector<16xf32>
    %swap3A_70 = vector.shape_cast %broadcast_in_dim3A_5 : vector<16xf32> to vector<1x16xf32>
    tpu.vector_store %arg6[%swap3A_66, %swap3A_67], %swap3A_70 {strides = array<i32>} : memref<80x16xf32, #tpu.memory_space<vmem>>, vector<1x16xf32>,
    %swap3A_71 = arith.constant 11 : i32
    %swap3A_72 = arith.index_cast %swap3A_71 : i32 to index
    %swap3A_73 = arith.constant 0 : index
    %swap3A_74 = tpu.vector_load %arg6[%swap3A_72, %swap3A_73] {strides = array<i32>} : memref<80x16xf32, #tpu.memory_space<vmem>>, vector<1x16xf32>,
    %swap3A_75 = vector.shape_cast %swap3A_74 : vector<1x16xf32> to vector<16xf32>
    %swap3A_76 = vector.shape_cast %broadcast_in_dim3A_5 : vector<16xf32> to vector<1x16xf32>
    tpu.vector_store %arg6[%swap3A_72, %swap3A_73], %swap3A_76 {strides = array<i32>} : memref<80x16xf32, #tpu.memory_space<vmem>>, vector<1x16xf32>,
    %swap3A_77 = arith.constant 12 : i32
    %swap3A_78 = arith.index_cast %swap3A_77 : i32 to index
    %swap3A_79 = arith.constant 0 : index
    %swap3A_80 = tpu.vector_load %arg6[%swap3A_78, %swap3A_79] {strides = array<i32>} : memref<80x16xf32, #tpu.memory_space<vmem>>, vector<1x16xf32>,
    %swap3A_81 = vector.shape_cast %swap3A_80 : vector<1x16xf32> to vector<16xf32>
    %swap3A_82 = vector.shape_cast %broadcast_in_dim3A_5 : vector<16xf32> to vector<1x16xf32>
    tpu.vector_store %arg6[%swap3A_78, %swap3A_79], %swap3A_82 {strides = array<i32>} : memref<80x16xf32, #tpu.memory_space<vmem>>, vector<1x16xf32>,
    %swap3A_83 = arith.constant 13 : i32
    %swap3A_84 = arith.index_cast %swap3A_83 : i32 to index
    %swap3A_85 = arith.constant 0 : index
    %swap3A_86 = tpu.vector_load %arg6[%swap3A_84, %swap3A_85] {strides = array<i32>} : memref<80x16xf32, #tpu.memory_space<vmem>>, vector<1x16xf32>,
    %swap3A_87 = vector.shape_cast %swap3A_86 : vector<1x16xf32> to vector<16xf32>
    %swap3A_88 = vector.shape_cast %broadcast_in_dim3A_5 : vector<16xf32> to vector<1x16xf32>
    tpu.vector_store %arg6[%swap3A_84, %swap3A_85], %swap3A_88 {strides = array<i32>} : memref<80x16xf32, #tpu.memory_space<vmem>>, vector<1x16xf32>,
    %swap3A_89 = arith.constant 14 : i32
    %swap3A_90 = arith.index_cast %swap3A_89 : i32 to index
    %swap3A_91 = arith.constant 0 : index
    %swap3A_92 = tpu.vector_load %arg6[%swap3A_90, %swap3A_91] {strides = array<i32>} : memref<80x16xf32, #tpu.memory_space<vmem>>, vector<1x16xf32>,
    %swap3A_93 = vector.shape_cast %swap3A_92 : vector<1x16xf32> to vector<16xf32>
    %swap3A_94 = vector.shape_cast %broadcast_in_dim3A_5 : vector<16xf32> to vector<1x16xf32>
    tpu.vector_store %arg6[%swap3A_90, %swap3A_91], %swap3A_94 {strides = array<i32>} : memref<80x16xf32, #tpu.memory_space<vmem>>, vector<1x16xf32>,
    %swap3A_95 = arith.constant 15 : i32
    %swap3A_96 = arith.index_cast %swap3A_95 : i32 to index
    %swap3A_97 = arith.constant 0 : index
    %swap3A_98 = tpu.vector_load %arg6[%swap3A_96, %swap3A_97] {strides = array<i32>} : memref<80x16xf32, #tpu.memory_space<vmem>>, vector<1x16xf32>,
    %swap3A_99 = vector.shape_cast %swap3A_98 : vector<1x16xf32> to vector<16xf32>
    %swap3A_100 = vector.shape_cast %broadcast_in_dim3A_5 : vector<16xf32> to vector<1x16xf32>
    tpu.vector_store %arg6[%swap3A_96, %swap3A_97], %swap3A_100 {strides = array<i32>} : memref<80x16xf32, #tpu.memory_space<vmem>>, vector<1x16xf32>,
    %swap3A_101 = arith.constant 16 : i32
    %swap3A_102 = arith.index_cast %swap3A_101 : i32 to index
    %swap3A_103 = arith.constant 0 : index
    %swap3A_104 = tpu.vector_load %arg6[%swap3A_102, %swap3A_103] {strides = array<i32>} : memref<80x16xf32, #tpu.memory_space<vmem>>, vector<1x16xf32>,
    %swap3A_105 = vector.shape_cast %swap3A_104 : vector<1x16xf32> to vector<16xf32>
    %swap3A_106 = vector.shape_cast %broadcast_in_dim3A_5 : vector<16xf32> to vector<1x16xf32>
    tpu.vector_store %arg6[%swap3A_102, %swap3A_103], %swap3A_106 {strides = array<i32>} : memref<80x16xf32, #tpu.memory_space<vmem>>, vector<1x16xf32>,
    %swap3A_107 = arith.constant 17 : i32
    %swap3A_108 = arith.index_cast %swap3A_107 : i32 to index
    %swap3A_109 = arith.constant 0 : index
    %swap3A_110 = tpu.vector_load %arg6[%swap3A_108, %swap3A_109] {strides = array<i32>} : memref<80x16xf32, #tpu.memory_space<vmem>>, vector<1x16xf32>,
    %swap3A_111 = vector.shape_cast %swap3A_110 : vector<1x16xf32> to vector<16xf32>
    %swap3A_112 = vector.shape_cast %broadcast_in_dim3A_5 : vector<16xf32> to vector<1x16xf32>
    tpu.vector_store %arg6[%swap3A_108, %swap3A_109], %swap3A_112 {strides = array<i32>} : memref<80x16xf32, #tpu.memory_space<vmem>>, vector<1x16xf32>,
    %swap3A_113 = arith.constant 18 : i32
    %swap3A_114 = arith.index_cast %swap3A_113 : i32 to index
    %swap3A_115 = arith.constant 0 : index
    %swap3A_116 = tpu.vector_load %arg6[%swap3A_114, %swap3A_115] {strides = array<i32>} : memref<80x16xf32, #tpu.memory_space<vmem>>, vector<1x16xf32>,
    %swap3A_117 = vector.shape_cast %swap3A_116 : vector<1x16xf32> to vector<16xf32>
    %swap3A_118 = vector.shape_cast %broadcast_in_dim3A_5 : vector<16xf32> to vector<1x16xf32>
    tpu.vector_store %arg6[%swap3A_114, %swap3A_115], %swap3A_118 {strides = array<i32>} : memref<80x16xf32, #tpu.memory_space<vmem>>, vector<1x16xf32>,
    %swap3A_119 = arith.constant 19 : i32
    %swap3A_120 = arith.index_cast %swap3A_119 : i32 to index
    %swap3A_121 = arith.constant 0 : index
    %swap3A_122 = tpu.vector_load %arg6[%swap3A_120, %swap3A_121] {strides = array<i32>} : memref<80x16xf32, #tpu.memory_space<vmem>>, vector<1x16xf32>,
    %swap3A_123 = vector.shape_cast %swap3A_122 : vector<1x16xf32> to vector<16xf32>
    %swap3A_124 = vector.shape_cast %broadcast_in_dim3A_5 : vector<16xf32> to vector<1x16xf32>
    tpu.vector_store %arg6[%swap3A_120, %swap3A_121], %swap3A_124 {strides = array<i32>} : memref<80x16xf32, #tpu.memory_space<vmem>>, vector<1x16xf32>,
    %swap3A_125 = arith.constant 20 : i32
    %swap3A_126 = arith.index_cast %swap3A_125 : i32 to index
    %swap3A_127 = arith.constant 0 : index
    %swap3A_128 = tpu.vector_load %arg6[%swap3A_126, %swap3A_127] {strides = array<i32>} : memref<80x16xf32, #tpu.memory_space<vmem>>, vector<1x16xf32>,
    %swap3A_129 = vector.shape_cast %swap3A_128 : vector<1x16xf32> to vector<16xf32>
    %swap3A_130 = vector.shape_cast %broadcast_in_dim3A_5 : vector<16xf32> to vector<1x16xf32>
    tpu.vector_store %arg6[%swap3A_126, %swap3A_127], %swap3A_130 {strides = array<i32>} : memref<80x16xf32, #tpu.memory_space<vmem>>, vector<1x16xf32>,
    %swap3A_131 = arith.constant 21 : i32
    %swap3A_132 = arith.index_cast %swap3A_131 : i32 to index
    %swap3A_133 = arith.constant 0 : index
    %swap3A_134 = tpu.vector_load %arg6[%swap3A_132, %swap3A_133] {strides = array<i32>} : memref<80x16xf32, #tpu.memory_space<vmem>>, vector<1x16xf32>,
    %swap3A_135 = vector.shape_cast %swap3A_134 : vector<1x16xf32> to vector<16xf32>
    %swap3A_136 = vector.shape_cast %broadcast_in_dim3A_5 : vector<16xf32> to vector<1x16xf32>
    tpu.vector_store %arg6[%swap3A_132, %swap3A_133], %swap3A_136 {strides = array<i32>} : memref<80x16xf32, #tpu.memory_space<vmem>>, vector<1x16xf32>,
    %swap3A_137 = arith.constant 22 : i32
    %swap3A_138 = arith.index_cast %swap3A_137 : i32 to index
    %swap3A_139 = arith.constant 0 : index
    %swap3A_140 = tpu.vector_load %arg6[%swap3A_138, %swap3A_139] {strides = array<i32>} : memref<80x16xf32, #tpu.memory_space<vmem>>, vector<1x16xf32>,
    %swap3A_141 = vector.shape_cast %swap3A_140 : vector<1x16xf32> to vector<16xf32>
    %swap3A_142 = vector.shape_cast %broadcast_in_dim3A_5 : vector<16xf32> to vector<1x16xf32>
    tpu.vector_store %arg6[%swap3A_138, %swap3A_139], %swap3A_142 {strides = array<i32>} : memref<80x16xf32, #tpu.memory_space<vmem>>, vector<1x16xf32>,
    %swap3A_143 = arith.constant 23 : i32
    %swap3A_144 = arith.index_cast %swap3A_143 : i32 to index
    %swap3A_145 = arith.constant 0 : index
    %swap3A_146 = tpu.vector_load %arg6[%swap3A_144, %swap3A_145] {strides = array<i32>} : memref<80x16xf32, #tpu.memory_space<vmem>>, vector<1x16xf32>,
    %swap3A_147 = vector.shape_cast %swap3A_146 : vector<1x16xf32> to vector<16xf32>
    %swap3A_148 = vector.shape_cast %broadcast_in_dim3A_5 : vector<16xf32> to vector<1x16xf32>
    tpu.vector_store %arg6[%swap3A_144, %swap3A_145], %swap3A_148 {strides = array<i32>} : memref<80x16xf32, #tpu.memory_space<vmem>>, vector<1x16xf32>,
    %swap3A_149 = arith.constant 24 : i32
    %swap3A_150 = arith.index_cast %swap3A_149 : i32 to index
    %swap3A_151 = arith.constant 0 : index
    %swap3A_152 = tpu.vector_load %arg6[%swap3A_150, %swap3A_151] {strides = array<i32>} : memref<80x16xf32, #tpu.memory_space<vmem>>, vector<1x16xf32>,
    %swap3A_153 = vector.shape_cast %swap3A_152 : vector<1x16xf32> to vector<16xf32>
    %swap3A_154 = vector.shape_cast %broadcast_in_dim3A_5 : vector<16xf32> to vector<1x16xf32>
    tpu.vector_store %arg6[%swap3A_150, %swap3A_151], %swap3A_154 {strides = array<i32>} : memref<80x16xf32, #tpu.memory_space<vmem>>, vector<1x16xf32>,
    %swap3A_155 = arith.constant 25 : i32
    %swap3A_156 = arith.index_cast %swap3A_155 : i32 to index
    %swap3A_157 = arith.constant 0 : index
    %swap3A_158 = tpu.vector_load %arg6[%swap3A_156, %swap3A_157] {strides = array<i32>} : memref<80x16xf32, #tpu.memory_space<vmem>>, vector<1x16xf32>,
    %swap3A_159 = vector.shape_cast %swap3A_158 : vector<1x16xf32> to vector<16xf32>
    %swap3A_160 = vector.shape_cast %broadcast_in_dim3A_5 : vector<16xf32> to vector<1x16xf32>
    tpu.vector_store %arg6[%swap3A_156, %swap3A_157], %swap3A_160 {strides = array<i32>} : memref<80x16xf32, #tpu.memory_space<vmem>>, vector<1x16xf32>,
    %swap3A_161 = arith.constant 26 : i32
    %swap3A_162 = arith.index_cast %swap3A_161 : i32 to index
    %swap3A_163 = arith.constant 0 : index
    %swap3A_164 = tpu.vector_load %arg6[%swap3A_162, %swap3A_163] {strides = array<i32>} : memref<80x16xf32, #tpu.memory_space<vmem>>, vector<1x16xf32>,
    %swap3A_165 = vector.shape_cast %swap3A_164 : vector<1x16xf32> to vector<16xf32>
    %swap3A_166 = vector.shape_cast %broadcast_in_dim3A_5 : vector<16xf32> to vector<1x16xf32>
    tpu.vector_store %arg6[%swap3A_162, %swap3A_163], %swap3A_166 {strides = array<i32>} : memref<80x16xf32, #tpu.memory_space<vmem>>, vector<1x16xf32>,
    %swap3A_167 = arith.constant 27 : i32
    %swap3A_168 = arith.index_cast %swap3A_167 : i32 to index
    %swap3A_169 = arith.constant 0 : index
    %swap3A_170 = tpu.vector_load %arg6[%swap3A_168, %swap3A_169] {strides = array<i32>} : memref<80x16xf32, #tpu.memory_space<vmem>>, vector<1x16xf32>,
    %swap3A_171 = vector.shape_cast %swap3A_170 : vector<1x16xf32> to vector<16xf32>
    %swap3A_172 = vector.shape_cast %broadcast_in_dim3A_5 : vector<16xf32> to vector<1x16xf32>
    tpu.vector_store %arg6[%swap3A_168, %swap3A_169], %swap3A_172 {strides = array<i32>} : memref<80x16xf32, #tpu.memory_space<vmem>>, vector<1x16xf32>,
    %swap3A_173 = arith.constant 28 : i32
    %swap3A_174 = arith.index_cast %swap3A_173 : i32 to index
    %swap3A_175 = arith.constant 0 : index
    %swap3A_176 = tpu.vector_load %arg6[%swap3A_174, %swap3A_175] {strides = array<i32>} : memref<80x16xf32, #tpu.memory_space<vmem>>, vector<1x16xf32>,
    %swap3A_177 = vector.shape_cast %swap3A_176 : vector<1x16xf32> to vector<16xf32>
    %swap3A_178 = vector.shape_cast %broadcast_in_dim3A_5 : vector<16xf32> to vector<1x16xf32>
    tpu.vector_store %arg6[%swap3A_174, %swap3A_175], %swap3A_178 {strides = array<i32>} : memref<80x16xf32, #tpu.memory_space<vmem>>, vector<1x16xf32>,
    %swap3A_179 = arith.constant 29 : i32
    %swap3A_180 = arith.index_cast %swap3A_179 : i32 to index
    %swap3A_181 = arith.constant 0 : index
    %swap3A_182 = tpu.vector_load %arg6[%swap3A_180, %swap3A_181] {strides = array<i32>} : memref<80x16xf32, #tpu.memory_space<vmem>>, vector<1x16xf32>,
    %swap3A_183 = vector.shape_cast %swap3A_182 : vector<1x16xf32> to vector<16xf32>
    %swap3A_184 = vector.shape_cast %broadcast_in_dim3A_5 : vector<16xf32> to vector<1x16xf32>
    tpu.vector_store %arg6[%swap3A_180, %swap3A_181], %swap3A_184 {strides = array<i32>} : memref<80x16xf32, #tpu.memory_space<vmem>>, vector<1x16xf32>,
    %swap3A_185 = arith.constant 30 : i32
    %swap3A_186 = arith.index_cast %swap3A_185 : i32 to index
    %swap3A_187 = arith.constant 0 : index
    %swap3A_188 = tpu.vector_load %arg6[%swap3A_186, %swap3A_187] {strides = array<i32>} : memref<80x16xf32, #tpu.memory_space<vmem>>, vector<1x16xf32>,
    %swap3A_189 = vector.shape_cast %swap3A_188 : vector<1x16xf32> to vector<16xf32>
    %swap3A_190 = vector.shape_cast %broadcast_in_dim3A_5 : vector<16xf32> to vector<1x16xf32>
    tpu.vector_store %arg6[%swap3A_186, %swap3A_187], %swap3A_190 {strides = array<i32>} : memref<80x16xf32, #tpu.memory_space<vmem>>, vector<1x16xf32>,
    %swap3A_191 = arith.constant 31 : i32
    %swap3A_192 = arith.index_cast %swap3A_191 : i32 to index
    %swap3A_193 = arith.constant 0 : index
    %swap3A_194 = tpu.vector_load %arg6[%swap3A_192, %swap3A_193] {strides = array<i32>} : memref<80x16xf32, #tpu.memory_space<vmem>>, vector<1x16xf32>,
    %swap3A_195 = vector.shape_cast %swap3A_194 : vector<1x16xf32> to vector<16xf32>
    %swap3A_196 = vector.shape_cast %broadcast_in_dim3A_5 : vector<16xf32> to vector<1x16xf32>
    tpu.vector_store %arg6[%swap3A_192, %swap3A_193], %swap3A_196 {strides = array<i32>} : memref<80x16xf32, #tpu.memory_space<vmem>>, vector<1x16xf32>,
    %swap3A_197 = arith.constant 32 : i32
    %swap3A_198 = arith.index_cast %swap3A_197 : i32 to index
    %swap3A_199 = arith.constant 0 : index
    %swap3A_200 = tpu.vector_load %arg6[%swap3A_198, %swap3A_199] {strides = array<i32>} : memref<80x16xf32, #tpu.memory_space<vmem>>, vector<1x16xf32>,
    %swap3A_201 = vector.shape_cast %swap3A_200 : vector<1x16xf32> to vector<16xf32>
    %swap3A_202 = vector.shape_cast %broadcast_in_dim3A_5 : vector<16xf32> to vector<1x16xf32>
    tpu.vector_store %arg6[%swap3A_198, %swap3A_199], %swap3A_202 {strides = array<i32>} : memref<80x16xf32, #tpu.memory_space<vmem>>, vector<1x16xf32>,
    %swap3A_203 = arith.constant 33 : i32
    %swap3A_204 = arith.index_cast %swap3A_203 : i32 to index
    %swap3A_205 = arith.constant 0 : index
    %swap3A_206 = tpu.vector_load %arg6[%swap3A_204, %swap3A_205] {strides = array<i32>} : memref<80x16xf32, #tpu.memory_space<vmem>>, vector<1x16xf32>,
    %swap3A_207 = vector.shape_cast %swap3A_206 : vector<1x16xf32> to vector<16xf32>
    %swap3A_208 = vector.shape_cast %broadcast_in_dim3A_5 : vector<16xf32> to vector<1x16xf32>
    tpu.vector_store %arg6[%swap3A_204, %swap3A_205], %swap3A_208 {strides = array<i32>} : memref<80x16xf32, #tpu.memory_space<vmem>>, vector<1x16xf32>,
    %swap3A_209 = arith.constant 34 : i32
    %swap3A_210 = arith.index_cast %swap3A_209 : i32 to index
    %swap3A_211 = arith.constant 0 : index
    %swap3A_212 = tpu.vector_load %arg6[%swap3A_210, %swap3A_211] {strides = array<i32>} : memref<80x16xf32, #tpu.memory_space<vmem>>, vector<1x16xf32>,
    %swap3A_213 = vector.shape_cast %swap3A_212 : vector<1x16xf32> to vector<16xf32>
    %swap3A_214 = vector.shape_cast %broadcast_in_dim3A_5 : vector<16xf32> to vector<1x16xf32>
    tpu.vector_store %arg6[%swap3A_210, %swap3A_211], %swap3A_214 {strides = array<i32>} : memref<80x16xf32, #tpu.memory_space<vmem>>, vector<1x16xf32>,
    %swap3A_215 = arith.constant 35 : i32
    %swap3A_216 = arith.index_cast %swap3A_215 : i32 to index
    %swap3A_217 = arith.constant 0 : index
    %swap3A_218 = tpu.vector_load %arg6[%swap3A_216, %swap3A_217] {strides = array<i32>} : memref<80x16xf32, #tpu.memory_space<vmem>>, vector<1x16xf32>,
    %swap3A_219 = vector.shape_cast %swap3A_218 : vector<1x16xf32> to vector<16xf32>
    %swap3A_220 = vector.shape_cast %broadcast_in_dim3A_5 : vector<16xf32> to vector<1x16xf32>
    tpu.vector_store %arg6[%swap3A_216, %swap3A_217], %swap3A_220 {strides = array<i32>} : memref<80x16xf32, #tpu.memory_space<vmem>>, vector<1x16xf32>,
    %swap3A_221 = arith.constant 36 : i32
    %swap3A_222 = arith.index_cast %swap3A_221 : i32 to index
    %swap3A_223 = arith.constant 0 : index
    %swap3A_224 = tpu.vector_load %arg6[%swap3A_222, %swap3A_223] {strides = array<i32>} : memref<80x16xf32, #tpu.memory_space<vmem>>, vector<1x16xf32>,
    %swap3A_225 = vector.shape_cast %swap3A_224 : vector<1x16xf32> to vector<16xf32>
    %swap3A_226 = vector.shape_cast %broadcast_in_dim3A_5 : vector<16xf32> to vector<1x16xf32>
    tpu.vector_store %arg6[%swap3A_222, %swap3A_223], %swap3A_226 {strides = array<i32>} : memref<80x16xf32, #tpu.memory_space<vmem>>, vector<1x16xf32>,
    %swap3A_227 = arith.constant 37 : i32
    %swap3A_228 = arith.index_cast %swap3A_227 : i32 to index
    %swap3A_229 = arith.constant 0 : index
    %swap3A_230 = tpu.vector_load %arg6[%swap3A_228, %swap3A_229] {strides = array<i32>} : memref<80x16xf32, #tpu.memory_space<vmem>>, vector<1x16xf32>,
    %swap3A_231 = vector.shape_cast %swap3A_230 : vector<1x16xf32> to vector<16xf32>
    %swap3A_232 = vector.shape_cast %broadcast_in_dim3A_5 : vector<16xf32> to vector<1x16xf32>
    tpu.vector_store %arg6[%swap3A_228, %swap3A_229], %swap3A_232 {strides = array<i32>} : memref<80x16xf32, #tpu.memory_space<vmem>>, vector<1x16xf32>,
    %swap3A_233 = arith.constant 38 : i32
    %swap3A_234 = arith.index_cast %swap3A_233 : i32 to index
    %swap3A_235 = arith.constant 0 : index
    %swap3A_236 = tpu.vector_load %arg6[%swap3A_234, %swap3A_235] {strides = array<i32>} : memref<80x16xf32, #tpu.memory_space<vmem>>, vector<1x16xf32>,
    %swap3A_237 = vector.shape_cast %swap3A_236 : vector<1x16xf32> to vector<16xf32>
    %swap3A_238 = vector.shape_cast %broadcast_in_dim3A_5 : vector<16xf32> to vector<1x16xf32>
    tpu.vector_store %arg6[%swap3A_234, %swap3A_235], %swap3A_238 {strides = array<i32>} : memref<80x16xf32, #tpu.memory_space<vmem>>, vector<1x16xf32>,
    %swap3A_239 = arith.constant 39 : i32
    %swap3A_240 = arith.index_cast %swap3A_239 : i32 to index
    %swap3A_241 = arith.constant 0 : index
    %swap3A_242 = tpu.vector_load %arg6[%swap3A_240, %swap3A_241] {strides = array<i32>} : memref<80x16xf32, #tpu.memory_space<vmem>>, vector<1x16xf32>,
    %swap3A_243 = vector.shape_cast %swap3A_242 : vector<1x16xf32> to vector<16xf32>
    %swap3A_244 = vector.shape_cast %broadcast_in_dim3A_5 : vector<16xf32> to vector<1x16xf32>
    tpu.vector_store %arg6[%swap3A_240, %swap3A_241], %swap3A_244 {strides = array<i32>} : memref<80x16xf32, #tpu.memory_space<vmem>>, vector<1x16xf32>,
    %swap3A_245 = arith.constant 40 : i32
    %swap3A_246 = arith.index_cast %swap3A_245 : i32 to index
    %swap3A_247 = arith.constant 0 : index
    %swap3A_248 = tpu.vector_load %arg6[%swap3A_246, %swap3A_247] {strides = array<i32>} : memref<80x16xf32, #tpu.memory_space<vmem>>, vector<1x16xf32>,
    %swap3A_249 = vector.shape_cast %swap3A_248 : vector<1x16xf32> to vector<16xf32>
    %swap3A_250 = vector.shape_cast %broadcast_in_dim3A_5 : vector<16xf32> to vector<1x16xf32>
    tpu.vector_store %arg6[%swap3A_246, %swap3A_247], %swap3A_250 {strides = array<i32>} : memref<80x16xf32, #tpu.memory_space<vmem>>, vector<1x16xf32>,
    %swap3A_251 = arith.constant 41 : i32
    %swap3A_252 = arith.index_cast %swap3A_251 : i32 to index
    %swap3A_253 = arith.constant 0 : index
    %swap3A_254 = tpu.vector_load %arg6[%swap3A_252, %swap3A_253] {strides = array<i32>} : memref<80x16xf32, #tpu.memory_space<vmem>>, vector<1x16xf32>,
    %swap3A_255 = vector.shape_cast %swap3A_254 : vector<1x16xf32> to vector<16xf32>
    %swap3A_256 = vector.shape_cast %broadcast_in_dim3A_5 : vector<16xf32> to vector<1x16xf32>
    tpu.vector_store %arg6[%swap3A_252, %swap3A_253], %swap3A_256 {strides = array<i32>} : memref<80x16xf32, #tpu.memory_space<vmem>>, vector<1x16xf32>,
    %swap3A_257 = arith.constant 42 : i32
    %swap3A_258 = arith.index_cast %swap3A_257 : i32 to index
    %swap3A_259 = arith.constant 0 : index
    %swap3A_260 = tpu.vector_load %arg6[%swap3A_258, %swap3A_259] {strides = array<i32>} : memref<80x16xf32, #tpu.memory_space<vmem>>, vector<1x16xf32>,
    %swap3A_261 = vector.shape_cast %swap3A_260 : vector<1x16xf32> to vector<16xf32>
    %swap3A_262 = vector.shape_cast %broadcast_in_dim3A_5 : vector<16xf32> to vector<1x16xf32>
    tpu.vector_store %arg6[%swap3A_258, %swap3A_259], %swap3A_262 {strides = array<i32>} : memref<80x16xf32, #tpu.memory_space<vmem>>, vector<1x16xf32>,
    %swap3A_263 = arith.constant 43 : i32
    %swap3A_264 = arith.index_cast %swap3A_263 : i32 to index
    %swap3A_265 = arith.constant 0 : index
    %swap3A_266 = tpu.vector_load %arg6[%swap3A_264, %swap3A_265] {strides = array<i32>} : memref<80x16xf32, #tpu.memory_space<vmem>>, vector<1x16xf32>,
    %swap3A_267 = vector.shape_cast %swap3A_266 : vector<1x16xf32> to vector<16xf32>
    %swap3A_268 = vector.shape_cast %broadcast_in_dim3A_5 : vector<16xf32> to vector<1x16xf32>
    tpu.vector_store %arg6[%swap3A_264, %swap3A_265], %swap3A_268 {strides = array<i32>} : memref<80x16xf32, #tpu.memory_space<vmem>>, vector<1x16xf32>,
    %swap3A_269 = arith.constant 44 : i32
    %swap3A_270 = arith.index_cast %swap3A_269 : i32 to index
    %swap3A_271 = arith.constant 0 : index
    %swap3A_272 = tpu.vector_load %arg6[%swap3A_270, %swap3A_271] {strides = array<i32>} : memref<80x16xf32, #tpu.memory_space<vmem>>, vector<1x16xf32>,
    %swap3A_273 = vector.shape_cast %swap3A_272 : vector<1x16xf32> to vector<16xf32>
    %swap3A_274 = vector.shape_cast %broadcast_in_dim3A_5 : vector<16xf32> to vector<1x16xf32>
    tpu.vector_store %arg6[%swap3A_270, %swap3A_271], %swap3A_274 {strides = array<i32>} : memref<80x16xf32, #tpu.memory_space<vmem>>, vector<1x16xf32>,
    %swap3A_275 = arith.constant 45 : i32
    %swap3A_276 = arith.index_cast %swap3A_275 : i32 to index
    %swap3A_277 = arith.constant 0 : index
    %swap3A_278 = tpu.vector_load %arg6[%swap3A_276, %swap3A_277] {strides = array<i32>} : memref<80x16xf32, #tpu.memory_space<vmem>>, vector<1x16xf32>,
    %swap3A_279 = vector.shape_cast %swap3A_278 : vector<1x16xf32> to vector<16xf32>
    %swap3A_280 = vector.shape_cast %broadcast_in_dim3A_5 : vector<16xf32> to vector<1x16xf32>
    tpu.vector_store %arg6[%swap3A_276, %swap3A_277], %swap3A_280 {strides = array<i32>} : memref<80x16xf32, #tpu.memory_space<vmem>>, vector<1x16xf32>,
    %swap3A_281 = arith.constant 46 : i32
    %swap3A_282 = arith.index_cast %swap3A_281 : i32 to index
    %swap3A_283 = arith.constant 0 : index
    %swap3A_284 = tpu.vector_load %arg6[%swap3A_282, %swap3A_283] {strides = array<i32>} : memref<80x16xf32, #tpu.memory_space<vmem>>, vector<1x16xf32>,
    %swap3A_285 = vector.shape_cast %swap3A_284 : vector<1x16xf32> to vector<16xf32>
    %swap3A_286 = vector.shape_cast %broadcast_in_dim3A_5 : vector<16xf32> to vector<1x16xf32>
    tpu.vector_store %arg6[%swap3A_282, %swap3A_283], %swap3A_286 {strides = array<i32>} : memref<80x16xf32, #tpu.memory_space<vmem>>, vector<1x16xf32>,
    %swap3A_287 = arith.constant 47 : i32
    %swap3A_288 = arith.index_cast %swap3A_287 : i32 to index
    %swap3A_289 = arith.constant 0 : index
    %swap3A_290 = tpu.vector_load %arg6[%swap3A_288, %swap3A_289] {strides = array<i32>} : memref<80x16xf32, #tpu.memory_space<vmem>>, vector<1x16xf32>,
    %swap3A_291 = vector.shape_cast %swap3A_290 : vector<1x16xf32> to vector<16xf32>
    %swap3A_292 = vector.shape_cast %broadcast_in_dim3A_5 : vector<16xf32> to vector<1x16xf32>
    tpu.vector_store %arg6[%swap3A_288, %swap3A_289], %swap3A_292 {strides = array<i32>} : memref<80x16xf32, #tpu.memory_space<vmem>>, vector<1x16xf32>,
    %swap3A_293 = arith.constant 48 : i32
    %swap3A_294 = arith.index_cast %swap3A_293 : i32 to index
    %swap3A_295 = arith.constant 0 : index
    %swap3A_296 = tpu.vector_load %arg6[%swap3A_294, %swap3A_295] {strides = array<i32>} : memref<80x16xf32, #tpu.memory_space<vmem>>, vector<1x16xf32>,
    %swap3A_297 = vector.shape_cast %swap3A_296 : vector<1x16xf32> to vector<16xf32>
    %swap3A_298 = vector.shape_cast %broadcast_in_dim3A_5 : vector<16xf32> to vector<1x16xf32>
    tpu.vector_store %arg6[%swap3A_294, %swap3A_295], %swap3A_298 {strides = array<i32>} : memref<80x16xf32, #tpu.memory_space<vmem>>, vector<1x16xf32>,
    %swap3A_299 = arith.constant 49 : i32
    %swap3A_300 = arith.index_cast %swap3A_299 : i32 to index
    %swap3A_301 = arith.constant 0 : index
    %swap3A_302 = tpu.vector_load %arg6[%swap3A_300, %swap3A_301] {strides = array<i32>} : memref<80x16xf32, #tpu.memory_space<vmem>>, vector<1x16xf32>,
    %swap3A_303 = vector.shape_cast %swap3A_302 : vector<1x16xf32> to vector<16xf32>
    %swap3A_304 = vector.shape_cast %broadcast_in_dim3A_5 : vector<16xf32> to vector<1x16xf32>
    tpu.vector_store %arg6[%swap3A_300, %swap3A_301], %swap3A_304 {strides = array<i32>} : memref<80x16xf32, #tpu.memory_space<vmem>>, vector<1x16xf32>,
    %swap3A_305 = arith.constant 50 : i32
    %swap3A_306 = arith.index_cast %swap3A_305 : i32 to index
    %swap3A_307 = arith.constant 0 : index
    %swap3A_308 = tpu.vector_load %arg6[%swap3A_306, %swap3A_307] {strides = array<i32>} : memref<80x16xf32, #tpu.memory_space<vmem>>, vector<1x16xf32>,
    %swap3A_309 = vector.shape_cast %swap3A_308 : vector<1x16xf32> to vector<16xf32>
    %swap3A_310 = vector.shape_cast %broadcast_in_dim3A_5 : vector<16xf32> to vector<1x16xf32>
    tpu.vector_store %arg6[%swap3A_306, %swap3A_307], %swap3A_310 {strides = array<i32>} : memref<80x16xf32, #tpu.memory_space<vmem>>, vector<1x16xf32>,
    %swap3A_311 = arith.constant 51 : i32
    %swap3A_312 = arith.index_cast %swap3A_311 : i32 to index
    %swap3A_313 = arith.constant 0 : index
    %swap3A_314 = tpu.vector_load %arg6[%swap3A_312, %swap3A_313] {strides = array<i32>} : memref<80x16xf32, #tpu.memory_space<vmem>>, vector<1x16xf32>,
    %swap3A_315 = vector.shape_cast %swap3A_314 : vector<1x16xf32> to vector<16xf32>
    %swap3A_316 = vector.shape_cast %broadcast_in_dim3A_5 : vector<16xf32> to vector<1x16xf32>
    tpu.vector_store %arg6[%swap3A_312, %swap3A_313], %swap3A_316 {strides = array<i32>} : memref<80x16xf32, #tpu.memory_space<vmem>>, vector<1x16xf32>,
    %swap3A_317 = arith.constant 52 : i32
    %swap3A_318 = arith.index_cast %swap3A_317 : i32 to index
    %swap3A_319 = arith.constant 0 : index
    %swap3A_320 = tpu.vector_load %arg6[%swap3A_318, %swap3A_319] {strides = array<i32>} : memref<80x16xf32, #tpu.memory_space<vmem>>, vector<1x16xf32>,
    %swap3A_321 = vector.shape_cast %swap3A_320 : vector<1x16xf32> to vector<16xf32>
    %swap3A_322 = vector.shape_cast %broadcast_in_dim3A_5 : vector<16xf32> to vector<1x16xf32>
    tpu.vector_store %arg6[%swap3A_318, %swap3A_319], %swap3A_322 {strides = array<i32>} : memref<80x16xf32, #tpu.memory_space<vmem>>, vector<1x16xf32>,
    %swap3A_323 = arith.constant 53 : i32
    %swap3A_324 = arith.index_cast %swap3A_323 : i32 to index
    %swap3A_325 = arith.constant 0 : index
    %swap3A_326 = tpu.vector_load %arg6[%swap3A_324, %swap3A_325] {strides = array<i32>} : memref<80x16xf32, #tpu.memory_space<vmem>>, vector<1x16xf32>,
    %swap3A_327 = vector.shape_cast %swap3A_326 : vector<1x16xf32> to vector<16xf32>
    %swap3A_328 = vector.shape_cast %broadcast_in_dim3A_5 : vector<16xf32> to vector<1x16xf32>
    tpu.vector_store %arg6[%swap3A_324, %swap3A_325], %swap3A_328 {strides = array<i32>} : memref<80x16xf32, #tpu.memory_space<vmem>>, vector<1x16xf32>,
    %swap3A_329 = arith.constant 54 : i32
    %swap3A_330 = arith.index_cast %swap3A_329 : i32 to index
    %swap3A_331 = arith.constant 0 : index
    %swap3A_332 = tpu.vector_load %arg6[%swap3A_330, %swap3A_331] {strides = array<i32>} : memref<80x16xf32, #tpu.memory_space<vmem>>, vector<1x16xf32>,
    %swap3A_333 = vector.shape_cast %swap3A_332 : vector<1x16xf32> to vector<16xf32>
    %swap3A_334 = vector.shape_cast %broadcast_in_dim3A_5 : vector<16xf32> to vector<1x16xf32>
    tpu.vector_store %arg6[%swap3A_330, %swap3A_331], %swap3A_334 {strides = array<i32>} : memref<80x16xf32, #tpu.memory_space<vmem>>, vector<1x16xf32>,
    %swap3A_335 = arith.constant 55 : i32
    %swap3A_336 = arith.index_cast %swap3A_335 : i32 to index
    %swap3A_337 = arith.constant 0 : index
    %swap3A_338 = tpu.vector_load %arg6[%swap3A_336, %swap3A_337] {strides = array<i32>} : memref<80x16xf32, #tpu.memory_space<vmem>>, vector<1x16xf32>,
    %swap3A_339 = vector.shape_cast %swap3A_338 : vector<1x16xf32> to vector<16xf32>
    %swap3A_340 = vector.shape_cast %broadcast_in_dim3A_5 : vector<16xf32> to vector<1x16xf32>
    tpu.vector_store %arg6[%swap3A_336, %swap3A_337], %swap3A_340 {strides = array<i32>} : memref<80x16xf32, #tpu.memory_space<vmem>>, vector<1x16xf32>,
    %swap3A_341 = arith.constant 56 : i32
    %swap3A_342 = arith.index_cast %swap3A_341 : i32 to index
    %swap3A_343 = arith.constant 0 : index
    %swap3A_344 = tpu.vector_load %arg6[%swap3A_342, %swap3A_343] {strides = array<i32>} : memref<80x16xf32, #tpu.memory_space<vmem>>, vector<1x16xf32>,
    %swap3A_345 = vector.shape_cast %swap3A_344 : vector<1x16xf32> to vector<16xf32>
    %swap3A_346 = vector.shape_cast %broadcast_in_dim3A_5 : vector<16xf32> to vector<1x16xf32>
    tpu.vector_store %arg6[%swap3A_342, %swap3A_343], %swap3A_346 {strides = array<i32>} : memref<80x16xf32, #tpu.memory_space<vmem>>, vector<1x16xf32>,
    %swap3A_347 = arith.constant 57 : i32
    %swap3A_348 = arith.index_cast %swap3A_347 : i32 to index
    %swap3A_349 = arith.constant 0 : index
    %swap3A_350 = tpu.vector_load %arg6[%swap3A_348, %swap3A_349] {strides = array<i32>} : memref<80x16xf32, #tpu.memory_space<vmem>>, vector<1x16xf32>,
    %swap3A_351 = vector.shape_cast %swap3A_350 : vector<1x16xf32> to vector<16xf32>
    %swap3A_352 = vector.shape_cast %broadcast_in_dim3A_5 : vector<16xf32> to vector<1x16xf32>
    tpu.vector_store %arg6[%swap3A_348, %swap3A_349], %swap3A_352 {strides = array<i32>} : memref<80x16xf32, #tpu.memory_space<vmem>>, vector<1x16xf32>,
    %swap3A_353 = arith.constant 58 : i32
    %swap3A_354 = arith.index_cast %swap3A_353 : i32 to index
    %swap3A_355 = arith.constant 0 : index
    %swap3A_356 = tpu.vector_load %arg6[%swap3A_354, %swap3A_355] {strides = array<i32>} : memref<80x16xf32, #tpu.memory_space<vmem>>, vector<1x16xf32>,
    %swap3A_357 = vector.shape_cast %swap3A_356 : vector<1x16xf32> to vector<16xf32>
    %swap3A_358 = vector.shape_cast %broadcast_in_dim3A_5 : vector<16xf32> to vector<1x16xf32>
    tpu.vector_store %arg6[%swap3A_354, %swap3A_355], %swap3A_358 {strides = array<i32>} : memref<80x16xf32, #tpu.memory_space<vmem>>, vector<1x16xf32>,
    %swap3A_359 = arith.constant 59 : i32
    %swap3A_360 = arith.index_cast %swap3A_359 : i32 to index
    %swap3A_361 = arith.constant 0 : index
    %swap3A_362 = tpu.vector_load %arg6[%swap3A_360, %swap3A_361] {strides = array<i32>} : memref<80x16xf32, #tpu.memory_space<vmem>>, vector<1x16xf32>,
    %swap3A_363 = vector.shape_cast %swap3A_362 : vector<1x16xf32> to vector<16xf32>
    %swap3A_364 = vector.shape_cast %broadcast_in_dim3A_5 : vector<16xf32> to vector<1x16xf32>
    tpu.vector_store %arg6[%swap3A_360, %swap3A_361], %swap3A_364 {strides = array<i32>} : memref<80x16xf32, #tpu.memory_space<vmem>>, vector<1x16xf32>,
    %swap3A_365 = arith.constant 60 : i32
    %swap3A_366 = arith.index_cast %swap3A_365 : i32 to index
    %swap3A_367 = arith.constant 0 : index
    %swap3A_368 = tpu.vector_load %arg6[%swap3A_366, %swap3A_367] {strides = array<i32>} : memref<80x16xf32, #tpu.memory_space<vmem>>, vector<1x16xf32>,
    %swap3A_369 = vector.shape_cast %swap3A_368 : vector<1x16xf32> to vector<16xf32>
    %swap3A_370 = vector.shape_cast %broadcast_in_dim3A_5 : vector<16xf32> to vector<1x16xf32>
    tpu.vector_store %arg6[%swap3A_366, %swap3A_367], %swap3A_370 {strides = array<i32>} : memref<80x16xf32, #tpu.memory_space<vmem>>, vector<1x16xf32>,
    %swap3A_371 = arith.constant 61 : i32
    %swap3A_372 = arith.index_cast %swap3A_371 : i32 to index
    %swap3A_373 = arith.constant 0 : index
    %swap3A_374 = tpu.vector_load %arg6[%swap3A_372, %swap3A_373] {strides = array<i32>} : memref<80x16xf32, #tpu.memory_space<vmem>>, vector<1x16xf32>,
    %swap3A_375 = vector.shape_cast %swap3A_374 : vector<1x16xf32> to vector<16xf32>
    %swap3A_376 = vector.shape_cast %broadcast_in_dim3A_5 : vector<16xf32> to vector<1x16xf32>
    tpu.vector_store %arg6[%swap3A_372, %swap3A_373], %swap3A_376 {strides = array<i32>} : memref<80x16xf32, #tpu.memory_space<vmem>>, vector<1x16xf32>,
    %swap3A_377 = arith.constant 62 : i32
    %swap3A_378 = arith.index_cast %swap3A_377 : i32 to index
    %swap3A_379 = arith.constant 0 : index
    %swap3A_380 = tpu.vector_load %arg6[%swap3A_378, %swap3A_379] {strides = array<i32>} : memref<80x16xf32, #tpu.memory_space<vmem>>, vector<1x16xf32>,
    %swap3A_381 = vector.shape_cast %swap3A_380 : vector<1x16xf32> to vector<16xf32>
    %swap3A_382 = vector.shape_cast %broadcast_in_dim3A_5 : vector<16xf32> to vector<1x16xf32>
    tpu.vector_store %arg6[%swap3A_378, %swap3A_379], %swap3A_382 {strides = array<i32>} : memref<80x16xf32, #tpu.memory_space<vmem>>, vector<1x16xf32>,
    %swap3A_383 = arith.constant 63 : i32
    %swap3A_384 = arith.index_cast %swap3A_383 : i32 to index
    %swap3A_385 = arith.constant 0 : index
    %swap3A_386 = tpu.vector_load %arg6[%swap3A_384, %swap3A_385] {strides = array<i32>} : memref<80x16xf32, #tpu.memory_space<vmem>>, vector<1x16xf32>,
    %swap3A_387 = vector.shape_cast %swap3A_386 : vector<1x16xf32> to vector<16xf32>
    %swap3A_388 = vector.shape_cast %broadcast_in_dim3A_5 : vector<16xf32> to vector<1x16xf32>
    tpu.vector_store %arg6[%swap3A_384, %swap3A_385], %swap3A_388 {strides = array<i32>} : memref<80x16xf32, #tpu.memory_space<vmem>>, vector<1x16xf32>,
    %swap3A_389 = arith.constant 64 : i32
    %swap3A_390 = arith.index_cast %swap3A_389 : i32 to index
    %swap3A_391 = arith.constant 0 : index
    %swap3A_392 = tpu.vector_load %arg6[%swap3A_390, %swap3A_391] {strides = array<i32>} : memref<80x16xf32, #tpu.memory_space<vmem>>, vector<1x16xf32>,
    %swap3A_393 = vector.shape_cast %swap3A_392 : vector<1x16xf32> to vector<16xf32>
    %swap3A_394 = vector.shape_cast %broadcast_in_dim3A_5 : vector<16xf32> to vector<1x16xf32>
    tpu.vector_store %arg6[%swap3A_390, %swap3A_391], %swap3A_394 {strides = array<i32>} : memref<80x16xf32, #tpu.memory_space<vmem>>, vector<1x16xf32>,
    %swap3A_395 = arith.constant 65 : i32
    %swap3A_396 = arith.index_cast %swap3A_395 : i32 to index
    %swap3A_397 = arith.constant 0 : index
    %swap3A_398 = tpu.vector_load %arg6[%swap3A_396, %swap3A_397] {strides = array<i32>} : memref<80x16xf32, #tpu.memory_space<vmem>>, vector<1x16xf32>,
    %swap3A_399 = vector.shape_cast %swap3A_398 : vector<1x16xf32> to vector<16xf32>
    %swap3A_400 = vector.shape_cast %broadcast_in_dim3A_5 : vector<16xf32> to vector<1x16xf32>
    tpu.vector_store %arg6[%swap3A_396, %swap3A_397], %swap3A_400 {strides = array<i32>} : memref<80x16xf32, #tpu.memory_space<vmem>>, vector<1x16xf32>,
    %swap3A_401 = arith.constant 66 : i32
    %swap3A_402 = arith.index_cast %swap3A_401 : i32 to index
    %swap3A_403 = arith.constant 0 : index
    %swap3A_404 = tpu.vector_load %arg6[%swap3A_402, %swap3A_403] {strides = array<i32>} : memref<80x16xf32, #tpu.memory_space<vmem>>, vector<1x16xf32>,
    %swap3A_405 = vector.shape_cast %swap3A_404 : vector<1x16xf32> to vector<16xf32>
    %swap3A_406 = vector.shape_cast %broadcast_in_dim3A_5 : vector<16xf32> to vector<1x16xf32>
    tpu.vector_store %arg6[%swap3A_402, %swap3A_403], %swap3A_406 {strides = array<i32>} : memref<80x16xf32, #tpu.memory_space<vmem>>, vector<1x16xf32>,
    %swap3A_407 = arith.constant 67 : i32
    %swap3A_408 = arith.index_cast %swap3A_407 : i32 to index
    %swap3A_409 = arith.constant 0 : index
    %swap3A_410 = tpu.vector_load %arg6[%swap3A_408, %swap3A_409] {strides = array<i32>} : memref<80x16xf32, #tpu.memory_space<vmem>>, vector<1x16xf32>,
    %swap3A_411 = vector.shape_cast %swap3A_410 : vector<1x16xf32> to vector<16xf32>
    %swap3A_412 = vector.shape_cast %broadcast_in_dim3A_5 : vector<16xf32> to vector<1x16xf32>
    tpu.vector_store %arg6[%swap3A_408, %swap3A_409], %swap3A_412 {strides = array<i32>} : memref<80x16xf32, #tpu.memory_space<vmem>>, vector<1x16xf32>,
    %swap3A_413 = arith.constant 68 : i32
    %swap3A_414 = arith.index_cast %swap3A_413 : i32 to index
    %swap3A_415 = arith.constant 0 : index
    %swap3A_416 = tpu.vector_load %arg6[%swap3A_414, %swap3A_415] {strides = array<i32>} : memref<80x16xf32, #tpu.memory_space<vmem>>, vector<1x16xf32>,
    %swap3A_417 = vector.shape_cast %swap3A_416 : vector<1x16xf32> to vector<16xf32>
    %swap3A_418 = vector.shape_cast %broadcast_in_dim3A_5 : vector<16xf32> to vector<1x16xf32>
    tpu.vector_store %arg6[%swap3A_414, %swap3A_415], %swap3A_418 {strides = array<i32>} : memref<80x16xf32, #tpu.memory_space<vmem>>, vector<1x16xf32>,
    %swap3A_419 = arith.constant 69 : i32
    %swap3A_420 = arith.index_cast %swap3A_419 : i32 to index
    %swap3A_421 = arith.constant 0 : index
    %swap3A_422 = tpu.vector_load %arg6[%swap3A_420, %swap3A_421] {strides = array<i32>} : memref<80x16xf32, #tpu.memory_space<vmem>>, vector<1x16xf32>,
    %swap3A_423 = vector.shape_cast %swap3A_422 : vector<1x16xf32> to vector<16xf32>
    %swap3A_424 = vector.shape_cast %broadcast_in_dim3A_5 : vector<16xf32> to vector<1x16xf32>
    tpu.vector_store %arg6[%swap3A_420, %swap3A_421], %swap3A_424 {strides = array<i32>} : memref<80x16xf32, #tpu.memory_space<vmem>>, vector<1x16xf32>,
    %swap3A_425 = arith.constant 70 : i32
    %swap3A_426 = arith.index_cast %swap3A_425 : i32 to index
    %swap3A_427 = arith.constant 0 : index
    %swap3A_428 = tpu.vector_load %arg6[%swap3A_426, %swap3A_427] {strides = array<i32>} : memref<80x16xf32, #tpu.memory_space<vmem>>, vector<1x16xf32>,
    %swap3A_429 = vector.shape_cast %swap3A_428 : vector<1x16xf32> to vector<16xf32>
    %swap3A_430 = vector.shape_cast %broadcast_in_dim3A_5 : vector<16xf32> to vector<1x16xf32>
    tpu.vector_store %arg6[%swap3A_426, %swap3A_427], %swap3A_430 {strides = array<i32>} : memref<80x16xf32, #tpu.memory_space<vmem>>, vector<1x16xf32>,
    %swap3A_431 = arith.constant 71 : i32
    %swap3A_432 = arith.index_cast %swap3A_431 : i32 to index
    %swap3A_433 = arith.constant 0 : index
    %swap3A_434 = tpu.vector_load %arg6[%swap3A_432, %swap3A_433] {strides = array<i32>} : memref<80x16xf32, #tpu.memory_space<vmem>>, vector<1x16xf32>,
    %swap3A_435 = vector.shape_cast %swap3A_434 : vector<1x16xf32> to vector<16xf32>
    %swap3A_436 = vector.shape_cast %broadcast_in_dim3A_5 : vector<16xf32> to vector<1x16xf32>
    tpu.vector_store %arg6[%swap3A_432, %swap3A_433], %swap3A_436 {strides = array<i32>} : memref<80x16xf32, #tpu.memory_space<vmem>>, vector<1x16xf32>,
    %swap3A_437 = arith.constant 72 : i32
    %swap3A_438 = arith.index_cast %swap3A_437 : i32 to index
    %swap3A_439 = arith.constant 0 : index
    %swap3A_440 = tpu.vector_load %arg6[%swap3A_438, %swap3A_439] {strides = array<i32>} : memref<80x16xf32, #tpu.memory_space<vmem>>, vector<1x16xf32>,
    %swap3A_441 = vector.shape_cast %swap3A_440 : vector<1x16xf32> to vector<16xf32>
    %swap3A_442 = vector.shape_cast %broadcast_in_dim3A_5 : vector<16xf32> to vector<1x16xf32>
    tpu.vector_store %arg6[%swap3A_438, %swap3A_439], %swap3A_442 {strides = array<i32>} : memref<80x16xf32, #tpu.memory_space<vmem>>, vector<1x16xf32>,
    %swap3A_443 = arith.constant 73 : i32
    %swap3A_444 = arith.index_cast %swap3A_443 : i32 to index
    %swap3A_445 = arith.constant 0 : index
    %swap3A_446 = tpu.vector_load %arg6[%swap3A_444, %swap3A_445] {strides = array<i32>} : memref<80x16xf32, #tpu.memory_space<vmem>>, vector<1x16xf32>,
    %swap3A_447 = vector.shape_cast %swap3A_446 : vector<1x16xf32> to vector<16xf32>
    %swap3A_448 = vector.shape_cast %broadcast_in_dim3A_5 : vector<16xf32> to vector<1x16xf32>
    tpu.vector_store %arg6[%swap3A_444, %swap3A_445], %swap3A_448 {strides = array<i32>} : memref<80x16xf32, #tpu.memory_space<vmem>>, vector<1x16xf32>,
    %swap3A_449 = arith.constant 74 : i32
    %swap3A_450 = arith.index_cast %swap3A_449 : i32 to index
    %swap3A_451 = arith.constant 0 : index
    %swap3A_452 = tpu.vector_load %arg6[%swap3A_450, %swap3A_451] {strides = array<i32>} : memref<80x16xf32, #tpu.memory_space<vmem>>, vector<1x16xf32>,
    %swap3A_453 = vector.shape_cast %swap3A_452 : vector<1x16xf32> to vector<16xf32>
    %swap3A_454 = vector.shape_cast %broadcast_in_dim3A_5 : vector<16xf32> to vector<1x16xf32>
    tpu.vector_store %arg6[%swap3A_450, %swap3A_451], %swap3A_454 {strides = array<i32>} : memref<80x16xf32, #tpu.memory_space<vmem>>, vector<1x16xf32>,
    %swap3A_455 = arith.constant 75 : i32
    %swap3A_456 = arith.index_cast %swap3A_455 : i32 to index
    %swap3A_457 = arith.constant 0 : index
    %swap3A_458 = tpu.vector_load %arg6[%swap3A_456, %swap3A_457] {strides = array<i32>} : memref<80x16xf32, #tpu.memory_space<vmem>>, vector<1x16xf32>,
    %swap3A_459 = vector.shape_cast %swap3A_458 : vector<1x16xf32> to vector<16xf32>
    %swap3A_460 = vector.shape_cast %broadcast_in_dim3A_5 : vector<16xf32> to vector<1x16xf32>
    tpu.vector_store %arg6[%swap3A_456, %swap3A_457], %swap3A_460 {strides = array<i32>} : memref<80x16xf32, #tpu.memory_space<vmem>>, vector<1x16xf32>,
    %swap3A_461 = arith.constant 76 : i32
    %swap3A_462 = arith.index_cast %swap3A_461 : i32 to index
    %swap3A_463 = arith.constant 0 : index
    %swap3A_464 = tpu.vector_load %arg6[%swap3A_462, %swap3A_463] {strides = array<i32>} : memref<80x16xf32, #tpu.memory_space<vmem>>, vector<1x16xf32>,
    %swap3A_465 = vector.shape_cast %swap3A_464 : vector<1x16xf32> to vector<16xf32>
    %swap3A_466 = vector.shape_cast %broadcast_in_dim3A_5 : vector<16xf32> to vector<1x16xf32>
    tpu.vector_store %arg6[%swap3A_462, %swap3A_463], %swap3A_466 {strides = array<i32>} : memref<80x16xf32, #tpu.memory_space<vmem>>, vector<1x16xf32>,
    %swap3A_467 = arith.constant 77 : i32
    %swap3A_468 = arith.index_cast %swap3A_467 : i32 to index
    %swap3A_469 = arith.constant 0 : index
    %swap3A_470 = tpu.vector_load %arg6[%swap3A_468, %swap3A_469] {strides = array<i32>} : memref<80x16xf32, #tpu.memory_space<vmem>>, vector<1x16xf32>,
    %swap3A_471 = vector.shape_cast %swap3A_470 : vector<1x16xf32> to vector<16xf32>
    %swap3A_472 = vector.shape_cast %broadcast_in_dim3A_5 : vector<16xf32> to vector<1x16xf32>
    tpu.vector_store %arg6[%swap3A_468, %swap3A_469], %swap3A_472 {strides = array<i32>} : memref<80x16xf32, #tpu.memory_space<vmem>>, vector<1x16xf32>,
    %swap3A_473 = arith.constant 78 : i32
    %swap3A_474 = arith.index_cast %swap3A_473 : i32 to index
    %swap3A_475 = arith.constant 0 : index
    %swap3A_476 = tpu.vector_load %arg6[%swap3A_474, %swap3A_475] {strides = array<i32>} : memref<80x16xf32, #tpu.memory_space<vmem>>, vector<1x16xf32>,
    %swap3A_477 = vector.shape_cast %swap3A_476 : vector<1x16xf32> to vector<16xf32>
    %swap3A_478 = vector.shape_cast %broadcast_in_dim3A_5 : vector<16xf32> to vector<1x16xf32>
    tpu.vector_store %arg6[%swap3A_474, %swap3A_475], %swap3A_478 {strides = array<i32>} : memref<80x16xf32, #tpu.memory_space<vmem>>, vector<1x16xf32>,
    %swap3A_479 = arith.constant 79 : i32
    %swap3A_480 = arith.index_cast %swap3A_479 : i32 to index
    %swap3A_481 = arith.constant 0 : index
    %swap3A_482 = tpu.vector_load %arg6[%swap3A_480, %swap3A_481] {strides = array<i32>} : memref<80x16xf32, #tpu.memory_space<vmem>>, vector<1x16xf32>,
    %swap3A_483 = vector.shape_cast %swap3A_482 : vector<1x16xf32> to vector<16xf32>
    %swap3A_484 = vector.shape_cast %broadcast_in_dim3A_5 : vector<16xf32> to vector<1x16xf32>
    tpu.vector_store %arg6[%swap3A_480, %swap3A_481], %swap3A_484 {strides = array<i32>} : memref<80x16xf32, #tpu.memory_space<vmem>>, vector<1x16xf32>,
    %barrier3A = arith.constant 0 : index
    tpu.barrier barrier_id(%barrier3A)
    %dma_start3A = arith.constant 0 : i32
    %dma_start3A_485 = arith.constant 0 : i32
    %dma_start3A_486 = tpu.memref_slice %arg5[%dma_start3A, %dma_start3A_485] : memref<125x80xi32, #tpu.memory_space<vmem>> -> memref<1x80xi32, #tpu.memory_space<vmem>>
    %dma_start3A_487 = tpu.memref_squeeze %dma_start3A_486 : memref<1x80xi32, #tpu.memory_space<vmem>> -> memref<80xi32, #tpu.memory_space<vmem>>
    %dma_start3A_488 = arith.constant 0 : i32
    %dma_start3A_489 = arith.constant 0 : i32
    %dma_start3A_490 = tpu.memref_slice %arg7[%dma_start3A_488, %dma_start3A_489] : memref<10000x16xf32, #tpu.memory_space<vmem_shared>> -> memref<10000x16xf32, #tpu.memory_space<vmem_shared>>
    tpu.enqueue_indirect_dma source(%arg6 : memref<80x16xf32, #tpu.memory_space<vmem>>) target(%dma_start3A_490 : memref<10000x16xf32, #tpu.memory_space<vmem_shared>>) offsets(%dma_start3A_487 : memref<80xi32, #tpu.memory_space<vmem>>) semaphore(%arg8 : memref<!tpu.dma_semaphore, #tpu.memory_space<semaphore_mem>>) {add = true}
    %dma_start3A_491 = arith.constant 1 : i32
    %dma_start3A_492 = arith.constant 0 : i32
    %dma_start3A_493 = tpu.memref_slice %arg5[%dma_start3A_491, %dma_start3A_492] : memref<125x80xi32, #tpu.memory_space<vmem>> -> memref<1x80xi32, #tpu.memory_space<vmem>>
    %dma_start3A_494 = tpu.memref_squeeze %dma_start3A_493 : memref<1x80xi32, #tpu.memory_space<vmem>> -> memref<80xi32, #tpu.memory_space<vmem>>
    %dma_start3A_495 = arith.constant 0 : i32
    %dma_start3A_496 = arith.constant 0 : i32
    %dma_start3A_497 = tpu.memref_slice %arg7[%dma_start3A_495, %dma_start3A_496] : memref<10000x16xf32, #tpu.memory_space<vmem_shared>> -> memref<10000x16xf32, #tpu.memory_space<vmem_shared>>
    tpu.enqueue_indirect_dma source(%arg6 : memref<80x16xf32, #tpu.memory_space<vmem>>) target(%dma_start3A_497 : memref<10000x16xf32, #tpu.memory_space<vmem_shared>>) offsets(%dma_start3A_494 : memref<80xi32, #tpu.memory_space<vmem>>) semaphore(%arg8 : memref<!tpu.dma_semaphore, #tpu.memory_space<semaphore_mem>>) {add = true}
    %scan3A = arith.constant 0 : i32
    %scan3A_498 = arith.constant 0 : i32
    %scan3A_499 = arith.constant 123 : i32
    %scan3A_500 = arith.addi %scan3A_498, %scan3A_499 : i32
    %scan3A_501 = arith.constant 1 : i32
    %scan3A_502 = scf.for %scan3A_523 = %scan3A_498 to %scan3A_500 step %scan3A_501 iter_args(%scan3A_524 = %scan3A) -> (i32)  : i32 {
      %add3A_525 = arith.constant 2 : i32
      %add3A_526 = arith.addi %scan3A_523, %add3A_525 : i32
      %dma_start3A_527 = arith.constant 0 : i32
      %dma_start3A_528 = tpu.memref_slice %arg5[%add3A_526, %dma_start3A_527] : memref<125x80xi32, #tpu.memory_space<vmem>> -> memref<1x80xi32, #tpu.memory_space<vmem>>
      %dma_start3A_529 = tpu.memref_squeeze %dma_start3A_528 : memref<1x80xi32, #tpu.memory_space<vmem>> -> memref<80xi32, #tpu.memory_space<vmem>>
      %dma_start3A_530 = arith.constant 0 : i32
      %dma_start3A_531 = arith.constant 0 : i32
      %dma_start3A_532 = tpu.memref_slice %arg7[%dma_start3A_530, %dma_start3A_531] : memref<10000x16xf32, #tpu.memory_space<vmem_shared>> -> memref<10000x16xf32, #tpu.memory_space<vmem_shared>>
      tpu.enqueue_indirect_dma source(%arg6 : memref<80x16xf32, #tpu.memory_space<vmem>>) target(%dma_start3A_532 : memref<10000x16xf32, #tpu.memory_space<vmem_shared>>) offsets(%dma_start3A_529 : memref<80xi32, #tpu.memory_space<vmem>>) semaphore(%arg8 : memref<!tpu.dma_semaphore, #tpu.memory_space<semaphore_mem>>) {add = true}
      %dma_wait3A_533 = arith.constant 0 : i32
      %dma_wait3A_534 = arith.constant 0 : i32
      %dma_wait3A_535 = tpu.memref_slice %arg5[%dma_wait3A_533, %dma_wait3A_534] : memref<125x80xi32, #tpu.memory_space<vmem>> -> memref<1x80xi32, #tpu.memory_space<vmem>>
      %dma_wait3A_536 = tpu.memref_squeeze %dma_wait3A_535 : memref<1x80xi32, #tpu.memory_space<vmem>> -> memref<80xi32, #tpu.memory_space<vmem>>
      %dma_wait3A_537 = arith.constant 0 : i32
      %dma_wait3A_538 = arith.constant 0 : i32
      %dma_wait3A_539 = tpu.memref_slice %arg7[%dma_wait3A_537, %dma_wait3A_538] : memref<10000x16xf32, #tpu.memory_space<vmem_shared>> -> memref<10000x16xf32, #tpu.memory_space<vmem_shared>>
      tpu.wait_indirect_dma semaphore(%arg8 : memref<!tpu.dma_semaphore, #tpu.memory_space<semaphore_mem>>) src(%arg6 : memref<80x16xf32, #tpu.memory_space<vmem>>) dst(%dma_wait3A_539 : memref<10000x16xf32, #tpu.memory_space<vmem_shared>>)
      %scan3A_540 = arith.constant 0 : i32
      scf.yield %scan3A_540 : i32
    }
    %scan3A_503 = arith.constant 123 : i32
    %dma_wait3A = arith.constant 0 : i32
    %dma_wait3A_504 = arith.constant 0 : i32
    %dma_wait3A_505 = tpu.memref_slice %arg5[%dma_wait3A, %dma_wait3A_504] : memref<125x80xi32, #tpu.memory_space<vmem>> -> memref<1x80xi32, #tpu.memory_space<vmem>>
    %dma_wait3A_506 = tpu.memref_squeeze %dma_wait3A_505 : memref<1x80xi32, #tpu.memory_space<vmem>> -> memref<80xi32, #tpu.memory_space<vmem>>
    %dma_wait3A_507 = arith.constant 0 : i32
    %dma_wait3A_508 = arith.constant 0 : i32
    %dma_wait3A_509 = tpu.memref_slice %arg7[%dma_wait3A_507, %dma_wait3A_508] : memref<10000x16xf32, #tpu.memory_space<vmem_shared>> -> memref<10000x16xf32, #tpu.memory_space<vmem_shared>>
    tpu.wait_indirect_dma semaphore(%arg8 : memref<!tpu.dma_semaphore, #tpu.memory_space<semaphore_mem>>) src(%arg6 : memref<80x16xf32, #tpu.memory_space<vmem>>) dst(%dma_wait3A_509 : memref<10000x16xf32, #tpu.memory_space<vmem_shared>>)
    %dma_wait3A_510 = arith.constant 0 : i32
    %dma_wait3A_511 = arith.constant 0 : i32
    %dma_wait3A_512 = tpu.memref_slice %arg5[%dma_wait3A_510, %dma_wait3A_511] : memref<125x80xi32, #tpu.memory_space<vmem>> -> memref<1x80xi32, #tpu.memory_space<vmem>>
    %dma_wait3A_513 = tpu.memref_squeeze %dma_wait3A_512 : memref<1x80xi32, #tpu.memory_space<vmem>> -> memref<80xi32, #tpu.memory_space<vmem>>
    %dma_wait3A_514 = arith.constant 0 : i32
    %dma_wait3A_515 = arith.constant 0 : i32
    %dma_wait3A_516 = tpu.memref_slice %arg7[%dma_wait3A_514, %dma_wait3A_515] : memref<10000x16xf32, #tpu.memory_space<vmem_shared>> -> memref<10000x16xf32, #tpu.memory_space<vmem_shared>>
    tpu.wait_indirect_dma semaphore(%arg8 : memref<!tpu.dma_semaphore, #tpu.memory_space<semaphore_mem>>) src(%arg6 : memref<80x16xf32, #tpu.memory_space<vmem>>) dst(%dma_wait3A_516 : memref<10000x16xf32, #tpu.memory_space<vmem_shared>>)
    %barrier3A_517 = arith.constant 0 : index
    tpu.barrier barrier_id(%barrier3A_517)
    "tpu.region"() ({
      %run_scoped3A = tpu.sem_alloc : memref<!tpu.dma_semaphore, #tpu.memory_space<semaphore_mem>>
      %dma_start3A_523 = arith.constant 0 : i32
      %dma_start3A_524 = tpu.memref_slice %arg4[%arg0, %mul3A_2, %dma_start3A_523] : memref<2x10000x16xf32, #tpu.memory_space<hbm>> -> memref<1x624x16xf32, #tpu.memory_space<hbm>>
      %dma_start3A_525 = tpu.memref_squeeze %dma_start3A_524 : memref<1x624x16xf32, #tpu.memory_space<hbm>> -> memref<624x16xf32, #tpu.memory_space<hbm>>
      %dma_start3A_526 = arith.constant 0 : i32
      %dma_start3A_527 = tpu.memref_slice %arg7[%mul3A_2, %dma_start3A_526] : memref<10000x16xf32, #tpu.memory_space<vmem_shared>> -> memref<624x16xf32, #tpu.memory_space<vmem_shared>>
      tpu.enqueue_dma source(%dma_start3A_527 : memref<624x16xf32, #tpu.memory_space<vmem_shared>>) target(%dma_start3A_525 : memref<624x16xf32, #tpu.memory_space<hbm>>) target_semaphore(%run_scoped3A : memref<!tpu.dma_semaphore, #tpu.memory_space<semaphore_mem>>)
      %dma_wait3A_528 = arith.constant 0 : i32
      %dma_wait3A_529 = tpu.memref_slice %arg4[%arg0, %mul3A_2, %dma_wait3A_528] : memref<2x10000x16xf32, #tpu.memory_space<hbm>> -> memref<1x624x16xf32, #tpu.memory_space<hbm>>
      %dma_wait3A_530 = tpu.memref_squeeze %dma_wait3A_529 : memref<1x624x16xf32, #tpu.memory_space<hbm>> -> memref<624x16xf32, #tpu.memory_space<hbm>>
      %dma_wait3A_531 = arith.constant 0 : i32
      %dma_wait3A_532 = tpu.memref_slice %arg7[%mul3A_2, %dma_wait3A_531] : memref<10000x16xf32, #tpu.memory_space<vmem_shared>> -> memref<624x16xf32, #tpu.memory_space<vmem_shared>>
      tpu.wait_dma2 semaphore(%run_scoped3A : memref<!tpu.dma_semaphore, #tpu.memory_space<semaphore_mem>>) src(%dma_wait3A_532 : memref<624x16xf32, #tpu.memory_space<vmem_shared>>) dst(%dma_wait3A_530 : memref<624x16xf32, #tpu.memory_space<hbm>>)
      tpu.yield
    }) : () -> ()
    %eq3A_518 = arith.constant 15 : i32
    %eq3A_519 = arith.cmpi eq, %arg1, %eq3A_518 : i32
    %convert_element_type3A_520 = arith.extui %eq3A_519 : i1 to i32
    %cond3A_521 = arith.constant 0 : i32
    %cond3A_522 = arith.cmpi ne, %convert_element_type3A_520, %cond3A_521 : i32
    scf.if %cond3A_522 {
      "tpu.region"() ({
        %run_scoped3A = tpu.sem_alloc : memref<!tpu.dma_semaphore, #tpu.memory_space<semaphore_mem>>
        %dma_start3A_523 = arith.constant 9984 : i32
        %dma_start3A_524 = arith.constant 0 : i32
        %dma_start3A_525 = tpu.memref_slice %arg4[%arg0, %dma_start3A_523, %dma_start3A_524] : memref<2x10000x16xf32, #tpu.memory_space<hbm>> -> memref<1x16x16xf32, #tpu.memory_space<hbm>>
        %dma_start3A_526 = tpu.memref_squeeze %dma_start3A_525 : memref<1x16x16xf32, #tpu.memory_space<hbm>> -> memref<16x16xf32, #tpu.memory_space<hbm>>
        %dma_start3A_527 = arith.constant 9984 : i32
        %dma_start3A_528 = arith.constant 0 : i32
        %dma_start3A_529 = tpu.memref_slice %arg7[%dma_start3A_527, %dma_start3A_528] : memref<10000x16xf32, #tpu.memory_space<vmem_shared>> -> memref<16x16xf32, #tpu.memory_space<vmem_shared>>
        tpu.enqueue_dma source(%dma_start3A_529 : memref<16x16xf32, #tpu.memory_space<vmem_shared>>) target(%dma_start3A_526 : memref<16x16xf32, #tpu.memory_space<hbm>>) target_semaphore(%run_scoped3A : memref<!tpu.dma_semaphore, #tpu.memory_space<semaphore_mem>>)
        %dma_wait3A_530 = arith.constant 9984 : i32
        %dma_wait3A_531 = arith.constant 0 : i32
        %dma_wait3A_532 = tpu.memref_slice %arg4[%arg0, %dma_wait3A_530, %dma_wait3A_531] : memref<2x10000x16xf32, #tpu.memory_space<hbm>> -> memref<1x16x16xf32, #tpu.memory_space<hbm>>
        %dma_wait3A_533 = tpu.memref_squeeze %dma_wait3A_532 : memref<1x16x16xf32, #tpu.memory_space<hbm>> -> memref<16x16xf32, #tpu.memory_space<hbm>>
        %dma_wait3A_534 = arith.constant 9984 : i32
        %dma_wait3A_535 = arith.constant 0 : i32
        %dma_wait3A_536 = tpu.memref_slice %arg7[%dma_wait3A_534, %dma_wait3A_535] : memref<10000x16xf32, #tpu.memory_space<vmem_shared>> -> memref<16x16xf32, #tpu.memory_space<vmem_shared>>
        tpu.wait_dma2 semaphore(%run_scoped3A : memref<!tpu.dma_semaphore, #tpu.memory_space<semaphore_mem>>) src(%dma_wait3A_536 : memref<16x16xf32, #tpu.memory_space<vmem_shared>>) dst(%dma_wait3A_533 : memref<16x16xf32, #tpu.memory_space<hbm>>)
        tpu.yield
      }) : () -> ()
    } else {
    }
    return
  }
}

#map = affine_map<(d0, d1) -> (0, 0)>
#map1 = affine_map<(d0, d1) -> (0, 0, 0)>
module attributes {stable_mosaic.version = 14 : i64} {
  func.func @_sc_hop(%arg0: i32, %arg1: i32, %arg2: memref<10000x128xf32, #tpu.memory_space<hbm>>, %arg3: memref<32x125x80xi32, #tpu.memory_space<hbm>>, %arg4: memref<32x125x80xi32, #tpu.memory_space<hbm>>, %arg5: memref<10000x128xf32, #tpu.memory_space<hbm>>, %arg6: memref<2x10000x128xf32, #tpu.memory_space<hbm>>, %arg7: memref<125x80xi32, #tpu.memory_space<vmem>>, %arg8: memref<2x80xi32, #tpu.memory_space<vmem>>, %arg9: memref<2x80x128xf32, #tpu.memory_space<vmem>>, %arg10: memref<10000x128xf32, #tpu.memory_space<vmem_shared>>, %arg11: memref<!tpu.dma_semaphore, #tpu.memory_space<semaphore_mem>>, %arg12: memref<!tpu.dma_semaphore, #tpu.memory_space<semaphore_mem>>) attributes {dimension_semantics = [#tpu.dimension_semantics<core_parallel>, #tpu.dimension_semantics<subcore_parallel>], iteration_bounds = array<i64: 2, 16>, scalar_prefetch = 0 : i64, scratch_operands = 6 : i64, tpu.core_type = #tpu.core_type<sc_vector_subcore>, window_params = [{transform_indices = #map}, {transform_indices = #map1}, {transform_indices = #map1}, {transform_indices = #map}, {transform_indices = #map1}]} {
    %mul3A = arith.constant 10 : i32
    %mul3A_0 = arith.muli %arg1, %mul3A : i32
    %add3A = arith.addi %mul3A_0, %arg0 : i32
    %mul3A_1 = arith.constant 624 : i32
    %mul3A_2 = arith.muli %arg1, %mul3A_1 : i32
    "tpu.region"() ({
      %run_scoped3A_73 = tpu.sem_alloc : memref<!tpu.dma_semaphore, #tpu.memory_space<semaphore_mem>>
      %dma_start3A_74 = arith.constant 0 : i32
      %dma_start3A_75 = arith.constant 0 : i32
      %dma_start3A_76 = tpu.memref_slice %arg3[%add3A, %dma_start3A_74, %dma_start3A_75] : memref<32x125x80xi32, #tpu.memory_space<hbm>> -> memref<1x125x80xi32, #tpu.memory_space<hbm>>
      %dma_start3A_77 = tpu.memref_squeeze %dma_start3A_76 : memref<1x125x80xi32, #tpu.memory_space<hbm>> -> memref<125x80xi32, #tpu.memory_space<hbm>>
      %dma_start3A_78 = arith.constant 0 : i32
      %dma_start3A_79 = arith.constant 0 : i32
      %dma_start3A_80 = tpu.memref_slice %arg3[%add3A, %dma_start3A_78, %dma_start3A_79] : memref<32x125x80xi32, #tpu.memory_space<hbm>> -> memref<1x125x80xi32, #tpu.memory_space<hbm>>
      %dma_start3A_81 = tpu.memref_squeeze %dma_start3A_80 : memref<1x125x80xi32, #tpu.memory_space<hbm>> -> memref<125x80xi32, #tpu.memory_space<hbm>>
      tpu.enqueue_dma source(%dma_start3A_81 : memref<125x80xi32, #tpu.memory_space<hbm>>) target(%arg7 : memref<125x80xi32, #tpu.memory_space<vmem>>) target_semaphore(%run_scoped3A_73 : memref<!tpu.dma_semaphore, #tpu.memory_space<semaphore_mem>>)
      %dma_wait3A_82 = arith.constant 0 : i32
      %dma_wait3A_83 = arith.constant 0 : i32
      %dma_wait3A_84 = tpu.memref_slice %arg3[%add3A, %dma_wait3A_82, %dma_wait3A_83] : memref<32x125x80xi32, #tpu.memory_space<hbm>> -> memref<1x125x80xi32, #tpu.memory_space<hbm>>
      %dma_wait3A_85 = tpu.memref_squeeze %dma_wait3A_84 : memref<1x125x80xi32, #tpu.memory_space<hbm>> -> memref<125x80xi32, #tpu.memory_space<hbm>>
      %dma_wait3A_86 = arith.constant 0 : i32
      %dma_wait3A_87 = arith.constant 0 : i32
      %dma_wait3A_88 = tpu.memref_slice %arg3[%add3A, %dma_wait3A_86, %dma_wait3A_87] : memref<32x125x80xi32, #tpu.memory_space<hbm>> -> memref<1x125x80xi32, #tpu.memory_space<hbm>>
      %dma_wait3A_89 = tpu.memref_squeeze %dma_wait3A_88 : memref<1x125x80xi32, #tpu.memory_space<hbm>> -> memref<125x80xi32, #tpu.memory_space<hbm>>
      tpu.wait_dma2 semaphore(%run_scoped3A_73 : memref<!tpu.dma_semaphore, #tpu.memory_space<semaphore_mem>>) src(%dma_wait3A_89 : memref<125x80xi32, #tpu.memory_space<hbm>>) dst(%arg7 : memref<125x80xi32, #tpu.memory_space<vmem>>)
      tpu.yield
    }) : () -> ()
    %eq3A = arith.constant 0 : i32
    %eq3A_3 = arith.cmpi eq, %arg0, %eq3A : i32
    %convert_element_type3A = arith.extui %eq3A_3 : i1 to i32
    %cond3A = arith.constant 0 : i32
    %cond3A_4 = arith.cmpi ne, %convert_element_type3A, %cond3A : i32
    scf.if %cond3A_4 {
      "tpu.region"() ({
        %run_scoped3A_78 = tpu.sem_alloc : memref<!tpu.dma_semaphore, #tpu.memory_space<semaphore_mem>>
        %dma_start3A_79 = arith.constant 0 : i32
        %dma_start3A_80 = tpu.memref_slice %arg10[%mul3A_2, %dma_start3A_79] : memref<10000x128xf32, #tpu.memory_space<vmem_shared>> -> memref<624x128xf32, #tpu.memory_space<vmem_shared>>
        %dma_start3A_81 = arith.constant 0 : i32
        %dma_start3A_82 = tpu.memref_slice %arg2[%mul3A_2, %dma_start3A_81] : memref<10000x128xf32, #tpu.memory_space<hbm>> -> memref<624x128xf32, #tpu.memory_space<hbm>>
        tpu.enqueue_dma source(%dma_start3A_82 : memref<624x128xf32, #tpu.memory_space<hbm>>) target(%dma_start3A_80 : memref<624x128xf32, #tpu.memory_space<vmem_shared>>) target_semaphore(%run_scoped3A_78 : memref<!tpu.dma_semaphore, #tpu.memory_space<semaphore_mem>>)
        %dma_wait3A_83 = arith.constant 0 : i32
        %dma_wait3A_84 = tpu.memref_slice %arg10[%mul3A_2, %dma_wait3A_83] : memref<10000x128xf32, #tpu.memory_space<vmem_shared>> -> memref<624x128xf32, #tpu.memory_space<vmem_shared>>
        %dma_wait3A_85 = arith.constant 0 : i32
        %dma_wait3A_86 = tpu.memref_slice %arg2[%mul3A_2, %dma_wait3A_85] : memref<10000x128xf32, #tpu.memory_space<hbm>> -> memref<624x128xf32, #tpu.memory_space<hbm>>
        tpu.wait_dma2 semaphore(%run_scoped3A_78 : memref<!tpu.dma_semaphore, #tpu.memory_space<semaphore_mem>>) src(%dma_wait3A_86 : memref<624x128xf32, #tpu.memory_space<hbm>>) dst(%dma_wait3A_84 : memref<624x128xf32, #tpu.memory_space<vmem_shared>>)
        tpu.yield
      }) : () -> ()
      %eq3A_73 = arith.constant 15 : i32
      %eq3A_74 = arith.cmpi eq, %arg1, %eq3A_73 : i32
      %convert_element_type3A_75 = arith.extui %eq3A_74 : i1 to i32
      %cond3A_76 = arith.constant 0 : i32
      %cond3A_77 = arith.cmpi ne, %convert_element_type3A_75, %cond3A_76 : i32
      scf.if %cond3A_77 {
        "tpu.region"() ({
          %run_scoped3A_78 = tpu.sem_alloc : memref<!tpu.dma_semaphore, #tpu.memory_space<semaphore_mem>>
          %dma_start3A_79 = arith.constant 9984 : i32
          %dma_start3A_80 = arith.constant 0 : i32
          %dma_start3A_81 = tpu.memref_slice %arg10[%dma_start3A_79, %dma_start3A_80] : memref<10000x128xf32, #tpu.memory_space<vmem_shared>> -> memref<16x128xf32, #tpu.memory_space<vmem_shared>>
          %dma_start3A_82 = arith.constant 9984 : i32
          %dma_start3A_83 = arith.constant 0 : i32
          %dma_start3A_84 = tpu.memref_slice %arg2[%dma_start3A_82, %dma_start3A_83] : memref<10000x128xf32, #tpu.memory_space<hbm>> -> memref<16x128xf32, #tpu.memory_space<hbm>>
          tpu.enqueue_dma source(%dma_start3A_84 : memref<16x128xf32, #tpu.memory_space<hbm>>) target(%dma_start3A_81 : memref<16x128xf32, #tpu.memory_space<vmem_shared>>) target_semaphore(%run_scoped3A_78 : memref<!tpu.dma_semaphore, #tpu.memory_space<semaphore_mem>>)
          %dma_wait3A_85 = arith.constant 9984 : i32
          %dma_wait3A_86 = arith.constant 0 : i32
          %dma_wait3A_87 = tpu.memref_slice %arg10[%dma_wait3A_85, %dma_wait3A_86] : memref<10000x128xf32, #tpu.memory_space<vmem_shared>> -> memref<16x128xf32, #tpu.memory_space<vmem_shared>>
          %dma_wait3A_88 = arith.constant 9984 : i32
          %dma_wait3A_89 = arith.constant 0 : i32
          %dma_wait3A_90 = tpu.memref_slice %arg2[%dma_wait3A_88, %dma_wait3A_89] : memref<10000x128xf32, #tpu.memory_space<hbm>> -> memref<16x128xf32, #tpu.memory_space<hbm>>
          tpu.wait_dma2 semaphore(%run_scoped3A_78 : memref<!tpu.dma_semaphore, #tpu.memory_space<semaphore_mem>>) src(%dma_wait3A_90 : memref<16x128xf32, #tpu.memory_space<hbm>>) dst(%dma_wait3A_87 : memref<16x128xf32, #tpu.memory_space<vmem_shared>>)
          tpu.yield
        }) : () -> ()
      } else {
      }
    } else {
    }
    %eq3A_5 = arith.constant 1 : i32
    %eq3A_6 = arith.cmpi eq, %arg0, %eq3A_5 : i32
    %convert_element_type3A_7 = arith.extui %eq3A_6 : i1 to i32
    %cond3A_8 = arith.constant 0 : i32
    %cond3A_9 = arith.cmpi ne, %convert_element_type3A_7, %cond3A_8 : i32
    scf.if %cond3A_9 {
      "tpu.region"() ({
        %run_scoped3A_78 = tpu.sem_alloc : memref<!tpu.dma_semaphore, #tpu.memory_space<semaphore_mem>>
        %dma_start3A_79 = arith.constant 0 : i32
        %dma_start3A_80 = tpu.memref_slice %arg10[%mul3A_2, %dma_start3A_79] : memref<10000x128xf32, #tpu.memory_space<vmem_shared>> -> memref<624x128xf32, #tpu.memory_space<vmem_shared>>
        %dma_start3A_81 = arith.constant 0 : i32
        %dma_start3A_82 = tpu.memref_slice %arg5[%mul3A_2, %dma_start3A_81] : memref<10000x128xf32, #tpu.memory_space<hbm>> -> memref<624x128xf32, #tpu.memory_space<hbm>>
        tpu.enqueue_dma source(%dma_start3A_82 : memref<624x128xf32, #tpu.memory_space<hbm>>) target(%dma_start3A_80 : memref<624x128xf32, #tpu.memory_space<vmem_shared>>) target_semaphore(%run_scoped3A_78 : memref<!tpu.dma_semaphore, #tpu.memory_space<semaphore_mem>>)
        %dma_wait3A_83 = arith.constant 0 : i32
        %dma_wait3A_84 = tpu.memref_slice %arg10[%mul3A_2, %dma_wait3A_83] : memref<10000x128xf32, #tpu.memory_space<vmem_shared>> -> memref<624x128xf32, #tpu.memory_space<vmem_shared>>
        %dma_wait3A_85 = arith.constant 0 : i32
        %dma_wait3A_86 = tpu.memref_slice %arg5[%mul3A_2, %dma_wait3A_85] : memref<10000x128xf32, #tpu.memory_space<hbm>> -> memref<624x128xf32, #tpu.memory_space<hbm>>
        tpu.wait_dma2 semaphore(%run_scoped3A_78 : memref<!tpu.dma_semaphore, #tpu.memory_space<semaphore_mem>>) src(%dma_wait3A_86 : memref<624x128xf32, #tpu.memory_space<hbm>>) dst(%dma_wait3A_84 : memref<624x128xf32, #tpu.memory_space<vmem_shared>>)
        tpu.yield
      }) : () -> ()
      %eq3A_73 = arith.constant 15 : i32
      %eq3A_74 = arith.cmpi eq, %arg1, %eq3A_73 : i32
      %convert_element_type3A_75 = arith.extui %eq3A_74 : i1 to i32
      %cond3A_76 = arith.constant 0 : i32
      %cond3A_77 = arith.cmpi ne, %convert_element_type3A_75, %cond3A_76 : i32
      scf.if %cond3A_77 {
        "tpu.region"() ({
          %run_scoped3A_78 = tpu.sem_alloc : memref<!tpu.dma_semaphore, #tpu.memory_space<semaphore_mem>>
          %dma_start3A_79 = arith.constant 9984 : i32
          %dma_start3A_80 = arith.constant 0 : i32
          %dma_start3A_81 = tpu.memref_slice %arg10[%dma_start3A_79, %dma_start3A_80] : memref<10000x128xf32, #tpu.memory_space<vmem_shared>> -> memref<16x128xf32, #tpu.memory_space<vmem_shared>>
          %dma_start3A_82 = arith.constant 9984 : i32
          %dma_start3A_83 = arith.constant 0 : i32
          %dma_start3A_84 = tpu.memref_slice %arg5[%dma_start3A_82, %dma_start3A_83] : memref<10000x128xf32, #tpu.memory_space<hbm>> -> memref<16x128xf32, #tpu.memory_space<hbm>>
          tpu.enqueue_dma source(%dma_start3A_84 : memref<16x128xf32, #tpu.memory_space<hbm>>) target(%dma_start3A_81 : memref<16x128xf32, #tpu.memory_space<vmem_shared>>) target_semaphore(%run_scoped3A_78 : memref<!tpu.dma_semaphore, #tpu.memory_space<semaphore_mem>>)
          %dma_wait3A_85 = arith.constant 9984 : i32
          %dma_wait3A_86 = arith.constant 0 : i32
          %dma_wait3A_87 = tpu.memref_slice %arg10[%dma_wait3A_85, %dma_wait3A_86] : memref<10000x128xf32, #tpu.memory_space<vmem_shared>> -> memref<16x128xf32, #tpu.memory_space<vmem_shared>>
          %dma_wait3A_88 = arith.constant 9984 : i32
          %dma_wait3A_89 = arith.constant 0 : i32
          %dma_wait3A_90 = tpu.memref_slice %arg5[%dma_wait3A_88, %dma_wait3A_89] : memref<10000x128xf32, #tpu.memory_space<hbm>> -> memref<16x128xf32, #tpu.memory_space<hbm>>
          tpu.wait_dma2 semaphore(%run_scoped3A_78 : memref<!tpu.dma_semaphore, #tpu.memory_space<semaphore_mem>>) src(%dma_wait3A_90 : memref<16x128xf32, #tpu.memory_space<hbm>>) dst(%dma_wait3A_87 : memref<16x128xf32, #tpu.memory_space<vmem_shared>>)
          tpu.yield
        }) : () -> ()
      } else {
      }
    } else {
    }
    %barrier3A = arith.constant 0 : index
    tpu.barrier barrier_id(%barrier3A)
    %dma_start3A = arith.constant 0 : i32
    %dma_start3A_10 = arith.constant 0 : i32
    %dma_start3A_11 = arith.constant 0 : i32
    %dma_start3A_12 = tpu.memref_slice %arg8[%dma_start3A_10, %dma_start3A_11] : memref<2x80xi32, #tpu.memory_space<vmem>> -> memref<1x80xi32, #tpu.memory_space<vmem>>
    %dma_start3A_13 = tpu.memref_squeeze %dma_start3A_12 : memref<1x80xi32, #tpu.memory_space<vmem>> -> memref<80xi32, #tpu.memory_space<vmem>>
    %dma_start3A_14 = arith.constant 0 : i32
    %dma_start3A_15 = tpu.memref_slice %arg4[%add3A, %dma_start3A, %dma_start3A_14] : memref<32x125x80xi32, #tpu.memory_space<hbm>> -> memref<1x1x80xi32, #tpu.memory_space<hbm>>
    %dma_start3A_16 = tpu.memref_squeeze %dma_start3A_15 : memref<1x1x80xi32, #tpu.memory_space<hbm>> -> memref<80xi32, #tpu.memory_space<hbm>>
    %dma_start3A_17 = arith.constant 0 : i32
    %dma_start3A_18 = tpu.memref_slice %arg8[%dma_start3A_10, %dma_start3A_17] : memref<2x80xi32, #tpu.memory_space<vmem>> -> memref<1x80xi32, #tpu.memory_space<vmem>>
    %dma_start3A_19 = tpu.memref_squeeze %dma_start3A_18 : memref<1x80xi32, #tpu.memory_space<vmem>> -> memref<80xi32, #tpu.memory_space<vmem>>
    %dma_start3A_20 = arith.constant 0 : i32
    %dma_start3A_21 = tpu.memref_slice %arg4[%add3A, %dma_start3A, %dma_start3A_20] : memref<32x125x80xi32, #tpu.memory_space<hbm>> -> memref<1x1x80xi32, #tpu.memory_space<hbm>>
    %dma_start3A_22 = tpu.memref_squeeze %dma_start3A_21 : memref<1x1x80xi32, #tpu.memory_space<hbm>> -> memref<80xi32, #tpu.memory_space<hbm>>
    tpu.enqueue_dma source(%dma_start3A_22 : memref<80xi32, #tpu.memory_space<hbm>>) target(%dma_start3A_19 : memref<80xi32, #tpu.memory_space<vmem>>) target_semaphore(%arg12 : memref<!tpu.dma_semaphore, #tpu.memory_space<semaphore_mem>>)
    %dma_start3A_23 = arith.constant 0 : i32
    %dma_start3A_24 = arith.constant 0 : i32
    %dma_start3A_25 = arith.constant 0 : i32
    %dma_start3A_26 = arith.constant 0 : i32
    %dma_start3A_27 = tpu.memref_slice %arg9[%dma_start3A_24, %dma_start3A_25, %dma_start3A_26] : memref<2x80x128xf32, #tpu.memory_space<vmem>> -> memref<1x80x128xf32, #tpu.memory_space<vmem>>
    %dma_start3A_28 = tpu.memref_squeeze %dma_start3A_27 : memref<1x80x128xf32, #tpu.memory_space<vmem>> -> memref<80x128xf32, #tpu.memory_space<vmem>>
    %dma_start3A_29 = arith.constant 0 : i32
    %dma_start3A_30 = tpu.memref_slice %arg7[%dma_start3A_23, %dma_start3A_29] : memref<125x80xi32, #tpu.memory_space<vmem>> -> memref<1x80xi32, #tpu.memory_space<vmem>>
    %dma_start3A_31 = tpu.memref_squeeze %dma_start3A_30 : memref<1x80xi32, #tpu.memory_space<vmem>> -> memref<80xi32, #tpu.memory_space<vmem>>
    %dma_start3A_32 = arith.constant 0 : i32
    %dma_start3A_33 = arith.constant 0 : i32
    %dma_start3A_34 = tpu.memref_slice %arg2[%dma_start3A_32, %dma_start3A_33] : memref<10000x128xf32, #tpu.memory_space<hbm>> -> memref<10000x128xf32, #tpu.memory_space<hbm>>
    tpu.enqueue_indirect_dma source(%dma_start3A_34 : memref<10000x128xf32, #tpu.memory_space<hbm>>) target(%dma_start3A_28 : memref<80x128xf32, #tpu.memory_space<vmem>>) offsets(%dma_start3A_31 : memref<80xi32, #tpu.memory_space<vmem>>) semaphore(%arg11 : memref<!tpu.dma_semaphore, #tpu.memory_space<semaphore_mem>>)
    %scan3A = arith.constant 0 : i32
    %scan3A_35 = arith.constant 0 : i32
    %scan3A_36 = arith.constant 62 : i32
    %scan3A_37 = arith.addi %scan3A_35, %scan3A_36 : i32
    %scan3A_38 = arith.constant 1 : i32
    %scan3A_39 = scf.for %scan3A_73 = %scan3A_35 to %scan3A_37 step %scan3A_38 iter_args(%scan3A_74 = %scan3A) -> (i32)  : i32 {
      %mul3A_75 = arith.constant 2 : i32
      %mul3A_76 = arith.muli %mul3A_75, %scan3A_73 : i32
      %add3A_77 = arith.constant 1 : i32
      %add3A_78 = arith.addi %mul3A_76, %add3A_77 : i32
      %dma_start3A_79 = arith.constant 1 : i32
      %dma_start3A_80 = arith.constant 0 : i32
      %dma_start3A_81 = arith.constant 0 : i32
      %dma_start3A_82 = tpu.memref_slice %arg9[%dma_start3A_79, %dma_start3A_80, %dma_start3A_81] : memref<2x80x128xf32, #tpu.memory_space<vmem>> -> memref<1x80x128xf32, #tpu.memory_space<vmem>>
      %dma_start3A_83 = tpu.memref_squeeze %dma_start3A_82 : memref<1x80x128xf32, #tpu.memory_space<vmem>> -> memref<80x128xf32, #tpu.memory_space<vmem>>
      %dma_start3A_84 = arith.constant 0 : i32
      %dma_start3A_85 = tpu.memref_slice %arg7[%add3A_78, %dma_start3A_84] : memref<125x80xi32, #tpu.memory_space<vmem>> -> memref<1x80xi32, #tpu.memory_space<vmem>>
      %dma_start3A_86 = tpu.memref_squeeze %dma_start3A_85 : memref<1x80xi32, #tpu.memory_space<vmem>> -> memref<80xi32, #tpu.memory_space<vmem>>
      %dma_start3A_87 = arith.constant 0 : i32
      %dma_start3A_88 = arith.constant 0 : i32
      %dma_start3A_89 = tpu.memref_slice %arg2[%dma_start3A_87, %dma_start3A_88] : memref<10000x128xf32, #tpu.memory_space<hbm>> -> memref<10000x128xf32, #tpu.memory_space<hbm>>
      tpu.enqueue_indirect_dma source(%dma_start3A_89 : memref<10000x128xf32, #tpu.memory_space<hbm>>) target(%dma_start3A_83 : memref<80x128xf32, #tpu.memory_space<vmem>>) offsets(%dma_start3A_86 : memref<80xi32, #tpu.memory_space<vmem>>) semaphore(%arg11 : memref<!tpu.dma_semaphore, #tpu.memory_space<semaphore_mem>>)
      %add3A_90 = arith.constant 1 : i32
      %add3A_91 = arith.addi %mul3A_76, %add3A_90 : i32
      %dma_start3A_92 = arith.constant 1 : i32
      %dma_start3A_93 = arith.constant 0 : i32
      %dma_start3A_94 = tpu.memref_slice %arg8[%dma_start3A_92, %dma_start3A_93] : memref<2x80xi32, #tpu.memory_space<vmem>> -> memref<1x80xi32, #tpu.memory_space<vmem>>
      %dma_start3A_95 = tpu.memref_squeeze %dma_start3A_94 : memref<1x80xi32, #tpu.memory_space<vmem>> -> memref<80xi32, #tpu.memory_space<vmem>>
      %dma_start3A_96 = arith.constant 0 : i32
      %dma_start3A_97 = tpu.memref_slice %arg4[%add3A, %add3A_91, %dma_start3A_96] : memref<32x125x80xi32, #tpu.memory_space<hbm>> -> memref<1x1x80xi32, #tpu.memory_space<hbm>>
      %dma_start3A_98 = tpu.memref_squeeze %dma_start3A_97 : memref<1x1x80xi32, #tpu.memory_space<hbm>> -> memref<80xi32, #tpu.memory_space<hbm>>
      %dma_start3A_99 = arith.constant 0 : i32
      %dma_start3A_100 = tpu.memref_slice %arg8[%dma_start3A_92, %dma_start3A_99] : memref<2x80xi32, #tpu.memory_space<vmem>> -> memref<1x80xi32, #tpu.memory_space<vmem>>
      %dma_start3A_101 = tpu.memref_squeeze %dma_start3A_100 : memref<1x80xi32, #tpu.memory_space<vmem>> -> memref<80xi32, #tpu.memory_space<vmem>>
      %dma_start3A_102 = arith.constant 0 : i32
      %dma_start3A_103 = tpu.memref_slice %arg4[%add3A, %add3A_91, %dma_start3A_102] : memref<32x125x80xi32, #tpu.memory_space<hbm>> -> memref<1x1x80xi32, #tpu.memory_space<hbm>>
      %dma_start3A_104 = tpu.memref_squeeze %dma_start3A_103 : memref<1x1x80xi32, #tpu.memory_space<hbm>> -> memref<80xi32, #tpu.memory_space<hbm>>
      tpu.enqueue_dma source(%dma_start3A_104 : memref<80xi32, #tpu.memory_space<hbm>>) target(%dma_start3A_101 : memref<80xi32, #tpu.memory_space<vmem>>) target_semaphore(%arg12 : memref<!tpu.dma_semaphore, #tpu.memory_space<semaphore_mem>>)
      %dma_wait3A_105 = arith.constant 0 : i32
      %dma_wait3A_106 = arith.constant 0 : i32
      %dma_wait3A_107 = arith.constant 0 : i32
      %dma_wait3A_108 = arith.constant 0 : i32
      %dma_wait3A_109 = tpu.memref_slice %arg9[%dma_wait3A_106, %dma_wait3A_107, %dma_wait3A_108] : memref<2x80x128xf32, #tpu.memory_space<vmem>> -> memref<1x80x128xf32, #tpu.memory_space<vmem>>
      %dma_wait3A_110 = tpu.memref_squeeze %dma_wait3A_109 : memref<1x80x128xf32, #tpu.memory_space<vmem>> -> memref<80x128xf32, #tpu.memory_space<vmem>>
      %dma_wait3A_111 = arith.constant 0 : i32
      %dma_wait3A_112 = tpu.memref_slice %arg7[%dma_wait3A_105, %dma_wait3A_111] : memref<125x80xi32, #tpu.memory_space<vmem>> -> memref<1x80xi32, #tpu.memory_space<vmem>>
      %dma_wait3A_113 = tpu.memref_squeeze %dma_wait3A_112 : memref<1x80xi32, #tpu.memory_space<vmem>> -> memref<80xi32, #tpu.memory_space<vmem>>
      %dma_wait3A_114 = arith.constant 0 : i32
      %dma_wait3A_115 = arith.constant 0 : i32
      %dma_wait3A_116 = tpu.memref_slice %arg2[%dma_wait3A_114, %dma_wait3A_115] : memref<10000x128xf32, #tpu.memory_space<hbm>> -> memref<10000x128xf32, #tpu.memory_space<hbm>>
      tpu.wait_indirect_dma semaphore(%arg11 : memref<!tpu.dma_semaphore, #tpu.memory_space<semaphore_mem>>) src(%dma_wait3A_116 : memref<10000x128xf32, #tpu.memory_space<hbm>>) dst(%dma_wait3A_110 : memref<80x128xf32, #tpu.memory_space<vmem>>)
      %dma_wait3A_117 = arith.constant 0 : i32
      %dma_wait3A_118 = arith.constant 0 : i32
      %dma_wait3A_119 = arith.constant 0 : i32
      %dma_wait3A_120 = tpu.memref_slice %arg8[%dma_wait3A_118, %dma_wait3A_119] : memref<2x80xi32, #tpu.memory_space<vmem>> -> memref<1x80xi32, #tpu.memory_space<vmem>>
      %dma_wait3A_121 = tpu.memref_squeeze %dma_wait3A_120 : memref<1x80xi32, #tpu.memory_space<vmem>> -> memref<80xi32, #tpu.memory_space<vmem>>
      %dma_wait3A_122 = arith.constant 0 : i32
      %dma_wait3A_123 = tpu.memref_slice %arg4[%add3A, %dma_wait3A_117, %dma_wait3A_122] : memref<32x125x80xi32, #tpu.memory_space<hbm>> -> memref<1x1x80xi32, #tpu.memory_space<hbm>>
      %dma_wait3A_124 = tpu.memref_squeeze %dma_wait3A_123 : memref<1x1x80xi32, #tpu.memory_space<hbm>> -> memref<80xi32, #tpu.memory_space<hbm>>
      %dma_wait3A_125 = arith.constant 0 : i32
      %dma_wait3A_126 = tpu.memref_slice %arg8[%dma_wait3A_118, %dma_wait3A_125] : memref<2x80xi32, #tpu.memory_space<vmem>> -> memref<1x80xi32, #tpu.memory_space<vmem>>
      %dma_wait3A_127 = tpu.memref_squeeze %dma_wait3A_126 : memref<1x80xi32, #tpu.memory_space<vmem>> -> memref<80xi32, #tpu.memory_space<vmem>>
      %dma_wait3A_128 = arith.constant 0 : i32
      %dma_wait3A_129 = tpu.memref_slice %arg4[%add3A, %dma_wait3A_117, %dma_wait3A_128] : memref<32x125x80xi32, #tpu.memory_space<hbm>> -> memref<1x1x80xi32, #tpu.memory_space<hbm>>
      %dma_wait3A_130 = tpu.memref_squeeze %dma_wait3A_129 : memref<1x1x80xi32, #tpu.memory_space<hbm>> -> memref<80xi32, #tpu.memory_space<hbm>>
      tpu.wait_dma2 semaphore(%arg12 : memref<!tpu.dma_semaphore, #tpu.memory_space<semaphore_mem>>) src(%dma_wait3A_130 : memref<80xi32, #tpu.memory_space<hbm>>) dst(%dma_wait3A_127 : memref<80xi32, #tpu.memory_space<vmem>>)
      %run_scoped3A_131 = arith.constant 0 : i32
      %run_scoped3A_132 = arith.constant 0 : i32
      "tpu.region"() ({
        %run_scoped3A_194 = tpu.sem_alloc : memref<!tpu.dma_semaphore, #tpu.memory_space<semaphore_mem>>
        %dma_start3A_195 = arith.constant 0 : i32
        %dma_start3A_196 = arith.constant 0 : i32
        %dma_start3A_197 = tpu.memref_slice %arg9[%run_scoped3A_131, %dma_start3A_195, %dma_start3A_196] : memref<2x80x128xf32, #tpu.memory_space<vmem>> -> memref<1x80x128xf32, #tpu.memory_space<vmem>>
        %dma_start3A_198 = tpu.memref_squeeze %dma_start3A_197 : memref<1x80x128xf32, #tpu.memory_space<vmem>> -> memref<80x128xf32, #tpu.memory_space<vmem>>
        %dma_start3A_199 = arith.constant 0 : i32
        %dma_start3A_200 = tpu.memref_slice %arg8[%run_scoped3A_132, %dma_start3A_199] : memref<2x80xi32, #tpu.memory_space<vmem>> -> memref<1x80xi32, #tpu.memory_space<vmem>>
        %dma_start3A_201 = tpu.memref_squeeze %dma_start3A_200 : memref<1x80xi32, #tpu.memory_space<vmem>> -> memref<80xi32, #tpu.memory_space<vmem>>
        %dma_start3A_202 = arith.constant 0 : i32
        %dma_start3A_203 = arith.constant 0 : i32
        %dma_start3A_204 = tpu.memref_slice %arg10[%dma_start3A_202, %dma_start3A_203] : memref<10000x128xf32, #tpu.memory_space<vmem_shared>> -> memref<10000x128xf32, #tpu.memory_space<vmem_shared>>
        tpu.enqueue_indirect_dma source(%dma_start3A_198 : memref<80x128xf32, #tpu.memory_space<vmem>>) target(%dma_start3A_204 : memref<10000x128xf32, #tpu.memory_space<vmem_shared>>) offsets(%dma_start3A_201 : memref<80xi32, #tpu.memory_space<vmem>>) semaphore(%run_scoped3A_194 : memref<!tpu.dma_semaphore, #tpu.memory_space<semaphore_mem>>) {add = true}
        %dma_wait3A_205 = arith.constant 0 : i32
        %dma_wait3A_206 = arith.constant 0 : i32
        %dma_wait3A_207 = tpu.memref_slice %arg9[%run_scoped3A_131, %dma_wait3A_205, %dma_wait3A_206] : memref<2x80x128xf32, #tpu.memory_space<vmem>> -> memref<1x80x128xf32, #tpu.memory_space<vmem>>
        %dma_wait3A_208 = tpu.memref_squeeze %dma_wait3A_207 : memref<1x80x128xf32, #tpu.memory_space<vmem>> -> memref<80x128xf32, #tpu.memory_space<vmem>>
        %dma_wait3A_209 = arith.constant 0 : i32
        %dma_wait3A_210 = tpu.memref_slice %arg8[%run_scoped3A_132, %dma_wait3A_209] : memref<2x80xi32, #tpu.memory_space<vmem>> -> memref<1x80xi32, #tpu.memory_space<vmem>>
        %dma_wait3A_211 = tpu.memref_squeeze %dma_wait3A_210 : memref<1x80xi32, #tpu.memory_space<vmem>> -> memref<80xi32, #tpu.memory_space<vmem>>
        %dma_wait3A_212 = arith.constant 0 : i32
        %dma_wait3A_213 = arith.constant 0 : i32
        %dma_wait3A_214 = tpu.memref_slice %arg10[%dma_wait3A_212, %dma_wait3A_213] : memref<10000x128xf32, #tpu.memory_space<vmem_shared>> -> memref<10000x128xf32, #tpu.memory_space<vmem_shared>>
        tpu.wait_indirect_dma semaphore(%run_scoped3A_194 : memref<!tpu.dma_semaphore, #tpu.memory_space<semaphore_mem>>) src(%dma_wait3A_208 : memref<80x128xf32, #tpu.memory_space<vmem>>) dst(%dma_wait3A_214 : memref<10000x128xf32, #tpu.memory_space<vmem_shared>>)
        tpu.yield
      }) : () -> ()
      %mul3A_133 = arith.constant 2 : i32
      %mul3A_134 = arith.muli %mul3A_133, %scan3A_73 : i32
      %add3A_135 = arith.constant 1 : i32
      %add3A_136 = arith.addi %mul3A_134, %add3A_135 : i32
      %add3A_137 = arith.constant 1 : i32
      %add3A_138 = arith.addi %add3A_136, %add3A_137 : i32
      %dma_start3A_139 = arith.constant 0 : i32
      %dma_start3A_140 = arith.constant 0 : i32
      %dma_start3A_141 = arith.constant 0 : i32
      %dma_start3A_142 = tpu.memref_slice %arg9[%dma_start3A_139, %dma_start3A_140, %dma_start3A_141] : memref<2x80x128xf32, #tpu.memory_space<vmem>> -> memref<1x80x128xf32, #tpu.memory_space<vmem>>
      %dma_start3A_143 = tpu.memref_squeeze %dma_start3A_142 : memref<1x80x128xf32, #tpu.memory_space<vmem>> -> memref<80x128xf32, #tpu.memory_space<vmem>>
      %dma_start3A_144 = arith.constant 0 : i32
      %dma_start3A_145 = tpu.memref_slice %arg7[%add3A_138, %dma_start3A_144] : memref<125x80xi32, #tpu.memory_space<vmem>> -> memref<1x80xi32, #tpu.memory_space<vmem>>
      %dma_start3A_146 = tpu.memref_squeeze %dma_start3A_145 : memref<1x80xi32, #tpu.memory_space<vmem>> -> memref<80xi32, #tpu.memory_space<vmem>>
      %dma_start3A_147 = arith.constant 0 : i32
      %dma_start3A_148 = arith.constant 0 : i32
      %dma_start3A_149 = tpu.memref_slice %arg2[%dma_start3A_147, %dma_start3A_148] : memref<10000x128xf32, #tpu.memory_space<hbm>> -> memref<10000x128xf32, #tpu.memory_space<hbm>>
      tpu.enqueue_indirect_dma source(%dma_start3A_149 : memref<10000x128xf32, #tpu.memory_space<hbm>>) target(%dma_start3A_143 : memref<80x128xf32, #tpu.memory_space<vmem>>) offsets(%dma_start3A_146 : memref<80xi32, #tpu.memory_space<vmem>>) semaphore(%arg11 : memref<!tpu.dma_semaphore, #tpu.memory_space<semaphore_mem>>)
      %add3A_150 = arith.constant 1 : i32
      %add3A_151 = arith.addi %add3A_136, %add3A_150 : i32
      %dma_start3A_152 = arith.constant 0 : i32
      %dma_start3A_153 = arith.constant 0 : i32
      %dma_start3A_154 = tpu.memref_slice %arg8[%dma_start3A_152, %dma_start3A_153] : memref<2x80xi32, #tpu.memory_space<vmem>> -> memref<1x80xi32, #tpu.memory_space<vmem>>
      %dma_start3A_155 = tpu.memref_squeeze %dma_start3A_154 : memref<1x80xi32, #tpu.memory_space<vmem>> -> memref<80xi32, #tpu.memory_space<vmem>>
      %dma_start3A_156 = arith.constant 0 : i32
      %dma_start3A_157 = tpu.memref_slice %arg4[%add3A, %add3A_151, %dma_start3A_156] : memref<32x125x80xi32, #tpu.memory_space<hbm>> -> memref<1x1x80xi32, #tpu.memory_space<hbm>>
      %dma_start3A_158 = tpu.memref_squeeze %dma_start3A_157 : memref<1x1x80xi32, #tpu.memory_space<hbm>> -> memref<80xi32, #tpu.memory_space<hbm>>
      %dma_start3A_159 = arith.constant 0 : i32
      %dma_start3A_160 = tpu.memref_slice %arg8[%dma_start3A_152, %dma_start3A_159] : memref<2x80xi32, #tpu.memory_space<vmem>> -> memref<1x80xi32, #tpu.memory_space<vmem>>
      %dma_start3A_161 = tpu.memref_squeeze %dma_start3A_160 : memref<1x80xi32, #tpu.memory_space<vmem>> -> memref<80xi32, #tpu.memory_space<vmem>>
      %dma_start3A_162 = arith.constant 0 : i32
      %dma_start3A_163 = tpu.memref_slice %arg4[%add3A, %add3A_151, %dma_start3A_162] : memref<32x125x80xi32, #tpu.memory_space<hbm>> -> memref<1x1x80xi32, #tpu.memory_space<hbm>>
      %dma_start3A_164 = tpu.memref_squeeze %dma_start3A_163 : memref<1x1x80xi32, #tpu.memory_space<hbm>> -> memref<80xi32, #tpu.memory_space<hbm>>
      tpu.enqueue_dma source(%dma_start3A_164 : memref<80xi32, #tpu.memory_space<hbm>>) target(%dma_start3A_161 : memref<80xi32, #tpu.memory_space<vmem>>) target_semaphore(%arg12 : memref<!tpu.dma_semaphore, #tpu.memory_space<semaphore_mem>>)
      %dma_wait3A_165 = arith.constant 0 : i32
      %dma_wait3A_166 = arith.constant 1 : i32
      %dma_wait3A_167 = arith.constant 0 : i32
      %dma_wait3A_168 = arith.constant 0 : i32
      %dma_wait3A_169 = tpu.memref_slice %arg9[%dma_wait3A_166, %dma_wait3A_167, %dma_wait3A_168] : memref<2x80x128xf32, #tpu.memory_space<vmem>> -> memref<1x80x128xf32, #tpu.memory_space<vmem>>
      %dma_wait3A_170 = tpu.memref_squeeze %dma_wait3A_169 : memref<1x80x128xf32, #tpu.memory_space<vmem>> -> memref<80x128xf32, #tpu.memory_space<vmem>>
      %dma_wait3A_171 = arith.constant 0 : i32
      %dma_wait3A_172 = tpu.memref_slice %arg7[%dma_wait3A_165, %dma_wait3A_171] : memref<125x80xi32, #tpu.memory_space<vmem>> -> memref<1x80xi32, #tpu.memory_space<vmem>>
      %dma_wait3A_173 = tpu.memref_squeeze %dma_wait3A_172 : memref<1x80xi32, #tpu.memory_space<vmem>> -> memref<80xi32, #tpu.memory_space<vmem>>
      %dma_wait3A_174 = arith.constant 0 : i32
      %dma_wait3A_175 = arith.constant 0 : i32
      %dma_wait3A_176 = tpu.memref_slice %arg2[%dma_wait3A_174, %dma_wait3A_175] : memref<10000x128xf32, #tpu.memory_space<hbm>> -> memref<10000x128xf32, #tpu.memory_space<hbm>>
      tpu.wait_indirect_dma semaphore(%arg11 : memref<!tpu.dma_semaphore, #tpu.memory_space<semaphore_mem>>) src(%dma_wait3A_176 : memref<10000x128xf32, #tpu.memory_space<hbm>>) dst(%dma_wait3A_170 : memref<80x128xf32, #tpu.memory_space<vmem>>)
      %dma_wait3A_177 = arith.constant 0 : i32
      %dma_wait3A_178 = arith.constant 1 : i32
      %dma_wait3A_179 = arith.constant 0 : i32
      %dma_wait3A_180 = tpu.memref_slice %arg8[%dma_wait3A_178, %dma_wait3A_179] : memref<2x80xi32, #tpu.memory_space<vmem>> -> memref<1x80xi32, #tpu.memory_space<vmem>>
      %dma_wait3A_181 = tpu.memref_squeeze %dma_wait3A_180 : memref<1x80xi32, #tpu.memory_space<vmem>> -> memref<80xi32, #tpu.memory_space<vmem>>
      %dma_wait3A_182 = arith.constant 0 : i32
      %dma_wait3A_183 = tpu.memref_slice %arg4[%add3A, %dma_wait3A_177, %dma_wait3A_182] : memref<32x125x80xi32, #tpu.memory_space<hbm>> -> memref<1x1x80xi32, #tpu.memory_space<hbm>>
      %dma_wait3A_184 = tpu.memref_squeeze %dma_wait3A_183 : memref<1x1x80xi32, #tpu.memory_space<hbm>> -> memref<80xi32, #tpu.memory_space<hbm>>
      %dma_wait3A_185 = arith.constant 0 : i32
      %dma_wait3A_186 = tpu.memref_slice %arg8[%dma_wait3A_178, %dma_wait3A_185] : memref<2x80xi32, #tpu.memory_space<vmem>> -> memref<1x80xi32, #tpu.memory_space<vmem>>
      %dma_wait3A_187 = tpu.memref_squeeze %dma_wait3A_186 : memref<1x80xi32, #tpu.memory_space<vmem>> -> memref<80xi32, #tpu.memory_space<vmem>>
      %dma_wait3A_188 = arith.constant 0 : i32
      %dma_wait3A_189 = tpu.memref_slice %arg4[%add3A, %dma_wait3A_177, %dma_wait3A_188] : memref<32x125x80xi32, #tpu.memory_space<hbm>> -> memref<1x1x80xi32, #tpu.memory_space<hbm>>
      %dma_wait3A_190 = tpu.memref_squeeze %dma_wait3A_189 : memref<1x1x80xi32, #tpu.memory_space<hbm>> -> memref<80xi32, #tpu.memory_space<hbm>>
      tpu.wait_dma2 semaphore(%arg12 : memref<!tpu.dma_semaphore, #tpu.memory_space<semaphore_mem>>) src(%dma_wait3A_190 : memref<80xi32, #tpu.memory_space<hbm>>) dst(%dma_wait3A_187 : memref<80xi32, #tpu.memory_space<vmem>>)
      %run_scoped3A_191 = arith.constant 1 : i32
      %run_scoped3A_192 = arith.constant 1 : i32
      "tpu.region"() ({
        %run_scoped3A_194 = tpu.sem_alloc : memref<!tpu.dma_semaphore, #tpu.memory_space<semaphore_mem>>
        %dma_start3A_195 = arith.constant 0 : i32
        %dma_start3A_196 = arith.constant 0 : i32
        %dma_start3A_197 = tpu.memref_slice %arg9[%run_scoped3A_191, %dma_start3A_195, %dma_start3A_196] : memref<2x80x128xf32, #tpu.memory_space<vmem>> -> memref<1x80x128xf32, #tpu.memory_space<vmem>>
        %dma_start3A_198 = tpu.memref_squeeze %dma_start3A_197 : memref<1x80x128xf32, #tpu.memory_space<vmem>> -> memref<80x128xf32, #tpu.memory_space<vmem>>
        %dma_start3A_199 = arith.constant 0 : i32
        %dma_start3A_200 = tpu.memref_slice %arg8[%run_scoped3A_192, %dma_start3A_199] : memref<2x80xi32, #tpu.memory_space<vmem>> -> memref<1x80xi32, #tpu.memory_space<vmem>>
        %dma_start3A_201 = tpu.memref_squeeze %dma_start3A_200 : memref<1x80xi32, #tpu.memory_space<vmem>> -> memref<80xi32, #tpu.memory_space<vmem>>
        %dma_start3A_202 = arith.constant 0 : i32
        %dma_start3A_203 = arith.constant 0 : i32
        %dma_start3A_204 = tpu.memref_slice %arg10[%dma_start3A_202, %dma_start3A_203] : memref<10000x128xf32, #tpu.memory_space<vmem_shared>> -> memref<10000x128xf32, #tpu.memory_space<vmem_shared>>
        tpu.enqueue_indirect_dma source(%dma_start3A_198 : memref<80x128xf32, #tpu.memory_space<vmem>>) target(%dma_start3A_204 : memref<10000x128xf32, #tpu.memory_space<vmem_shared>>) offsets(%dma_start3A_201 : memref<80xi32, #tpu.memory_space<vmem>>) semaphore(%run_scoped3A_194 : memref<!tpu.dma_semaphore, #tpu.memory_space<semaphore_mem>>) {add = true}
        %dma_wait3A_205 = arith.constant 0 : i32
        %dma_wait3A_206 = arith.constant 0 : i32
        %dma_wait3A_207 = tpu.memref_slice %arg9[%run_scoped3A_191, %dma_wait3A_205, %dma_wait3A_206] : memref<2x80x128xf32, #tpu.memory_space<vmem>> -> memref<1x80x128xf32, #tpu.memory_space<vmem>>
        %dma_wait3A_208 = tpu.memref_squeeze %dma_wait3A_207 : memref<1x80x128xf32, #tpu.memory_space<vmem>> -> memref<80x128xf32, #tpu.memory_space<vmem>>
        %dma_wait3A_209 = arith.constant 0 : i32
        %dma_wait3A_210 = tpu.memref_slice %arg8[%run_scoped3A_192, %dma_wait3A_209] : memref<2x80xi32, #tpu.memory_space<vmem>> -> memref<1x80xi32, #tpu.memory_space<vmem>>
        %dma_wait3A_211 = tpu.memref_squeeze %dma_wait3A_210 : memref<1x80xi32, #tpu.memory_space<vmem>> -> memref<80xi32, #tpu.memory_space<vmem>>
        %dma_wait3A_212 = arith.constant 0 : i32
        %dma_wait3A_213 = arith.constant 0 : i32
        %dma_wait3A_214 = tpu.memref_slice %arg10[%dma_wait3A_212, %dma_wait3A_213] : memref<10000x128xf32, #tpu.memory_space<vmem_shared>> -> memref<10000x128xf32, #tpu.memory_space<vmem_shared>>
        tpu.wait_indirect_dma semaphore(%run_scoped3A_194 : memref<!tpu.dma_semaphore, #tpu.memory_space<semaphore_mem>>) src(%dma_wait3A_208 : memref<80x128xf32, #tpu.memory_space<vmem>>) dst(%dma_wait3A_214 : memref<10000x128xf32, #tpu.memory_space<vmem_shared>>)
        tpu.yield
      }) : () -> ()
      %scan3A_193 = arith.constant 0 : i32
      scf.yield %scan3A_193 : i32
    }
    %scan3A_40 = arith.constant 62 : i32
    %dma_wait3A = arith.constant 0 : i32
    %dma_wait3A_41 = arith.constant 0 : i32
    %dma_wait3A_42 = arith.constant 0 : i32
    %dma_wait3A_43 = arith.constant 0 : i32
    %dma_wait3A_44 = tpu.memref_slice %arg9[%dma_wait3A_41, %dma_wait3A_42, %dma_wait3A_43] : memref<2x80x128xf32, #tpu.memory_space<vmem>> -> memref<1x80x128xf32, #tpu.memory_space<vmem>>
    %dma_wait3A_45 = tpu.memref_squeeze %dma_wait3A_44 : memref<1x80x128xf32, #tpu.memory_space<vmem>> -> memref<80x128xf32, #tpu.memory_space<vmem>>
    %dma_wait3A_46 = arith.constant 0 : i32
    %dma_wait3A_47 = tpu.memref_slice %arg7[%dma_wait3A, %dma_wait3A_46] : memref<125x80xi32, #tpu.memory_space<vmem>> -> memref<1x80xi32, #tpu.memory_space<vmem>>
    %dma_wait3A_48 = tpu.memref_squeeze %dma_wait3A_47 : memref<1x80xi32, #tpu.memory_space<vmem>> -> memref<80xi32, #tpu.memory_space<vmem>>
    %dma_wait3A_49 = arith.constant 0 : i32
    %dma_wait3A_50 = arith.constant 0 : i32
    %dma_wait3A_51 = tpu.memref_slice %arg2[%dma_wait3A_49, %dma_wait3A_50] : memref<10000x128xf32, #tpu.memory_space<hbm>> -> memref<10000x128xf32, #tpu.memory_space<hbm>>
    tpu.wait_indirect_dma semaphore(%arg11 : memref<!tpu.dma_semaphore, #tpu.memory_space<semaphore_mem>>) src(%dma_wait3A_51 : memref<10000x128xf32, #tpu.memory_space<hbm>>) dst(%dma_wait3A_45 : memref<80x128xf32, #tpu.memory_space<vmem>>)
    %dma_wait3A_52 = arith.constant 0 : i32
    %dma_wait3A_53 = arith.constant 0 : i32
    %dma_wait3A_54 = arith.constant 0 : i32
    %dma_wait3A_55 = tpu.memref_slice %arg8[%dma_wait3A_53, %dma_wait3A_54] : memref<2x80xi32, #tpu.memory_space<vmem>> -> memref<1x80xi32, #tpu.memory_space<vmem>>
    %dma_wait3A_56 = tpu.memref_squeeze %dma_wait3A_55 : memref<1x80xi32, #tpu.memory_space<vmem>> -> memref<80xi32, #tpu.memory_space<vmem>>
    %dma_wait3A_57 = arith.constant 0 : i32
    %dma_wait3A_58 = tpu.memref_slice %arg4[%add3A, %dma_wait3A_52, %dma_wait3A_57] : memref<32x125x80xi32, #tpu.memory_space<hbm>> -> memref<1x1x80xi32, #tpu.memory_space<hbm>>
    %dma_wait3A_59 = tpu.memref_squeeze %dma_wait3A_58 : memref<1x1x80xi32, #tpu.memory_space<hbm>> -> memref<80xi32, #tpu.memory_space<hbm>>
    %dma_wait3A_60 = arith.constant 0 : i32
    %dma_wait3A_61 = tpu.memref_slice %arg8[%dma_wait3A_53, %dma_wait3A_60] : memref<2x80xi32, #tpu.memory_space<vmem>> -> memref<1x80xi32, #tpu.memory_space<vmem>>
    %dma_wait3A_62 = tpu.memref_squeeze %dma_wait3A_61 : memref<1x80xi32, #tpu.memory_space<vmem>> -> memref<80xi32, #tpu.memory_space<vmem>>
    %dma_wait3A_63 = arith.constant 0 : i32
    %dma_wait3A_64 = tpu.memref_slice %arg4[%add3A, %dma_wait3A_52, %dma_wait3A_63] : memref<32x125x80xi32, #tpu.memory_space<hbm>> -> memref<1x1x80xi32, #tpu.memory_space<hbm>>
    %dma_wait3A_65 = tpu.memref_squeeze %dma_wait3A_64 : memref<1x1x80xi32, #tpu.memory_space<hbm>> -> memref<80xi32, #tpu.memory_space<hbm>>
    tpu.wait_dma2 semaphore(%arg12 : memref<!tpu.dma_semaphore, #tpu.memory_space<semaphore_mem>>) src(%dma_wait3A_65 : memref<80xi32, #tpu.memory_space<hbm>>) dst(%dma_wait3A_62 : memref<80xi32, #tpu.memory_space<vmem>>)
    %run_scoped3A = arith.constant 0 : i32
    %run_scoped3A_66 = arith.constant 0 : i32
    "tpu.region"() ({
      %run_scoped3A_73 = tpu.sem_alloc : memref<!tpu.dma_semaphore, #tpu.memory_space<semaphore_mem>>
      %dma_start3A_74 = arith.constant 0 : i32
      %dma_start3A_75 = arith.constant 0 : i32
      %dma_start3A_76 = tpu.memref_slice %arg9[%run_scoped3A, %dma_start3A_74, %dma_start3A_75] : memref<2x80x128xf32, #tpu.memory_space<vmem>> -> memref<1x80x128xf32, #tpu.memory_space<vmem>>
      %dma_start3A_77 = tpu.memref_squeeze %dma_start3A_76 : memref<1x80x128xf32, #tpu.memory_space<vmem>> -> memref<80x128xf32, #tpu.memory_space<vmem>>
      %dma_start3A_78 = arith.constant 0 : i32
      %dma_start3A_79 = tpu.memref_slice %arg8[%run_scoped3A_66, %dma_start3A_78] : memref<2x80xi32, #tpu.memory_space<vmem>> -> memref<1x80xi32, #tpu.memory_space<vmem>>
      %dma_start3A_80 = tpu.memref_squeeze %dma_start3A_79 : memref<1x80xi32, #tpu.memory_space<vmem>> -> memref<80xi32, #tpu.memory_space<vmem>>
      %dma_start3A_81 = arith.constant 0 : i32
      %dma_start3A_82 = arith.constant 0 : i32
      %dma_start3A_83 = tpu.memref_slice %arg10[%dma_start3A_81, %dma_start3A_82] : memref<10000x128xf32, #tpu.memory_space<vmem_shared>> -> memref<10000x128xf32, #tpu.memory_space<vmem_shared>>
      tpu.enqueue_indirect_dma source(%dma_start3A_77 : memref<80x128xf32, #tpu.memory_space<vmem>>) target(%dma_start3A_83 : memref<10000x128xf32, #tpu.memory_space<vmem_shared>>) offsets(%dma_start3A_80 : memref<80xi32, #tpu.memory_space<vmem>>) semaphore(%run_scoped3A_73 : memref<!tpu.dma_semaphore, #tpu.memory_space<semaphore_mem>>) {add = true}
      %dma_wait3A_84 = arith.constant 0 : i32
      %dma_wait3A_85 = arith.constant 0 : i32
      %dma_wait3A_86 = tpu.memref_slice %arg9[%run_scoped3A, %dma_wait3A_84, %dma_wait3A_85] : memref<2x80x128xf32, #tpu.memory_space<vmem>> -> memref<1x80x128xf32, #tpu.memory_space<vmem>>
      %dma_wait3A_87 = tpu.memref_squeeze %dma_wait3A_86 : memref<1x80x128xf32, #tpu.memory_space<vmem>> -> memref<80x128xf32, #tpu.memory_space<vmem>>
      %dma_wait3A_88 = arith.constant 0 : i32
      %dma_wait3A_89 = tpu.memref_slice %arg8[%run_scoped3A_66, %dma_wait3A_88] : memref<2x80xi32, #tpu.memory_space<vmem>> -> memref<1x80xi32, #tpu.memory_space<vmem>>
      %dma_wait3A_90 = tpu.memref_squeeze %dma_wait3A_89 : memref<1x80xi32, #tpu.memory_space<vmem>> -> memref<80xi32, #tpu.memory_space<vmem>>
      %dma_wait3A_91 = arith.constant 0 : i32
      %dma_wait3A_92 = arith.constant 0 : i32
      %dma_wait3A_93 = tpu.memref_slice %arg10[%dma_wait3A_91, %dma_wait3A_92] : memref<10000x128xf32, #tpu.memory_space<vmem_shared>> -> memref<10000x128xf32, #tpu.memory_space<vmem_shared>>
      tpu.wait_indirect_dma semaphore(%run_scoped3A_73 : memref<!tpu.dma_semaphore, #tpu.memory_space<semaphore_mem>>) src(%dma_wait3A_87 : memref<80x128xf32, #tpu.memory_space<vmem>>) dst(%dma_wait3A_93 : memref<10000x128xf32, #tpu.memory_space<vmem_shared>>)
      tpu.yield
    }) : () -> ()
    %barrier3A_67 = arith.constant 0 : index
    tpu.barrier barrier_id(%barrier3A_67)
    "tpu.region"() ({
      %run_scoped3A_73 = tpu.sem_alloc : memref<!tpu.dma_semaphore, #tpu.memory_space<semaphore_mem>>
      %dma_start3A_74 = arith.constant 0 : i32
      %dma_start3A_75 = tpu.memref_slice %arg6[%arg0, %mul3A_2, %dma_start3A_74] : memref<2x10000x128xf32, #tpu.memory_space<hbm>> -> memref<1x624x128xf32, #tpu.memory_space<hbm>>
      %dma_start3A_76 = tpu.memref_squeeze %dma_start3A_75 : memref<1x624x128xf32, #tpu.memory_space<hbm>> -> memref<624x128xf32, #tpu.memory_space<hbm>>
      %dma_start3A_77 = arith.constant 0 : i32
      %dma_start3A_78 = tpu.memref_slice %arg10[%mul3A_2, %dma_start3A_77] : memref<10000x128xf32, #tpu.memory_space<vmem_shared>> -> memref<624x128xf32, #tpu.memory_space<vmem_shared>>
      tpu.enqueue_dma source(%dma_start3A_78 : memref<624x128xf32, #tpu.memory_space<vmem_shared>>) target(%dma_start3A_76 : memref<624x128xf32, #tpu.memory_space<hbm>>) target_semaphore(%run_scoped3A_73 : memref<!tpu.dma_semaphore, #tpu.memory_space<semaphore_mem>>)
      %dma_wait3A_79 = arith.constant 0 : i32
      %dma_wait3A_80 = tpu.memref_slice %arg6[%arg0, %mul3A_2, %dma_wait3A_79] : memref<2x10000x128xf32, #tpu.memory_space<hbm>> -> memref<1x624x128xf32, #tpu.memory_space<hbm>>
      %dma_wait3A_81 = tpu.memref_squeeze %dma_wait3A_80 : memref<1x624x128xf32, #tpu.memory_space<hbm>> -> memref<624x128xf32, #tpu.memory_space<hbm>>
      %dma_wait3A_82 = arith.constant 0 : i32
      %dma_wait3A_83 = tpu.memref_slice %arg10[%mul3A_2, %dma_wait3A_82] : memref<10000x128xf32, #tpu.memory_space<vmem_shared>> -> memref<624x128xf32, #tpu.memory_space<vmem_shared>>
      tpu.wait_dma2 semaphore(%run_scoped3A_73 : memref<!tpu.dma_semaphore, #tpu.memory_space<semaphore_mem>>) src(%dma_wait3A_83 : memref<624x128xf32, #tpu.memory_space<vmem_shared>>) dst(%dma_wait3A_81 : memref<624x128xf32, #tpu.memory_space<hbm>>)
      tpu.yield
    }) : () -> ()
    %eq3A_68 = arith.constant 15 : i32
    %eq3A_69 = arith.cmpi eq, %arg1, %eq3A_68 : i32
    %convert_element_type3A_70 = arith.extui %eq3A_69 : i1 to i32
    %cond3A_71 = arith.constant 0 : i32
    %cond3A_72 = arith.cmpi ne, %convert_element_type3A_70, %cond3A_71 : i32
    scf.if %cond3A_72 {
      "tpu.region"() ({
        %run_scoped3A_73 = tpu.sem_alloc : memref<!tpu.dma_semaphore, #tpu.memory_space<semaphore_mem>>
        %dma_start3A_74 = arith.constant 9984 : i32
        %dma_start3A_75 = arith.constant 0 : i32
        %dma_start3A_76 = tpu.memref_slice %arg6[%arg0, %dma_start3A_74, %dma_start3A_75] : memref<2x10000x128xf32, #tpu.memory_space<hbm>> -> memref<1x16x128xf32, #tpu.memory_space<hbm>>
        %dma_start3A_77 = tpu.memref_squeeze %dma_start3A_76 : memref<1x16x128xf32, #tpu.memory_space<hbm>> -> memref<16x128xf32, #tpu.memory_space<hbm>>
        %dma_start3A_78 = arith.constant 9984 : i32
        %dma_start3A_79 = arith.constant 0 : i32
        %dma_start3A_80 = tpu.memref_slice %arg10[%dma_start3A_78, %dma_start3A_79] : memref<10000x128xf32, #tpu.memory_space<vmem_shared>> -> memref<16x128xf32, #tpu.memory_space<vmem_shared>>
        tpu.enqueue_dma source(%dma_start3A_80 : memref<16x128xf32, #tpu.memory_space<vmem_shared>>) target(%dma_start3A_77 : memref<16x128xf32, #tpu.memory_space<hbm>>) target_semaphore(%run_scoped3A_73 : memref<!tpu.dma_semaphore, #tpu.memory_space<semaphore_mem>>)
        %dma_wait3A_81 = arith.constant 9984 : i32
        %dma_wait3A_82 = arith.constant 0 : i32
        %dma_wait3A_83 = tpu.memref_slice %arg6[%arg0, %dma_wait3A_81, %dma_wait3A_82] : memref<2x10000x128xf32, #tpu.memory_space<hbm>> -> memref<1x16x128xf32, #tpu.memory_space<hbm>>
        %dma_wait3A_84 = tpu.memref_squeeze %dma_wait3A_83 : memref<1x16x128xf32, #tpu.memory_space<hbm>> -> memref<16x128xf32, #tpu.memory_space<hbm>>
        %dma_wait3A_85 = arith.constant 9984 : i32
        %dma_wait3A_86 = arith.constant 0 : i32
        %dma_wait3A_87 = tpu.memref_slice %arg10[%dma_wait3A_85, %dma_wait3A_86] : memref<10000x128xf32, #tpu.memory_space<vmem_shared>> -> memref<16x128xf32, #tpu.memory_space<vmem_shared>>
        tpu.wait_dma2 semaphore(%run_scoped3A_73 : memref<!tpu.dma_semaphore, #tpu.memory_space<semaphore_mem>>) src(%dma_wait3A_87 : memref<16x128xf32, #tpu.memory_space<vmem_shared>>) dst(%dma_wait3A_84 : memref<16x128xf32, #tpu.memory_space<hbm>>)
        tpu.yield
      }) : () -> ()
    } else {
    }
    return
  }
}

#map = affine_map<(d0, d1) -> (0, 0)>
#map1 = affine_map<(d0, d1) -> (0, 0, 0)>
module attributes {stable_mosaic.version = 14 : i64} {
  func.func @_sc_hop(%arg0: i32, %arg1: i32, %arg2: memref<10000x128xf32, #tpu.memory_space<hbm>>, %arg3: memref<32x125x80xi32, #tpu.memory_space<hbm>>, %arg4: memref<32x125x80xi32, #tpu.memory_space<hbm>>, %arg5: memref<10000x128xf32, #tpu.memory_space<hbm>>, %arg6: memref<2x10000x128xf32, #tpu.memory_space<hbm>>, %arg7: memref<125x80xi32, #tpu.memory_space<vmem>>, %arg8: memref<2x80xi32, #tpu.memory_space<vmem>>, %arg9: memref<2x80x128xf32, #tpu.memory_space<vmem>>, %arg10: memref<10000x128xf32, #tpu.memory_space<vmem_shared>>, %arg11: memref<!tpu.dma_semaphore, #tpu.memory_space<semaphore_mem>>, %arg12: memref<!tpu.dma_semaphore, #tpu.memory_space<semaphore_mem>>) attributes {dimension_semantics = [#tpu.dimension_semantics<core_parallel>, #tpu.dimension_semantics<subcore_parallel>], iteration_bounds = array<i64: 2, 16>, scalar_prefetch = 0 : i64, scratch_operands = 6 : i64, tpu.core_type = #tpu.core_type<sc_vector_subcore>, window_params = [{transform_indices = #map}, {transform_indices = #map1}, {transform_indices = #map1}, {transform_indices = #map}, {transform_indices = #map1}]} {
    %mul3A = arith.constant 10 : i32
    %mul3A_0 = arith.muli %arg1, %mul3A : i32
    %add3A = arith.addi %mul3A_0, %arg0 : i32
    %mul3A_1 = arith.constant 624 : i32
    %mul3A_2 = arith.muli %arg1, %mul3A_1 : i32
    "tpu.region"() ({
      %run_scoped3A_73 = tpu.sem_alloc : memref<!tpu.dma_semaphore, #tpu.memory_space<semaphore_mem>>
      %dma_start3A_74 = arith.constant 0 : i32
      %dma_start3A_75 = arith.constant 0 : i32
      %dma_start3A_76 = tpu.memref_slice %arg3[%add3A, %dma_start3A_74, %dma_start3A_75] : memref<32x125x80xi32, #tpu.memory_space<hbm>> -> memref<1x125x80xi32, #tpu.memory_space<hbm>>
      %dma_start3A_77 = tpu.memref_squeeze %dma_start3A_76 : memref<1x125x80xi32, #tpu.memory_space<hbm>> -> memref<125x80xi32, #tpu.memory_space<hbm>>
      %dma_start3A_78 = arith.constant 0 : i32
      %dma_start3A_79 = arith.constant 0 : i32
      %dma_start3A_80 = tpu.memref_slice %arg3[%add3A, %dma_start3A_78, %dma_start3A_79] : memref<32x125x80xi32, #tpu.memory_space<hbm>> -> memref<1x125x80xi32, #tpu.memory_space<hbm>>
      %dma_start3A_81 = tpu.memref_squeeze %dma_start3A_80 : memref<1x125x80xi32, #tpu.memory_space<hbm>> -> memref<125x80xi32, #tpu.memory_space<hbm>>
      tpu.enqueue_dma source(%dma_start3A_81 : memref<125x80xi32, #tpu.memory_space<hbm>>) target(%arg7 : memref<125x80xi32, #tpu.memory_space<vmem>>) target_semaphore(%run_scoped3A_73 : memref<!tpu.dma_semaphore, #tpu.memory_space<semaphore_mem>>)
      %dma_wait3A_82 = arith.constant 0 : i32
      %dma_wait3A_83 = arith.constant 0 : i32
      %dma_wait3A_84 = tpu.memref_slice %arg3[%add3A, %dma_wait3A_82, %dma_wait3A_83] : memref<32x125x80xi32, #tpu.memory_space<hbm>> -> memref<1x125x80xi32, #tpu.memory_space<hbm>>
      %dma_wait3A_85 = tpu.memref_squeeze %dma_wait3A_84 : memref<1x125x80xi32, #tpu.memory_space<hbm>> -> memref<125x80xi32, #tpu.memory_space<hbm>>
      %dma_wait3A_86 = arith.constant 0 : i32
      %dma_wait3A_87 = arith.constant 0 : i32
      %dma_wait3A_88 = tpu.memref_slice %arg3[%add3A, %dma_wait3A_86, %dma_wait3A_87] : memref<32x125x80xi32, #tpu.memory_space<hbm>> -> memref<1x125x80xi32, #tpu.memory_space<hbm>>
      %dma_wait3A_89 = tpu.memref_squeeze %dma_wait3A_88 : memref<1x125x80xi32, #tpu.memory_space<hbm>> -> memref<125x80xi32, #tpu.memory_space<hbm>>
      tpu.wait_dma2 semaphore(%run_scoped3A_73 : memref<!tpu.dma_semaphore, #tpu.memory_space<semaphore_mem>>) src(%dma_wait3A_89 : memref<125x80xi32, #tpu.memory_space<hbm>>) dst(%arg7 : memref<125x80xi32, #tpu.memory_space<vmem>>)
      tpu.yield
    }) : () -> ()
    %eq3A = arith.constant 0 : i32
    %eq3A_3 = arith.cmpi eq, %arg0, %eq3A : i32
    %convert_element_type3A = arith.extui %eq3A_3 : i1 to i32
    %cond3A = arith.constant 0 : i32
    %cond3A_4 = arith.cmpi ne, %convert_element_type3A, %cond3A : i32
    scf.if %cond3A_4 {
      "tpu.region"() ({
        %run_scoped3A_78 = tpu.sem_alloc : memref<!tpu.dma_semaphore, #tpu.memory_space<semaphore_mem>>
        %dma_start3A_79 = arith.constant 0 : i32
        %dma_start3A_80 = tpu.memref_slice %arg10[%mul3A_2, %dma_start3A_79] : memref<10000x128xf32, #tpu.memory_space<vmem_shared>> -> memref<624x128xf32, #tpu.memory_space<vmem_shared>>
        %dma_start3A_81 = arith.constant 0 : i32
        %dma_start3A_82 = tpu.memref_slice %arg2[%mul3A_2, %dma_start3A_81] : memref<10000x128xf32, #tpu.memory_space<hbm>> -> memref<624x128xf32, #tpu.memory_space<hbm>>
        tpu.enqueue_dma source(%dma_start3A_82 : memref<624x128xf32, #tpu.memory_space<hbm>>) target(%dma_start3A_80 : memref<624x128xf32, #tpu.memory_space<vmem_shared>>) target_semaphore(%run_scoped3A_78 : memref<!tpu.dma_semaphore, #tpu.memory_space<semaphore_mem>>)
        %dma_wait3A_83 = arith.constant 0 : i32
        %dma_wait3A_84 = tpu.memref_slice %arg10[%mul3A_2, %dma_wait3A_83] : memref<10000x128xf32, #tpu.memory_space<vmem_shared>> -> memref<624x128xf32, #tpu.memory_space<vmem_shared>>
        %dma_wait3A_85 = arith.constant 0 : i32
        %dma_wait3A_86 = tpu.memref_slice %arg2[%mul3A_2, %dma_wait3A_85] : memref<10000x128xf32, #tpu.memory_space<hbm>> -> memref<624x128xf32, #tpu.memory_space<hbm>>
        tpu.wait_dma2 semaphore(%run_scoped3A_78 : memref<!tpu.dma_semaphore, #tpu.memory_space<semaphore_mem>>) src(%dma_wait3A_86 : memref<624x128xf32, #tpu.memory_space<hbm>>) dst(%dma_wait3A_84 : memref<624x128xf32, #tpu.memory_space<vmem_shared>>)
        tpu.yield
      }) : () -> ()
      %eq3A_73 = arith.constant 15 : i32
      %eq3A_74 = arith.cmpi eq, %arg1, %eq3A_73 : i32
      %convert_element_type3A_75 = arith.extui %eq3A_74 : i1 to i32
      %cond3A_76 = arith.constant 0 : i32
      %cond3A_77 = arith.cmpi ne, %convert_element_type3A_75, %cond3A_76 : i32
      scf.if %cond3A_77 {
        "tpu.region"() ({
          %run_scoped3A_78 = tpu.sem_alloc : memref<!tpu.dma_semaphore, #tpu.memory_space<semaphore_mem>>
          %dma_start3A_79 = arith.constant 9984 : i32
          %dma_start3A_80 = arith.constant 0 : i32
          %dma_start3A_81 = tpu.memref_slice %arg10[%dma_start3A_79, %dma_start3A_80] : memref<10000x128xf32, #tpu.memory_space<vmem_shared>> -> memref<16x128xf32, #tpu.memory_space<vmem_shared>>
          %dma_start3A_82 = arith.constant 9984 : i32
          %dma_start3A_83 = arith.constant 0 : i32
          %dma_start3A_84 = tpu.memref_slice %arg2[%dma_start3A_82, %dma_start3A_83] : memref<10000x128xf32, #tpu.memory_space<hbm>> -> memref<16x128xf32, #tpu.memory_space<hbm>>
          tpu.enqueue_dma source(%dma_start3A_84 : memref<16x128xf32, #tpu.memory_space<hbm>>) target(%dma_start3A_81 : memref<16x128xf32, #tpu.memory_space<vmem_shared>>) target_semaphore(%run_scoped3A_78 : memref<!tpu.dma_semaphore, #tpu.memory_space<semaphore_mem>>)
          %dma_wait3A_85 = arith.constant 9984 : i32
          %dma_wait3A_86 = arith.constant 0 : i32
          %dma_wait3A_87 = tpu.memref_slice %arg10[%dma_wait3A_85, %dma_wait3A_86] : memref<10000x128xf32, #tpu.memory_space<vmem_shared>> -> memref<16x128xf32, #tpu.memory_space<vmem_shared>>
          %dma_wait3A_88 = arith.constant 9984 : i32
          %dma_wait3A_89 = arith.constant 0 : i32
          %dma_wait3A_90 = tpu.memref_slice %arg2[%dma_wait3A_88, %dma_wait3A_89] : memref<10000x128xf32, #tpu.memory_space<hbm>> -> memref<16x128xf32, #tpu.memory_space<hbm>>
          tpu.wait_dma2 semaphore(%run_scoped3A_78 : memref<!tpu.dma_semaphore, #tpu.memory_space<semaphore_mem>>) src(%dma_wait3A_90 : memref<16x128xf32, #tpu.memory_space<hbm>>) dst(%dma_wait3A_87 : memref<16x128xf32, #tpu.memory_space<vmem_shared>>)
          tpu.yield
        }) : () -> ()
      } else {
      }
    } else {
    }
    %eq3A_5 = arith.constant 1 : i32
    %eq3A_6 = arith.cmpi eq, %arg0, %eq3A_5 : i32
    %convert_element_type3A_7 = arith.extui %eq3A_6 : i1 to i32
    %cond3A_8 = arith.constant 0 : i32
    %cond3A_9 = arith.cmpi ne, %convert_element_type3A_7, %cond3A_8 : i32
    scf.if %cond3A_9 {
      "tpu.region"() ({
        %run_scoped3A_78 = tpu.sem_alloc : memref<!tpu.dma_semaphore, #tpu.memory_space<semaphore_mem>>
        %dma_start3A_79 = arith.constant 0 : i32
        %dma_start3A_80 = tpu.memref_slice %arg10[%mul3A_2, %dma_start3A_79] : memref<10000x128xf32, #tpu.memory_space<vmem_shared>> -> memref<624x128xf32, #tpu.memory_space<vmem_shared>>
        %dma_start3A_81 = arith.constant 0 : i32
        %dma_start3A_82 = tpu.memref_slice %arg5[%mul3A_2, %dma_start3A_81] : memref<10000x128xf32, #tpu.memory_space<hbm>> -> memref<624x128xf32, #tpu.memory_space<hbm>>
        tpu.enqueue_dma source(%dma_start3A_82 : memref<624x128xf32, #tpu.memory_space<hbm>>) target(%dma_start3A_80 : memref<624x128xf32, #tpu.memory_space<vmem_shared>>) target_semaphore(%run_scoped3A_78 : memref<!tpu.dma_semaphore, #tpu.memory_space<semaphore_mem>>)
        %dma_wait3A_83 = arith.constant 0 : i32
        %dma_wait3A_84 = tpu.memref_slice %arg10[%mul3A_2, %dma_wait3A_83] : memref<10000x128xf32, #tpu.memory_space<vmem_shared>> -> memref<624x128xf32, #tpu.memory_space<vmem_shared>>
        %dma_wait3A_85 = arith.constant 0 : i32
        %dma_wait3A_86 = tpu.memref_slice %arg5[%mul3A_2, %dma_wait3A_85] : memref<10000x128xf32, #tpu.memory_space<hbm>> -> memref<624x128xf32, #tpu.memory_space<hbm>>
        tpu.wait_dma2 semaphore(%run_scoped3A_78 : memref<!tpu.dma_semaphore, #tpu.memory_space<semaphore_mem>>) src(%dma_wait3A_86 : memref<624x128xf32, #tpu.memory_space<hbm>>) dst(%dma_wait3A_84 : memref<624x128xf32, #tpu.memory_space<vmem_shared>>)
        tpu.yield
      }) : () -> ()
      %eq3A_73 = arith.constant 15 : i32
      %eq3A_74 = arith.cmpi eq, %arg1, %eq3A_73 : i32
      %convert_element_type3A_75 = arith.extui %eq3A_74 : i1 to i32
      %cond3A_76 = arith.constant 0 : i32
      %cond3A_77 = arith.cmpi ne, %convert_element_type3A_75, %cond3A_76 : i32
      scf.if %cond3A_77 {
        "tpu.region"() ({
          %run_scoped3A_78 = tpu.sem_alloc : memref<!tpu.dma_semaphore, #tpu.memory_space<semaphore_mem>>
          %dma_start3A_79 = arith.constant 9984 : i32
          %dma_start3A_80 = arith.constant 0 : i32
          %dma_start3A_81 = tpu.memref_slice %arg10[%dma_start3A_79, %dma_start3A_80] : memref<10000x128xf32, #tpu.memory_space<vmem_shared>> -> memref<16x128xf32, #tpu.memory_space<vmem_shared>>
          %dma_start3A_82 = arith.constant 9984 : i32
          %dma_start3A_83 = arith.constant 0 : i32
          %dma_start3A_84 = tpu.memref_slice %arg5[%dma_start3A_82, %dma_start3A_83] : memref<10000x128xf32, #tpu.memory_space<hbm>> -> memref<16x128xf32, #tpu.memory_space<hbm>>
          tpu.enqueue_dma source(%dma_start3A_84 : memref<16x128xf32, #tpu.memory_space<hbm>>) target(%dma_start3A_81 : memref<16x128xf32, #tpu.memory_space<vmem_shared>>) target_semaphore(%run_scoped3A_78 : memref<!tpu.dma_semaphore, #tpu.memory_space<semaphore_mem>>)
          %dma_wait3A_85 = arith.constant 9984 : i32
          %dma_wait3A_86 = arith.constant 0 : i32
          %dma_wait3A_87 = tpu.memref_slice %arg10[%dma_wait3A_85, %dma_wait3A_86] : memref<10000x128xf32, #tpu.memory_space<vmem_shared>> -> memref<16x128xf32, #tpu.memory_space<vmem_shared>>
          %dma_wait3A_88 = arith.constant 9984 : i32
          %dma_wait3A_89 = arith.constant 0 : i32
          %dma_wait3A_90 = tpu.memref_slice %arg5[%dma_wait3A_88, %dma_wait3A_89] : memref<10000x128xf32, #tpu.memory_space<hbm>> -> memref<16x128xf32, #tpu.memory_space<hbm>>
          tpu.wait_dma2 semaphore(%run_scoped3A_78 : memref<!tpu.dma_semaphore, #tpu.memory_space<semaphore_mem>>) src(%dma_wait3A_90 : memref<16x128xf32, #tpu.memory_space<hbm>>) dst(%dma_wait3A_87 : memref<16x128xf32, #tpu.memory_space<vmem_shared>>)
          tpu.yield
        }) : () -> ()
      } else {
      }
    } else {
    }
    %barrier3A = arith.constant 0 : index
    tpu.barrier barrier_id(%barrier3A)
    %dma_start3A = arith.constant 0 : i32
    %dma_start3A_10 = arith.constant 0 : i32
    %dma_start3A_11 = arith.constant 0 : i32
    %dma_start3A_12 = tpu.memref_slice %arg8[%dma_start3A_10, %dma_start3A_11] : memref<2x80xi32, #tpu.memory_space<vmem>> -> memref<1x80xi32, #tpu.memory_space<vmem>>
    %dma_start3A_13 = tpu.memref_squeeze %dma_start3A_12 : memref<1x80xi32, #tpu.memory_space<vmem>> -> memref<80xi32, #tpu.memory_space<vmem>>
    %dma_start3A_14 = arith.constant 0 : i32
    %dma_start3A_15 = tpu.memref_slice %arg4[%add3A, %dma_start3A, %dma_start3A_14] : memref<32x125x80xi32, #tpu.memory_space<hbm>> -> memref<1x1x80xi32, #tpu.memory_space<hbm>>
    %dma_start3A_16 = tpu.memref_squeeze %dma_start3A_15 : memref<1x1x80xi32, #tpu.memory_space<hbm>> -> memref<80xi32, #tpu.memory_space<hbm>>
    %dma_start3A_17 = arith.constant 0 : i32
    %dma_start3A_18 = tpu.memref_slice %arg8[%dma_start3A_10, %dma_start3A_17] : memref<2x80xi32, #tpu.memory_space<vmem>> -> memref<1x80xi32, #tpu.memory_space<vmem>>
    %dma_start3A_19 = tpu.memref_squeeze %dma_start3A_18 : memref<1x80xi32, #tpu.memory_space<vmem>> -> memref<80xi32, #tpu.memory_space<vmem>>
    %dma_start3A_20 = arith.constant 0 : i32
    %dma_start3A_21 = tpu.memref_slice %arg4[%add3A, %dma_start3A, %dma_start3A_20] : memref<32x125x80xi32, #tpu.memory_space<hbm>> -> memref<1x1x80xi32, #tpu.memory_space<hbm>>
    %dma_start3A_22 = tpu.memref_squeeze %dma_start3A_21 : memref<1x1x80xi32, #tpu.memory_space<hbm>> -> memref<80xi32, #tpu.memory_space<hbm>>
    tpu.enqueue_dma source(%dma_start3A_22 : memref<80xi32, #tpu.memory_space<hbm>>) target(%dma_start3A_19 : memref<80xi32, #tpu.memory_space<vmem>>) target_semaphore(%arg12 : memref<!tpu.dma_semaphore, #tpu.memory_space<semaphore_mem>>)
    %dma_start3A_23 = arith.constant 0 : i32
    %dma_start3A_24 = arith.constant 0 : i32
    %dma_start3A_25 = arith.constant 0 : i32
    %dma_start3A_26 = arith.constant 0 : i32
    %dma_start3A_27 = tpu.memref_slice %arg9[%dma_start3A_24, %dma_start3A_25, %dma_start3A_26] : memref<2x80x128xf32, #tpu.memory_space<vmem>> -> memref<1x80x128xf32, #tpu.memory_space<vmem>>
    %dma_start3A_28 = tpu.memref_squeeze %dma_start3A_27 : memref<1x80x128xf32, #tpu.memory_space<vmem>> -> memref<80x128xf32, #tpu.memory_space<vmem>>
    %dma_start3A_29 = arith.constant 0 : i32
    %dma_start3A_30 = tpu.memref_slice %arg7[%dma_start3A_23, %dma_start3A_29] : memref<125x80xi32, #tpu.memory_space<vmem>> -> memref<1x80xi32, #tpu.memory_space<vmem>>
    %dma_start3A_31 = tpu.memref_squeeze %dma_start3A_30 : memref<1x80xi32, #tpu.memory_space<vmem>> -> memref<80xi32, #tpu.memory_space<vmem>>
    %dma_start3A_32 = arith.constant 0 : i32
    %dma_start3A_33 = arith.constant 0 : i32
    %dma_start3A_34 = tpu.memref_slice %arg2[%dma_start3A_32, %dma_start3A_33] : memref<10000x128xf32, #tpu.memory_space<hbm>> -> memref<10000x128xf32, #tpu.memory_space<hbm>>
    tpu.enqueue_indirect_dma source(%dma_start3A_34 : memref<10000x128xf32, #tpu.memory_space<hbm>>) target(%dma_start3A_28 : memref<80x128xf32, #tpu.memory_space<vmem>>) offsets(%dma_start3A_31 : memref<80xi32, #tpu.memory_space<vmem>>) semaphore(%arg11 : memref<!tpu.dma_semaphore, #tpu.memory_space<semaphore_mem>>)
    %scan3A = arith.constant 0 : i32
    %scan3A_35 = arith.constant 0 : i32
    %scan3A_36 = arith.constant 62 : i32
    %scan3A_37 = arith.addi %scan3A_35, %scan3A_36 : i32
    %scan3A_38 = arith.constant 1 : i32
    %scan3A_39 = scf.for %scan3A_73 = %scan3A_35 to %scan3A_37 step %scan3A_38 iter_args(%scan3A_74 = %scan3A) -> (i32)  : i32 {
      %mul3A_75 = arith.constant 2 : i32
      %mul3A_76 = arith.muli %mul3A_75, %scan3A_73 : i32
      %add3A_77 = arith.constant 1 : i32
      %add3A_78 = arith.addi %mul3A_76, %add3A_77 : i32
      %dma_start3A_79 = arith.constant 1 : i32
      %dma_start3A_80 = arith.constant 0 : i32
      %dma_start3A_81 = arith.constant 0 : i32
      %dma_start3A_82 = tpu.memref_slice %arg9[%dma_start3A_79, %dma_start3A_80, %dma_start3A_81] : memref<2x80x128xf32, #tpu.memory_space<vmem>> -> memref<1x80x128xf32, #tpu.memory_space<vmem>>
      %dma_start3A_83 = tpu.memref_squeeze %dma_start3A_82 : memref<1x80x128xf32, #tpu.memory_space<vmem>> -> memref<80x128xf32, #tpu.memory_space<vmem>>
      %dma_start3A_84 = arith.constant 0 : i32
      %dma_start3A_85 = tpu.memref_slice %arg7[%add3A_78, %dma_start3A_84] : memref<125x80xi32, #tpu.memory_space<vmem>> -> memref<1x80xi32, #tpu.memory_space<vmem>>
      %dma_start3A_86 = tpu.memref_squeeze %dma_start3A_85 : memref<1x80xi32, #tpu.memory_space<vmem>> -> memref<80xi32, #tpu.memory_space<vmem>>
      %dma_start3A_87 = arith.constant 0 : i32
      %dma_start3A_88 = arith.constant 0 : i32
      %dma_start3A_89 = tpu.memref_slice %arg2[%dma_start3A_87, %dma_start3A_88] : memref<10000x128xf32, #tpu.memory_space<hbm>> -> memref<10000x128xf32, #tpu.memory_space<hbm>>
      tpu.enqueue_indirect_dma source(%dma_start3A_89 : memref<10000x128xf32, #tpu.memory_space<hbm>>) target(%dma_start3A_83 : memref<80x128xf32, #tpu.memory_space<vmem>>) offsets(%dma_start3A_86 : memref<80xi32, #tpu.memory_space<vmem>>) semaphore(%arg11 : memref<!tpu.dma_semaphore, #tpu.memory_space<semaphore_mem>>)
      %add3A_90 = arith.constant 1 : i32
      %add3A_91 = arith.addi %mul3A_76, %add3A_90 : i32
      %dma_start3A_92 = arith.constant 1 : i32
      %dma_start3A_93 = arith.constant 0 : i32
      %dma_start3A_94 = tpu.memref_slice %arg8[%dma_start3A_92, %dma_start3A_93] : memref<2x80xi32, #tpu.memory_space<vmem>> -> memref<1x80xi32, #tpu.memory_space<vmem>>
      %dma_start3A_95 = tpu.memref_squeeze %dma_start3A_94 : memref<1x80xi32, #tpu.memory_space<vmem>> -> memref<80xi32, #tpu.memory_space<vmem>>
      %dma_start3A_96 = arith.constant 0 : i32
      %dma_start3A_97 = tpu.memref_slice %arg4[%add3A, %add3A_91, %dma_start3A_96] : memref<32x125x80xi32, #tpu.memory_space<hbm>> -> memref<1x1x80xi32, #tpu.memory_space<hbm>>
      %dma_start3A_98 = tpu.memref_squeeze %dma_start3A_97 : memref<1x1x80xi32, #tpu.memory_space<hbm>> -> memref<80xi32, #tpu.memory_space<hbm>>
      %dma_start3A_99 = arith.constant 0 : i32
      %dma_start3A_100 = tpu.memref_slice %arg8[%dma_start3A_92, %dma_start3A_99] : memref<2x80xi32, #tpu.memory_space<vmem>> -> memref<1x80xi32, #tpu.memory_space<vmem>>
      %dma_start3A_101 = tpu.memref_squeeze %dma_start3A_100 : memref<1x80xi32, #tpu.memory_space<vmem>> -> memref<80xi32, #tpu.memory_space<vmem>>
      %dma_start3A_102 = arith.constant 0 : i32
      %dma_start3A_103 = tpu.memref_slice %arg4[%add3A, %add3A_91, %dma_start3A_102] : memref<32x125x80xi32, #tpu.memory_space<hbm>> -> memref<1x1x80xi32, #tpu.memory_space<hbm>>
      %dma_start3A_104 = tpu.memref_squeeze %dma_start3A_103 : memref<1x1x80xi32, #tpu.memory_space<hbm>> -> memref<80xi32, #tpu.memory_space<hbm>>
      tpu.enqueue_dma source(%dma_start3A_104 : memref<80xi32, #tpu.memory_space<hbm>>) target(%dma_start3A_101 : memref<80xi32, #tpu.memory_space<vmem>>) target_semaphore(%arg12 : memref<!tpu.dma_semaphore, #tpu.memory_space<semaphore_mem>>)
      %dma_wait3A_105 = arith.constant 0 : i32
      %dma_wait3A_106 = arith.constant 0 : i32
      %dma_wait3A_107 = arith.constant 0 : i32
      %dma_wait3A_108 = arith.constant 0 : i32
      %dma_wait3A_109 = tpu.memref_slice %arg9[%dma_wait3A_106, %dma_wait3A_107, %dma_wait3A_108] : memref<2x80x128xf32, #tpu.memory_space<vmem>> -> memref<1x80x128xf32, #tpu.memory_space<vmem>>
      %dma_wait3A_110 = tpu.memref_squeeze %dma_wait3A_109 : memref<1x80x128xf32, #tpu.memory_space<vmem>> -> memref<80x128xf32, #tpu.memory_space<vmem>>
      %dma_wait3A_111 = arith.constant 0 : i32
      %dma_wait3A_112 = tpu.memref_slice %arg7[%dma_wait3A_105, %dma_wait3A_111] : memref<125x80xi32, #tpu.memory_space<vmem>> -> memref<1x80xi32, #tpu.memory_space<vmem>>
      %dma_wait3A_113 = tpu.memref_squeeze %dma_wait3A_112 : memref<1x80xi32, #tpu.memory_space<vmem>> -> memref<80xi32, #tpu.memory_space<vmem>>
      %dma_wait3A_114 = arith.constant 0 : i32
      %dma_wait3A_115 = arith.constant 0 : i32
      %dma_wait3A_116 = tpu.memref_slice %arg2[%dma_wait3A_114, %dma_wait3A_115] : memref<10000x128xf32, #tpu.memory_space<hbm>> -> memref<10000x128xf32, #tpu.memory_space<hbm>>
      tpu.wait_indirect_dma semaphore(%arg11 : memref<!tpu.dma_semaphore, #tpu.memory_space<semaphore_mem>>) src(%dma_wait3A_116 : memref<10000x128xf32, #tpu.memory_space<hbm>>) dst(%dma_wait3A_110 : memref<80x128xf32, #tpu.memory_space<vmem>>)
      %dma_wait3A_117 = arith.constant 0 : i32
      %dma_wait3A_118 = arith.constant 0 : i32
      %dma_wait3A_119 = arith.constant 0 : i32
      %dma_wait3A_120 = tpu.memref_slice %arg8[%dma_wait3A_118, %dma_wait3A_119] : memref<2x80xi32, #tpu.memory_space<vmem>> -> memref<1x80xi32, #tpu.memory_space<vmem>>
      %dma_wait3A_121 = tpu.memref_squeeze %dma_wait3A_120 : memref<1x80xi32, #tpu.memory_space<vmem>> -> memref<80xi32, #tpu.memory_space<vmem>>
      %dma_wait3A_122 = arith.constant 0 : i32
      %dma_wait3A_123 = tpu.memref_slice %arg4[%add3A, %dma_wait3A_117, %dma_wait3A_122] : memref<32x125x80xi32, #tpu.memory_space<hbm>> -> memref<1x1x80xi32, #tpu.memory_space<hbm>>
      %dma_wait3A_124 = tpu.memref_squeeze %dma_wait3A_123 : memref<1x1x80xi32, #tpu.memory_space<hbm>> -> memref<80xi32, #tpu.memory_space<hbm>>
      %dma_wait3A_125 = arith.constant 0 : i32
      %dma_wait3A_126 = tpu.memref_slice %arg8[%dma_wait3A_118, %dma_wait3A_125] : memref<2x80xi32, #tpu.memory_space<vmem>> -> memref<1x80xi32, #tpu.memory_space<vmem>>
      %dma_wait3A_127 = tpu.memref_squeeze %dma_wait3A_126 : memref<1x80xi32, #tpu.memory_space<vmem>> -> memref<80xi32, #tpu.memory_space<vmem>>
      %dma_wait3A_128 = arith.constant 0 : i32
      %dma_wait3A_129 = tpu.memref_slice %arg4[%add3A, %dma_wait3A_117, %dma_wait3A_128] : memref<32x125x80xi32, #tpu.memory_space<hbm>> -> memref<1x1x80xi32, #tpu.memory_space<hbm>>
      %dma_wait3A_130 = tpu.memref_squeeze %dma_wait3A_129 : memref<1x1x80xi32, #tpu.memory_space<hbm>> -> memref<80xi32, #tpu.memory_space<hbm>>
      tpu.wait_dma2 semaphore(%arg12 : memref<!tpu.dma_semaphore, #tpu.memory_space<semaphore_mem>>) src(%dma_wait3A_130 : memref<80xi32, #tpu.memory_space<hbm>>) dst(%dma_wait3A_127 : memref<80xi32, #tpu.memory_space<vmem>>)
      %run_scoped3A_131 = arith.constant 0 : i32
      %run_scoped3A_132 = arith.constant 0 : i32
      "tpu.region"() ({
        %run_scoped3A_194 = tpu.sem_alloc : memref<!tpu.dma_semaphore, #tpu.memory_space<semaphore_mem>>
        %dma_start3A_195 = arith.constant 0 : i32
        %dma_start3A_196 = arith.constant 0 : i32
        %dma_start3A_197 = tpu.memref_slice %arg9[%run_scoped3A_131, %dma_start3A_195, %dma_start3A_196] : memref<2x80x128xf32, #tpu.memory_space<vmem>> -> memref<1x80x128xf32, #tpu.memory_space<vmem>>
        %dma_start3A_198 = tpu.memref_squeeze %dma_start3A_197 : memref<1x80x128xf32, #tpu.memory_space<vmem>> -> memref<80x128xf32, #tpu.memory_space<vmem>>
        %dma_start3A_199 = arith.constant 0 : i32
        %dma_start3A_200 = tpu.memref_slice %arg8[%run_scoped3A_132, %dma_start3A_199] : memref<2x80xi32, #tpu.memory_space<vmem>> -> memref<1x80xi32, #tpu.memory_space<vmem>>
        %dma_start3A_201 = tpu.memref_squeeze %dma_start3A_200 : memref<1x80xi32, #tpu.memory_space<vmem>> -> memref<80xi32, #tpu.memory_space<vmem>>
        %dma_start3A_202 = arith.constant 0 : i32
        %dma_start3A_203 = arith.constant 0 : i32
        %dma_start3A_204 = tpu.memref_slice %arg10[%dma_start3A_202, %dma_start3A_203] : memref<10000x128xf32, #tpu.memory_space<vmem_shared>> -> memref<10000x128xf32, #tpu.memory_space<vmem_shared>>
        tpu.enqueue_indirect_dma source(%dma_start3A_198 : memref<80x128xf32, #tpu.memory_space<vmem>>) target(%dma_start3A_204 : memref<10000x128xf32, #tpu.memory_space<vmem_shared>>) offsets(%dma_start3A_201 : memref<80xi32, #tpu.memory_space<vmem>>) semaphore(%run_scoped3A_194 : memref<!tpu.dma_semaphore, #tpu.memory_space<semaphore_mem>>) {add = true}
        %dma_wait3A_205 = arith.constant 0 : i32
        %dma_wait3A_206 = arith.constant 0 : i32
        %dma_wait3A_207 = tpu.memref_slice %arg9[%run_scoped3A_131, %dma_wait3A_205, %dma_wait3A_206] : memref<2x80x128xf32, #tpu.memory_space<vmem>> -> memref<1x80x128xf32, #tpu.memory_space<vmem>>
        %dma_wait3A_208 = tpu.memref_squeeze %dma_wait3A_207 : memref<1x80x128xf32, #tpu.memory_space<vmem>> -> memref<80x128xf32, #tpu.memory_space<vmem>>
        %dma_wait3A_209 = arith.constant 0 : i32
        %dma_wait3A_210 = tpu.memref_slice %arg8[%run_scoped3A_132, %dma_wait3A_209] : memref<2x80xi32, #tpu.memory_space<vmem>> -> memref<1x80xi32, #tpu.memory_space<vmem>>
        %dma_wait3A_211 = tpu.memref_squeeze %dma_wait3A_210 : memref<1x80xi32, #tpu.memory_space<vmem>> -> memref<80xi32, #tpu.memory_space<vmem>>
        %dma_wait3A_212 = arith.constant 0 : i32
        %dma_wait3A_213 = arith.constant 0 : i32
        %dma_wait3A_214 = tpu.memref_slice %arg10[%dma_wait3A_212, %dma_wait3A_213] : memref<10000x128xf32, #tpu.memory_space<vmem_shared>> -> memref<10000x128xf32, #tpu.memory_space<vmem_shared>>
        tpu.wait_indirect_dma semaphore(%run_scoped3A_194 : memref<!tpu.dma_semaphore, #tpu.memory_space<semaphore_mem>>) src(%dma_wait3A_208 : memref<80x128xf32, #tpu.memory_space<vmem>>) dst(%dma_wait3A_214 : memref<10000x128xf32, #tpu.memory_space<vmem_shared>>)
        tpu.yield
      }) : () -> ()
      %mul3A_133 = arith.constant 2 : i32
      %mul3A_134 = arith.muli %mul3A_133, %scan3A_73 : i32
      %add3A_135 = arith.constant 1 : i32
      %add3A_136 = arith.addi %mul3A_134, %add3A_135 : i32
      %add3A_137 = arith.constant 1 : i32
      %add3A_138 = arith.addi %add3A_136, %add3A_137 : i32
      %dma_start3A_139 = arith.constant 0 : i32
      %dma_start3A_140 = arith.constant 0 : i32
      %dma_start3A_141 = arith.constant 0 : i32
      %dma_start3A_142 = tpu.memref_slice %arg9[%dma_start3A_139, %dma_start3A_140, %dma_start3A_141] : memref<2x80x128xf32, #tpu.memory_space<vmem>> -> memref<1x80x128xf32, #tpu.memory_space<vmem>>
      %dma_start3A_143 = tpu.memref_squeeze %dma_start3A_142 : memref<1x80x128xf32, #tpu.memory_space<vmem>> -> memref<80x128xf32, #tpu.memory_space<vmem>>
      %dma_start3A_144 = arith.constant 0 : i32
      %dma_start3A_145 = tpu.memref_slice %arg7[%add3A_138, %dma_start3A_144] : memref<125x80xi32, #tpu.memory_space<vmem>> -> memref<1x80xi32, #tpu.memory_space<vmem>>
      %dma_start3A_146 = tpu.memref_squeeze %dma_start3A_145 : memref<1x80xi32, #tpu.memory_space<vmem>> -> memref<80xi32, #tpu.memory_space<vmem>>
      %dma_start3A_147 = arith.constant 0 : i32
      %dma_start3A_148 = arith.constant 0 : i32
      %dma_start3A_149 = tpu.memref_slice %arg2[%dma_start3A_147, %dma_start3A_148] : memref<10000x128xf32, #tpu.memory_space<hbm>> -> memref<10000x128xf32, #tpu.memory_space<hbm>>
      tpu.enqueue_indirect_dma source(%dma_start3A_149 : memref<10000x128xf32, #tpu.memory_space<hbm>>) target(%dma_start3A_143 : memref<80x128xf32, #tpu.memory_space<vmem>>) offsets(%dma_start3A_146 : memref<80xi32, #tpu.memory_space<vmem>>) semaphore(%arg11 : memref<!tpu.dma_semaphore, #tpu.memory_space<semaphore_mem>>)
      %add3A_150 = arith.constant 1 : i32
      %add3A_151 = arith.addi %add3A_136, %add3A_150 : i32
      %dma_start3A_152 = arith.constant 0 : i32
      %dma_start3A_153 = arith.constant 0 : i32
      %dma_start3A_154 = tpu.memref_slice %arg8[%dma_start3A_152, %dma_start3A_153] : memref<2x80xi32, #tpu.memory_space<vmem>> -> memref<1x80xi32, #tpu.memory_space<vmem>>
      %dma_start3A_155 = tpu.memref_squeeze %dma_start3A_154 : memref<1x80xi32, #tpu.memory_space<vmem>> -> memref<80xi32, #tpu.memory_space<vmem>>
      %dma_start3A_156 = arith.constant 0 : i32
      %dma_start3A_157 = tpu.memref_slice %arg4[%add3A, %add3A_151, %dma_start3A_156] : memref<32x125x80xi32, #tpu.memory_space<hbm>> -> memref<1x1x80xi32, #tpu.memory_space<hbm>>
      %dma_start3A_158 = tpu.memref_squeeze %dma_start3A_157 : memref<1x1x80xi32, #tpu.memory_space<hbm>> -> memref<80xi32, #tpu.memory_space<hbm>>
      %dma_start3A_159 = arith.constant 0 : i32
      %dma_start3A_160 = tpu.memref_slice %arg8[%dma_start3A_152, %dma_start3A_159] : memref<2x80xi32, #tpu.memory_space<vmem>> -> memref<1x80xi32, #tpu.memory_space<vmem>>
      %dma_start3A_161 = tpu.memref_squeeze %dma_start3A_160 : memref<1x80xi32, #tpu.memory_space<vmem>> -> memref<80xi32, #tpu.memory_space<vmem>>
      %dma_start3A_162 = arith.constant 0 : i32
      %dma_start3A_163 = tpu.memref_slice %arg4[%add3A, %add3A_151, %dma_start3A_162] : memref<32x125x80xi32, #tpu.memory_space<hbm>> -> memref<1x1x80xi32, #tpu.memory_space<hbm>>
      %dma_start3A_164 = tpu.memref_squeeze %dma_start3A_163 : memref<1x1x80xi32, #tpu.memory_space<hbm>> -> memref<80xi32, #tpu.memory_space<hbm>>
      tpu.enqueue_dma source(%dma_start3A_164 : memref<80xi32, #tpu.memory_space<hbm>>) target(%dma_start3A_161 : memref<80xi32, #tpu.memory_space<vmem>>) target_semaphore(%arg12 : memref<!tpu.dma_semaphore, #tpu.memory_space<semaphore_mem>>)
      %dma_wait3A_165 = arith.constant 0 : i32
      %dma_wait3A_166 = arith.constant 1 : i32
      %dma_wait3A_167 = arith.constant 0 : i32
      %dma_wait3A_168 = arith.constant 0 : i32
      %dma_wait3A_169 = tpu.memref_slice %arg9[%dma_wait3A_166, %dma_wait3A_167, %dma_wait3A_168] : memref<2x80x128xf32, #tpu.memory_space<vmem>> -> memref<1x80x128xf32, #tpu.memory_space<vmem>>
      %dma_wait3A_170 = tpu.memref_squeeze %dma_wait3A_169 : memref<1x80x128xf32, #tpu.memory_space<vmem>> -> memref<80x128xf32, #tpu.memory_space<vmem>>
      %dma_wait3A_171 = arith.constant 0 : i32
      %dma_wait3A_172 = tpu.memref_slice %arg7[%dma_wait3A_165, %dma_wait3A_171] : memref<125x80xi32, #tpu.memory_space<vmem>> -> memref<1x80xi32, #tpu.memory_space<vmem>>
      %dma_wait3A_173 = tpu.memref_squeeze %dma_wait3A_172 : memref<1x80xi32, #tpu.memory_space<vmem>> -> memref<80xi32, #tpu.memory_space<vmem>>
      %dma_wait3A_174 = arith.constant 0 : i32
      %dma_wait3A_175 = arith.constant 0 : i32
      %dma_wait3A_176 = tpu.memref_slice %arg2[%dma_wait3A_174, %dma_wait3A_175] : memref<10000x128xf32, #tpu.memory_space<hbm>> -> memref<10000x128xf32, #tpu.memory_space<hbm>>
      tpu.wait_indirect_dma semaphore(%arg11 : memref<!tpu.dma_semaphore, #tpu.memory_space<semaphore_mem>>) src(%dma_wait3A_176 : memref<10000x128xf32, #tpu.memory_space<hbm>>) dst(%dma_wait3A_170 : memref<80x128xf32, #tpu.memory_space<vmem>>)
      %dma_wait3A_177 = arith.constant 0 : i32
      %dma_wait3A_178 = arith.constant 1 : i32
      %dma_wait3A_179 = arith.constant 0 : i32
      %dma_wait3A_180 = tpu.memref_slice %arg8[%dma_wait3A_178, %dma_wait3A_179] : memref<2x80xi32, #tpu.memory_space<vmem>> -> memref<1x80xi32, #tpu.memory_space<vmem>>
      %dma_wait3A_181 = tpu.memref_squeeze %dma_wait3A_180 : memref<1x80xi32, #tpu.memory_space<vmem>> -> memref<80xi32, #tpu.memory_space<vmem>>
      %dma_wait3A_182 = arith.constant 0 : i32
      %dma_wait3A_183 = tpu.memref_slice %arg4[%add3A, %dma_wait3A_177, %dma_wait3A_182] : memref<32x125x80xi32, #tpu.memory_space<hbm>> -> memref<1x1x80xi32, #tpu.memory_space<hbm>>
      %dma_wait3A_184 = tpu.memref_squeeze %dma_wait3A_183 : memref<1x1x80xi32, #tpu.memory_space<hbm>> -> memref<80xi32, #tpu.memory_space<hbm>>
      %dma_wait3A_185 = arith.constant 0 : i32
      %dma_wait3A_186 = tpu.memref_slice %arg8[%dma_wait3A_178, %dma_wait3A_185] : memref<2x80xi32, #tpu.memory_space<vmem>> -> memref<1x80xi32, #tpu.memory_space<vmem>>
      %dma_wait3A_187 = tpu.memref_squeeze %dma_wait3A_186 : memref<1x80xi32, #tpu.memory_space<vmem>> -> memref<80xi32, #tpu.memory_space<vmem>>
      %dma_wait3A_188 = arith.constant 0 : i32
      %dma_wait3A_189 = tpu.memref_slice %arg4[%add3A, %dma_wait3A_177, %dma_wait3A_188] : memref<32x125x80xi32, #tpu.memory_space<hbm>> -> memref<1x1x80xi32, #tpu.memory_space<hbm>>
      %dma_wait3A_190 = tpu.memref_squeeze %dma_wait3A_189 : memref<1x1x80xi32, #tpu.memory_space<hbm>> -> memref<80xi32, #tpu.memory_space<hbm>>
      tpu.wait_dma2 semaphore(%arg12 : memref<!tpu.dma_semaphore, #tpu.memory_space<semaphore_mem>>) src(%dma_wait3A_190 : memref<80xi32, #tpu.memory_space<hbm>>) dst(%dma_wait3A_187 : memref<80xi32, #tpu.memory_space<vmem>>)
      %run_scoped3A_191 = arith.constant 1 : i32
      %run_scoped3A_192 = arith.constant 1 : i32
      "tpu.region"() ({
        %run_scoped3A_194 = tpu.sem_alloc : memref<!tpu.dma_semaphore, #tpu.memory_space<semaphore_mem>>
        %dma_start3A_195 = arith.constant 0 : i32
        %dma_start3A_196 = arith.constant 0 : i32
        %dma_start3A_197 = tpu.memref_slice %arg9[%run_scoped3A_191, %dma_start3A_195, %dma_start3A_196] : memref<2x80x128xf32, #tpu.memory_space<vmem>> -> memref<1x80x128xf32, #tpu.memory_space<vmem>>
        %dma_start3A_198 = tpu.memref_squeeze %dma_start3A_197 : memref<1x80x128xf32, #tpu.memory_space<vmem>> -> memref<80x128xf32, #tpu.memory_space<vmem>>
        %dma_start3A_199 = arith.constant 0 : i32
        %dma_start3A_200 = tpu.memref_slice %arg8[%run_scoped3A_192, %dma_start3A_199] : memref<2x80xi32, #tpu.memory_space<vmem>> -> memref<1x80xi32, #tpu.memory_space<vmem>>
        %dma_start3A_201 = tpu.memref_squeeze %dma_start3A_200 : memref<1x80xi32, #tpu.memory_space<vmem>> -> memref<80xi32, #tpu.memory_space<vmem>>
        %dma_start3A_202 = arith.constant 0 : i32
        %dma_start3A_203 = arith.constant 0 : i32
        %dma_start3A_204 = tpu.memref_slice %arg10[%dma_start3A_202, %dma_start3A_203] : memref<10000x128xf32, #tpu.memory_space<vmem_shared>> -> memref<10000x128xf32, #tpu.memory_space<vmem_shared>>
        tpu.enqueue_indirect_dma source(%dma_start3A_198 : memref<80x128xf32, #tpu.memory_space<vmem>>) target(%dma_start3A_204 : memref<10000x128xf32, #tpu.memory_space<vmem_shared>>) offsets(%dma_start3A_201 : memref<80xi32, #tpu.memory_space<vmem>>) semaphore(%run_scoped3A_194 : memref<!tpu.dma_semaphore, #tpu.memory_space<semaphore_mem>>) {add = true}
        %dma_wait3A_205 = arith.constant 0 : i32
        %dma_wait3A_206 = arith.constant 0 : i32
        %dma_wait3A_207 = tpu.memref_slice %arg9[%run_scoped3A_191, %dma_wait3A_205, %dma_wait3A_206] : memref<2x80x128xf32, #tpu.memory_space<vmem>> -> memref<1x80x128xf32, #tpu.memory_space<vmem>>
        %dma_wait3A_208 = tpu.memref_squeeze %dma_wait3A_207 : memref<1x80x128xf32, #tpu.memory_space<vmem>> -> memref<80x128xf32, #tpu.memory_space<vmem>>
        %dma_wait3A_209 = arith.constant 0 : i32
        %dma_wait3A_210 = tpu.memref_slice %arg8[%run_scoped3A_192, %dma_wait3A_209] : memref<2x80xi32, #tpu.memory_space<vmem>> -> memref<1x80xi32, #tpu.memory_space<vmem>>
        %dma_wait3A_211 = tpu.memref_squeeze %dma_wait3A_210 : memref<1x80xi32, #tpu.memory_space<vmem>> -> memref<80xi32, #tpu.memory_space<vmem>>
        %dma_wait3A_212 = arith.constant 0 : i32
        %dma_wait3A_213 = arith.constant 0 : i32
        %dma_wait3A_214 = tpu.memref_slice %arg10[%dma_wait3A_212, %dma_wait3A_213] : memref<10000x128xf32, #tpu.memory_space<vmem_shared>> -> memref<10000x128xf32, #tpu.memory_space<vmem_shared>>
        tpu.wait_indirect_dma semaphore(%run_scoped3A_194 : memref<!tpu.dma_semaphore, #tpu.memory_space<semaphore_mem>>) src(%dma_wait3A_208 : memref<80x128xf32, #tpu.memory_space<vmem>>) dst(%dma_wait3A_214 : memref<10000x128xf32, #tpu.memory_space<vmem_shared>>)
        tpu.yield
      }) : () -> ()
      %scan3A_193 = arith.constant 0 : i32
      scf.yield %scan3A_193 : i32
    }
    %scan3A_40 = arith.constant 62 : i32
    %dma_wait3A = arith.constant 0 : i32
    %dma_wait3A_41 = arith.constant 0 : i32
    %dma_wait3A_42 = arith.constant 0 : i32
    %dma_wait3A_43 = arith.constant 0 : i32
    %dma_wait3A_44 = tpu.memref_slice %arg9[%dma_wait3A_41, %dma_wait3A_42, %dma_wait3A_43] : memref<2x80x128xf32, #tpu.memory_space<vmem>> -> memref<1x80x128xf32, #tpu.memory_space<vmem>>
    %dma_wait3A_45 = tpu.memref_squeeze %dma_wait3A_44 : memref<1x80x128xf32, #tpu.memory_space<vmem>> -> memref<80x128xf32, #tpu.memory_space<vmem>>
    %dma_wait3A_46 = arith.constant 0 : i32
    %dma_wait3A_47 = tpu.memref_slice %arg7[%dma_wait3A, %dma_wait3A_46] : memref<125x80xi32, #tpu.memory_space<vmem>> -> memref<1x80xi32, #tpu.memory_space<vmem>>
    %dma_wait3A_48 = tpu.memref_squeeze %dma_wait3A_47 : memref<1x80xi32, #tpu.memory_space<vmem>> -> memref<80xi32, #tpu.memory_space<vmem>>
    %dma_wait3A_49 = arith.constant 0 : i32
    %dma_wait3A_50 = arith.constant 0 : i32
    %dma_wait3A_51 = tpu.memref_slice %arg2[%dma_wait3A_49, %dma_wait3A_50] : memref<10000x128xf32, #tpu.memory_space<hbm>> -> memref<10000x128xf32, #tpu.memory_space<hbm>>
    tpu.wait_indirect_dma semaphore(%arg11 : memref<!tpu.dma_semaphore, #tpu.memory_space<semaphore_mem>>) src(%dma_wait3A_51 : memref<10000x128xf32, #tpu.memory_space<hbm>>) dst(%dma_wait3A_45 : memref<80x128xf32, #tpu.memory_space<vmem>>)
    %dma_wait3A_52 = arith.constant 0 : i32
    %dma_wait3A_53 = arith.constant 0 : i32
    %dma_wait3A_54 = arith.constant 0 : i32
    %dma_wait3A_55 = tpu.memref_slice %arg8[%dma_wait3A_53, %dma_wait3A_54] : memref<2x80xi32, #tpu.memory_space<vmem>> -> memref<1x80xi32, #tpu.memory_space<vmem>>
    %dma_wait3A_56 = tpu.memref_squeeze %dma_wait3A_55 : memref<1x80xi32, #tpu.memory_space<vmem>> -> memref<80xi32, #tpu.memory_space<vmem>>
    %dma_wait3A_57 = arith.constant 0 : i32
    %dma_wait3A_58 = tpu.memref_slice %arg4[%add3A, %dma_wait3A_52, %dma_wait3A_57] : memref<32x125x80xi32, #tpu.memory_space<hbm>> -> memref<1x1x80xi32, #tpu.memory_space<hbm>>
    %dma_wait3A_59 = tpu.memref_squeeze %dma_wait3A_58 : memref<1x1x80xi32, #tpu.memory_space<hbm>> -> memref<80xi32, #tpu.memory_space<hbm>>
    %dma_wait3A_60 = arith.constant 0 : i32
    %dma_wait3A_61 = tpu.memref_slice %arg8[%dma_wait3A_53, %dma_wait3A_60] : memref<2x80xi32, #tpu.memory_space<vmem>> -> memref<1x80xi32, #tpu.memory_space<vmem>>
    %dma_wait3A_62 = tpu.memref_squeeze %dma_wait3A_61 : memref<1x80xi32, #tpu.memory_space<vmem>> -> memref<80xi32, #tpu.memory_space<vmem>>
    %dma_wait3A_63 = arith.constant 0 : i32
    %dma_wait3A_64 = tpu.memref_slice %arg4[%add3A, %dma_wait3A_52, %dma_wait3A_63] : memref<32x125x80xi32, #tpu.memory_space<hbm>> -> memref<1x1x80xi32, #tpu.memory_space<hbm>>
    %dma_wait3A_65 = tpu.memref_squeeze %dma_wait3A_64 : memref<1x1x80xi32, #tpu.memory_space<hbm>> -> memref<80xi32, #tpu.memory_space<hbm>>
    tpu.wait_dma2 semaphore(%arg12 : memref<!tpu.dma_semaphore, #tpu.memory_space<semaphore_mem>>) src(%dma_wait3A_65 : memref<80xi32, #tpu.memory_space<hbm>>) dst(%dma_wait3A_62 : memref<80xi32, #tpu.memory_space<vmem>>)
    %run_scoped3A = arith.constant 0 : i32
    %run_scoped3A_66 = arith.constant 0 : i32
    "tpu.region"() ({
      %run_scoped3A_73 = tpu.sem_alloc : memref<!tpu.dma_semaphore, #tpu.memory_space<semaphore_mem>>
      %dma_start3A_74 = arith.constant 0 : i32
      %dma_start3A_75 = arith.constant 0 : i32
      %dma_start3A_76 = tpu.memref_slice %arg9[%run_scoped3A, %dma_start3A_74, %dma_start3A_75] : memref<2x80x128xf32, #tpu.memory_space<vmem>> -> memref<1x80x128xf32, #tpu.memory_space<vmem>>
      %dma_start3A_77 = tpu.memref_squeeze %dma_start3A_76 : memref<1x80x128xf32, #tpu.memory_space<vmem>> -> memref<80x128xf32, #tpu.memory_space<vmem>>
      %dma_start3A_78 = arith.constant 0 : i32
      %dma_start3A_79 = tpu.memref_slice %arg8[%run_scoped3A_66, %dma_start3A_78] : memref<2x80xi32, #tpu.memory_space<vmem>> -> memref<1x80xi32, #tpu.memory_space<vmem>>
      %dma_start3A_80 = tpu.memref_squeeze %dma_start3A_79 : memref<1x80xi32, #tpu.memory_space<vmem>> -> memref<80xi32, #tpu.memory_space<vmem>>
      %dma_start3A_81 = arith.constant 0 : i32
      %dma_start3A_82 = arith.constant 0 : i32
      %dma_start3A_83 = tpu.memref_slice %arg10[%dma_start3A_81, %dma_start3A_82] : memref<10000x128xf32, #tpu.memory_space<vmem_shared>> -> memref<10000x128xf32, #tpu.memory_space<vmem_shared>>
      tpu.enqueue_indirect_dma source(%dma_start3A_77 : memref<80x128xf32, #tpu.memory_space<vmem>>) target(%dma_start3A_83 : memref<10000x128xf32, #tpu.memory_space<vmem_shared>>) offsets(%dma_start3A_80 : memref<80xi32, #tpu.memory_space<vmem>>) semaphore(%run_scoped3A_73 : memref<!tpu.dma_semaphore, #tpu.memory_space<semaphore_mem>>) {add = true}
      %dma_wait3A_84 = arith.constant 0 : i32
      %dma_wait3A_85 = arith.constant 0 : i32
      %dma_wait3A_86 = tpu.memref_slice %arg9[%run_scoped3A, %dma_wait3A_84, %dma_wait3A_85] : memref<2x80x128xf32, #tpu.memory_space<vmem>> -> memref<1x80x128xf32, #tpu.memory_space<vmem>>
      %dma_wait3A_87 = tpu.memref_squeeze %dma_wait3A_86 : memref<1x80x128xf32, #tpu.memory_space<vmem>> -> memref<80x128xf32, #tpu.memory_space<vmem>>
      %dma_wait3A_88 = arith.constant 0 : i32
      %dma_wait3A_89 = tpu.memref_slice %arg8[%run_scoped3A_66, %dma_wait3A_88] : memref<2x80xi32, #tpu.memory_space<vmem>> -> memref<1x80xi32, #tpu.memory_space<vmem>>
      %dma_wait3A_90 = tpu.memref_squeeze %dma_wait3A_89 : memref<1x80xi32, #tpu.memory_space<vmem>> -> memref<80xi32, #tpu.memory_space<vmem>>
      %dma_wait3A_91 = arith.constant 0 : i32
      %dma_wait3A_92 = arith.constant 0 : i32
      %dma_wait3A_93 = tpu.memref_slice %arg10[%dma_wait3A_91, %dma_wait3A_92] : memref<10000x128xf32, #tpu.memory_space<vmem_shared>> -> memref<10000x128xf32, #tpu.memory_space<vmem_shared>>
      tpu.wait_indirect_dma semaphore(%run_scoped3A_73 : memref<!tpu.dma_semaphore, #tpu.memory_space<semaphore_mem>>) src(%dma_wait3A_87 : memref<80x128xf32, #tpu.memory_space<vmem>>) dst(%dma_wait3A_93 : memref<10000x128xf32, #tpu.memory_space<vmem_shared>>)
      tpu.yield
    }) : () -> ()
    %barrier3A_67 = arith.constant 0 : index
    tpu.barrier barrier_id(%barrier3A_67)
    "tpu.region"() ({
      %run_scoped3A_73 = tpu.sem_alloc : memref<!tpu.dma_semaphore, #tpu.memory_space<semaphore_mem>>
      %dma_start3A_74 = arith.constant 0 : i32
      %dma_start3A_75 = tpu.memref_slice %arg6[%arg0, %mul3A_2, %dma_start3A_74] : memref<2x10000x128xf32, #tpu.memory_space<hbm>> -> memref<1x624x128xf32, #tpu.memory_space<hbm>>
      %dma_start3A_76 = tpu.memref_squeeze %dma_start3A_75 : memref<1x624x128xf32, #tpu.memory_space<hbm>> -> memref<624x128xf32, #tpu.memory_space<hbm>>
      %dma_start3A_77 = arith.constant 0 : i32
      %dma_start3A_78 = tpu.memref_slice %arg10[%mul3A_2, %dma_start3A_77] : memref<10000x128xf32, #tpu.memory_space<vmem_shared>> -> memref<624x128xf32, #tpu.memory_space<vmem_shared>>
      tpu.enqueue_dma source(%dma_start3A_78 : memref<624x128xf32, #tpu.memory_space<vmem_shared>>) target(%dma_start3A_76 : memref<624x128xf32, #tpu.memory_space<hbm>>) target_semaphore(%run_scoped3A_73 : memref<!tpu.dma_semaphore, #tpu.memory_space<semaphore_mem>>)
      %dma_wait3A_79 = arith.constant 0 : i32
      %dma_wait3A_80 = tpu.memref_slice %arg6[%arg0, %mul3A_2, %dma_wait3A_79] : memref<2x10000x128xf32, #tpu.memory_space<hbm>> -> memref<1x624x128xf32, #tpu.memory_space<hbm>>
      %dma_wait3A_81 = tpu.memref_squeeze %dma_wait3A_80 : memref<1x624x128xf32, #tpu.memory_space<hbm>> -> memref<624x128xf32, #tpu.memory_space<hbm>>
      %dma_wait3A_82 = arith.constant 0 : i32
      %dma_wait3A_83 = tpu.memref_slice %arg10[%mul3A_2, %dma_wait3A_82] : memref<10000x128xf32, #tpu.memory_space<vmem_shared>> -> memref<624x128xf32, #tpu.memory_space<vmem_shared>>
      tpu.wait_dma2 semaphore(%run_scoped3A_73 : memref<!tpu.dma_semaphore, #tpu.memory_space<semaphore_mem>>) src(%dma_wait3A_83 : memref<624x128xf32, #tpu.memory_space<vmem_shared>>) dst(%dma_wait3A_81 : memref<624x128xf32, #tpu.memory_space<hbm>>)
      tpu.yield
    }) : () -> ()
    %eq3A_68 = arith.constant 15 : i32
    %eq3A_69 = arith.cmpi eq, %arg1, %eq3A_68 : i32
    %convert_element_type3A_70 = arith.extui %eq3A_69 : i1 to i32
    %cond3A_71 = arith.constant 0 : i32
    %cond3A_72 = arith.cmpi ne, %convert_element_type3A_70, %cond3A_71 : i32
    scf.if %cond3A_72 {
      "tpu.region"() ({
        %run_scoped3A_73 = tpu.sem_alloc : memref<!tpu.dma_semaphore, #tpu.memory_space<semaphore_mem>>
        %dma_start3A_74 = arith.constant 9984 : i32
        %dma_start3A_75 = arith.constant 0 : i32
        %dma_start3A_76 = tpu.memref_slice %arg6[%arg0, %dma_start3A_74, %dma_start3A_75] : memref<2x10000x128xf32, #tpu.memory_space<hbm>> -> memref<1x16x128xf32, #tpu.memory_space<hbm>>
        %dma_start3A_77 = tpu.memref_squeeze %dma_start3A_76 : memref<1x16x128xf32, #tpu.memory_space<hbm>> -> memref<16x128xf32, #tpu.memory_space<hbm>>
        %dma_start3A_78 = arith.constant 9984 : i32
        %dma_start3A_79 = arith.constant 0 : i32
        %dma_start3A_80 = tpu.memref_slice %arg10[%dma_start3A_78, %dma_start3A_79] : memref<10000x128xf32, #tpu.memory_space<vmem_shared>> -> memref<16x128xf32, #tpu.memory_space<vmem_shared>>
        tpu.enqueue_dma source(%dma_start3A_80 : memref<16x128xf32, #tpu.memory_space<vmem_shared>>) target(%dma_start3A_77 : memref<16x128xf32, #tpu.memory_space<hbm>>) target_semaphore(%run_scoped3A_73 : memref<!tpu.dma_semaphore, #tpu.memory_space<semaphore_mem>>)
        %dma_wait3A_81 = arith.constant 9984 : i32
        %dma_wait3A_82 = arith.constant 0 : i32
        %dma_wait3A_83 = tpu.memref_slice %arg6[%arg0, %dma_wait3A_81, %dma_wait3A_82] : memref<2x10000x128xf32, #tpu.memory_space<hbm>> -> memref<1x16x128xf32, #tpu.memory_space<hbm>>
        %dma_wait3A_84 = tpu.memref_squeeze %dma_wait3A_83 : memref<1x16x128xf32, #tpu.memory_space<hbm>> -> memref<16x128xf32, #tpu.memory_space<hbm>>
        %dma_wait3A_85 = arith.constant 9984 : i32
        %dma_wait3A_86 = arith.constant 0 : i32
        %dma_wait3A_87 = tpu.memref_slice %arg10[%dma_wait3A_85, %dma_wait3A_86] : memref<10000x128xf32, #tpu.memory_space<vmem_shared>> -> memref<16x128xf32, #tpu.memory_space<vmem_shared>>
        tpu.wait_dma2 semaphore(%run_scoped3A_73 : memref<!tpu.dma_semaphore, #tpu.memory_space<semaphore_mem>>) src(%dma_wait3A_87 : memref<16x128xf32, #tpu.memory_space<vmem_shared>>) dst(%dma_wait3A_84 : memref<16x128xf32, #tpu.memory_space<hbm>>)
        tpu.yield
      }) : () -> ()
    } else {
    }
    return
  }
}

#map = affine_map<(d0, d1) -> (0, 0)>
#map1 = affine_map<(d0, d1) -> (0, 0, 0)>
module attributes {stable_mosaic.version = 14 : i64} {
  func.func @_sc_hop(%arg0: i32, %arg1: i32, %arg2: memref<10000x128xf32, #tpu.memory_space<hbm>>, %arg3: memref<32x125x80xi32, #tpu.memory_space<hbm>>, %arg4: memref<32x125x80xi32, #tpu.memory_space<hbm>>, %arg5: memref<10000x128xf32, #tpu.memory_space<hbm>>, %arg6: memref<2x10000x128xf32, #tpu.memory_space<hbm>>, %arg7: memref<125x80xi32, #tpu.memory_space<vmem>>, %arg8: memref<2x80xi32, #tpu.memory_space<vmem>>, %arg9: memref<2x80x128xf32, #tpu.memory_space<vmem>>, %arg10: memref<10000x128xf32, #tpu.memory_space<vmem_shared>>, %arg11: memref<!tpu.dma_semaphore, #tpu.memory_space<semaphore_mem>>, %arg12: memref<!tpu.dma_semaphore, #tpu.memory_space<semaphore_mem>>) attributes {dimension_semantics = [#tpu.dimension_semantics<core_parallel>, #tpu.dimension_semantics<subcore_parallel>], iteration_bounds = array<i64: 2, 16>, scalar_prefetch = 0 : i64, scratch_operands = 6 : i64, tpu.core_type = #tpu.core_type<sc_vector_subcore>, window_params = [{transform_indices = #map}, {transform_indices = #map1}, {transform_indices = #map1}, {transform_indices = #map}, {transform_indices = #map1}]} {
    %mul3A = arith.constant 10 : i32
    %mul3A_0 = arith.muli %arg1, %mul3A : i32
    %add3A = arith.addi %mul3A_0, %arg0 : i32
    %mul3A_1 = arith.constant 624 : i32
    %mul3A_2 = arith.muli %arg1, %mul3A_1 : i32
    "tpu.region"() ({
      %run_scoped3A_73 = tpu.sem_alloc : memref<!tpu.dma_semaphore, #tpu.memory_space<semaphore_mem>>
      %dma_start3A_74 = arith.constant 0 : i32
      %dma_start3A_75 = arith.constant 0 : i32
      %dma_start3A_76 = tpu.memref_slice %arg3[%add3A, %dma_start3A_74, %dma_start3A_75] : memref<32x125x80xi32, #tpu.memory_space<hbm>> -> memref<1x125x80xi32, #tpu.memory_space<hbm>>
      %dma_start3A_77 = tpu.memref_squeeze %dma_start3A_76 : memref<1x125x80xi32, #tpu.memory_space<hbm>> -> memref<125x80xi32, #tpu.memory_space<hbm>>
      %dma_start3A_78 = arith.constant 0 : i32
      %dma_start3A_79 = arith.constant 0 : i32
      %dma_start3A_80 = tpu.memref_slice %arg3[%add3A, %dma_start3A_78, %dma_start3A_79] : memref<32x125x80xi32, #tpu.memory_space<hbm>> -> memref<1x125x80xi32, #tpu.memory_space<hbm>>
      %dma_start3A_81 = tpu.memref_squeeze %dma_start3A_80 : memref<1x125x80xi32, #tpu.memory_space<hbm>> -> memref<125x80xi32, #tpu.memory_space<hbm>>
      tpu.enqueue_dma source(%dma_start3A_81 : memref<125x80xi32, #tpu.memory_space<hbm>>) target(%arg7 : memref<125x80xi32, #tpu.memory_space<vmem>>) target_semaphore(%run_scoped3A_73 : memref<!tpu.dma_semaphore, #tpu.memory_space<semaphore_mem>>)
      %dma_wait3A_82 = arith.constant 0 : i32
      %dma_wait3A_83 = arith.constant 0 : i32
      %dma_wait3A_84 = tpu.memref_slice %arg3[%add3A, %dma_wait3A_82, %dma_wait3A_83] : memref<32x125x80xi32, #tpu.memory_space<hbm>> -> memref<1x125x80xi32, #tpu.memory_space<hbm>>
      %dma_wait3A_85 = tpu.memref_squeeze %dma_wait3A_84 : memref<1x125x80xi32, #tpu.memory_space<hbm>> -> memref<125x80xi32, #tpu.memory_space<hbm>>
      %dma_wait3A_86 = arith.constant 0 : i32
      %dma_wait3A_87 = arith.constant 0 : i32
      %dma_wait3A_88 = tpu.memref_slice %arg3[%add3A, %dma_wait3A_86, %dma_wait3A_87] : memref<32x125x80xi32, #tpu.memory_space<hbm>> -> memref<1x125x80xi32, #tpu.memory_space<hbm>>
      %dma_wait3A_89 = tpu.memref_squeeze %dma_wait3A_88 : memref<1x125x80xi32, #tpu.memory_space<hbm>> -> memref<125x80xi32, #tpu.memory_space<hbm>>
      tpu.wait_dma2 semaphore(%run_scoped3A_73 : memref<!tpu.dma_semaphore, #tpu.memory_space<semaphore_mem>>) src(%dma_wait3A_89 : memref<125x80xi32, #tpu.memory_space<hbm>>) dst(%arg7 : memref<125x80xi32, #tpu.memory_space<vmem>>)
      tpu.yield
    }) : () -> ()
    %eq3A = arith.constant 0 : i32
    %eq3A_3 = arith.cmpi eq, %arg0, %eq3A : i32
    %convert_element_type3A = arith.extui %eq3A_3 : i1 to i32
    %cond3A = arith.constant 0 : i32
    %cond3A_4 = arith.cmpi ne, %convert_element_type3A, %cond3A : i32
    scf.if %cond3A_4 {
      "tpu.region"() ({
        %run_scoped3A_78 = tpu.sem_alloc : memref<!tpu.dma_semaphore, #tpu.memory_space<semaphore_mem>>
        %dma_start3A_79 = arith.constant 0 : i32
        %dma_start3A_80 = tpu.memref_slice %arg10[%mul3A_2, %dma_start3A_79] : memref<10000x128xf32, #tpu.memory_space<vmem_shared>> -> memref<624x128xf32, #tpu.memory_space<vmem_shared>>
        %dma_start3A_81 = arith.constant 0 : i32
        %dma_start3A_82 = tpu.memref_slice %arg2[%mul3A_2, %dma_start3A_81] : memref<10000x128xf32, #tpu.memory_space<hbm>> -> memref<624x128xf32, #tpu.memory_space<hbm>>
        tpu.enqueue_dma source(%dma_start3A_82 : memref<624x128xf32, #tpu.memory_space<hbm>>) target(%dma_start3A_80 : memref<624x128xf32, #tpu.memory_space<vmem_shared>>) target_semaphore(%run_scoped3A_78 : memref<!tpu.dma_semaphore, #tpu.memory_space<semaphore_mem>>)
        %dma_wait3A_83 = arith.constant 0 : i32
        %dma_wait3A_84 = tpu.memref_slice %arg10[%mul3A_2, %dma_wait3A_83] : memref<10000x128xf32, #tpu.memory_space<vmem_shared>> -> memref<624x128xf32, #tpu.memory_space<vmem_shared>>
        %dma_wait3A_85 = arith.constant 0 : i32
        %dma_wait3A_86 = tpu.memref_slice %arg2[%mul3A_2, %dma_wait3A_85] : memref<10000x128xf32, #tpu.memory_space<hbm>> -> memref<624x128xf32, #tpu.memory_space<hbm>>
        tpu.wait_dma2 semaphore(%run_scoped3A_78 : memref<!tpu.dma_semaphore, #tpu.memory_space<semaphore_mem>>) src(%dma_wait3A_86 : memref<624x128xf32, #tpu.memory_space<hbm>>) dst(%dma_wait3A_84 : memref<624x128xf32, #tpu.memory_space<vmem_shared>>)
        tpu.yield
      }) : () -> ()
      %eq3A_73 = arith.constant 15 : i32
      %eq3A_74 = arith.cmpi eq, %arg1, %eq3A_73 : i32
      %convert_element_type3A_75 = arith.extui %eq3A_74 : i1 to i32
      %cond3A_76 = arith.constant 0 : i32
      %cond3A_77 = arith.cmpi ne, %convert_element_type3A_75, %cond3A_76 : i32
      scf.if %cond3A_77 {
        "tpu.region"() ({
          %run_scoped3A_78 = tpu.sem_alloc : memref<!tpu.dma_semaphore, #tpu.memory_space<semaphore_mem>>
          %dma_start3A_79 = arith.constant 9984 : i32
          %dma_start3A_80 = arith.constant 0 : i32
          %dma_start3A_81 = tpu.memref_slice %arg10[%dma_start3A_79, %dma_start3A_80] : memref<10000x128xf32, #tpu.memory_space<vmem_shared>> -> memref<16x128xf32, #tpu.memory_space<vmem_shared>>
          %dma_start3A_82 = arith.constant 9984 : i32
          %dma_start3A_83 = arith.constant 0 : i32
          %dma_start3A_84 = tpu.memref_slice %arg2[%dma_start3A_82, %dma_start3A_83] : memref<10000x128xf32, #tpu.memory_space<hbm>> -> memref<16x128xf32, #tpu.memory_space<hbm>>
          tpu.enqueue_dma source(%dma_start3A_84 : memref<16x128xf32, #tpu.memory_space<hbm>>) target(%dma_start3A_81 : memref<16x128xf32, #tpu.memory_space<vmem_shared>>) target_semaphore(%run_scoped3A_78 : memref<!tpu.dma_semaphore, #tpu.memory_space<semaphore_mem>>)
          %dma_wait3A_85 = arith.constant 9984 : i32
          %dma_wait3A_86 = arith.constant 0 : i32
          %dma_wait3A_87 = tpu.memref_slice %arg10[%dma_wait3A_85, %dma_wait3A_86] : memref<10000x128xf32, #tpu.memory_space<vmem_shared>> -> memref<16x128xf32, #tpu.memory_space<vmem_shared>>
          %dma_wait3A_88 = arith.constant 9984 : i32
          %dma_wait3A_89 = arith.constant 0 : i32
          %dma_wait3A_90 = tpu.memref_slice %arg2[%dma_wait3A_88, %dma_wait3A_89] : memref<10000x128xf32, #tpu.memory_space<hbm>> -> memref<16x128xf32, #tpu.memory_space<hbm>>
          tpu.wait_dma2 semaphore(%run_scoped3A_78 : memref<!tpu.dma_semaphore, #tpu.memory_space<semaphore_mem>>) src(%dma_wait3A_90 : memref<16x128xf32, #tpu.memory_space<hbm>>) dst(%dma_wait3A_87 : memref<16x128xf32, #tpu.memory_space<vmem_shared>>)
          tpu.yield
        }) : () -> ()
      } else {
      }
    } else {
    }
    %eq3A_5 = arith.constant 1 : i32
    %eq3A_6 = arith.cmpi eq, %arg0, %eq3A_5 : i32
    %convert_element_type3A_7 = arith.extui %eq3A_6 : i1 to i32
    %cond3A_8 = arith.constant 0 : i32
    %cond3A_9 = arith.cmpi ne, %convert_element_type3A_7, %cond3A_8 : i32
    scf.if %cond3A_9 {
      "tpu.region"() ({
        %run_scoped3A_78 = tpu.sem_alloc : memref<!tpu.dma_semaphore, #tpu.memory_space<semaphore_mem>>
        %dma_start3A_79 = arith.constant 0 : i32
        %dma_start3A_80 = tpu.memref_slice %arg10[%mul3A_2, %dma_start3A_79] : memref<10000x128xf32, #tpu.memory_space<vmem_shared>> -> memref<624x128xf32, #tpu.memory_space<vmem_shared>>
        %dma_start3A_81 = arith.constant 0 : i32
        %dma_start3A_82 = tpu.memref_slice %arg5[%mul3A_2, %dma_start3A_81] : memref<10000x128xf32, #tpu.memory_space<hbm>> -> memref<624x128xf32, #tpu.memory_space<hbm>>
        tpu.enqueue_dma source(%dma_start3A_82 : memref<624x128xf32, #tpu.memory_space<hbm>>) target(%dma_start3A_80 : memref<624x128xf32, #tpu.memory_space<vmem_shared>>) target_semaphore(%run_scoped3A_78 : memref<!tpu.dma_semaphore, #tpu.memory_space<semaphore_mem>>)
        %dma_wait3A_83 = arith.constant 0 : i32
        %dma_wait3A_84 = tpu.memref_slice %arg10[%mul3A_2, %dma_wait3A_83] : memref<10000x128xf32, #tpu.memory_space<vmem_shared>> -> memref<624x128xf32, #tpu.memory_space<vmem_shared>>
        %dma_wait3A_85 = arith.constant 0 : i32
        %dma_wait3A_86 = tpu.memref_slice %arg5[%mul3A_2, %dma_wait3A_85] : memref<10000x128xf32, #tpu.memory_space<hbm>> -> memref<624x128xf32, #tpu.memory_space<hbm>>
        tpu.wait_dma2 semaphore(%run_scoped3A_78 : memref<!tpu.dma_semaphore, #tpu.memory_space<semaphore_mem>>) src(%dma_wait3A_86 : memref<624x128xf32, #tpu.memory_space<hbm>>) dst(%dma_wait3A_84 : memref<624x128xf32, #tpu.memory_space<vmem_shared>>)
        tpu.yield
      }) : () -> ()
      %eq3A_73 = arith.constant 15 : i32
      %eq3A_74 = arith.cmpi eq, %arg1, %eq3A_73 : i32
      %convert_element_type3A_75 = arith.extui %eq3A_74 : i1 to i32
      %cond3A_76 = arith.constant 0 : i32
      %cond3A_77 = arith.cmpi ne, %convert_element_type3A_75, %cond3A_76 : i32
      scf.if %cond3A_77 {
        "tpu.region"() ({
          %run_scoped3A_78 = tpu.sem_alloc : memref<!tpu.dma_semaphore, #tpu.memory_space<semaphore_mem>>
          %dma_start3A_79 = arith.constant 9984 : i32
          %dma_start3A_80 = arith.constant 0 : i32
          %dma_start3A_81 = tpu.memref_slice %arg10[%dma_start3A_79, %dma_start3A_80] : memref<10000x128xf32, #tpu.memory_space<vmem_shared>> -> memref<16x128xf32, #tpu.memory_space<vmem_shared>>
          %dma_start3A_82 = arith.constant 9984 : i32
          %dma_start3A_83 = arith.constant 0 : i32
          %dma_start3A_84 = tpu.memref_slice %arg5[%dma_start3A_82, %dma_start3A_83] : memref<10000x128xf32, #tpu.memory_space<hbm>> -> memref<16x128xf32, #tpu.memory_space<hbm>>
          tpu.enqueue_dma source(%dma_start3A_84 : memref<16x128xf32, #tpu.memory_space<hbm>>) target(%dma_start3A_81 : memref<16x128xf32, #tpu.memory_space<vmem_shared>>) target_semaphore(%run_scoped3A_78 : memref<!tpu.dma_semaphore, #tpu.memory_space<semaphore_mem>>)
          %dma_wait3A_85 = arith.constant 9984 : i32
          %dma_wait3A_86 = arith.constant 0 : i32
          %dma_wait3A_87 = tpu.memref_slice %arg10[%dma_wait3A_85, %dma_wait3A_86] : memref<10000x128xf32, #tpu.memory_space<vmem_shared>> -> memref<16x128xf32, #tpu.memory_space<vmem_shared>>
          %dma_wait3A_88 = arith.constant 9984 : i32
          %dma_wait3A_89 = arith.constant 0 : i32
          %dma_wait3A_90 = tpu.memref_slice %arg5[%dma_wait3A_88, %dma_wait3A_89] : memref<10000x128xf32, #tpu.memory_space<hbm>> -> memref<16x128xf32, #tpu.memory_space<hbm>>
          tpu.wait_dma2 semaphore(%run_scoped3A_78 : memref<!tpu.dma_semaphore, #tpu.memory_space<semaphore_mem>>) src(%dma_wait3A_90 : memref<16x128xf32, #tpu.memory_space<hbm>>) dst(%dma_wait3A_87 : memref<16x128xf32, #tpu.memory_space<vmem_shared>>)
          tpu.yield
        }) : () -> ()
      } else {
      }
    } else {
    }
    %barrier3A = arith.constant 0 : index
    tpu.barrier barrier_id(%barrier3A)
    %dma_start3A = arith.constant 0 : i32
    %dma_start3A_10 = arith.constant 0 : i32
    %dma_start3A_11 = arith.constant 0 : i32
    %dma_start3A_12 = tpu.memref_slice %arg8[%dma_start3A_10, %dma_start3A_11] : memref<2x80xi32, #tpu.memory_space<vmem>> -> memref<1x80xi32, #tpu.memory_space<vmem>>
    %dma_start3A_13 = tpu.memref_squeeze %dma_start3A_12 : memref<1x80xi32, #tpu.memory_space<vmem>> -> memref<80xi32, #tpu.memory_space<vmem>>
    %dma_start3A_14 = arith.constant 0 : i32
    %dma_start3A_15 = tpu.memref_slice %arg4[%add3A, %dma_start3A, %dma_start3A_14] : memref<32x125x80xi32, #tpu.memory_space<hbm>> -> memref<1x1x80xi32, #tpu.memory_space<hbm>>
    %dma_start3A_16 = tpu.memref_squeeze %dma_start3A_15 : memref<1x1x80xi32, #tpu.memory_space<hbm>> -> memref<80xi32, #tpu.memory_space<hbm>>
    %dma_start3A_17 = arith.constant 0 : i32
    %dma_start3A_18 = tpu.memref_slice %arg8[%dma_start3A_10, %dma_start3A_17] : memref<2x80xi32, #tpu.memory_space<vmem>> -> memref<1x80xi32, #tpu.memory_space<vmem>>
    %dma_start3A_19 = tpu.memref_squeeze %dma_start3A_18 : memref<1x80xi32, #tpu.memory_space<vmem>> -> memref<80xi32, #tpu.memory_space<vmem>>
    %dma_start3A_20 = arith.constant 0 : i32
    %dma_start3A_21 = tpu.memref_slice %arg4[%add3A, %dma_start3A, %dma_start3A_20] : memref<32x125x80xi32, #tpu.memory_space<hbm>> -> memref<1x1x80xi32, #tpu.memory_space<hbm>>
    %dma_start3A_22 = tpu.memref_squeeze %dma_start3A_21 : memref<1x1x80xi32, #tpu.memory_space<hbm>> -> memref<80xi32, #tpu.memory_space<hbm>>
    tpu.enqueue_dma source(%dma_start3A_22 : memref<80xi32, #tpu.memory_space<hbm>>) target(%dma_start3A_19 : memref<80xi32, #tpu.memory_space<vmem>>) target_semaphore(%arg12 : memref<!tpu.dma_semaphore, #tpu.memory_space<semaphore_mem>>)
    %dma_start3A_23 = arith.constant 0 : i32
    %dma_start3A_24 = arith.constant 0 : i32
    %dma_start3A_25 = arith.constant 0 : i32
    %dma_start3A_26 = arith.constant 0 : i32
    %dma_start3A_27 = tpu.memref_slice %arg9[%dma_start3A_24, %dma_start3A_25, %dma_start3A_26] : memref<2x80x128xf32, #tpu.memory_space<vmem>> -> memref<1x80x128xf32, #tpu.memory_space<vmem>>
    %dma_start3A_28 = tpu.memref_squeeze %dma_start3A_27 : memref<1x80x128xf32, #tpu.memory_space<vmem>> -> memref<80x128xf32, #tpu.memory_space<vmem>>
    %dma_start3A_29 = arith.constant 0 : i32
    %dma_start3A_30 = tpu.memref_slice %arg7[%dma_start3A_23, %dma_start3A_29] : memref<125x80xi32, #tpu.memory_space<vmem>> -> memref<1x80xi32, #tpu.memory_space<vmem>>
    %dma_start3A_31 = tpu.memref_squeeze %dma_start3A_30 : memref<1x80xi32, #tpu.memory_space<vmem>> -> memref<80xi32, #tpu.memory_space<vmem>>
    %dma_start3A_32 = arith.constant 0 : i32
    %dma_start3A_33 = arith.constant 0 : i32
    %dma_start3A_34 = tpu.memref_slice %arg2[%dma_start3A_32, %dma_start3A_33] : memref<10000x128xf32, #tpu.memory_space<hbm>> -> memref<10000x128xf32, #tpu.memory_space<hbm>>
    tpu.enqueue_indirect_dma source(%dma_start3A_34 : memref<10000x128xf32, #tpu.memory_space<hbm>>) target(%dma_start3A_28 : memref<80x128xf32, #tpu.memory_space<vmem>>) offsets(%dma_start3A_31 : memref<80xi32, #tpu.memory_space<vmem>>) semaphore(%arg11 : memref<!tpu.dma_semaphore, #tpu.memory_space<semaphore_mem>>)
    %scan3A = arith.constant 0 : i32
    %scan3A_35 = arith.constant 0 : i32
    %scan3A_36 = arith.constant 62 : i32
    %scan3A_37 = arith.addi %scan3A_35, %scan3A_36 : i32
    %scan3A_38 = arith.constant 1 : i32
    %scan3A_39 = scf.for %scan3A_73 = %scan3A_35 to %scan3A_37 step %scan3A_38 iter_args(%scan3A_74 = %scan3A) -> (i32)  : i32 {
      %mul3A_75 = arith.constant 2 : i32
      %mul3A_76 = arith.muli %mul3A_75, %scan3A_73 : i32
      %add3A_77 = arith.constant 1 : i32
      %add3A_78 = arith.addi %mul3A_76, %add3A_77 : i32
      %dma_start3A_79 = arith.constant 1 : i32
      %dma_start3A_80 = arith.constant 0 : i32
      %dma_start3A_81 = arith.constant 0 : i32
      %dma_start3A_82 = tpu.memref_slice %arg9[%dma_start3A_79, %dma_start3A_80, %dma_start3A_81] : memref<2x80x128xf32, #tpu.memory_space<vmem>> -> memref<1x80x128xf32, #tpu.memory_space<vmem>>
      %dma_start3A_83 = tpu.memref_squeeze %dma_start3A_82 : memref<1x80x128xf32, #tpu.memory_space<vmem>> -> memref<80x128xf32, #tpu.memory_space<vmem>>
      %dma_start3A_84 = arith.constant 0 : i32
      %dma_start3A_85 = tpu.memref_slice %arg7[%add3A_78, %dma_start3A_84] : memref<125x80xi32, #tpu.memory_space<vmem>> -> memref<1x80xi32, #tpu.memory_space<vmem>>
      %dma_start3A_86 = tpu.memref_squeeze %dma_start3A_85 : memref<1x80xi32, #tpu.memory_space<vmem>> -> memref<80xi32, #tpu.memory_space<vmem>>
      %dma_start3A_87 = arith.constant 0 : i32
      %dma_start3A_88 = arith.constant 0 : i32
      %dma_start3A_89 = tpu.memref_slice %arg2[%dma_start3A_87, %dma_start3A_88] : memref<10000x128xf32, #tpu.memory_space<hbm>> -> memref<10000x128xf32, #tpu.memory_space<hbm>>
      tpu.enqueue_indirect_dma source(%dma_start3A_89 : memref<10000x128xf32, #tpu.memory_space<hbm>>) target(%dma_start3A_83 : memref<80x128xf32, #tpu.memory_space<vmem>>) offsets(%dma_start3A_86 : memref<80xi32, #tpu.memory_space<vmem>>) semaphore(%arg11 : memref<!tpu.dma_semaphore, #tpu.memory_space<semaphore_mem>>)
      %add3A_90 = arith.constant 1 : i32
      %add3A_91 = arith.addi %mul3A_76, %add3A_90 : i32
      %dma_start3A_92 = arith.constant 1 : i32
      %dma_start3A_93 = arith.constant 0 : i32
      %dma_start3A_94 = tpu.memref_slice %arg8[%dma_start3A_92, %dma_start3A_93] : memref<2x80xi32, #tpu.memory_space<vmem>> -> memref<1x80xi32, #tpu.memory_space<vmem>>
      %dma_start3A_95 = tpu.memref_squeeze %dma_start3A_94 : memref<1x80xi32, #tpu.memory_space<vmem>> -> memref<80xi32, #tpu.memory_space<vmem>>
      %dma_start3A_96 = arith.constant 0 : i32
      %dma_start3A_97 = tpu.memref_slice %arg4[%add3A, %add3A_91, %dma_start3A_96] : memref<32x125x80xi32, #tpu.memory_space<hbm>> -> memref<1x1x80xi32, #tpu.memory_space<hbm>>
      %dma_start3A_98 = tpu.memref_squeeze %dma_start3A_97 : memref<1x1x80xi32, #tpu.memory_space<hbm>> -> memref<80xi32, #tpu.memory_space<hbm>>
      %dma_start3A_99 = arith.constant 0 : i32
      %dma_start3A_100 = tpu.memref_slice %arg8[%dma_start3A_92, %dma_start3A_99] : memref<2x80xi32, #tpu.memory_space<vmem>> -> memref<1x80xi32, #tpu.memory_space<vmem>>
      %dma_start3A_101 = tpu.memref_squeeze %dma_start3A_100 : memref<1x80xi32, #tpu.memory_space<vmem>> -> memref<80xi32, #tpu.memory_space<vmem>>
      %dma_start3A_102 = arith.constant 0 : i32
      %dma_start3A_103 = tpu.memref_slice %arg4[%add3A, %add3A_91, %dma_start3A_102] : memref<32x125x80xi32, #tpu.memory_space<hbm>> -> memref<1x1x80xi32, #tpu.memory_space<hbm>>
      %dma_start3A_104 = tpu.memref_squeeze %dma_start3A_103 : memref<1x1x80xi32, #tpu.memory_space<hbm>> -> memref<80xi32, #tpu.memory_space<hbm>>
      tpu.enqueue_dma source(%dma_start3A_104 : memref<80xi32, #tpu.memory_space<hbm>>) target(%dma_start3A_101 : memref<80xi32, #tpu.memory_space<vmem>>) target_semaphore(%arg12 : memref<!tpu.dma_semaphore, #tpu.memory_space<semaphore_mem>>)
      %dma_wait3A_105 = arith.constant 0 : i32
      %dma_wait3A_106 = arith.constant 0 : i32
      %dma_wait3A_107 = arith.constant 0 : i32
      %dma_wait3A_108 = arith.constant 0 : i32
      %dma_wait3A_109 = tpu.memref_slice %arg9[%dma_wait3A_106, %dma_wait3A_107, %dma_wait3A_108] : memref<2x80x128xf32, #tpu.memory_space<vmem>> -> memref<1x80x128xf32, #tpu.memory_space<vmem>>
      %dma_wait3A_110 = tpu.memref_squeeze %dma_wait3A_109 : memref<1x80x128xf32, #tpu.memory_space<vmem>> -> memref<80x128xf32, #tpu.memory_space<vmem>>
      %dma_wait3A_111 = arith.constant 0 : i32
      %dma_wait3A_112 = tpu.memref_slice %arg7[%dma_wait3A_105, %dma_wait3A_111] : memref<125x80xi32, #tpu.memory_space<vmem>> -> memref<1x80xi32, #tpu.memory_space<vmem>>
      %dma_wait3A_113 = tpu.memref_squeeze %dma_wait3A_112 : memref<1x80xi32, #tpu.memory_space<vmem>> -> memref<80xi32, #tpu.memory_space<vmem>>
      %dma_wait3A_114 = arith.constant 0 : i32
      %dma_wait3A_115 = arith.constant 0 : i32
      %dma_wait3A_116 = tpu.memref_slice %arg2[%dma_wait3A_114, %dma_wait3A_115] : memref<10000x128xf32, #tpu.memory_space<hbm>> -> memref<10000x128xf32, #tpu.memory_space<hbm>>
      tpu.wait_indirect_dma semaphore(%arg11 : memref<!tpu.dma_semaphore, #tpu.memory_space<semaphore_mem>>) src(%dma_wait3A_116 : memref<10000x128xf32, #tpu.memory_space<hbm>>) dst(%dma_wait3A_110 : memref<80x128xf32, #tpu.memory_space<vmem>>)
      %dma_wait3A_117 = arith.constant 0 : i32
      %dma_wait3A_118 = arith.constant 0 : i32
      %dma_wait3A_119 = arith.constant 0 : i32
      %dma_wait3A_120 = tpu.memref_slice %arg8[%dma_wait3A_118, %dma_wait3A_119] : memref<2x80xi32, #tpu.memory_space<vmem>> -> memref<1x80xi32, #tpu.memory_space<vmem>>
      %dma_wait3A_121 = tpu.memref_squeeze %dma_wait3A_120 : memref<1x80xi32, #tpu.memory_space<vmem>> -> memref<80xi32, #tpu.memory_space<vmem>>
      %dma_wait3A_122 = arith.constant 0 : i32
      %dma_wait3A_123 = tpu.memref_slice %arg4[%add3A, %dma_wait3A_117, %dma_wait3A_122] : memref<32x125x80xi32, #tpu.memory_space<hbm>> -> memref<1x1x80xi32, #tpu.memory_space<hbm>>
      %dma_wait3A_124 = tpu.memref_squeeze %dma_wait3A_123 : memref<1x1x80xi32, #tpu.memory_space<hbm>> -> memref<80xi32, #tpu.memory_space<hbm>>
      %dma_wait3A_125 = arith.constant 0 : i32
      %dma_wait3A_126 = tpu.memref_slice %arg8[%dma_wait3A_118, %dma_wait3A_125] : memref<2x80xi32, #tpu.memory_space<vmem>> -> memref<1x80xi32, #tpu.memory_space<vmem>>
      %dma_wait3A_127 = tpu.memref_squeeze %dma_wait3A_126 : memref<1x80xi32, #tpu.memory_space<vmem>> -> memref<80xi32, #tpu.memory_space<vmem>>
      %dma_wait3A_128 = arith.constant 0 : i32
      %dma_wait3A_129 = tpu.memref_slice %arg4[%add3A, %dma_wait3A_117, %dma_wait3A_128] : memref<32x125x80xi32, #tpu.memory_space<hbm>> -> memref<1x1x80xi32, #tpu.memory_space<hbm>>
      %dma_wait3A_130 = tpu.memref_squeeze %dma_wait3A_129 : memref<1x1x80xi32, #tpu.memory_space<hbm>> -> memref<80xi32, #tpu.memory_space<hbm>>
      tpu.wait_dma2 semaphore(%arg12 : memref<!tpu.dma_semaphore, #tpu.memory_space<semaphore_mem>>) src(%dma_wait3A_130 : memref<80xi32, #tpu.memory_space<hbm>>) dst(%dma_wait3A_127 : memref<80xi32, #tpu.memory_space<vmem>>)
      %run_scoped3A_131 = arith.constant 0 : i32
      %run_scoped3A_132 = arith.constant 0 : i32
      "tpu.region"() ({
        %run_scoped3A_194 = tpu.sem_alloc : memref<!tpu.dma_semaphore, #tpu.memory_space<semaphore_mem>>
        %dma_start3A_195 = arith.constant 0 : i32
        %dma_start3A_196 = arith.constant 0 : i32
        %dma_start3A_197 = tpu.memref_slice %arg9[%run_scoped3A_131, %dma_start3A_195, %dma_start3A_196] : memref<2x80x128xf32, #tpu.memory_space<vmem>> -> memref<1x80x128xf32, #tpu.memory_space<vmem>>
        %dma_start3A_198 = tpu.memref_squeeze %dma_start3A_197 : memref<1x80x128xf32, #tpu.memory_space<vmem>> -> memref<80x128xf32, #tpu.memory_space<vmem>>
        %dma_start3A_199 = arith.constant 0 : i32
        %dma_start3A_200 = tpu.memref_slice %arg8[%run_scoped3A_132, %dma_start3A_199] : memref<2x80xi32, #tpu.memory_space<vmem>> -> memref<1x80xi32, #tpu.memory_space<vmem>>
        %dma_start3A_201 = tpu.memref_squeeze %dma_start3A_200 : memref<1x80xi32, #tpu.memory_space<vmem>> -> memref<80xi32, #tpu.memory_space<vmem>>
        %dma_start3A_202 = arith.constant 0 : i32
        %dma_start3A_203 = arith.constant 0 : i32
        %dma_start3A_204 = tpu.memref_slice %arg10[%dma_start3A_202, %dma_start3A_203] : memref<10000x128xf32, #tpu.memory_space<vmem_shared>> -> memref<10000x128xf32, #tpu.memory_space<vmem_shared>>
        tpu.enqueue_indirect_dma source(%dma_start3A_198 : memref<80x128xf32, #tpu.memory_space<vmem>>) target(%dma_start3A_204 : memref<10000x128xf32, #tpu.memory_space<vmem_shared>>) offsets(%dma_start3A_201 : memref<80xi32, #tpu.memory_space<vmem>>) semaphore(%run_scoped3A_194 : memref<!tpu.dma_semaphore, #tpu.memory_space<semaphore_mem>>) {add = true}
        %dma_wait3A_205 = arith.constant 0 : i32
        %dma_wait3A_206 = arith.constant 0 : i32
        %dma_wait3A_207 = tpu.memref_slice %arg9[%run_scoped3A_131, %dma_wait3A_205, %dma_wait3A_206] : memref<2x80x128xf32, #tpu.memory_space<vmem>> -> memref<1x80x128xf32, #tpu.memory_space<vmem>>
        %dma_wait3A_208 = tpu.memref_squeeze %dma_wait3A_207 : memref<1x80x128xf32, #tpu.memory_space<vmem>> -> memref<80x128xf32, #tpu.memory_space<vmem>>
        %dma_wait3A_209 = arith.constant 0 : i32
        %dma_wait3A_210 = tpu.memref_slice %arg8[%run_scoped3A_132, %dma_wait3A_209] : memref<2x80xi32, #tpu.memory_space<vmem>> -> memref<1x80xi32, #tpu.memory_space<vmem>>
        %dma_wait3A_211 = tpu.memref_squeeze %dma_wait3A_210 : memref<1x80xi32, #tpu.memory_space<vmem>> -> memref<80xi32, #tpu.memory_space<vmem>>
        %dma_wait3A_212 = arith.constant 0 : i32
        %dma_wait3A_213 = arith.constant 0 : i32
        %dma_wait3A_214 = tpu.memref_slice %arg10[%dma_wait3A_212, %dma_wait3A_213] : memref<10000x128xf32, #tpu.memory_space<vmem_shared>> -> memref<10000x128xf32, #tpu.memory_space<vmem_shared>>
        tpu.wait_indirect_dma semaphore(%run_scoped3A_194 : memref<!tpu.dma_semaphore, #tpu.memory_space<semaphore_mem>>) src(%dma_wait3A_208 : memref<80x128xf32, #tpu.memory_space<vmem>>) dst(%dma_wait3A_214 : memref<10000x128xf32, #tpu.memory_space<vmem_shared>>)
        tpu.yield
      }) : () -> ()
      %mul3A_133 = arith.constant 2 : i32
      %mul3A_134 = arith.muli %mul3A_133, %scan3A_73 : i32
      %add3A_135 = arith.constant 1 : i32
      %add3A_136 = arith.addi %mul3A_134, %add3A_135 : i32
      %add3A_137 = arith.constant 1 : i32
      %add3A_138 = arith.addi %add3A_136, %add3A_137 : i32
      %dma_start3A_139 = arith.constant 0 : i32
      %dma_start3A_140 = arith.constant 0 : i32
      %dma_start3A_141 = arith.constant 0 : i32
      %dma_start3A_142 = tpu.memref_slice %arg9[%dma_start3A_139, %dma_start3A_140, %dma_start3A_141] : memref<2x80x128xf32, #tpu.memory_space<vmem>> -> memref<1x80x128xf32, #tpu.memory_space<vmem>>
      %dma_start3A_143 = tpu.memref_squeeze %dma_start3A_142 : memref<1x80x128xf32, #tpu.memory_space<vmem>> -> memref<80x128xf32, #tpu.memory_space<vmem>>
      %dma_start3A_144 = arith.constant 0 : i32
      %dma_start3A_145 = tpu.memref_slice %arg7[%add3A_138, %dma_start3A_144] : memref<125x80xi32, #tpu.memory_space<vmem>> -> memref<1x80xi32, #tpu.memory_space<vmem>>
      %dma_start3A_146 = tpu.memref_squeeze %dma_start3A_145 : memref<1x80xi32, #tpu.memory_space<vmem>> -> memref<80xi32, #tpu.memory_space<vmem>>
      %dma_start3A_147 = arith.constant 0 : i32
      %dma_start3A_148 = arith.constant 0 : i32
      %dma_start3A_149 = tpu.memref_slice %arg2[%dma_start3A_147, %dma_start3A_148] : memref<10000x128xf32, #tpu.memory_space<hbm>> -> memref<10000x128xf32, #tpu.memory_space<hbm>>
      tpu.enqueue_indirect_dma source(%dma_start3A_149 : memref<10000x128xf32, #tpu.memory_space<hbm>>) target(%dma_start3A_143 : memref<80x128xf32, #tpu.memory_space<vmem>>) offsets(%dma_start3A_146 : memref<80xi32, #tpu.memory_space<vmem>>) semaphore(%arg11 : memref<!tpu.dma_semaphore, #tpu.memory_space<semaphore_mem>>)
      %add3A_150 = arith.constant 1 : i32
      %add3A_151 = arith.addi %add3A_136, %add3A_150 : i32
      %dma_start3A_152 = arith.constant 0 : i32
      %dma_start3A_153 = arith.constant 0 : i32
      %dma_start3A_154 = tpu.memref_slice %arg8[%dma_start3A_152, %dma_start3A_153] : memref<2x80xi32, #tpu.memory_space<vmem>> -> memref<1x80xi32, #tpu.memory_space<vmem>>
      %dma_start3A_155 = tpu.memref_squeeze %dma_start3A_154 : memref<1x80xi32, #tpu.memory_space<vmem>> -> memref<80xi32, #tpu.memory_space<vmem>>
      %dma_start3A_156 = arith.constant 0 : i32
      %dma_start3A_157 = tpu.memref_slice %arg4[%add3A, %add3A_151, %dma_start3A_156] : memref<32x125x80xi32, #tpu.memory_space<hbm>> -> memref<1x1x80xi32, #tpu.memory_space<hbm>>
      %dma_start3A_158 = tpu.memref_squeeze %dma_start3A_157 : memref<1x1x80xi32, #tpu.memory_space<hbm>> -> memref<80xi32, #tpu.memory_space<hbm>>
      %dma_start3A_159 = arith.constant 0 : i32
      %dma_start3A_160 = tpu.memref_slice %arg8[%dma_start3A_152, %dma_start3A_159] : memref<2x80xi32, #tpu.memory_space<vmem>> -> memref<1x80xi32, #tpu.memory_space<vmem>>
      %dma_start3A_161 = tpu.memref_squeeze %dma_start3A_160 : memref<1x80xi32, #tpu.memory_space<vmem>> -> memref<80xi32, #tpu.memory_space<vmem>>
      %dma_start3A_162 = arith.constant 0 : i32
      %dma_start3A_163 = tpu.memref_slice %arg4[%add3A, %add3A_151, %dma_start3A_162] : memref<32x125x80xi32, #tpu.memory_space<hbm>> -> memref<1x1x80xi32, #tpu.memory_space<hbm>>
      %dma_start3A_164 = tpu.memref_squeeze %dma_start3A_163 : memref<1x1x80xi32, #tpu.memory_space<hbm>> -> memref<80xi32, #tpu.memory_space<hbm>>
      tpu.enqueue_dma source(%dma_start3A_164 : memref<80xi32, #tpu.memory_space<hbm>>) target(%dma_start3A_161 : memref<80xi32, #tpu.memory_space<vmem>>) target_semaphore(%arg12 : memref<!tpu.dma_semaphore, #tpu.memory_space<semaphore_mem>>)
      %dma_wait3A_165 = arith.constant 0 : i32
      %dma_wait3A_166 = arith.constant 1 : i32
      %dma_wait3A_167 = arith.constant 0 : i32
      %dma_wait3A_168 = arith.constant 0 : i32
      %dma_wait3A_169 = tpu.memref_slice %arg9[%dma_wait3A_166, %dma_wait3A_167, %dma_wait3A_168] : memref<2x80x128xf32, #tpu.memory_space<vmem>> -> memref<1x80x128xf32, #tpu.memory_space<vmem>>
      %dma_wait3A_170 = tpu.memref_squeeze %dma_wait3A_169 : memref<1x80x128xf32, #tpu.memory_space<vmem>> -> memref<80x128xf32, #tpu.memory_space<vmem>>
      %dma_wait3A_171 = arith.constant 0 : i32
      %dma_wait3A_172 = tpu.memref_slice %arg7[%dma_wait3A_165, %dma_wait3A_171] : memref<125x80xi32, #tpu.memory_space<vmem>> -> memref<1x80xi32, #tpu.memory_space<vmem>>
      %dma_wait3A_173 = tpu.memref_squeeze %dma_wait3A_172 : memref<1x80xi32, #tpu.memory_space<vmem>> -> memref<80xi32, #tpu.memory_space<vmem>>
      %dma_wait3A_174 = arith.constant 0 : i32
      %dma_wait3A_175 = arith.constant 0 : i32
      %dma_wait3A_176 = tpu.memref_slice %arg2[%dma_wait3A_174, %dma_wait3A_175] : memref<10000x128xf32, #tpu.memory_space<hbm>> -> memref<10000x128xf32, #tpu.memory_space<hbm>>
      tpu.wait_indirect_dma semaphore(%arg11 : memref<!tpu.dma_semaphore, #tpu.memory_space<semaphore_mem>>) src(%dma_wait3A_176 : memref<10000x128xf32, #tpu.memory_space<hbm>>) dst(%dma_wait3A_170 : memref<80x128xf32, #tpu.memory_space<vmem>>)
      %dma_wait3A_177 = arith.constant 0 : i32
      %dma_wait3A_178 = arith.constant 1 : i32
      %dma_wait3A_179 = arith.constant 0 : i32
      %dma_wait3A_180 = tpu.memref_slice %arg8[%dma_wait3A_178, %dma_wait3A_179] : memref<2x80xi32, #tpu.memory_space<vmem>> -> memref<1x80xi32, #tpu.memory_space<vmem>>
      %dma_wait3A_181 = tpu.memref_squeeze %dma_wait3A_180 : memref<1x80xi32, #tpu.memory_space<vmem>> -> memref<80xi32, #tpu.memory_space<vmem>>
      %dma_wait3A_182 = arith.constant 0 : i32
      %dma_wait3A_183 = tpu.memref_slice %arg4[%add3A, %dma_wait3A_177, %dma_wait3A_182] : memref<32x125x80xi32, #tpu.memory_space<hbm>> -> memref<1x1x80xi32, #tpu.memory_space<hbm>>
      %dma_wait3A_184 = tpu.memref_squeeze %dma_wait3A_183 : memref<1x1x80xi32, #tpu.memory_space<hbm>> -> memref<80xi32, #tpu.memory_space<hbm>>
      %dma_wait3A_185 = arith.constant 0 : i32
      %dma_wait3A_186 = tpu.memref_slice %arg8[%dma_wait3A_178, %dma_wait3A_185] : memref<2x80xi32, #tpu.memory_space<vmem>> -> memref<1x80xi32, #tpu.memory_space<vmem>>
      %dma_wait3A_187 = tpu.memref_squeeze %dma_wait3A_186 : memref<1x80xi32, #tpu.memory_space<vmem>> -> memref<80xi32, #tpu.memory_space<vmem>>
      %dma_wait3A_188 = arith.constant 0 : i32
      %dma_wait3A_189 = tpu.memref_slice %arg4[%add3A, %dma_wait3A_177, %dma_wait3A_188] : memref<32x125x80xi32, #tpu.memory_space<hbm>> -> memref<1x1x80xi32, #tpu.memory_space<hbm>>
      %dma_wait3A_190 = tpu.memref_squeeze %dma_wait3A_189 : memref<1x1x80xi32, #tpu.memory_space<hbm>> -> memref<80xi32, #tpu.memory_space<hbm>>
      tpu.wait_dma2 semaphore(%arg12 : memref<!tpu.dma_semaphore, #tpu.memory_space<semaphore_mem>>) src(%dma_wait3A_190 : memref<80xi32, #tpu.memory_space<hbm>>) dst(%dma_wait3A_187 : memref<80xi32, #tpu.memory_space<vmem>>)
      %run_scoped3A_191 = arith.constant 1 : i32
      %run_scoped3A_192 = arith.constant 1 : i32
      "tpu.region"() ({
        %run_scoped3A_194 = tpu.sem_alloc : memref<!tpu.dma_semaphore, #tpu.memory_space<semaphore_mem>>
        %dma_start3A_195 = arith.constant 0 : i32
        %dma_start3A_196 = arith.constant 0 : i32
        %dma_start3A_197 = tpu.memref_slice %arg9[%run_scoped3A_191, %dma_start3A_195, %dma_start3A_196] : memref<2x80x128xf32, #tpu.memory_space<vmem>> -> memref<1x80x128xf32, #tpu.memory_space<vmem>>
        %dma_start3A_198 = tpu.memref_squeeze %dma_start3A_197 : memref<1x80x128xf32, #tpu.memory_space<vmem>> -> memref<80x128xf32, #tpu.memory_space<vmem>>
        %dma_start3A_199 = arith.constant 0 : i32
        %dma_start3A_200 = tpu.memref_slice %arg8[%run_scoped3A_192, %dma_start3A_199] : memref<2x80xi32, #tpu.memory_space<vmem>> -> memref<1x80xi32, #tpu.memory_space<vmem>>
        %dma_start3A_201 = tpu.memref_squeeze %dma_start3A_200 : memref<1x80xi32, #tpu.memory_space<vmem>> -> memref<80xi32, #tpu.memory_space<vmem>>
        %dma_start3A_202 = arith.constant 0 : i32
        %dma_start3A_203 = arith.constant 0 : i32
        %dma_start3A_204 = tpu.memref_slice %arg10[%dma_start3A_202, %dma_start3A_203] : memref<10000x128xf32, #tpu.memory_space<vmem_shared>> -> memref<10000x128xf32, #tpu.memory_space<vmem_shared>>
        tpu.enqueue_indirect_dma source(%dma_start3A_198 : memref<80x128xf32, #tpu.memory_space<vmem>>) target(%dma_start3A_204 : memref<10000x128xf32, #tpu.memory_space<vmem_shared>>) offsets(%dma_start3A_201 : memref<80xi32, #tpu.memory_space<vmem>>) semaphore(%run_scoped3A_194 : memref<!tpu.dma_semaphore, #tpu.memory_space<semaphore_mem>>) {add = true}
        %dma_wait3A_205 = arith.constant 0 : i32
        %dma_wait3A_206 = arith.constant 0 : i32
        %dma_wait3A_207 = tpu.memref_slice %arg9[%run_scoped3A_191, %dma_wait3A_205, %dma_wait3A_206] : memref<2x80x128xf32, #tpu.memory_space<vmem>> -> memref<1x80x128xf32, #tpu.memory_space<vmem>>
        %dma_wait3A_208 = tpu.memref_squeeze %dma_wait3A_207 : memref<1x80x128xf32, #tpu.memory_space<vmem>> -> memref<80x128xf32, #tpu.memory_space<vmem>>
        %dma_wait3A_209 = arith.constant 0 : i32
        %dma_wait3A_210 = tpu.memref_slice %arg8[%run_scoped3A_192, %dma_wait3A_209] : memref<2x80xi32, #tpu.memory_space<vmem>> -> memref<1x80xi32, #tpu.memory_space<vmem>>
        %dma_wait3A_211 = tpu.memref_squeeze %dma_wait3A_210 : memref<1x80xi32, #tpu.memory_space<vmem>> -> memref<80xi32, #tpu.memory_space<vmem>>
        %dma_wait3A_212 = arith.constant 0 : i32
        %dma_wait3A_213 = arith.constant 0 : i32
        %dma_wait3A_214 = tpu.memref_slice %arg10[%dma_wait3A_212, %dma_wait3A_213] : memref<10000x128xf32, #tpu.memory_space<vmem_shared>> -> memref<10000x128xf32, #tpu.memory_space<vmem_shared>>
        tpu.wait_indirect_dma semaphore(%run_scoped3A_194 : memref<!tpu.dma_semaphore, #tpu.memory_space<semaphore_mem>>) src(%dma_wait3A_208 : memref<80x128xf32, #tpu.memory_space<vmem>>) dst(%dma_wait3A_214 : memref<10000x128xf32, #tpu.memory_space<vmem_shared>>)
        tpu.yield
      }) : () -> ()
      %scan3A_193 = arith.constant 0 : i32
      scf.yield %scan3A_193 : i32
    }
    %scan3A_40 = arith.constant 62 : i32
    %dma_wait3A = arith.constant 0 : i32
    %dma_wait3A_41 = arith.constant 0 : i32
    %dma_wait3A_42 = arith.constant 0 : i32
    %dma_wait3A_43 = arith.constant 0 : i32
    %dma_wait3A_44 = tpu.memref_slice %arg9[%dma_wait3A_41, %dma_wait3A_42, %dma_wait3A_43] : memref<2x80x128xf32, #tpu.memory_space<vmem>> -> memref<1x80x128xf32, #tpu.memory_space<vmem>>
    %dma_wait3A_45 = tpu.memref_squeeze %dma_wait3A_44 : memref<1x80x128xf32, #tpu.memory_space<vmem>> -> memref<80x128xf32, #tpu.memory_space<vmem>>
    %dma_wait3A_46 = arith.constant 0 : i32
    %dma_wait3A_47 = tpu.memref_slice %arg7[%dma_wait3A, %dma_wait3A_46] : memref<125x80xi32, #tpu.memory_space<vmem>> -> memref<1x80xi32, #tpu.memory_space<vmem>>
    %dma_wait3A_48 = tpu.memref_squeeze %dma_wait3A_47 : memref<1x80xi32, #tpu.memory_space<vmem>> -> memref<80xi32, #tpu.memory_space<vmem>>
    %dma_wait3A_49 = arith.constant 0 : i32
    %dma_wait3A_50 = arith.constant 0 : i32
    %dma_wait3A_51 = tpu.memref_slice %arg2[%dma_wait3A_49, %dma_wait3A_50] : memref<10000x128xf32, #tpu.memory_space<hbm>> -> memref<10000x128xf32, #tpu.memory_space<hbm>>
    tpu.wait_indirect_dma semaphore(%arg11 : memref<!tpu.dma_semaphore, #tpu.memory_space<semaphore_mem>>) src(%dma_wait3A_51 : memref<10000x128xf32, #tpu.memory_space<hbm>>) dst(%dma_wait3A_45 : memref<80x128xf32, #tpu.memory_space<vmem>>)
    %dma_wait3A_52 = arith.constant 0 : i32
    %dma_wait3A_53 = arith.constant 0 : i32
    %dma_wait3A_54 = arith.constant 0 : i32
    %dma_wait3A_55 = tpu.memref_slice %arg8[%dma_wait3A_53, %dma_wait3A_54] : memref<2x80xi32, #tpu.memory_space<vmem>> -> memref<1x80xi32, #tpu.memory_space<vmem>>
    %dma_wait3A_56 = tpu.memref_squeeze %dma_wait3A_55 : memref<1x80xi32, #tpu.memory_space<vmem>> -> memref<80xi32, #tpu.memory_space<vmem>>
    %dma_wait3A_57 = arith.constant 0 : i32
    %dma_wait3A_58 = tpu.memref_slice %arg4[%add3A, %dma_wait3A_52, %dma_wait3A_57] : memref<32x125x80xi32, #tpu.memory_space<hbm>> -> memref<1x1x80xi32, #tpu.memory_space<hbm>>
    %dma_wait3A_59 = tpu.memref_squeeze %dma_wait3A_58 : memref<1x1x80xi32, #tpu.memory_space<hbm>> -> memref<80xi32, #tpu.memory_space<hbm>>
    %dma_wait3A_60 = arith.constant 0 : i32
    %dma_wait3A_61 = tpu.memref_slice %arg8[%dma_wait3A_53, %dma_wait3A_60] : memref<2x80xi32, #tpu.memory_space<vmem>> -> memref<1x80xi32, #tpu.memory_space<vmem>>
    %dma_wait3A_62 = tpu.memref_squeeze %dma_wait3A_61 : memref<1x80xi32, #tpu.memory_space<vmem>> -> memref<80xi32, #tpu.memory_space<vmem>>
    %dma_wait3A_63 = arith.constant 0 : i32
    %dma_wait3A_64 = tpu.memref_slice %arg4[%add3A, %dma_wait3A_52, %dma_wait3A_63] : memref<32x125x80xi32, #tpu.memory_space<hbm>> -> memref<1x1x80xi32, #tpu.memory_space<hbm>>
    %dma_wait3A_65 = tpu.memref_squeeze %dma_wait3A_64 : memref<1x1x80xi32, #tpu.memory_space<hbm>> -> memref<80xi32, #tpu.memory_space<hbm>>
    tpu.wait_dma2 semaphore(%arg12 : memref<!tpu.dma_semaphore, #tpu.memory_space<semaphore_mem>>) src(%dma_wait3A_65 : memref<80xi32, #tpu.memory_space<hbm>>) dst(%dma_wait3A_62 : memref<80xi32, #tpu.memory_space<vmem>>)
    %run_scoped3A = arith.constant 0 : i32
    %run_scoped3A_66 = arith.constant 0 : i32
    "tpu.region"() ({
      %run_scoped3A_73 = tpu.sem_alloc : memref<!tpu.dma_semaphore, #tpu.memory_space<semaphore_mem>>
      %dma_start3A_74 = arith.constant 0 : i32
      %dma_start3A_75 = arith.constant 0 : i32
      %dma_start3A_76 = tpu.memref_slice %arg9[%run_scoped3A, %dma_start3A_74, %dma_start3A_75] : memref<2x80x128xf32, #tpu.memory_space<vmem>> -> memref<1x80x128xf32, #tpu.memory_space<vmem>>
      %dma_start3A_77 = tpu.memref_squeeze %dma_start3A_76 : memref<1x80x128xf32, #tpu.memory_space<vmem>> -> memref<80x128xf32, #tpu.memory_space<vmem>>
      %dma_start3A_78 = arith.constant 0 : i32
      %dma_start3A_79 = tpu.memref_slice %arg8[%run_scoped3A_66, %dma_start3A_78] : memref<2x80xi32, #tpu.memory_space<vmem>> -> memref<1x80xi32, #tpu.memory_space<vmem>>
      %dma_start3A_80 = tpu.memref_squeeze %dma_start3A_79 : memref<1x80xi32, #tpu.memory_space<vmem>> -> memref<80xi32, #tpu.memory_space<vmem>>
      %dma_start3A_81 = arith.constant 0 : i32
      %dma_start3A_82 = arith.constant 0 : i32
      %dma_start3A_83 = tpu.memref_slice %arg10[%dma_start3A_81, %dma_start3A_82] : memref<10000x128xf32, #tpu.memory_space<vmem_shared>> -> memref<10000x128xf32, #tpu.memory_space<vmem_shared>>
      tpu.enqueue_indirect_dma source(%dma_start3A_77 : memref<80x128xf32, #tpu.memory_space<vmem>>) target(%dma_start3A_83 : memref<10000x128xf32, #tpu.memory_space<vmem_shared>>) offsets(%dma_start3A_80 : memref<80xi32, #tpu.memory_space<vmem>>) semaphore(%run_scoped3A_73 : memref<!tpu.dma_semaphore, #tpu.memory_space<semaphore_mem>>) {add = true}
      %dma_wait3A_84 = arith.constant 0 : i32
      %dma_wait3A_85 = arith.constant 0 : i32
      %dma_wait3A_86 = tpu.memref_slice %arg9[%run_scoped3A, %dma_wait3A_84, %dma_wait3A_85] : memref<2x80x128xf32, #tpu.memory_space<vmem>> -> memref<1x80x128xf32, #tpu.memory_space<vmem>>
      %dma_wait3A_87 = tpu.memref_squeeze %dma_wait3A_86 : memref<1x80x128xf32, #tpu.memory_space<vmem>> -> memref<80x128xf32, #tpu.memory_space<vmem>>
      %dma_wait3A_88 = arith.constant 0 : i32
      %dma_wait3A_89 = tpu.memref_slice %arg8[%run_scoped3A_66, %dma_wait3A_88] : memref<2x80xi32, #tpu.memory_space<vmem>> -> memref<1x80xi32, #tpu.memory_space<vmem>>
      %dma_wait3A_90 = tpu.memref_squeeze %dma_wait3A_89 : memref<1x80xi32, #tpu.memory_space<vmem>> -> memref<80xi32, #tpu.memory_space<vmem>>
      %dma_wait3A_91 = arith.constant 0 : i32
      %dma_wait3A_92 = arith.constant 0 : i32
      %dma_wait3A_93 = tpu.memref_slice %arg10[%dma_wait3A_91, %dma_wait3A_92] : memref<10000x128xf32, #tpu.memory_space<vmem_shared>> -> memref<10000x128xf32, #tpu.memory_space<vmem_shared>>
      tpu.wait_indirect_dma semaphore(%run_scoped3A_73 : memref<!tpu.dma_semaphore, #tpu.memory_space<semaphore_mem>>) src(%dma_wait3A_87 : memref<80x128xf32, #tpu.memory_space<vmem>>) dst(%dma_wait3A_93 : memref<10000x128xf32, #tpu.memory_space<vmem_shared>>)
      tpu.yield
    }) : () -> ()
    %barrier3A_67 = arith.constant 0 : index
    tpu.barrier barrier_id(%barrier3A_67)
    "tpu.region"() ({
      %run_scoped3A_73 = tpu.sem_alloc : memref<!tpu.dma_semaphore, #tpu.memory_space<semaphore_mem>>
      %dma_start3A_74 = arith.constant 0 : i32
      %dma_start3A_75 = tpu.memref_slice %arg6[%arg0, %mul3A_2, %dma_start3A_74] : memref<2x10000x128xf32, #tpu.memory_space<hbm>> -> memref<1x624x128xf32, #tpu.memory_space<hbm>>
      %dma_start3A_76 = tpu.memref_squeeze %dma_start3A_75 : memref<1x624x128xf32, #tpu.memory_space<hbm>> -> memref<624x128xf32, #tpu.memory_space<hbm>>
      %dma_start3A_77 = arith.constant 0 : i32
      %dma_start3A_78 = tpu.memref_slice %arg10[%mul3A_2, %dma_start3A_77] : memref<10000x128xf32, #tpu.memory_space<vmem_shared>> -> memref<624x128xf32, #tpu.memory_space<vmem_shared>>
      tpu.enqueue_dma source(%dma_start3A_78 : memref<624x128xf32, #tpu.memory_space<vmem_shared>>) target(%dma_start3A_76 : memref<624x128xf32, #tpu.memory_space<hbm>>) target_semaphore(%run_scoped3A_73 : memref<!tpu.dma_semaphore, #tpu.memory_space<semaphore_mem>>)
      %dma_wait3A_79 = arith.constant 0 : i32
      %dma_wait3A_80 = tpu.memref_slice %arg6[%arg0, %mul3A_2, %dma_wait3A_79] : memref<2x10000x128xf32, #tpu.memory_space<hbm>> -> memref<1x624x128xf32, #tpu.memory_space<hbm>>
      %dma_wait3A_81 = tpu.memref_squeeze %dma_wait3A_80 : memref<1x624x128xf32, #tpu.memory_space<hbm>> -> memref<624x128xf32, #tpu.memory_space<hbm>>
      %dma_wait3A_82 = arith.constant 0 : i32
      %dma_wait3A_83 = tpu.memref_slice %arg10[%mul3A_2, %dma_wait3A_82] : memref<10000x128xf32, #tpu.memory_space<vmem_shared>> -> memref<624x128xf32, #tpu.memory_space<vmem_shared>>
      tpu.wait_dma2 semaphore(%run_scoped3A_73 : memref<!tpu.dma_semaphore, #tpu.memory_space<semaphore_mem>>) src(%dma_wait3A_83 : memref<624x128xf32, #tpu.memory_space<vmem_shared>>) dst(%dma_wait3A_81 : memref<624x128xf32, #tpu.memory_space<hbm>>)
      tpu.yield
    }) : () -> ()
    %eq3A_68 = arith.constant 15 : i32
    %eq3A_69 = arith.cmpi eq, %arg1, %eq3A_68 : i32
    %convert_element_type3A_70 = arith.extui %eq3A_69 : i1 to i32
    %cond3A_71 = arith.constant 0 : i32
    %cond3A_72 = arith.cmpi ne, %convert_element_type3A_70, %cond3A_71 : i32
    scf.if %cond3A_72 {
      "tpu.region"() ({
        %run_scoped3A_73 = tpu.sem_alloc : memref<!tpu.dma_semaphore, #tpu.memory_space<semaphore_mem>>
        %dma_start3A_74 = arith.constant 9984 : i32
        %dma_start3A_75 = arith.constant 0 : i32
        %dma_start3A_76 = tpu.memref_slice %arg6[%arg0, %dma_start3A_74, %dma_start3A_75] : memref<2x10000x128xf32, #tpu.memory_space<hbm>> -> memref<1x16x128xf32, #tpu.memory_space<hbm>>
        %dma_start3A_77 = tpu.memref_squeeze %dma_start3A_76 : memref<1x16x128xf32, #tpu.memory_space<hbm>> -> memref<16x128xf32, #tpu.memory_space<hbm>>
        %dma_start3A_78 = arith.constant 9984 : i32
        %dma_start3A_79 = arith.constant 0 : i32
        %dma_start3A_80 = tpu.memref_slice %arg10[%dma_start3A_78, %dma_start3A_79] : memref<10000x128xf32, #tpu.memory_space<vmem_shared>> -> memref<16x128xf32, #tpu.memory_space<vmem_shared>>
        tpu.enqueue_dma source(%dma_start3A_80 : memref<16x128xf32, #tpu.memory_space<vmem_shared>>) target(%dma_start3A_77 : memref<16x128xf32, #tpu.memory_space<hbm>>) target_semaphore(%run_scoped3A_73 : memref<!tpu.dma_semaphore, #tpu.memory_space<semaphore_mem>>)
        %dma_wait3A_81 = arith.constant 9984 : i32
        %dma_wait3A_82 = arith.constant 0 : i32
        %dma_wait3A_83 = tpu.memref_slice %arg6[%arg0, %dma_wait3A_81, %dma_wait3A_82] : memref<2x10000x128xf32, #tpu.memory_space<hbm>> -> memref<1x16x128xf32, #tpu.memory_space<hbm>>
        %dma_wait3A_84 = tpu.memref_squeeze %dma_wait3A_83 : memref<1x16x128xf32, #tpu.memory_space<hbm>> -> memref<16x128xf32, #tpu.memory_space<hbm>>
        %dma_wait3A_85 = arith.constant 9984 : i32
        %dma_wait3A_86 = arith.constant 0 : i32
        %dma_wait3A_87 = tpu.memref_slice %arg10[%dma_wait3A_85, %dma_wait3A_86] : memref<10000x128xf32, #tpu.memory_space<vmem_shared>> -> memref<16x128xf32, #tpu.memory_space<vmem_shared>>
        tpu.wait_dma2 semaphore(%run_scoped3A_73 : memref<!tpu.dma_semaphore, #tpu.memory_space<semaphore_mem>>) src(%dma_wait3A_87 : memref<16x128xf32, #tpu.memory_space<vmem_shared>>) dst(%dma_wait3A_84 : memref<16x128xf32, #tpu.memory_space<hbm>>)
        tpu.yield
      }) : () -> ()
    } else {
    }
    return
  }
}

module attributes {stable_mosaic.version = 14 : i64} {
  func.func @_tc_prep_body(%arg0: i32, %arg1: memref<2000x16xf32, #tpu.memory_space<vmem>>, %arg2: memref<2000x16xf32, #tpu.memory_space<vmem>>, %arg3: memref<2000x128xf32, #tpu.memory_space<vmem>>, %arg4: memref<2000x1xf32, #tpu.memory_space<vmem>>, %arg5: memref<2000x1xf32, #tpu.memory_space<vmem>>, %arg6: memref<2000x128xf32, #tpu.memory_space<vmem>>) attributes {dimension_semantics = [#tpu.dimension_semantics<arbitrary>], iteration_bounds = array<i64: 5>, scalar_prefetch = 0 : i64, scratch_operands = 0 : i64, tpu.core_type = #tpu.core_type<tc>, window_params = [{transform_indices = @transform_0, window_bounds = array<i64: 2000, 16>}, {transform_indices = @transform_1, window_bounds = array<i64: 2000, 16>}, {transform_indices = @transform_2, window_bounds = array<i64: 2000, 128>}, {transform_indices = @transform_3, window_bounds = array<i64: 2000, 1>}, {transform_indices = @transform_4, window_bounds = array<i64: 2000, 1>}, {transform_indices = @transform_5, window_bounds = array<i64: 2000, 128>}]} {
    %get3A = arith.constant 0 : index
    %get3A_0 = arith.constant 0 : index
    %get3A_1 = vector.load %arg1[%get3A, %get3A_0] : memref<2000x16xf32, #tpu.memory_space<vmem>>, vector<2000x1xf32>
    %get3A_2 = arith.constant 0 : index
    %get3A_3 = arith.constant 0 : index
    %get3A_4 = vector.load %arg2[%get3A_2, %get3A_3] : memref<2000x16xf32, #tpu.memory_space<vmem>>, vector<2000x1xf32>
    %add3A = arith.addf %get3A_1, %get3A_4 : vector<2000x1xf32>
    %add3A_5 = arith.constant 1.000000e+00 : f32
    %add3A_6 = vector.broadcast %add3A_5 : f32 to vector<2000x1xf32>
    %add3A_7 = arith.addf %add3A, %add3A_6 : vector<2000x1xf32>
    %rsqrt3A = math.rsqrt %add3A_7 : vector<2000x1xf32>
    %swap3A = arith.constant 0 : index
    %swap3A_8 = arith.constant 0 : index
    %swap3A_9 = vector.load %arg4[%swap3A, %swap3A_8] : memref<2000x1xf32, #tpu.memory_space<vmem>>, vector<2000x1xf32>
    tpu.vector_store %arg4[%swap3A, %swap3A_8], %rsqrt3A {strides = array<i32>} : memref<2000x1xf32, #tpu.memory_space<vmem>>, vector<2000x1xf32>,
    %div3A = arith.constant 1.000000e+00 : f32
    %div3A_10 = vector.broadcast %div3A : f32 to vector<2000x1xf32>
    %div3A_11 = arith.divf %div3A_10, %add3A_7 : vector<2000x1xf32>
    %swap3A_12 = arith.constant 0 : index
    %swap3A_13 = arith.constant 0 : index
    %swap3A_14 = vector.load %arg5[%swap3A_12, %swap3A_13] : memref<2000x1xf32, #tpu.memory_space<vmem>>, vector<2000x1xf32>
    tpu.vector_store %arg5[%swap3A_12, %swap3A_13], %div3A_11 {strides = array<i32>} : memref<2000x1xf32, #tpu.memory_space<vmem>>, vector<2000x1xf32>,
    %get3A_15 = arith.constant 0 : index
    %get3A_16 = arith.constant 0 : index
    %get3A_17 = vector.load %arg3[%get3A_15, %get3A_16] : memref<2000x128xf32, #tpu.memory_space<vmem>>, vector<2000x128xf32>
    %mul3A = vector.broadcast %rsqrt3A : vector<2000x1xf32> to vector<2000x128xf32>
    %mul3A_18 = arith.mulf %get3A_17, %mul3A : vector<2000x128xf32>
    %swap3A_19 = arith.constant 0 : index
    %swap3A_20 = arith.constant 0 : index
    %swap3A_21 = vector.load %arg6[%swap3A_19, %swap3A_20] : memref<2000x128xf32, #tpu.memory_space<vmem>>, vector<2000x128xf32>
    tpu.vector_store %arg6[%swap3A_19, %swap3A_20], %mul3A_18 {strides = array<i32>} : memref<2000x128xf32, #tpu.memory_space<vmem>>, vector<2000x128xf32>,
    return
  }
  func.func @transform_0(%arg0: i32) -> (i32, i32) {
    %c0_i32 = arith.constant 0 : i32
    %c0_i32_0 = arith.constant 0 : i32
    return %arg0, %c0_i32 : i32, i32
  }
  func.func @transform_1(%arg0: i32) -> (i32, i32) {
    %c0_i32 = arith.constant 0 : i32
    %c0_i32_0 = arith.constant 0 : i32
    return %arg0, %c0_i32 : i32, i32
  }
  func.func @transform_2(%arg0: i32) -> (i32, i32) {
    %c0_i32 = arith.constant 0 : i32
    %c0_i32_0 = arith.constant 0 : i32
    return %arg0, %c0_i32 : i32, i32
  }
  func.func @transform_3(%arg0: i32) -> (i32, i32) {
    %c0_i32 = arith.constant 0 : i32
    %c0_i32_0 = arith.constant 0 : i32
    return %arg0, %c0_i32 : i32, i32
  }
  func.func @transform_4(%arg0: i32) -> (i32, i32) {
    %c0_i32 = arith.constant 0 : i32
    %c0_i32_0 = arith.constant 0 : i32
    return %arg0, %c0_i32 : i32, i32
  }
  func.func @transform_5(%arg0: i32) -> (i32, i32) {
    %c0_i32 = arith.constant 0 : i32
    %c0_i32_0 = arith.constant 0 : i32
    return %arg0, %c0_i32 : i32, i32
  }
}

module attributes {stable_mosaic.version = 14 : i64} {
  func.func @_tc_comb_body(%arg0: i32, %arg1: memref<2000x128xf32, #tpu.memory_space<vmem>>, %arg2: memref<2000x128xf32, #tpu.memory_space<vmem>>, %arg3: memref<2000x1xf32, #tpu.memory_space<vmem>>, %arg4: memref<2000x128xf32, #tpu.memory_space<vmem>>) attributes {dimension_semantics = [#tpu.dimension_semantics<arbitrary>], iteration_bounds = array<i64: 5>, scalar_prefetch = 0 : i64, scratch_operands = 0 : i64, tpu.core_type = #tpu.core_type<tc>, window_params = [{transform_indices = @transform_0, window_bounds = array<i64: 2000, 128>}, {transform_indices = @transform_1, window_bounds = array<i64: 2000, 128>}, {transform_indices = @transform_2, window_bounds = array<i64: 2000, 1>}, {transform_indices = @transform_3, window_bounds = array<i64: 2000, 128>}]} {
    %get3A = arith.constant 0 : index
    %get3A_0 = arith.constant 0 : index
    %get3A_1 = vector.load %arg1[%get3A, %get3A_0] : memref<2000x128xf32, #tpu.memory_space<vmem>>, vector<2000x128xf32>
    %get3A_2 = arith.constant 0 : index
    %get3A_3 = arith.constant 0 : index
    %get3A_4 = vector.load %arg2[%get3A_2, %get3A_3] : memref<2000x128xf32, #tpu.memory_space<vmem>>, vector<2000x128xf32>
    %add3A = arith.addf %get3A_1, %get3A_4 : vector<2000x128xf32>
    %get3A_5 = arith.constant 0 : index
    %get3A_6 = arith.constant 0 : index
    %get3A_7 = vector.load %arg3[%get3A_5, %get3A_6] : memref<2000x1xf32, #tpu.memory_space<vmem>>, vector<2000x1xf32>
    %mul3A = vector.broadcast %get3A_7 : vector<2000x1xf32> to vector<2000x128xf32>
    %mul3A_8 = arith.mulf %add3A, %mul3A : vector<2000x128xf32>
    %swap3A = arith.constant 0 : index
    %swap3A_9 = arith.constant 0 : index
    %swap3A_10 = vector.load %arg4[%swap3A, %swap3A_9] : memref<2000x128xf32, #tpu.memory_space<vmem>>, vector<2000x128xf32>
    tpu.vector_store %arg4[%swap3A, %swap3A_9], %mul3A_8 {strides = array<i32>} : memref<2000x128xf32, #tpu.memory_space<vmem>>, vector<2000x128xf32>,
    return
  }
  func.func @transform_0(%arg0: i32) -> (i32, i32) {
    %c0_i32 = arith.constant 0 : i32
    %c0_i32_0 = arith.constant 0 : i32
    return %arg0, %c0_i32 : i32, i32
  }
  func.func @transform_1(%arg0: i32) -> (i32, i32) {
    %c0_i32 = arith.constant 0 : i32
    %c0_i32_0 = arith.constant 0 : i32
    return %arg0, %c0_i32 : i32, i32
  }
  func.func @transform_2(%arg0: i32) -> (i32, i32) {
    %c0_i32 = arith.constant 0 : i32
    %c0_i32_0 = arith.constant 0 : i32
    return %arg0, %c0_i32 : i32, i32
  }
  func.func @transform_3(%arg0: i32) -> (i32, i32) {
    %c0_i32 = arith.constant 0 : i32
    %c0_i32_0 = arith.constant 0 : i32
    return %arg0, %c0_i32 : i32, i32
  }
}

module attributes {stable_mosaic.version = 14 : i64} {
  func.func @_tc_tail_body(%arg0: i32, %arg1: memref<2000x128xf32, #tpu.memory_space<vmem>>, %arg2: memref<2000x128xf32, #tpu.memory_space<vmem>>, %arg3: memref<2000x1xf32, #tpu.memory_space<vmem>>, %arg4: memref<1x1x2000xi32, #tpu.memory_space<vmem>>, %arg5: memref<128x128xf32, #tpu.memory_space<vmem>>, %arg6: memref<1x128xf32, #tpu.memory_space<vmem>>, %arg7: memref<128x64xf32, #tpu.memory_space<vmem>>, %arg8: memref<1x64xf32, #tpu.memory_space<vmem>>, %arg9: memref<64x10xf32, #tpu.memory_space<vmem>>, %arg10: memref<1x10xf32, #tpu.memory_space<vmem>>, %arg11: memref<64x10xf32, #tpu.memory_space<vmem>>, %arg12: memref<64x128xf32, #tpu.memory_space<vmem>>, %arg13: memref<64x1xf32, #tpu.memory_space<vmem>>) attributes {dimension_semantics = [#tpu.dimension_semantics<arbitrary>], iteration_bounds = array<i64: 5>, scalar_prefetch = 0 : i64, scratch_operands = 2 : i64, tpu.core_type = #tpu.core_type<tc>, window_params = [{transform_indices = @transform_0, window_bounds = array<i64: 2000, 128>}, {transform_indices = @transform_1, window_bounds = array<i64: 2000, 128>}, {transform_indices = @transform_2, window_bounds = array<i64: 2000, 1>}, {transform_indices = @transform_3, window_bounds = array<i64: 1, 1, 2000>}, {pipeline_mode = #tpu.pipeline_mode<synchronous>, transform_indices = @transform_4, window_bounds = array<i64: 128, 128>}, {pipeline_mode = #tpu.pipeline_mode<synchronous>, transform_indices = @transform_5, window_bounds = array<i64: 1, 128>}, {pipeline_mode = #tpu.pipeline_mode<synchronous>, transform_indices = @transform_6, window_bounds = array<i64: 128, 64>}, {pipeline_mode = #tpu.pipeline_mode<synchronous>, transform_indices = @transform_7, window_bounds = array<i64: 1, 64>}, {pipeline_mode = #tpu.pipeline_mode<synchronous>, transform_indices = @transform_8, window_bounds = array<i64: 64, 10>}, {pipeline_mode = #tpu.pipeline_mode<synchronous>, transform_indices = @transform_9, window_bounds = array<i64: 1, 10>}, {pipeline_mode = #tpu.pipeline_mode<synchronous>, transform_indices = @transform_10, window_bounds = array<i64: 64, 10>}]} {
    %get3A = arith.constant 0 : index
    %get3A_0 = arith.constant 0 : index
    %get3A_1 = vector.load %arg1[%get3A, %get3A_0] : memref<2000x128xf32, #tpu.memory_space<vmem>>, vector<2000x128xf32>
    %get3A_2 = arith.constant 0 : index
    %get3A_3 = arith.constant 0 : index
    %get3A_4 = vector.load %arg2[%get3A_2, %get3A_3] : memref<2000x128xf32, #tpu.memory_space<vmem>>, vector<2000x128xf32>
    %add3A = arith.addf %get3A_1, %get3A_4 : vector<2000x128xf32>
    %get3A_5 = arith.constant 0 : index
    %get3A_6 = arith.constant 0 : index
    %get3A_7 = vector.load %arg3[%get3A_5, %get3A_6] : memref<2000x1xf32, #tpu.memory_space<vmem>>, vector<2000x1xf32>
    %mul3A = vector.broadcast %get3A_7 : vector<2000x1xf32> to vector<2000x128xf32>
    %mul3A_8 = arith.mulf %add3A, %mul3A : vector<2000x128xf32>
    %get3A_9 = arith.constant 0 : index
    %get3A_10 = arith.constant 0 : index
    %get3A_11 = vector.load %arg5[%get3A_9, %get3A_10] : memref<128x128xf32, #tpu.memory_space<vmem>>, vector<128x128xf32>
    %dot_general3A = arith.constant dense<0.000000e+00> : vector<2000x128xf32>
    %dot_general3A_12 = tpu.matmul %mul3A_8, %get3A_11, %dot_general3A {dimension_numbers = #tpu.dot_dimension_numbers<[1], [0], [0], [1], [0, 0, 1, 1], [], []>, transpose_lhs_hint = false} : vector<2000x128xf32>, vector<128x128xf32>, vector<2000x128xf32> -> vector<2000x128xf32>
    %get3A_13 = arith.constant 0 : index
    %get3A_14 = arith.constant 0 : index
    %get3A_15 = vector.load %arg6[%get3A_13, %get3A_14] : memref<1x128xf32, #tpu.memory_space<vmem>>, vector<1x128xf32>
    %add3A_16 = vector.broadcast %get3A_15 : vector<1x128xf32> to vector<2000x128xf32>
    %add3A_17 = arith.addf %dot_general3A_12, %add3A_16 : vector<2000x128xf32>
    %max3A = arith.constant 0.000000e+00 : f32
    %max3A_18 = vector.broadcast %max3A : f32 to vector<2000x128xf32>
    %max3A_19 = arith.maximumf %add3A_17, %max3A_18 : vector<2000x128xf32>
    %get3A_20 = arith.constant 0 : index
    %get3A_21 = arith.constant 0 : index
    %get3A_22 = arith.constant 0 : index
    %get3A_23 = vector.load %arg4[%get3A_20, %get3A_21, %get3A_22] : memref<1x1x2000xi32, #tpu.memory_space<vmem>>, vector<1x1x2000xi32>
    %get3A_24 = vector.shape_cast %get3A_23 : vector<1x1x2000xi32> to vector<1x2000xi32>
    %iota3A = tpu.iota {dimensions = array<i32: 0>} : vector<64x1xi32>
    %eq3A = vector.broadcast %get3A_24 : vector<1x2000xi32> to vector<64x2000xi32>
    %eq3A_25 = vector.broadcast %iota3A : vector<64x1xi32> to vector<64x2000xi32>
    %eq3A_26 = arith.cmpi eq, %eq3A, %eq3A_25 : vector<64x2000xi32>
    %convert_element_type3A = arith.extui %eq3A_26 : vector<64x2000xi1> to vector<64x2000xi32>
    %convert_element_type3A_27 = arith.sitofp %convert_element_type3A : vector<64x2000xi32> to vector<64x2000xf32>
    %dot_general3A_28 = arith.constant dense<0.000000e+00> : vector<64x128xf32>
    %dot_general3A_29 = tpu.matmul %convert_element_type3A_27, %max3A_19, %dot_general3A_28 {dimension_numbers = #tpu.dot_dimension_numbers<[1], [0], [0], [1], [0, 0, 1, 1], [], []>, transpose_lhs_hint = false} : vector<64x2000xf32>, vector<2000x128xf32>, vector<64x128xf32> -> vector<64x128xf32>
    %reduce_sum3A = arith.constant dense<0.000000e+00> : vector<64xf32>
    %reduce_sum3A_30 = vector.multi_reduction <add>, %convert_element_type3A_27, %reduce_sum3A [1] : vector<64x2000xf32> to vector<64xf32>
    %broadcast_in_dim3A = vector.shape_cast %reduce_sum3A_30 : vector<64xf32> to vector<64x1xf32>
    %eq3A_31 = arith.constant 0 : i32
    %eq3A_32 = arith.cmpi eq, %arg0, %eq3A_31 : i32
    %convert_element_type3A_33 = arith.extui %eq3A_32 : i1 to i32
    %cond3A = arith.constant 0 : i32
    %cond3A_34 = arith.cmpi ne, %convert_element_type3A_33, %cond3A : i32
    scf.if %cond3A_34 {
      %swap3A = arith.constant 0 : index
      %swap3A_44 = arith.constant 0 : index
      %swap3A_45 = vector.load %arg12[%swap3A, %swap3A_44] : memref<64x128xf32, #tpu.memory_space<vmem>>, vector<64x128xf32>
      tpu.vector_store %arg12[%swap3A, %swap3A_44], %dot_general3A_29 {strides = array<i32>} : memref<64x128xf32, #tpu.memory_space<vmem>>, vector<64x128xf32>,
      %swap3A_46 = arith.constant 0 : index
      %swap3A_47 = arith.constant 0 : index
      %swap3A_48 = vector.load %arg13[%swap3A_46, %swap3A_47] : memref<64x1xf32, #tpu.memory_space<vmem>>, vector<64x1xf32>
      tpu.vector_store %arg13[%swap3A_46, %swap3A_47], %broadcast_in_dim3A {strides = array<i32>} : memref<64x1xf32, #tpu.memory_space<vmem>>, vector<64x1xf32>,
    } else {
    }
    %gt3A = arith.constant 0 : i32
    %gt3A_35 = arith.cmpi sgt, %arg0, %gt3A : i32
    %convert_element_type3A_36 = arith.extui %gt3A_35 : i1 to i32
    %cond3A_37 = arith.constant 0 : i32
    %cond3A_38 = arith.cmpi ne, %convert_element_type3A_36, %cond3A_37 : i32
    scf.if %cond3A_38 {
      %get3A_44 = arith.constant 0 : index
      %get3A_45 = arith.constant 0 : index
      %get3A_46 = vector.load %arg12[%get3A_44, %get3A_45] : memref<64x128xf32, #tpu.memory_space<vmem>>, vector<64x128xf32>
      %add3A_47 = arith.addf %get3A_46, %dot_general3A_29 : vector<64x128xf32>
      %swap3A = arith.constant 0 : index
      %swap3A_48 = arith.constant 0 : index
      %swap3A_49 = vector.load %arg12[%swap3A, %swap3A_48] : memref<64x128xf32, #tpu.memory_space<vmem>>, vector<64x128xf32>
      tpu.vector_store %arg12[%swap3A, %swap3A_48], %add3A_47 {strides = array<i32>} : memref<64x128xf32, #tpu.memory_space<vmem>>, vector<64x128xf32>,
      %get3A_50 = arith.constant 0 : index
      %get3A_51 = arith.constant 0 : index
      %get3A_52 = vector.load %arg13[%get3A_50, %get3A_51] : memref<64x1xf32, #tpu.memory_space<vmem>>, vector<64x1xf32>
      %add3A_53 = arith.addf %get3A_52, %broadcast_in_dim3A : vector<64x1xf32>
      %swap3A_54 = arith.constant 0 : index
      %swap3A_55 = arith.constant 0 : index
      %swap3A_56 = vector.load %arg13[%swap3A_54, %swap3A_55] : memref<64x1xf32, #tpu.memory_space<vmem>>, vector<64x1xf32>
      tpu.vector_store %arg13[%swap3A_54, %swap3A_55], %add3A_53 {strides = array<i32>} : memref<64x1xf32, #tpu.memory_space<vmem>>, vector<64x1xf32>,
    } else {
    }
    %eq3A_39 = arith.constant 4 : i32
    %eq3A_40 = arith.cmpi eq, %arg0, %eq3A_39 : i32
    %convert_element_type3A_41 = arith.extui %eq3A_40 : i1 to i32
    %cond3A_42 = arith.constant 0 : i32
    %cond3A_43 = arith.cmpi ne, %convert_element_type3A_41, %cond3A_42 : i32
    scf.if %cond3A_43 {
      %get3A_44 = arith.constant 0 : index
      %get3A_45 = arith.constant 0 : index
      %get3A_46 = vector.load %arg12[%get3A_44, %get3A_45] : memref<64x128xf32, #tpu.memory_space<vmem>>, vector<64x128xf32>
      %get3A_47 = arith.constant 0 : index
      %get3A_48 = arith.constant 0 : index
      %get3A_49 = vector.load %arg13[%get3A_47, %get3A_48] : memref<64x1xf32, #tpu.memory_space<vmem>>, vector<64x1xf32>
      %max3A_50 = arith.constant 1.000000e+00 : f32
      %max3A_51 = vector.broadcast %max3A_50 : f32 to vector<64x1xf32>
      %max3A_52 = arith.maximumf %get3A_49, %max3A_51 : vector<64x1xf32>
      %div3A = vector.broadcast %max3A_52 : vector<64x1xf32> to vector<64x128xf32>
      %div3A_53 = arith.divf %get3A_46, %div3A : vector<64x128xf32>
      %get3A_54 = arith.constant 0 : index
      %get3A_55 = arith.constant 0 : index
      %get3A_56 = vector.load %arg7[%get3A_54, %get3A_55] : memref<128x64xf32, #tpu.memory_space<vmem>>, vector<128x64xf32>
      %dot_general3A_57 = arith.constant dense<0.000000e+00> : vector<64x64xf32>
      %dot_general3A_58 = tpu.matmul %div3A_53, %get3A_56, %dot_general3A_57 {dimension_numbers = #tpu.dot_dimension_numbers<[1], [0], [0], [1], [0, 0, 1, 1], [], []>, transpose_lhs_hint = false} : vector<64x128xf32>, vector<128x64xf32>, vector<64x64xf32> -> vector<64x64xf32>
      %get3A_59 = arith.constant 0 : index
      %get3A_60 = arith.constant 0 : index
      %get3A_61 = vector.load %arg8[%get3A_59, %get3A_60] : memref<1x64xf32, #tpu.memory_space<vmem>>, vector<1x64xf32>
      %add3A_62 = vector.broadcast %get3A_61 : vector<1x64xf32> to vector<64x64xf32>
      %add3A_63 = arith.addf %dot_general3A_58, %add3A_62 : vector<64x64xf32>
      %max3A_64 = arith.constant 0.000000e+00 : f32
      %max3A_65 = vector.broadcast %max3A_64 : f32 to vector<64x64xf32>
      %max3A_66 = arith.maximumf %add3A_63, %max3A_65 : vector<64x64xf32>
      %get3A_67 = arith.constant 0 : index
      %get3A_68 = arith.constant 0 : index
      %get3A_69 = vector.load %arg9[%get3A_67, %get3A_68] : memref<64x10xf32, #tpu.memory_space<vmem>>, vector<64x10xf32>
      %dot_general3A_70 = arith.constant dense<0.000000e+00> : vector<64x10xf32>
      %dot_general3A_71 = tpu.matmul %max3A_66, %get3A_69, %dot_general3A_70 {dimension_numbers = #tpu.dot_dimension_numbers<[1], [0], [0], [1], [0, 0, 1, 1], [], []>, transpose_lhs_hint = false} : vector<64x64xf32>, vector<64x10xf32>, vector<64x10xf32> -> vector<64x10xf32>
      %get3A_72 = arith.constant 0 : index
      %get3A_73 = arith.constant 0 : index
      %get3A_74 = vector.load %arg10[%get3A_72, %get3A_73] : memref<1x10xf32, #tpu.memory_space<vmem>>, vector<1x10xf32>
      %add3A_75 = vector.broadcast %get3A_74 : vector<1x10xf32> to vector<64x10xf32>
      %add3A_76 = arith.addf %dot_general3A_71, %add3A_75 : vector<64x10xf32>
      %swap3A = arith.constant 0 : index
      %swap3A_77 = arith.constant 0 : index
      %swap3A_78 = vector.load %arg11[%swap3A, %swap3A_77] : memref<64x10xf32, #tpu.memory_space<vmem>>, vector<64x10xf32>
      tpu.vector_store %arg11[%swap3A, %swap3A_77], %add3A_76 {strides = array<i32>} : memref<64x10xf32, #tpu.memory_space<vmem>>, vector<64x10xf32>,
    } else {
    }
    return
  }
  func.func @transform_0(%arg0: i32) -> (i32, i32) {
    %c0_i32 = arith.constant 0 : i32
    %c0_i32_0 = arith.constant 0 : i32
    return %arg0, %c0_i32 : i32, i32
  }
  func.func @transform_1(%arg0: i32) -> (i32, i32) {
    %c0_i32 = arith.constant 0 : i32
    %c0_i32_0 = arith.constant 0 : i32
    return %arg0, %c0_i32 : i32, i32
  }
  func.func @transform_2(%arg0: i32) -> (i32, i32) {
    %c0_i32 = arith.constant 0 : i32
    %c0_i32_0 = arith.constant 0 : i32
    return %arg0, %c0_i32 : i32, i32
  }
  func.func @transform_3(%arg0: i32) -> (i32, i32, i32) {
    %c0_i32 = arith.constant 0 : i32
    %c0_i32_0 = arith.constant 0 : i32
    %c0_i32_1 = arith.constant 0 : i32
    return %arg0, %c0_i32, %c0_i32_0 : i32, i32, i32
  }
  func.func @transform_4(%arg0: i32) -> (i32, i32) {
    %c0_i32 = arith.constant 0 : i32
    %c0_i32_0 = arith.constant 0 : i32
    %c0_i32_1 = arith.constant 0 : i32
    return %c0_i32, %c0_i32_0 : i32, i32
  }
  func.func @transform_5(%arg0: i32) -> (i32, i32) {
    %c0_i32 = arith.constant 0 : i32
    %c0_i32_0 = arith.constant 0 : i32
    %c0_i32_1 = arith.constant 0 : i32
    return %c0_i32, %c0_i32_0 : i32, i32
  }
  func.func @transform_6(%arg0: i32) -> (i32, i32) {
    %c0_i32 = arith.constant 0 : i32
    %c0_i32_0 = arith.constant 0 : i32
    %c0_i32_1 = arith.constant 0 : i32
    return %c0_i32, %c0_i32_0 : i32, i32
  }
  func.func @transform_7(%arg0: i32) -> (i32, i32) {
    %c0_i32 = arith.constant 0 : i32
    %c0_i32_0 = arith.constant 0 : i32
    %c0_i32_1 = arith.constant 0 : i32
    return %c0_i32, %c0_i32_0 : i32, i32
  }
  func.func @transform_8(%arg0: i32) -> (i32, i32) {
    %c0_i32 = arith.constant 0 : i32
    %c0_i32_0 = arith.constant 0 : i32
    %c0_i32_1 = arith.constant 0 : i32
    return %c0_i32, %c0_i32_0 : i32, i32
  }
  func.func @transform_9(%arg0: i32) -> (i32, i32) {
    %c0_i32 = arith.constant 0 : i32
    %c0_i32_0 = arith.constant 0 : i32
    %c0_i32_1 = arith.constant 0 : i32
    return %c0_i32, %c0_i32_0 : i32, i32
  }
  func.func @transform_10(%arg0: i32) -> (i32, i32) {
    %c0_i32 = arith.constant 0 : i32
    %c0_i32_0 = arith.constant 0 : i32
    %c0_i32_1 = arith.constant 0 : i32
    return %c0_i32, %c0_i32_0 : i32, i32
  }
}

</mosaic_0001>

<sc_bundles>
// kernel: kernel.10.cloned.1.call-start
scs
__scs_entry_jumppad:
0x0: {  	(pc) =	sbr.rel $0x88, $3  }
0x1: {  	(tag) =	ssettag $0x0;
	lr =	simm.s32 $0x1  }
0x2: {  	[smem:$0x3F98] =	sst lr;
	_ =	strace $0xD0000000  }
0x3: {  	_ = 	snop  }
0x4: {  	_ = 	snop  }
0x5: {  	_ = 	snop  }
0x6: {  	_ = 	snop  }
0x7: {  	_ = 	snop  }
__scs_overlays_trampoline_lowered:
0x8: {  	[smem:$0x3FA7] =	sst s0  }
0x9: {  	[smem:$0x3FA8] =	sst s1  }
0xa: {  	[smem:$0x3FA9] =	sst s2  }
0xb: {  	[smem:$0x3FAA] =	sst s3  }
0xc: {  	[smem:$0x3FAB] =	sst s4  }
0xd: {  	[smem:$0x3FAC] =	sst s5  }
0xe: {  	[smem:$0x3FAD] =	sst s6  }
0xf: {  	[smem:$0x3FAE] =	sst s7  }
0x10: {  	[smem:$0x3FAF] =	sst s8  }
0x11: {  	[smem:$0x3FB0] =	sst s9;
	s0 =	simm.s32 @!p0 $0x0  }
0x12: {  	s1 =	sld [smem:$0x3F96];
	s0 =	simm.s32 @p0 $0x1  }
0x13: {  	[smem:$0x3FB1] =	sst s0;
	s0 =	simm.s32 @!p1 $0x0  }
0x14: {  	s2 =	sld [smem:$0x3F95];
	s0 =	simm.s32 @p1 $0x1  }
0x15: {  	[smem:$0x3FB2] =	sst s0;
	s0 =	simm.s32 @!p2 $0x0  }
0x16: {  	s3 =	sld [smem:$0x3FDB];
	s0 =	simm.s32 @p2 $0x1  }
0x17: {  	s4 =	simm.s32 $0x1BF5;
	[smem:$0x3FB4] =	sst s0  }
0x18: {  	s0 =	sld [smem:$0x3F97];
	_ =	swait.ge [sflag:s4], $0x0  }
0x19: {  	s7 =	sld [smem:$0x3F98]  }
0x1a: {  	s8 =	sadd.s32 $0xFFFFE003, lr  }
0x1b: {  	s9 =	sadd.s32 $0xFFFFFEF7, lr;
	s5 =	simm.s32 $0xFFFFFFFF;
	p2 =	slt.u32 s8, $0xFFFFF086  }
0x1c: {  	p1 =	slt.u32 s9, $0xF7A;
	s5 =	simm.s32 @!p2 $0x0  }
0x1d: {  	s5 =	simm.s32 @p1 $0x1;
	p0 =	seq.s32 s7, s2  }
0x1e: {  	s7 =	smul.u32 @!p0 $0xF7A, s2;
	p2 =	seq.s32 @!p0 s5, $0x0  }
0x1f: {  	s9 =	smul.u32 $0xF7A, s1;
	s8 =	simm.s32 @!p0 $0x1BF5;
	p2 =	por !p2, p0  }
0x20: {  	[sflag:s8] =	ssyncset.s32 @!p0 $0xFFFFF086;
	s6 =	sadd.s32 @!p0 s3, s7;
	s7 =	simm.s32 @!p0 $0x108  }
0x21: {  	s3 =	sadd.s32 s3, s9;
	s6 =	sadd.s32 @!p0 $0x88, s6;
	s7 =	simm.s32 @p2 $0x1082  }
0x22: {  	[simem:s7], [sflag:s8] =	dma.local @!p0 [hbm:s6], $0xF7A  }
0x23: {  	s9 =	sor.u32 $0xD0000000, s2;
	s6 =	simm.s32 $0x108;
	_ =	swait.ge @!p0 [sflag:s8], $0x0  }
0x24: {  	s3 =	sadd.s32 $0x88, s3;
	s6 =	simm.s32 @!p1 $0x1082;
	[sflag:s4] =	ssyncset.s32 $0xFFFFF086  }
0x25: {  	[simem:s6], [sflag:s4] =	dma.local [hbm:s3], $0xF7A  }
0x26: {  	[smem:$0x3F98] =	sst s1;
	(tag) =	ssettag s2;
	_ =	strace s9  }
0x27: {  	s1 =	sld [smem:$0x3FA8]  }
0x28: {  	s2 =	sld [smem:$0x3FA9]  }
0x29: {  	s4 =	sld [smem:$0x3FAB]  }
0x2a: {  	p0 =	seq.s32 s5, $0x0;
	s5 =	sld [smem:$0x3FAC]  }
0x2b: {  	s6 =	sld [smem:$0x3FAD]  }
0x2c: {  	s7 =	sld [smem:$0x3FAE]  }
0x2d: {  	s3 =	simm.s32 $0x108;
	s8 =	sld [smem:$0x3FAF]  }
0x2e: {  	s3 =	simm.s32 @!p0 $0x1082;
	s9 =	sld [smem:$0x3FB0]  }
0x2f: {  	lr =	sadd.s32 s0, s3;
	s0 =	sld [smem:$0x3FA7]  }
0x30: {  	s3 =	sld [smem:$0x3FAA]  }
0x31: {  	[smem:$0x3FB3] =	sst s10  }
0x32: {  	s10 =	sld [smem:$0x3FB1];
	_ =	sdelay $0x3  }
0x33: {  	p0 =	seq.s32 s10, $0x1;
	s10 =	sld [smem:$0x3FB3];
	_ =	sdelay $0x3  }
0x34: {  	[smem:$0x3FB3] =	sst s10  }
0x35: {  	s10 =	sld [smem:$0x3FB2];
	_ =	sdelay $0x3  }
0x36: {  	p1 =	seq.s32 s10, $0x1;
	s10 =	sld [smem:$0x3FB3];
	_ =	sdelay $0x3  }
0x37: {  	[smem:$0x3FB3] =	sst s10  }
0x38: {  	s10 =	sld [smem:$0x3FB4]  }
0x39: {  	_ = 	snop;
	(pc) =	sbr.ind lr, $3  }
0x3a: {  	_ = 	snop  }
0x3b: {  	_ = 	snop  }
0x3c: {  	p2 =	seq.s32 s10, $0x1;
	s10 =	sld [smem:$0x3FB3]  }
0x3d: {  	_ =	shalt  }
0x3e: {  	_ =	shalt  }
0x3f: {  	_ =	shalt  }
0x40: {  	_ =	shalt  }
0x41: {  	_ =	shalt  }
0x42: {  	_ =	shalt  }
0x43: {  	_ =	shalt  }
0x44: {  	_ =	shalt  }
0x45: {  	_ =	shalt  }
0x46: {  	_ =	shalt  }
0x47: {  	_ =	shalt  }
0x48: {  	_ =	shalt  }
0x49: {  	_ =	shalt  }
0x4a: {  	_ =	shalt  }
0x4b: {  	_ =	shalt  }
0x4c: {  	_ =	shalt  }
0x4d: {  	_ =	shalt  }
0x4e: {  	_ =	shalt  }
0x4f: {  	_ =	shalt  }
0x50: {  	_ =	shalt  }
0x51: {  	_ =	shalt  }
0x52: {  	_ =	shalt  }
0x53: {  	_ =	shalt  }
0x54: {  	_ =	shalt  }
0x55: {  	_ =	shalt  }
0x56: {  	_ =	shalt  }
0x57: {  	_ =	shalt  }
0x58: {  	_ =	shalt  }
0x59: {  	_ =	shalt  }
0x5a: {  	_ =	shalt  }
0x5b: {  	_ =	shalt  }
0x5c: {  	_ =	shalt  }
0x5d: {  	_ =	shalt  }
0x5e: {  	_ =	shalt  }
0x5f: {  	_ =	shalt  }
0x60: {  	_ =	shalt  }
0x61: {  	_ =	shalt  }
0x62: {  	_ =	shalt  }
0x63: {  	_ =	shalt  }
0x64: {  	_ =	shalt  }
0x65: {  	_ =	shalt  }
0x66: {  	_ =	shalt  }
0x67: {  	_ =	shalt  }
0x68: {  	_ =	shalt  }
0x69: {  	_ =	shalt  }
0x6a: {  	_ =	shalt  }
0x6b: {  	_ =	shalt  }
0x6c: {  	_ =	shalt  }
0x6d: {  	_ =	shalt  }
0x6e: {  	_ =	shalt  }
0x6f: {  	_ =	shalt  }
0x70: {  	_ =	shalt  }
0x71: {  	_ =	shalt  }
0x72: {  	_ =	shalt  }
0x73: {  	_ =	shalt  }
0x74: {  	_ =	shalt  }
0x75: {  	_ =	shalt  }
0x76: {  	_ =	shalt  }
0x77: {  	_ =	shalt  }
0x78: {  	_ =	shalt  }
0x79: {  	_ =	shalt  }
0x7a: {  	_ =	shalt  }
0x7b: {  	_ =	shalt  }
0x7c: {  	_ =	shalt  }
0x7d: {  	_ =	shalt  }
0x7e: {  	_ =	shalt  }
0x7f: {  	_ =	shalt  }
0x80: {  	_ =	shalt  }
0x81: {  	_ =	shalt  }
0x82: {  	_ =	shalt  }
0x83: {  	_ =	shalt  }
0x84: {  	_ =	shalt  }
0x85: {  	_ =	shalt  }
0x86: {  	_ =	shalt  }
0x87: {  	_ =	shalt  }
.Lfunc_end0:
.L_simem_size_0:
called_computation_lowered:
.L_overlay_start_0:
0x88: {  	s2 =	sld [smem:$0x3FD9]  }
0x89: {  	s3 =	sld [smem:$0x3FFE];
	_ =	sdelay $0x1  }
0x8a: {  	s1 =	srdreg.scid  }
0x8b: {  	s0 =	sand.u32 $0x1, s1  }
0x8c: {  	s16 =	sshll.u32 s0, $0xA;
	s2 =	sadd.s32 s3, s2  }
0x8d: {  	s2 =	sadd.s32 s2, s16  }
0x8e: {  	[smem:$0x3FBF] =	sst s2  }
0x8f: {  	_ = 	snop  }
0x90: {  	(tm) =	ssettm $0x1  }
0x91: {  	s17 =	sld [smem:$0x3FFB];
	_ =	sdelay $0x3  }
0x92: {  	_ =	strace s17  }
0x93: {  	s2 =	sld [smem:$0x3FFC];
	_ =	sdelay $0x3  }
0x94: {  	_ =	strace s2  }
0x95: {  	s2 =	sld [smem:$0x3FFD];
	_ =	sdelay $0x3  }
0x96: {  	_ =	strace s2  }
0x97: {  	_ =	strace $0x8FFFFFFF  }
0x98: {  	s18 =	sld [smem:$0x3FDB];
	_ =	sdelay $0x1  }
0x99: {  	s19 =	simm.s32 $_scs_section_size  }
0x9a: {  	s4 =	simm.s32 $_size__tile_overlayer_lowered;
	s5 =	simm.s32 $_tile_overlayer_lowered  }
0x9b: {  	s22 =	simm.s32 $0x1BFF;
	s21 =	sshll.u32 s5, $0x1;
	s2 =	sadd.s32 s19, s18  }
0x9c: {  	s6 =	simm.s32 $0x0;
	s20 =	sshll.u32 s4, $0x1;
	s4 =	sadd.s32 s21, s2  }
0x9d: {  	[timem:s6], [sflag:s22] =	dma.local [hbm:s4], s20  }
0x9e: {  	_ =	swait.ge [sflag:s22], s20  }
0x9f: {  	s3 =	ssub.s32 $0x0, s20;
	[sflag:s22] =	ssyncset.done $0x0  }
0xa0: {  	[sflag:s22] =	ssyncadd.s32 s3;
	_ =	sdelay $0x1  }
0xa1: {  	s23 =	simm.s32 $0x1B8B  }
0xa2: {  	_ =	swait.ge [sflag:s23], $0x1  }
0xa3: {  	[sflag:s23] =	ssyncset.done $0x0  }
0xa4: {  	s25 =	simm.s32 $0x1B8E;
	s24 =	sld [smem:$0x3FFE];
	[sflag:s23] =	ssyncadd.s32 $0xFFFFFFFF  }
0xa5: {  	s26 =	simm.s32 $execute0_lowered;
	[smem:$0x3FD2] =	sst s25  }
0xa6: {  	s4 =	sshll.u32 s26, $0x1;
	_ =	strace $0x80000046;
	[dreg:$0x1] =	wrdreg $0xFFFFFFFF  }
0xa7: {  	s28 =	simm.s32 $_size_execute0_lowered;
	s2 =	sadd.s32 s2, s4;
	[dreg:$0x0] =	wrdreg $0x0  }
0xa8: {  	s4 =	sshll.u32 s28, $0x1;
	[dreg:$0x2] =	wrdreg s2  }
0xa9: {  	[dreg:$0x3] =	wrdreg s4  }
0xaa: {  	[dreg:$0x4] =	wrdreg $0xC0  }
0xab: {  	_ =	task [dreg:s6], $0x5FFFF  }
0xac: {  	[dreg:$0x1] =	wrdreg $0xFFFFFFFF  }
0xad: {  	[dreg:$0x0] =	wrdreg $0x60  }
0xae: {  	[dreg:$0x2] =	wrdreg s24  }
0xaf: {  	[dreg:$0x3] =	wrdreg $0x68000  }
0xb0: {  	[dreg:$0x4] =	wrdreg $0x9  }
0xb1: {  	_ =	task.clear_ibuf [dreg:s6], $0x5FFFF;
	_ =	strace $0x90000046  }
0xb2: {  	s29 =	simm.s32 $0x9;
	_ =	strace $0x80000048  }
0xb3: {  	_ =	swait.ge [sflag:s29], $0x1  }
0xb4: {  	[sflag:s29] =	ssyncadd.s32 $0xFFFFFFFF  }
0xb5: {  	_ =	strace $0x90000048  }
0xb6: {  	_ =	sfence  }
0xb7: {  	s30 =	sld [smem:$0x0];
	_ =	sdelay $0x2  }
0xb8: {  	s31 =	sshll.u32 s1, $0xD;
	s1 =	sshrl.u32 s1, $0x2  }
0xb9: {  	s3 =	sand.u32 $0x4000, s31;
	s1 =	sadd.s32 s1, s30  }
0xba: {  	s0 =	sor.u32 s3, s0;
	s1 =	sshll.u32 s1, $0x11  }
0xbb: {  	s0 =	sor.u32 s1, s0  }
0xbc: {  	s0 =	sadd.s32 $0x8F2B, s0  }
0xbd: {  	[sflag:s0] =	ssyncadd.remote.s32 $0x1  }
0xbe: {  	_ =	sfence.sel $0xFFFF  }
0xbf: {  	[dreg:$0x0] =	wrdreg $0xFFFFFFFF;
	(pc) =	sbr.abs _section_cstart, $3  }
0xc0: {  	[dreg:$0x1] =	wrdreg $0xFFFFFFFF  }
0xc1: {  	_ =	task.clear_ibuf [dreg:s6], $0x2FFFF;
	_ =	strace $0x9FFFFFFF  }
0xc2: {  	(tm) =	ssettm $0x7FFFFFFF  }
0xc3: {  	_ =	shalt  }
tec
execute0_lowered:
.L_overlay_start_1:
0x0: {  	(tag) =	ssettag $0x1  }
0x1: {  	s6 =	rddreg [dreg:$0x0]  }
0x2: {  	s2 =	rddreg [dreg:$0x1]  }
0x3: {  	s0 =	stileid.u32;
	s4 =	srdreg.scid  }
0x4: {  	s1 =	rddreg [dreg:$0x2];
	s3 =	simm.s32 $0x0;
	s14 =	simm.s32 $0x50  }
0x5: {  	s15 =	simm.s32 $0x4000;
	s16 =	simm.s32 $0x80;
	s5 =	smul.u32 $0xA, s0  }
0x6: {  	s17 =	simm.s32 $0x1;
	s18 =	simm.s32 $0x0;
	s7 =	smul.u32 $0x13800, s0  }
0x7: {  	s4 =	sand.u32 $0x1, s4;
	[smem:$0x7FF] =	sst s3;
	s9 =	smul.u32 $0x4E000, s0  }
0x8: {  	s10 =	sadd.s32 $0x39800, s6;
	p0 =	sne.s32 s0, $0xF;
	s31 =	sshll.u32 s0, $0x6  }
0x9: {  	_ =	strace $0x80000047;
	s11 =	ssub.s32 $0x2, s4;
	s13 =	smul.u32 $0x138800, s4  }
0xa: {  	s5 =	sor.u32 s4, s5;
	s8 =	sshrl.u32 s7, $0x3;
	s12 =	sshrl.u32 s11, $0x1  }
0xb: {  	s9 =	sshrl.u32 s9, $0x2;
	s5 =	sshll.u32 s5, $0xB;
	s8 =	sadd.s32 s8, s6  }
0xc: {  	s11 =	ssub.s32 s11, s12;
	s29 =	sadd.s32 s9, s2;
	s7 =	sadd.s32 s7, s13  }
0xd: {  	s30 =	sshrl.u32 s13, $0x3;
	s13 =	sadd.s32 $0x138000, s2;
	s5 =	sadd.s32 s5, s6  }
0xe: {  	s7 =	sshrl.u32 s7, $0x3;
	s6 =	sadd.s32 $0x39600, s6;
	s9 =	smax.u32 s11, $0x1  }
0xf: {  	s11 =	sor.u32 $0x1C02, s31;
	s12 =	sshrl.u32 s29, $0x3;
	s13 =	sshrl.u32 @!p0 s13, $0x3  }
0x10: {  	s4 =	sadd.s32 $0x2600, s5;
	s5 =	sadd.s32 $0x12600, s8;
	s8 =	sadd.s32 s10, s30  }
0x11: {  	v0 =	vimm.f32 $1.000000000e+00;
	s7 =	sadd.s32 s10, s7;
	s10 =	simm.s32 $0x2;
	s8 =	sadd.s32 $0x27000, s8  }
.LBB2_1:
0x12: {  	[tilespmem:s3], [sflag:$0x2] =	stream.linear.gather [hbm4b:s4+s3], $0x3E80, $0x38;
	[tilespmem:$0x8F10] =	vst v63  }
0x13: {  	_ =	swait.ge [sflag:s10], $0x3E80  }
0x14: {  	[sflag:s10] =	ssyncset.done $0x0  }
0x15: {  	[sflag:s10] =	ssyncadd.s32 $0xFFFFC180  }
0x16: {  	[spmem:s12], [sflag:s11] =	dma.local [hbm:s5], $0x2700  }
0x17: {  	_ =	swait.ge [sflag:s10], $0x2700  }
0x18: {  	[sflag:s10] =	ssyncset.done $0x0  }
0x19: {  	s19 =	simm.s32 @!p0 $0x2;
	[sflag:s10] =	ssyncadd.s32 $0xFFFFD900  }
0x1a: {  	[spmem:s13], [sflag:s11] =	dma.local @!p0 [hbm:s6], $0x100  }
0x1b: {  	_ =	swait.ge @!p0 [sflag:s19], $0x100  }
0x1c: {  	[sflag:s19] =	ssyncset.done @!p0 $0x0  }
0x1d: {  	[sflag:s19] =	ssyncadd.s32 @!p0 $0xFFFFFF00  }
0x1e: {  	[tilespmem:$0x4000] =	vst v0  }
0x1f: {  	[tilespmem:$0x4080] =	vst v0  }
0x20: {  	[tilespmem:$0x4100] =	vst v0  }
0x21: {  	[tilespmem:$0x4180] =	vst v0  }
0x22: {  	[tilespmem:$0x4200] =	vst v0  }
0x23: {  	[tilespmem:$0x4280] =	vst v0  }
0x24: {  	[tilespmem:$0x4300] =	vst v0  }
0x25: {  	[tilespmem:$0x4380] =	vst v0  }
0x26: {  	[tilespmem:$0x4400] =	vst v0  }
0x27: {  	[tilespmem:$0x4480] =	vst v0  }
0x28: {  	[tilespmem:$0x4500] =	vst v0  }
0x29: {  	[tilespmem:$0x4580] =	vst v0  }
0x2a: {  	[tilespmem:$0x4600] =	vst v0  }
0x2b: {  	[tilespmem:$0x4680] =	vst v0  }
0x2c: {  	[tilespmem:$0x4700] =	vst v0  }
0x2d: {  	[tilespmem:$0x4780] =	vst v0  }
0x2e: {  	[tilespmem:$0x4800] =	vst v0  }
0x2f: {  	[tilespmem:$0x4880] =	vst v0  }
0x30: {  	[tilespmem:$0x4900] =	vst v0  }
0x31: {  	[tilespmem:$0x4980] =	vst v0  }
0x32: {  	[tilespmem:$0x4A00] =	vst v0  }
0x33: {  	[tilespmem:$0x4A80] =	vst v0  }
0x34: {  	[tilespmem:$0x4B00] =	vst v0  }
0x35: {  	[tilespmem:$0x4B80] =	vst v0  }
0x36: {  	[tilespmem:$0x4C00] =	vst v0  }
0x37: {  	[tilespmem:$0x4C80] =	vst v0  }
0x38: {  	[tilespmem:$0x4D00] =	vst v0  }
0x39: {  	[tilespmem:$0x4D80] =	vst v0  }
0x3a: {  	[tilespmem:$0x4E00] =	vst v0  }
0x3b: {  	[tilespmem:$0x4E80] =	vst v0  }
0x3c: {  	[tilespmem:$0x4F00] =	vst v0  }
0x3d: {  	[tilespmem:$0x4F80] =	vst v0  }
0x3e: {  	[tilespmem:$0x5000] =	vst v0  }
0x3f: {  	[tilespmem:$0x5080] =	vst v0  }
0x40: {  	[tilespmem:$0x5100] =	vst v0  }
0x41: {  	[tilespmem:$0x5180] =	vst v0  }
0x42: {  	[tilespmem:$0x5200] =	vst v0  }
0x43: {  	[tilespmem:$0x5280] =	vst v0  }
0x44: {  	[tilespmem:$0x5300] =	vst v0  }
0x45: {  	[tilespmem:$0x5380] =	vst v0  }
0x46: {  	[tilespmem:$0x5400] =	vst v0  }
0x47: {  	[tilespmem:$0x5480] =	vst v0  }
0x48: {  	[tilespmem:$0x5500] =	vst v0  }
0x49: {  	[tilespmem:$0x5580] =	vst v0  }
0x4a: {  	[tilespmem:$0x5600] =	vst v0  }
0x4b: {  	[tilespmem:$0x5680] =	vst v0  }
0x4c: {  	[tilespmem:$0x5700] =	vst v0  }
0x4d: {  	[tilespmem:$0x5780] =	vst v0  }
0x4e: {  	[tilespmem:$0x5800] =	vst v0  }
0x4f: {  	[tilespmem:$0x5880] =	vst v0  }
0x50: {  	[tilespmem:$0x5900] =	vst v0  }
0x51: {  	[tilespmem:$0x5980] =	vst v0  }
0x52: {  	[tilespmem:$0x5A00] =	vst v0  }
0x53: {  	[tilespmem:$0x5A80] =	vst v0  }
0x54: {  	[tilespmem:$0x5B00] =	vst v0  }
0x55: {  	[tilespmem:$0x5B80] =	vst v0  }
0x56: {  	[tilespmem:$0x5C00] =	vst v0  }
0x57: {  	[tilespmem:$0x5C80] =	vst v0  }
0x58: {  	[tilespmem:$0x5D00] =	vst v0  }
0x59: {  	[tilespmem:$0x5D80] =	vst v0  }
0x5a: {  	[tilespmem:$0x5E00] =	vst v0  }
0x5b: {  	[tilespmem:$0x5E80] =	vst v0  }
0x5c: {  	[tilespmem:$0x5F00] =	vst v0  }
0x5d: {  	[tilespmem:$0x5F80] =	vst v0  }
0x5e: {  	[tilespmem:$0x6000] =	vst v0  }
0x5f: {  	[tilespmem:$0x6080] =	vst v0  }
0x60: {  	[tilespmem:$0x6100] =	vst v0  }
0x61: {  	[tilespmem:$0x6180] =	vst v0  }
0x62: {  	[tilespmem:$0x6200] =	vst v0  }
0x63: {  	[tilespmem:$0x6280] =	vst v0  }
0x64: {  	[tilespmem:$0x6300] =	vst v0  }
0x65: {  	[tilespmem:$0x6380] =	vst v0  }
0x66: {  	[tilespmem:$0x6400] =	vst v0  }
0x67: {  	[tilespmem:$0x6480] =	vst v0  }
0x68: {  	[tilespmem:$0x6500] =	vst v0  }
0x69: {  	[tilespmem:$0x6580] =	vst v0  }
0x6a: {  	[tilespmem:$0x6600] =	vst v0  }
0x6b: {  	[tilespmem:$0x6680] =	vst v0  }
0x6c: {  	[tilespmem:$0x6700] =	vst v0  }
0x6d: {  	[tilespmem:$0x6780] =	vst v0  }
0x6e: {  	[bflag:$0x0] =	sbarrier.arrive $0xFFFF  }
0x6f: {  	[spmem:s2] =	stream.indirect.scatter.add.f32 [tilespmem:s15], [sflag:$0x1], $0x10, s3, s14, $0xb8;
	[tilespmem:$0x8F10] =	vst v63  }
0x70: {  	_ = 	snop  }
0x71: {  	[spmem:s2] =	stream.indirect.scatter.add.f32 [tilespmem:s15], [sflag:$0x1], $0x10, s16, s14, $0xb8;
	[tilespmem:$0x8F10] =	vst v63  }
0x72: {  	s31 =	simm.s32 $0x100  }
0x73: {  	[spmem:s2] =	stream.indirect.scatter.add.f32 [tilespmem:s15], [sflag:$0x1], $0x10, s31, s14, $0xb8;
	[tilespmem:$0x8F10] =	vst v63  }
0x74: {  	_ =	swait.ge [sflag:s17], $0x500  }
0x75: {  	s19 =	simm.s32 $0x600;
	[sflag:s17] =	ssyncset.done $0x0  }
.LBB2_2:
0x76: {  	s20 =	sshra.s32 s19, $0x2;
	[sflag:s17] =	ssyncadd.s32 $0xFFFFFB00;
	p1 =	sne.s32 s19, $0xF800  }
0x77: {  	[spmem:s2] =	stream.indirect.scatter.add.f32 [tilespmem:s15], [sflag:$0x1], $0x10, s20, s14, $0xb8;
	[tilespmem:$0x8F10] =	vst v63  }
.Ltmp0:
0x78: {  	_ = 	snop;
	(pc) =	sbr.rel @p1 .LBB2_2-.Ltmp0, $4  }
0x79: {  	_ = 	snop  }
0x7a: {  	s19 =	sadd.s32 $0x200, s19  }
0x7b: {  	_ =	swait.ge [sflag:s17], $0x500  }
0x7c: {  	[sflag:s17] =	ssyncset.done $0x0  }
0x7d: {  	[sflag:s17] =	ssyncadd.s32 $0xFFFFFB00  }
0x7e: {  	_ =	swait.ge [sflag:s17], $0x500  }
0x7f: {  	[sflag:s17] =	ssyncset.done $0x0  }
0x80: {  	[sflag:s17] =	ssyncadd.s32 $0xFFFFFB00  }
0x81: {  	_ =	swait.ge [sflag:s17], $0x500  }
0x82: {  	[sflag:s17] =	ssyncset.done $0x0  }
0x83: {  	[sflag:s17] =	ssyncadd.s32 $0xFFFFFB00  }
0x84: {  	[bflag:$0x0] =	sbarrier.arrive $0xFFFF  }
0x85: {  	[hbm:s7], [sflag:s11] =	dma.local [spmem:s12], $0x2700  }
0x86: {  	s18 =	sadd.s32 $0x1, s18;
	_ =	swait.ge [sflag:s10], $0x2700  }
0x87: {  	p1 =	sne.s32 s18, s9;
	[sflag:s10] =	ssyncset.done $0x0  }
.Ltmp1:
0x88: {  	s19 =	simm.s32 @!p0 $0x2;
	[sflag:s10] =	ssyncadd.s32 $0xFFFFD900;
	(pc) =	sbr.rel @p1 .LBB2_1-.Ltmp1, $4  }
0x89: {  	[hbm:s8], [sflag:s11] =	dma.local @!p0 [spmem:s13], $0x100  }
0x8a: {  	_ =	swait.ge @!p0 [sflag:s19], $0x100  }
0x8b: {  	[sflag:s19] =	ssyncset.done @!p0 $0x0  }
0x8c: {  	[sflag:s19] =	ssyncadd.s32 @!p0 $0xFFFFFF00  }
0x8d: {  	_ =	sfence.sel $0x180000  }
0x8e: {  	[bflag:$0x0] =	sbarrier.arrive $0xFFFF  }
0x8f: {  	p0 =	sne.s32 s0, $0x0;
	_ =	strace $0x90000047  }
0x90: {  	s0 =	sadd.s32 @!p0 $0x100000, s1;
	[bflag:$0x2] =	sbarrier.arrive $0xFFFF  }
0x91: {  	[sflag:s0] =	ssyncadd.tile.s32 @!p0 $0x1;
	_ =	shalt  }
.Lfunc_end2:
_tile_overlayer_lowered:
.L_overlay_start_2:
0x92: {  	(tag) =	ssettag $0x2  }
0x93: {  	s0 =	rddreg [dreg:$0x0];
	s2 =	stileid.u32  }
0x94: {  	s1 =	rddreg [dreg:$0x1];
	p0 =	sne.s32 s2, $0x0  }
0x95: {  	s3 =	rddreg [dreg:$0x2];
	[bflag:$0x3] =	sbarrier.arrive $0xFFFF;
	s2 =	simm.s32 @!p0 $0x1C02  }
0x96: {  	[timem:s3], [sflag:s2] =	dma.local @!p0 [hbm:s0], s1  }
0x97: {  	s0 =	simm.s32 @!p0 $0x2  }
0x98: {  	_ =	swait.ge @!p0 [sflag:s0], s1  }
0x99: {  	s1 =	ssub.s32 @!p0 $0x0, s1;
	[sflag:s0] =	ssyncset.done @!p0 $0x0  }
0x9a: {  	[sflag:s0] =	ssyncadd.s32 @!p0 s1  }
0x9b: {  	[bflag:$0x3] =	sbarrier.arrive $0xFFFF  }
0x9c: {  	_ =	shalt  }

// kernel: kernel.13.cloned.1.call-start
scs
__scs_entry_jumppad:
0x0: {  	(pc) =	sbr.rel $0x88, $3  }
0x1: {  	(tag) =	ssettag $0x0;
	lr =	simm.s32 $0x1  }
0x2: {  	[smem:$0x3F98] =	sst lr;
	_ =	strace $0xD0000000  }
0x3: {  	_ = 	snop  }
0x4: {  	_ = 	snop  }
0x5: {  	_ = 	snop  }
0x6: {  	_ = 	snop  }
0x7: {  	_ = 	snop  }
__scs_overlays_trampoline_lowered:
0x8: {  	[smem:$0x3FA7] =	sst s0  }
0x9: {  	[smem:$0x3FA8] =	sst s1  }
0xa: {  	[smem:$0x3FA9] =	sst s2  }
0xb: {  	[smem:$0x3FAA] =	sst s3  }
0xc: {  	[smem:$0x3FAB] =	sst s4  }
0xd: {  	[smem:$0x3FAC] =	sst s5  }
0xe: {  	[smem:$0x3FAD] =	sst s6  }
0xf: {  	[smem:$0x3FAE] =	sst s7  }
0x10: {  	[smem:$0x3FAF] =	sst s8  }
0x11: {  	[smem:$0x3FB0] =	sst s9;
	s0 =	simm.s32 @!p0 $0x0  }
0x12: {  	s1 =	sld [smem:$0x3F96];
	s0 =	simm.s32 @p0 $0x1  }
0x13: {  	[smem:$0x3FB1] =	sst s0;
	s0 =	simm.s32 @!p1 $0x0  }
0x14: {  	s2 =	sld [smem:$0x3F95];
	s0 =	simm.s32 @p1 $0x1  }
0x15: {  	[smem:$0x3FB2] =	sst s0;
	s0 =	simm.s32 @!p2 $0x0  }
0x16: {  	s3 =	sld [smem:$0x3FDB];
	s0 =	simm.s32 @p2 $0x1  }
0x17: {  	s4 =	simm.s32 $0x1BF5;
	[smem:$0x3FB4] =	sst s0  }
0x18: {  	s0 =	sld [smem:$0x3F97];
	_ =	swait.ge [sflag:s4], $0x0  }
0x19: {  	s7 =	sld [smem:$0x3F98]  }
0x1a: {  	s8 =	sadd.s32 $0xFFFFE003, lr  }
0x1b: {  	s9 =	sadd.s32 $0xFFFFFEF7, lr;
	s5 =	simm.s32 $0xFFFFFFFF;
	p2 =	slt.u32 s8, $0xFFFFF086  }
0x1c: {  	p1 =	slt.u32 s9, $0xF7A;
	s5 =	simm.s32 @!p2 $0x0  }
0x1d: {  	s5 =	simm.s32 @p1 $0x1;
	p0 =	seq.s32 s7, s2  }
0x1e: {  	s7 =	smul.u32 @!p0 $0xF7A, s2;
	p2 =	seq.s32 @!p0 s5, $0x0  }
0x1f: {  	s9 =	smul.u32 $0xF7A, s1;
	s8 =	simm.s32 @!p0 $0x1BF5;
	p2 =	por !p2, p0  }
0x20: {  	[sflag:s8] =	ssyncset.s32 @!p0 $0xFFFFF086;
	s6 =	sadd.s32 @!p0 s3, s7;
	s7 =	simm.s32 @!p0 $0x108  }
0x21: {  	s3 =	sadd.s32 s3, s9;
	s6 =	sadd.s32 @!p0 $0x88, s6;
	s7 =	simm.s32 @p2 $0x1082  }
0x22: {  	[simem:s7], [sflag:s8] =	dma.local @!p0 [hbm:s6], $0xF7A  }
0x23: {  	s9 =	sor.u32 $0xD0000000, s2;
	s6 =	simm.s32 $0x108;
	_ =	swait.ge @!p0 [sflag:s8], $0x0  }
0x24: {  	s3 =	sadd.s32 $0x88, s3;
	s6 =	simm.s32 @!p1 $0x1082;
	[sflag:s4] =	ssyncset.s32 $0xFFFFF086  }
0x25: {  	[simem:s6], [sflag:s4] =	dma.local [hbm:s3], $0xF7A  }
0x26: {  	[smem:$0x3F98] =	sst s1;
	(tag) =	ssettag s2;
	_ =	strace s9  }
0x27: {  	s1 =	sld [smem:$0x3FA8]  }
0x28: {  	s2 =	sld [smem:$0x3FA9]  }
0x29: {  	s4 =	sld [smem:$0x3FAB]  }
0x2a: {  	p0 =	seq.s32 s5, $0x0;
	s5 =	sld [smem:$0x3FAC]  }
0x2b: {  	s6 =	sld [smem:$0x3FAD]  }
0x2c: {  	s7 =	sld [smem:$0x3FAE]  }
0x2d: {  	s3 =	simm.s32 $0x108;
	s8 =	sld [smem:$0x3FAF]  }
0x2e: {  	s3 =	simm.s32 @!p0 $0x1082;
	s9 =	sld [smem:$0x3FB0]  }
0x2f: {  	lr =	sadd.s32 s0, s3;
	s0 =	sld [smem:$0x3FA7]  }
0x30: {  	s3 =	sld [smem:$0x3FAA]  }
0x31: {  	[smem:$0x3FB3] =	sst s10  }
0x32: {  	s10 =	sld [smem:$0x3FB1];
	_ =	sdelay $0x3  }
0x33: {  	p0 =	seq.s32 s10, $0x1;
	s10 =	sld [smem:$0x3FB3];
	_ =	sdelay $0x3  }
0x34: {  	[smem:$0x3FB3] =	sst s10  }
0x35: {  	s10 =	sld [smem:$0x3FB2];
	_ =	sdelay $0x3  }
0x36: {  	p1 =	seq.s32 s10, $0x1;
	s10 =	sld [smem:$0x3FB3];
	_ =	sdelay $0x3  }
0x37: {  	[smem:$0x3FB3] =	sst s10  }
0x38: {  	s10 =	sld [smem:$0x3FB4]  }
0x39: {  	_ = 	snop;
	(pc) =	sbr.ind lr, $3  }
0x3a: {  	_ = 	snop  }
0x3b: {  	_ = 	snop  }
0x3c: {  	p2 =	seq.s32 s10, $0x1;
	s10 =	sld [smem:$0x3FB3]  }
0x3d: {  	_ =	shalt  }
0x3e: {  	_ =	shalt  }
0x3f: {  	_ =	shalt  }
0x40: {  	_ =	shalt  }
0x41: {  	_ =	shalt  }
0x42: {  	_ =	shalt  }
0x43: {  	_ =	shalt  }
0x44: {  	_ =	shalt  }
0x45: {  	_ =	shalt  }
0x46: {  	_ =	shalt  }
0x47: {  	_ =	shalt  }
0x48: {  	_ =	shalt  }
0x49: {  	_ =	shalt  }
0x4a: {  	_ =	shalt  }
0x4b: {  	_ =	shalt  }
0x4c: {  	_ =	shalt  }
0x4d: {  	_ =	shalt  }
0x4e: {  	_ =	shalt  }
0x4f: {  	_ =	shalt  }
0x50: {  	_ =	shalt  }
0x51: {  	_ =	shalt  }
0x52: {  	_ =	shalt  }
0x53: {  	_ =	shalt  }
0x54: {  	_ =	shalt  }
0x55: {  	_ =	shalt  }
0x56: {  	_ =	shalt  }
0x57: {  	_ =	shalt  }
0x58: {  	_ =	shalt  }
0x59: {  	_ =	shalt  }
0x5a: {  	_ =	shalt  }
0x5b: {  	_ =	shalt  }
0x5c: {  	_ =	shalt  }
0x5d: {  	_ =	shalt  }
0x5e: {  	_ =	shalt  }
0x5f: {  	_ =	shalt  }
0x60: {  	_ =	shalt  }
0x61: {  	_ =	shalt  }
0x62: {  	_ =	shalt  }
0x63: {  	_ =	shalt  }
0x64: {  	_ =	shalt  }
0x65: {  	_ =	shalt  }
0x66: {  	_ =	shalt  }
0x67: {  	_ =	shalt  }
0x68: {  	_ =	shalt  }
0x69: {  	_ =	shalt  }
0x6a: {  	_ =	shalt  }
0x6b: {  	_ =	shalt  }
0x6c: {  	_ =	shalt  }
0x6d: {  	_ =	shalt  }
0x6e: {  	_ =	shalt  }
0x6f: {  	_ =	shalt  }
0x70: {  	_ =	shalt  }
0x71: {  	_ =	shalt  }
0x72: {  	_ =	shalt  }
0x73: {  	_ =	shalt  }
0x74: {  	_ =	shalt  }
0x75: {  	_ =	shalt  }
0x76: {  	_ =	shalt  }
0x77: {  	_ =	shalt  }
0x78: {  	_ =	shalt  }
0x79: {  	_ =	shalt  }
0x7a: {  	_ =	shalt  }
0x7b: {  	_ =	shalt  }
0x7c: {  	_ =	shalt  }
0x7d: {  	_ =	shalt  }
0x7e: {  	_ =	shalt  }
0x7f: {  	_ =	shalt  }
0x80: {  	_ =	shalt  }
0x81: {  	_ =	shalt  }
0x82: {  	_ =	shalt  }
0x83: {  	_ =	shalt  }
0x84: {  	_ =	shalt  }
0x85: {  	_ =	shalt  }
0x86: {  	_ =	shalt  }
0x87: {  	_ =	shalt  }
.Lfunc_end0:
.L_simem_size_0:
called_computation.1_lowered:
.L_overlay_start_0:
0x88: {  	s2 =	sld [smem:$0x3FD9]  }
0x89: {  	s3 =	sld [smem:$0x3FFE];
	_ =	sdelay $0x1  }
0x8a: {  	s1 =	srdreg.scid  }
0x8b: {  	s0 =	sand.u32 $0x1, s1  }
0x8c: {  	s16 =	sshll.u32 s0, $0xA;
	s2 =	sadd.s32 s3, s2  }
0x8d: {  	s2 =	sadd.s32 s2, s16  }
0x8e: {  	[smem:$0x3FBF] =	sst s2  }
0x8f: {  	_ = 	snop  }
0x90: {  	(tm) =	ssettm $0x1  }
0x91: {  	s17 =	sld [smem:$0x3FFB];
	_ =	sdelay $0x3  }
0x92: {  	_ =	strace s17  }
0x93: {  	s2 =	sld [smem:$0x3FFC];
	_ =	sdelay $0x3  }
0x94: {  	_ =	strace s2  }
0x95: {  	s2 =	sld [smem:$0x3FFD];
	_ =	sdelay $0x3  }
0x96: {  	_ =	strace s2  }
0x97: {  	_ =	strace $0x8FFFFFFF  }
0x98: {  	s18 =	sld [smem:$0x3FDB];
	_ =	sdelay $0x1  }
0x99: {  	s19 =	simm.s32 $_scs_section_size  }
0x9a: {  	s4 =	simm.s32 $_size__tile_overlayer_lowered;
	s5 =	simm.s32 $_tile_overlayer_lowered  }
0x9b: {  	s22 =	simm.s32 $0x1BFF;
	s21 =	sshll.u32 s5, $0x1;
	s2 =	sadd.s32 s19, s18  }
0x9c: {  	s6 =	simm.s32 $0x0;
	s20 =	sshll.u32 s4, $0x1;
	s4 =	sadd.s32 s21, s2  }
0x9d: {  	[timem:s6], [sflag:s22] =	dma.local [hbm:s4], s20  }
0x9e: {  	_ =	swait.ge [sflag:s22], s20  }
0x9f: {  	s3 =	ssub.s32 $0x0, s20;
	[sflag:s22] =	ssyncset.done $0x0  }
0xa0: {  	[sflag:s22] =	ssyncadd.s32 s3;
	_ =	sdelay $0x1  }
0xa1: {  	s23 =	simm.s32 $0x1B8B  }
0xa2: {  	_ =	swait.ge [sflag:s23], $0x1  }
0xa3: {  	[sflag:s23] =	ssyncset.done $0x0  }
0xa4: {  	s25 =	simm.s32 $0x1B8E;
	s24 =	sld [smem:$0x3FFE];
	[sflag:s23] =	ssyncadd.s32 $0xFFFFFFFF  }
0xa5: {  	s26 =	simm.s32 $execute0_lowered;
	[smem:$0x3FD2] =	sst s25  }
0xa6: {  	s4 =	sshll.u32 s26, $0x1;
	_ =	strace $0x80000049;
	[dreg:$0x1] =	wrdreg $0xFFFFFFFF  }
0xa7: {  	s28 =	simm.s32 $_size_execute0_lowered;
	s2 =	sadd.s32 s2, s4;
	[dreg:$0x0] =	wrdreg $0x0  }
0xa8: {  	s4 =	sshll.u32 s28, $0x1;
	[dreg:$0x2] =	wrdreg s2  }
0xa9: {  	[dreg:$0x3] =	wrdreg s4  }
0xaa: {  	[dreg:$0x4] =	wrdreg $0xC0  }
0xab: {  	_ =	task [dreg:s6], $0x5FFFF  }
0xac: {  	[dreg:$0x1] =	wrdreg $0xFFFFFFFF  }
0xad: {  	[dreg:$0x0] =	wrdreg $0x60  }
0xae: {  	[dreg:$0x2] =	wrdreg s24  }
0xaf: {  	[dreg:$0x3] =	wrdreg $0x91000  }
0xb0: {  	[dreg:$0x4] =	wrdreg $0x9  }
0xb1: {  	_ =	task.clear_ibuf [dreg:s6], $0x5FFFF;
	_ =	strace $0x90000049  }
0xb2: {  	s29 =	simm.s32 $0x9;
	_ =	strace $0x8000004B  }
0xb3: {  	_ =	swait.ge [sflag:s29], $0x1  }
0xb4: {  	[sflag:s29] =	ssyncadd.s32 $0xFFFFFFFF  }
0xb5: {  	_ =	strace $0x9000004B  }
0xb6: {  	_ =	sfence  }
0xb7: {  	s30 =	sld [smem:$0x0];
	_ =	sdelay $0x2  }
0xb8: {  	s31 =	sshll.u32 s1, $0xD;
	s1 =	sshrl.u32 s1, $0x2  }
0xb9: {  	s3 =	sand.u32 $0x4000, s31;
	s1 =	sadd.s32 s1, s30  }
0xba: {  	s0 =	sor.u32 s3, s0;
	s1 =	sshll.u32 s1, $0x11  }
0xbb: {  	s0 =	sor.u32 s1, s0  }
0xbc: {  	s0 =	sadd.s32 $0x8F2B, s0  }
0xbd: {  	[sflag:s0] =	ssyncadd.remote.s32 $0x1  }
0xbe: {  	_ =	sfence.sel $0xFFFF  }
0xbf: {  	[dreg:$0x0] =	wrdreg $0xFFFFFFFF;
	(pc) =	sbr.abs _section_cstart, $3  }
0xc0: {  	[dreg:$0x1] =	wrdreg $0xFFFFFFFF  }
0xc1: {  	_ =	task.clear_ibuf [dreg:s6], $0x2FFFF;
	_ =	strace $0x9FFFFFFF  }
0xc2: {  	(tm) =	ssettm $0x7FFFFFFF  }
0xc3: {  	_ =	shalt  }
tec
execute0_lowered:
.L_overlay_start_1:
0x0: {  	(tag) =	ssettag $0x1  }
0x1: {  	s0 =	rddreg [dreg:$0x0]  }
0x2: {  	s2 =	rddreg [dreg:$0x1]  }
0x3: {  	s26 =	stileid.u32;
	s1 =	srdreg.scid;
	s3 =	simm.s32 $0x0  }
0x4: {  	s16 =	simm.s32 $0x3;
	s21 =	simm.s32 $0x4000;
	s22 =	simm.s32 $0x50  }
0x5: {  	s28 =	simm.s32 $0x2;
	s29 =	simm.s32 $0x0;
	s4 =	smul.u32 $0xA, s26  }
0x6: {  	s1 =	sand.u32 $0x1, s1;
	[smem:$0x7FF] =	sst s3;
	s12 =	smul.u32 $0x4E000, s26  }
0x7: {  	s5 =	sadd.s32 $0x2600, s0;
	s6 =	sadd.s32 $0x39800, s0;
	s13 =	smul.u32 $0x2700, s26  }
0x8: {  	s24 =	smul.u32 $0x13800, s26;
	p1 =	sne.s32 s26, $0xF;
	s17 =	sshll.u32 s26, $0x6  }
0x9: {  	p2 =	seq.s32 s26, $0xF;
	s26 =	simm.s32 $0x1;
	_ =	strace $0x8000004A  }
0xa: {  	s10 =	ssub.s32 $0x2, s1;
	s14 =	smul.u32 $0x138800, s1;
	p0 =	seq.s32 s1, $0x1  }
0xb: {  	s18 =	sor.u32 $0x1C03, s17;
	s7 =	sor.u32 s1, s4;
	s4 =	sadd.s32 $0x12600, s0  }
0xc: {  	s11 =	sshrl.u32 s10, $0x1;
	s23 =	sshrl.u32 s12, $0x2;
	s9 =	sshll.u32 s7, $0xB  }
0xd: {  	s11 =	ssub.s32 s10, s11;
	s7 =	sshll.u32 s7, $0xE;
	s1 =	sadd.s32 s23, s2  }
0xe: {  	s25 =	sadd.s32 s4, s13;
	s10 =	sadd.s32 $0x138000, s2;
	s13 =	sadd.s32 s6, s13  }
0xf: {  	s30 =	sadd.s32 s24, s14;
	s14 =	sshrl.u32 s14, $0x3;
	s23 =	simm.s32 $0x4100  }
0x10: {  	s24 =	simm.s32 $0x6900;
	s8 =	sadd.s32 s9, s0;
	[dreg:$0x3] =	wrdreg s25  }
0x11: {  	s0 =	sadd.s32 $0x97A00, s0;
	[dreg:$0x4] =	wrdreg s13;
	s12 =	sadd.s32 s5, s9  }
0x12: {  	s31 =	sshrl.u32 s30, $0x3;
	s15 =	smax.u32 s11, $0x1;
	s19 =	sshrl.u32 s1, $0x3  }
0x13: {  	s20 =	sshrl.u32 s10, $0x3;
	s25 =	simm.s32 $0x4080;
	s14 =	sadd.s32 s0, s14  }
0x14: {  	s8 =	sadd.s32 $0x87A00, s8;
	s13 =	sadd.s32 s0, s31;
	s14 =	sadd.s32 $0x27000, s14  }
.LBB2_1:
.Ltmp0:
0x15: {  	(pc) =	sbr.rel @!p0 .LBB2_2-.Ltmp0, $4  }
0x16: {  	[tilespmem:s3], [sflag:$0x3] =	stream.linear.gather [hbm4b:s8+s3], $0x3E80, $0x38;
	[tilespmem:$0x1C980] =	vst v63  }
0x17: {  	_ =	swait.ge [sflag:s16], $0x3E80  }
0x18: {  	[sflag:s16] =	ssyncset.done $0x0  }
0x19: {  	[sflag:s16] =	ssyncadd.s32 $0xFFFFC180  }
0x1a: {  	s0 =	rddreg [dreg:$0x4]  }
0x1b: {  	[spmem:s19], [sflag:s18] =	dma.local [hbm:s0], $0x2700  }
.Ltmp1:
0x1c: {  	_ = 	snop;
	(pc) =	sbr.rel @p1 .LBB2_5-.Ltmp1, $4  }
.Ltmp2:
0x1d: {  	_ = 	snop;
	(pc) =	sbr.rel @!p1 .LBB2_4-.Ltmp2, $4  }
0x1e: {  	_ =	swait.ge [sflag:s16], $0x2700  }
0x1f: {  	[sflag:s16] =	ssyncset.done $0x0  }
0x20: {  	s1 =	smov.u32 s6;
	s0 =	smov.u32 s18;
	[sflag:s16] =	ssyncadd.s32 $0xFFFFD900  }
0x21: {  	_ = 	snop  }
.LBB2_2:
.Ltmp3:
0x22: {  	s0 =	sor.u32 $0x1C03, s17;
	s1 =	rddreg [dreg:$0x3];
	(pc) =	sbr.rel @!p2 .LBB2_5-.Ltmp3, $4  }
0x23: {  	[spmem:s19], [sflag:s0] =	dma.local [hbm:s1], $0x2700  }
0x24: {  	_ =	swait.ge [sflag:s16], $0x2700  }
0x25: {  	[sflag:s16] =	ssyncset.done $0x0  }
0x26: {  	s1 =	smov.u32 s4;
	[sflag:s16] =	ssyncadd.s32 $0xFFFFD900  }
.LBB2_4:
0x27: {  	s1 =	sadd.s32 $0x27000, s1  }
0x28: {  	[spmem:s20], [sflag:s0] =	dma.local [hbm:s1], $0x100  }
0x29: {  	_ =	swait.ge [sflag:s16], $0x100  }
0x2a: {  	[sflag:s16] =	ssyncset.done $0x0  }
0x2b: {  	[sflag:s16] =	ssyncadd.s32 $0xFFFFFF00  }
.LBB2_5:
0x2c: {  	[bflag:$0x0] =	sbarrier.arrive $0xFFFF;
	s0 =	simm.s32 $0x80;
	s1 =	simm.s32 $0x0  }
0x2d: {  	[tilespmem:s21], [sflag:$0x2] =	stream.linear.gather [hbm4b:s12+s3], $0x80, $0x38;
	[tilespmem:$0x1C980] =	vst v63  }
0x2e: {  	s0 =	sand.u32 $0x380, s0;
	s1 =	sand.u32 $0x3C00, s1  }
0x2f: {  	s0 =	sor.u32 s0, s1  }
0x30: {  	[tilespmem:s23], [sflag:$0x1] =	stream.indirect.gather [hbm4b:s4+s22], $0x80, s3, s22, $0xb8;
	[tilespmem:$0x1C980] =	vst v63  }
0x31: {  	s0 =	sor.u32 s7, s0  }
0x32: {  	s9 =	simm.s32 $0x80;
	s0 =	sshrl.u32 s0, $0x3  }
0x33: {  	[tilespmem:s24], [sflag:$0x1] =	stream.indirect.gather [hbm4b:s4+s22], $0x80, s9, s22, $0xb8;
	[tilespmem:$0x1C980] =	vst v63  }
0x34: {  	s0 =	sadd.s32 s5, s0  }
0x35: {  	[tilespmem:s25], [sflag:$0x2] =	stream.linear.gather [hbm4b:s0+s3], $0x80, $0x38;
	[tilespmem:$0x1C980] =	vst v63  }
0x36: {  	_ =	swait.ge [sflag:s26], $0x2800  }
0x37: {  	[sflag:s26] =	ssyncset.done $0x0  }
0x38: {  	[sflag:s26] =	ssyncadd.s32 $0xFFFFD800  }
0x39: {  	_ =	swait.ge [sflag:s28], $0x80  }
0x3a: {  	s11 =	simm.s32 $0x100;
	[sflag:s28] =	ssyncset.done $0x0  }
0x3b: {  	s9 =	sand.u32 $0x7C00, s11;
	[sflag:s28] =	ssyncadd.s32 $0xFFFFFF80  }
0x3c: {  	[spmem:s2] =	stream.indirect.scatter.add.f32 [tilespmem:s23], [sflag:$0x3], $0x80, s21, s22, $0xb8;
	[tilespmem:$0x1C980] =	vst v63  }
0x3d: {  	s1 =	sadd.s32 s7, s9;
	s0 =	sand.u32 $0x300, s11;
	_ =	swait.ge [sflag:s16], $0x2800  }
0x3e: {  	s0 =	sor.u32 s0, s1;
	[sflag:s16] =	ssyncset.done $0x0  }
0x3f: {  	s11 =	simm.s32 $0x100;
	s0 =	sshrl.u32 s0, $0x3;
	[sflag:s16] =	ssyncadd.s32 $0xFFFFD800  }
0x40: {  	[tilespmem:s23], [sflag:$0x1] =	stream.indirect.gather [hbm4b:s4+s22], $0x80, s11, s22, $0xb8;
	[tilespmem:$0x1C980] =	vst v63  }
0x41: {  	s0 =	sadd.s32 s5, s0  }
0x42: {  	[tilespmem:s21], [sflag:$0x2] =	stream.linear.gather [hbm4b:s0+s3], $0x80, $0x38;
	[tilespmem:$0x1C980] =	vst v63  }
0x43: {  	_ =	swait.ge [sflag:s26], $0x2800  }
0x44: {  	[sflag:s26] =	ssyncset.done $0x0  }
0x45: {  	[sflag:s26] =	ssyncadd.s32 $0xFFFFD800  }
0x46: {  	s31 =	simm.s32 $0x200;
	_ =	swait.ge [sflag:s28], $0x80  }
0x47: {  	s30 =	simm.s32 $0x180;
	s9 =	simm.s32 $0x180;
	[sflag:s28] =	ssyncset.done $0x0  }
0x48: {  	s9 =	sand.u32 $0x380, s9;
	s11 =	simm.s32 $0x100;
	[sflag:s28] =	ssyncadd.s32 $0xFFFFFF80  }
0x49: {  	[spmem:s2] =	stream.indirect.scatter.add.f32 [tilespmem:s24], [sflag:$0x3], $0x80, s25, s22, $0xb8;
	[tilespmem:$0x1C980] =	vst v63  }
0x4a: {  	s1 =	simm.s32 $0x300;
	s11 =	sand.u32 $0x3C00, s11;
	_ =	swait.ge [sflag:s16], $0x2800  }
.LBB2_6:
0x4b: {  	s9 =	sor.u32 s9, s11  }
0x4c: {  	[sflag:s16] =	ssyncset.done $0x0;
	s11 =	smov.u32 s1;
	s0 =	sadd.s32 $0x100, s1  }
0x4d: {  	p3 =	sne.s32 s1, $0x3E00;
	s1 =	sor.u32 s7, s9;
	[sflag:s16] =	ssyncadd.s32 $0xFFFFD800  }
0x4e: {  	[tilespmem:s24], [sflag:$0x1] =	stream.indirect.gather [hbm4b:s4+s22], $0x80, s30, s22, $0xb8;
	[tilespmem:$0x1C980] =	vst v63  }
0x4f: {  	s1 =	sshrl.u32 s1, $0x3  }
0x50: {  	s1 =	sadd.s32 s5, s1  }
0x51: {  	[tilespmem:s25], [sflag:$0x2] =	stream.linear.gather [hbm4b:s1+s3], $0x80, $0x38;
	[tilespmem:$0x1C980] =	vst v63  }
0x52: {  	_ =	swait.ge [sflag:s26], $0x2800  }
0x53: {  	[sflag:s26] =	ssyncset.done $0x0  }
0x54: {  	[sflag:s26] =	ssyncadd.s32 $0xFFFFD800  }
0x55: {  	_ =	swait.ge [sflag:s28], $0x80  }
0x56: {  	[sflag:s28] =	ssyncset.done $0x0  }
0x57: {  	s1 =	sand.u32 $0x7C00, s31;
	[sflag:s28] =	ssyncadd.s32 $0xFFFFFF80  }
0x58: {  	[spmem:s2] =	stream.indirect.scatter.add.f32 [tilespmem:s23], [sflag:$0x3], $0x80, s21, s22, $0xb8;
	[tilespmem:$0x1C980] =	vst v63  }
0x59: {  	s9 =	sand.u32 $0x300, s31;
	s1 =	sadd.s32 s7, s1;
	_ =	swait.ge [sflag:s16], $0x2800  }
0x5a: {  	s31 =	smov.u32 s11;
	s1 =	sor.u32 s9, s1;
	[sflag:s16] =	ssyncset.done $0x0  }
0x5b: {  	s9 =	sadd.s32 $0x80, s30;
	s1 =	sshrl.u32 s1, $0x3;
	[sflag:s16] =	ssyncadd.s32 $0xFFFFD800  }
0x5c: {  	[tilespmem:s23], [sflag:$0x1] =	stream.indirect.gather [hbm4b:s4+s22], $0x80, s9, s22, $0xb8;
	[tilespmem:$0x1C980] =	vst v63  }
0x5d: {  	s1 =	sadd.s32 s5, s1  }
0x5e: {  	[tilespmem:s21], [sflag:$0x2] =	stream.linear.gather [hbm4b:s1+s3], $0x80, $0x38;
	[tilespmem:$0x1C980] =	vst v63  }
0x5f: {  	_ =	swait.ge [sflag:s26], $0x2800  }
0x60: {  	[sflag:s26] =	ssyncset.done $0x0  }
0x61: {  	[sflag:s26] =	ssyncadd.s32 $0xFFFFD800  }
.Ltmp4:
0x62: {  	_ =	swait.ge [sflag:s28], $0x80;
	(pc) =	sbr.rel @p3 .LBB2_6-.Ltmp4, $4  }
0x63: {  	s11 =	sadd.s32 $0xFFFFFF00, s31;
	s30 =	sadd.s32 $0x100, s30;
	[sflag:s28] =	ssyncset.done $0x0  }
0x64: {  	s11 =	sand.u32 $0x3C00, s11;
	s1 =	sadd.s32 $0xFFFFFF80, s31;
	[sflag:s28] =	ssyncadd.s32 $0xFFFFFF80  }
0x65: {  	[spmem:s2] =	stream.indirect.scatter.add.f32 [tilespmem:s24], [sflag:$0x3], $0x80, s25, s22, $0xb8;
	[tilespmem:$0x1C980] =	vst v63  }
0x66: {  	s9 =	sand.u32 $0x380, s1;
	s1 =	smov.u32 s0;
	_ =	swait.ge [sflag:s16], $0x2800  }
0x67: {  	s0 =	sor.u32 s9, s11;
	[sflag:s16] =	ssyncset.done $0x0  }
0x68: {  	s0 =	sor.u32 s7, s0;
	[sflag:s16] =	ssyncadd.s32 $0xFFFFD800  }
0x69: {  	[tilespmem:s24], [sflag:$0x1] =	stream.indirect.gather [hbm4b:s4+s22], $0x80, s30, s22, $0xb8;
	[tilespmem:$0x1C980] =	vst v63  }
0x6a: {  	s0 =	sshrl.u32 s0, $0x3  }
0x6b: {  	s0 =	sadd.s32 s5, s0  }
0x6c: {  	[tilespmem:s25], [sflag:$0x2] =	stream.linear.gather [hbm4b:s0+s3], $0x80, $0x38;
	[tilespmem:$0x1C980] =	vst v63  }
0x6d: {  	_ =	swait.ge [sflag:s26], $0x2800  }
0x6e: {  	[sflag:s26] =	ssyncset.done $0x0  }
0x6f: {  	[sflag:s26] =	ssyncadd.s32 $0xFFFFD800  }
0x70: {  	_ =	swait.ge [sflag:s28], $0x80  }
0x71: {  	[sflag:s28] =	ssyncset.done $0x0  }
0x72: {  	s11 =	sand.u32 $0x7C00, s31;
	[sflag:s28] =	ssyncadd.s32 $0xFFFFFF80  }
0x73: {  	[spmem:s2] =	stream.indirect.scatter.add.f32 [tilespmem:s23], [sflag:$0x3], $0x80, s21, s22, $0xb8;
	[tilespmem:$0x1C980] =	vst v63  }
0x74: {  	s1 =	sand.u32 $0x300, s31;
	s0 =	sadd.s32 s7, s11;
	_ =	swait.ge [sflag:s16], $0x2800  }
0x75: {  	s0 =	sor.u32 s1, s0;
	[sflag:s16] =	ssyncset.done $0x0  }
0x76: {  	s31 =	sadd.s32 $0x80, s30;
	s0 =	sshrl.u32 s0, $0x3;
	[sflag:s16] =	ssyncadd.s32 $0xFFFFD800  }
0x77: {  	[tilespmem:s23], [sflag:$0x1] =	stream.indirect.gather [hbm4b:s4+s22], $0x80, s31, s22, $0xb8;
	[tilespmem:$0x1C980] =	vst v63  }
0x78: {  	s0 =	sadd.s32 s5, s0  }
0x79: {  	[tilespmem:s21], [sflag:$0x2] =	stream.linear.gather [hbm4b:s0+s3], $0x80, $0x38;
	[tilespmem:$0x1C980] =	vst v63  }
0x7a: {  	_ =	swait.ge [sflag:s26], $0x2800  }
0x7b: {  	[sflag:s26] =	ssyncset.done $0x0  }
0x7c: {  	[sflag:s26] =	ssyncadd.s32 $0xFFFFD800  }
0x7d: {  	_ =	swait.ge [sflag:s28], $0x80  }
0x7e: {  	[sflag:s28] =	ssyncset.done $0x0  }
0x7f: {  	[sflag:s28] =	ssyncadd.s32 $0xFFFFFF80  }
0x80: {  	[spmem:s2] =	stream.indirect.scatter.add.f32 [tilespmem:s24], [sflag:$0x3], $0x80, s25, s22, $0xb8;
	[tilespmem:$0x1C980] =	vst v63  }
0x81: {  	_ =	swait.ge [sflag:s16], $0x2800  }
0x82: {  	[sflag:s16] =	ssyncset.done $0x0  }
0x83: {  	[sflag:s16] =	ssyncadd.s32 $0xFFFFD800  }
0x84: {  	_ =	swait.ge [sflag:s26], $0x2800  }
0x85: {  	[sflag:s26] =	ssyncset.done $0x0  }
0x86: {  	[sflag:s26] =	ssyncadd.s32 $0xFFFFD800  }
0x87: {  	_ =	swait.ge [sflag:s28], $0x80  }
0x88: {  	[sflag:s28] =	ssyncset.done $0x0  }
0x89: {  	[sflag:s28] =	ssyncadd.s32 $0xFFFFFF80  }
0x8a: {  	[spmem:s2] =	stream.indirect.scatter.add.f32 [tilespmem:s23], [sflag:$0x3], $0x80, s21, s22, $0xb8;
	[tilespmem:$0x1C980] =	vst v63  }
0x8b: {  	_ =	swait.ge [sflag:s16], $0x2800  }
0x8c: {  	[sflag:s16] =	ssyncset.done $0x0  }
0x8d: {  	[sflag:s16] =	ssyncadd.s32 $0xFFFFD800  }
0x8e: {  	s0 =	sor.u32 $0x1C03, s17;
	[bflag:$0x0] =	sbarrier.arrive $0xFFFF  }
0x8f: {  	[hbm:s13], [sflag:s0] =	dma.local [spmem:s19], $0x2700  }
0x90: {  	_ =	swait.ge [sflag:s16], $0x2700  }
0x91: {  	s29 =	sadd.s32 $0x1, s29;
	[sflag:s16] =	ssyncset.done $0x0  }
0x92: {  	p3 =	sne.s32 s29, s15;
	s1 =	sshrl.u32 @!p1 s10, $0x3;
	[sflag:s16] =	ssyncadd.s32 $0xFFFFD900  }
0x93: {  	[hbm:s14], [sflag:s0] =	dma.local @!p1 [spmem:s1], $0x100  }
.Ltmp5:
0x94: {  	_ = 	snop;
	(pc) =	sbr.rel @p3 .LBB2_1-.Ltmp5, $4  }
0x95: {  	s0 =	simm.s32 @!p1 $0x3  }
0x96: {  	_ =	swait.ge @!p1 [sflag:s0], $0x100  }
0x97: {  	[sflag:s0] =	ssyncset.done @!p1 $0x0  }
0x98: {  	[sflag:s0] =	ssyncadd.s32 @!p1 $0xFFFFFF00  }
0x99: {  	_ =	sfence.sel $0x180000  }
0x9a: {  	[bflag:$0x0] =	sbarrier.arrive $0xFFFF  }
0x9b: {  	_ =	strace $0x9000004A  }
0x9c: {  	s0 =	stileid.u32;
	[bflag:$0x2] =	sbarrier.arrive $0xFFFF  }
0x9d: {  	p0 =	sne.s32 s0, $0x0;
	s0 =	rddreg [dreg:$0x2]  }
0x9e: {  	s0 =	sadd.s32 @!p0 $0x100000, s0  }
0x9f: {  	[sflag:s0] =	ssyncadd.tile.s32 @!p0 $0x1;
	_ =	shalt  }
.Lfunc_end2:
_tile_overlayer_lowered:
.L_overlay_start_2:
0xa0: {  	(tag) =	ssettag $0x2  }
0xa1: {  	s0 =	rddreg [dreg:$0x0];
	s2 =	stileid.u32  }
0xa2: {  	s1 =	rddreg [dreg:$0x1];
	p0 =	sne.s32 s2, $0x0  }
0xa3: {  	s3 =	rddreg [dreg:$0x2];
	[bflag:$0x3] =	sbarrier.arrive $0xFFFF;
	s2 =	simm.s32 @!p0 $0x1C03  }
0xa4: {  	[timem:s3], [sflag:s2] =	dma.local @!p0 [hbm:s0], s1  }
0xa5: {  	s0 =	simm.s32 @!p0 $0x3  }
0xa6: {  	_ =	swait.ge @!p0 [sflag:s0], s1  }
0xa7: {  	s1 =	ssub.s32 @!p0 $0x0, s1;
	[sflag:s0] =	ssyncset.done @!p0 $0x0  }
0xa8: {  	[sflag:s0] =	ssyncadd.s32 @!p0 s1  }
0xa9: {  	[bflag:$0x3] =	sbarrier.arrive $0xFFFF  }
0xaa: {  	_ =	shalt  }

// kernel: kernel.16.cloned.1.call-start
scs
__scs_entry_jumppad:
0x0: {  	(pc) =	sbr.rel $0x88, $3  }
0x1: {  	(tag) =	ssettag $0x0;
	lr =	simm.s32 $0x1  }
0x2: {  	[smem:$0x3F98] =	sst lr;
	_ =	strace $0xD0000000  }
0x3: {  	_ = 	snop  }
0x4: {  	_ = 	snop  }
0x5: {  	_ = 	snop  }
0x6: {  	_ = 	snop  }
0x7: {  	_ = 	snop  }
__scs_overlays_trampoline_lowered:
0x8: {  	[smem:$0x3FA7] =	sst s0  }
0x9: {  	[smem:$0x3FA8] =	sst s1  }
0xa: {  	[smem:$0x3FA9] =	sst s2  }
0xb: {  	[smem:$0x3FAA] =	sst s3  }
0xc: {  	[smem:$0x3FAB] =	sst s4  }
0xd: {  	[smem:$0x3FAC] =	sst s5  }
0xe: {  	[smem:$0x3FAD] =	sst s6  }
0xf: {  	[smem:$0x3FAE] =	sst s7  }
0x10: {  	[smem:$0x3FAF] =	sst s8  }
0x11: {  	[smem:$0x3FB0] =	sst s9;
	s0 =	simm.s32 @!p0 $0x0  }
0x12: {  	s1 =	sld [smem:$0x3F96];
	s0 =	simm.s32 @p0 $0x1  }
0x13: {  	[smem:$0x3FB1] =	sst s0;
	s0 =	simm.s32 @!p1 $0x0  }
0x14: {  	s2 =	sld [smem:$0x3F95];
	s0 =	simm.s32 @p1 $0x1  }
0x15: {  	[smem:$0x3FB2] =	sst s0;
	s0 =	simm.s32 @!p2 $0x0  }
0x16: {  	s3 =	sld [smem:$0x3FDB];
	s0 =	simm.s32 @p2 $0x1  }
0x17: {  	s4 =	simm.s32 $0x1BF5;
	[smem:$0x3FB4] =	sst s0  }
0x18: {  	s0 =	sld [smem:$0x3F97];
	_ =	swait.ge [sflag:s4], $0x0  }
0x19: {  	s7 =	sld [smem:$0x3F98]  }
0x1a: {  	s8 =	sadd.s32 $0xFFFFE003, lr  }
0x1b: {  	s9 =	sadd.s32 $0xFFFFFEF7, lr;
	s5 =	simm.s32 $0xFFFFFFFF;
	p2 =	slt.u32 s8, $0xFFFFF086  }
0x1c: {  	p1 =	slt.u32 s9, $0xF7A;
	s5 =	simm.s32 @!p2 $0x0  }
0x1d: {  	s5 =	simm.s32 @p1 $0x1;
	p0 =	seq.s32 s7, s2  }
0x1e: {  	s7 =	smul.u32 @!p0 $0xF7A, s2;
	p2 =	seq.s32 @!p0 s5, $0x0  }
0x1f: {  	s9 =	smul.u32 $0xF7A, s1;
	s8 =	simm.s32 @!p0 $0x1BF5;
	p2 =	por !p2, p0  }
0x20: {  	[sflag:s8] =	ssyncset.s32 @!p0 $0xFFFFF086;
	s6 =	sadd.s32 @!p0 s3, s7;
	s7 =	simm.s32 @!p0 $0x108  }
0x21: {  	s3 =	sadd.s32 s3, s9;
	s6 =	sadd.s32 @!p0 $0x88, s6;
	s7 =	simm.s32 @p2 $0x1082  }
0x22: {  	[simem:s7], [sflag:s8] =	dma.local @!p0 [hbm:s6], $0xF7A  }
0x23: {  	s9 =	sor.u32 $0xD0000000, s2;
	s6 =	simm.s32 $0x108;
	_ =	swait.ge @!p0 [sflag:s8], $0x0  }
0x24: {  	s3 =	sadd.s32 $0x88, s3;
	s6 =	simm.s32 @!p1 $0x1082;
	[sflag:s4] =	ssyncset.s32 $0xFFFFF086  }
0x25: {  	[simem:s6], [sflag:s4] =	dma.local [hbm:s3], $0xF7A  }
0x26: {  	[smem:$0x3F98] =	sst s1;
	(tag) =	ssettag s2;
	_ =	strace s9  }
0x27: {  	s1 =	sld [smem:$0x3FA8]  }
0x28: {  	s2 =	sld [smem:$0x3FA9]  }
0x29: {  	s4 =	sld [smem:$0x3FAB]  }
0x2a: {  	p0 =	seq.s32 s5, $0x0;
	s5 =	sld [smem:$0x3FAC]  }
0x2b: {  	s6 =	sld [smem:$0x3FAD]  }
0x2c: {  	s7 =	sld [smem:$0x3FAE]  }
0x2d: {  	s3 =	simm.s32 $0x108;
	s8 =	sld [smem:$0x3FAF]  }
0x2e: {  	s3 =	simm.s32 @!p0 $0x1082;
	s9 =	sld [smem:$0x3FB0]  }
0x2f: {  	lr =	sadd.s32 s0, s3;
	s0 =	sld [smem:$0x3FA7]  }
0x30: {  	s3 =	sld [smem:$0x3FAA]  }
0x31: {  	[smem:$0x3FB3] =	sst s10  }
0x32: {  	s10 =	sld [smem:$0x3FB1];
	_ =	sdelay $0x3  }
0x33: {  	p0 =	seq.s32 s10, $0x1;
	s10 =	sld [smem:$0x3FB3];
	_ =	sdelay $0x3  }
0x34: {  	[smem:$0x3FB3] =	sst s10  }
0x35: {  	s10 =	sld [smem:$0x3FB2];
	_ =	sdelay $0x3  }
0x36: {  	p1 =	seq.s32 s10, $0x1;
	s10 =	sld [smem:$0x3FB3];
	_ =	sdelay $0x3  }
0x37: {  	[smem:$0x3FB3] =	sst s10  }
0x38: {  	s10 =	sld [smem:$0x3FB4]  }
0x39: {  	_ = 	snop;
	(pc) =	sbr.ind lr, $3  }
0x3a: {  	_ = 	snop  }
0x3b: {  	_ = 	snop  }
0x3c: {  	p2 =	seq.s32 s10, $0x1;
	s10 =	sld [smem:$0x3FB3]  }
0x3d: {  	_ =	shalt  }
0x3e: {  	_ =	shalt  }
0x3f: {  	_ =	shalt  }
0x40: {  	_ =	shalt  }
0x41: {  	_ =	shalt  }
0x42: {  	_ =	shalt  }
0x43: {  	_ =	shalt  }
0x44: {  	_ =	shalt  }
0x45: {  	_ =	shalt  }
0x46: {  	_ =	shalt  }
0x47: {  	_ =	shalt  }
0x48: {  	_ =	shalt  }
0x49: {  	_ =	shalt  }
0x4a: {  	_ =	shalt  }
0x4b: {  	_ =	shalt  }
0x4c: {  	_ =	shalt  }
0x4d: {  	_ =	shalt  }
0x4e: {  	_ =	shalt  }
0x4f: {  	_ =	shalt  }
0x50: {  	_ =	shalt  }
0x51: {  	_ =	shalt  }
0x52: {  	_ =	shalt  }
0x53: {  	_ =	shalt  }
0x54: {  	_ =	shalt  }
0x55: {  	_ =	shalt  }
0x56: {  	_ =	shalt  }
0x57: {  	_ =	shalt  }
0x58: {  	_ =	shalt  }
0x59: {  	_ =	shalt  }
0x5a: {  	_ =	shalt  }
0x5b: {  	_ =	shalt  }
0x5c: {  	_ =	shalt  }
0x5d: {  	_ =	shalt  }
0x5e: {  	_ =	shalt  }
0x5f: {  	_ =	shalt  }
0x60: {  	_ =	shalt  }
0x61: {  	_ =	shalt  }
0x62: {  	_ =	shalt  }
0x63: {  	_ =	shalt  }
0x64: {  	_ =	shalt  }
0x65: {  	_ =	shalt  }
0x66: {  	_ =	shalt  }
0x67: {  	_ =	shalt  }
0x68: {  	_ =	shalt  }
0x69: {  	_ =	shalt  }
0x6a: {  	_ =	shalt  }
0x6b: {  	_ =	shalt  }
0x6c: {  	_ =	shalt  }
0x6d: {  	_ =	shalt  }
0x6e: {  	_ =	shalt  }
0x6f: {  	_ =	shalt  }
0x70: {  	_ =	shalt  }
0x71: {  	_ =	shalt  }
0x72: {  	_ =	shalt  }
0x73: {  	_ =	shalt  }
0x74: {  	_ =	shalt  }
0x75: {  	_ =	shalt  }
0x76: {  	_ =	shalt  }
0x77: {  	_ =	shalt  }
0x78: {  	_ =	shalt  }
0x79: {  	_ =	shalt  }
0x7a: {  	_ =	shalt  }
0x7b: {  	_ =	shalt  }
0x7c: {  	_ =	shalt  }
0x7d: {  	_ =	shalt  }
0x7e: {  	_ =	shalt  }
0x7f: {  	_ =	shalt  }
0x80: {  	_ =	shalt  }
0x81: {  	_ =	shalt  }
0x82: {  	_ =	shalt  }
0x83: {  	_ =	shalt  }
0x84: {  	_ =	shalt  }
0x85: {  	_ =	shalt  }
0x86: {  	_ =	shalt  }
0x87: {  	_ =	shalt  }
.Lfunc_end0:
.L_simem_size_0:
called_computation.2_lowered:
.L_overlay_start_0:
0x88: {  	s2 =	sld [smem:$0x3FD9]  }
0x89: {  	s3 =	sld [smem:$0x3FFE];
	_ =	sdelay $0x1  }
0x8a: {  	s1 =	srdreg.scid  }
0x8b: {  	s0 =	sand.u32 $0x1, s1  }
0x8c: {  	s16 =	sshll.u32 s0, $0xA;
	s2 =	sadd.s32 s3, s2  }
0x8d: {  	s2 =	sadd.s32 s2, s16  }
0x8e: {  	[smem:$0x3FBF] =	sst s2  }
0x8f: {  	_ = 	snop  }
0x90: {  	(tm) =	ssettm $0x1  }
0x91: {  	s17 =	sld [smem:$0x3FFB];
	_ =	sdelay $0x3  }
0x92: {  	_ =	strace s17  }
0x93: {  	s2 =	sld [smem:$0x3FFC];
	_ =	sdelay $0x3  }
0x94: {  	_ =	strace s2  }
0x95: {  	s2 =	sld [smem:$0x3FFD];
	_ =	sdelay $0x3  }
0x96: {  	_ =	strace s2  }
0x97: {  	_ =	strace $0x8FFFFFFF  }
0x98: {  	s18 =	sld [smem:$0x3FDB];
	_ =	sdelay $0x1  }
0x99: {  	s19 =	simm.s32 $_scs_section_size  }
0x9a: {  	s4 =	simm.s32 $_size__tile_overlayer_lowered;
	s5 =	simm.s32 $_tile_overlayer_lowered  }
0x9b: {  	s22 =	simm.s32 $0x1BFF;
	s21 =	sshll.u32 s5, $0x1;
	s2 =	sadd.s32 s19, s18  }
0x9c: {  	s6 =	simm.s32 $0x0;
	s20 =	sshll.u32 s4, $0x1;
	s4 =	sadd.s32 s21, s2  }
0x9d: {  	[timem:s6], [sflag:s22] =	dma.local [hbm:s4], s20  }
0x9e: {  	_ =	swait.ge [sflag:s22], s20  }
0x9f: {  	s3 =	ssub.s32 $0x0, s20;
	[sflag:s22] =	ssyncset.done $0x0  }
0xa0: {  	[sflag:s22] =	ssyncadd.s32 s3;
	_ =	sdelay $0x1  }
0xa1: {  	s23 =	simm.s32 $0x1B8B  }
0xa2: {  	_ =	swait.ge [sflag:s23], $0x1  }
0xa3: {  	[sflag:s23] =	ssyncset.done $0x0  }
0xa4: {  	s25 =	simm.s32 $0x1B8E;
	s24 =	sld [smem:$0x3FFE];
	[sflag:s23] =	ssyncadd.s32 $0xFFFFFFFF  }
0xa5: {  	s26 =	simm.s32 $execute0_lowered;
	[smem:$0x3FD2] =	sst s25  }
0xa6: {  	s4 =	sshll.u32 s26, $0x1;
	_ =	strace $0x8000004C;
	[dreg:$0x1] =	wrdreg $0xFFFFFFFF  }
0xa7: {  	s28 =	simm.s32 $_size_execute0_lowered;
	s2 =	sadd.s32 s2, s4;
	[dreg:$0x0] =	wrdreg $0x0  }
0xa8: {  	s4 =	sshll.u32 s28, $0x1;
	[dreg:$0x2] =	wrdreg s2  }
0xa9: {  	[dreg:$0x3] =	wrdreg s4  }
0xaa: {  	[dreg:$0x4] =	wrdreg $0xC0  }
0xab: {  	_ =	task [dreg:s6], $0x5FFFF  }
0xac: {  	[dreg:$0x1] =	wrdreg $0xFFFFFFFF  }
0xad: {  	[dreg:$0x0] =	wrdreg $0x60  }
0xae: {  	[dreg:$0x2] =	wrdreg s24  }
0xaf: {  	[dreg:$0x3] =	wrdreg $0x91000  }
0xb0: {  	[dreg:$0x4] =	wrdreg $0x9  }
0xb1: {  	_ =	task.clear_ibuf [dreg:s6], $0x5FFFF;
	_ =	strace $0x9000004C  }
0xb2: {  	s29 =	simm.s32 $0x9;
	_ =	strace $0x8000004E  }
0xb3: {  	_ =	swait.ge [sflag:s29], $0x1  }
0xb4: {  	[sflag:s29] =	ssyncadd.s32 $0xFFFFFFFF  }
0xb5: {  	_ =	strace $0x9000004E  }
0xb6: {  	_ =	sfence  }
0xb7: {  	s30 =	sld [smem:$0x0];
	_ =	sdelay $0x2  }
0xb8: {  	s31 =	sshll.u32 s1, $0xD;
	s1 =	sshrl.u32 s1, $0x2  }
0xb9: {  	s3 =	sand.u32 $0x4000, s31;
	s1 =	sadd.s32 s1, s30  }
0xba: {  	s0 =	sor.u32 s3, s0;
	s1 =	sshll.u32 s1, $0x11  }
0xbb: {  	s0 =	sor.u32 s1, s0  }
0xbc: {  	s0 =	sadd.s32 $0x8F2B, s0  }
0xbd: {  	[sflag:s0] =	ssyncadd.remote.s32 $0x1  }
0xbe: {  	_ =	sfence.sel $0xFFFF  }
0xbf: {  	[dreg:$0x0] =	wrdreg $0xFFFFFFFF;
	(pc) =	sbr.abs _section_cstart, $3  }
0xc0: {  	[dreg:$0x1] =	wrdreg $0xFFFFFFFF  }
0xc1: {  	_ =	task.clear_ibuf [dreg:s6], $0x2FFFF;
	_ =	strace $0x9FFFFFFF  }
0xc2: {  	(tm) =	ssettm $0x7FFFFFFF  }
0xc3: {  	_ =	shalt  }
tec
execute0_lowered:
.L_overlay_start_1:
0x0: {  	(tag) =	ssettag $0x1  }
0x1: {  	s0 =	rddreg [dreg:$0x0]  }
0x2: {  	s2 =	rddreg [dreg:$0x1]  }
0x3: {  	s26 =	stileid.u32;
	s1 =	srdreg.scid;
	s3 =	simm.s32 $0x0  }
0x4: {  	s16 =	simm.s32 $0x3;
	s21 =	simm.s32 $0x4000;
	s22 =	simm.s32 $0x50  }
0x5: {  	s28 =	simm.s32 $0x2;
	s29 =	simm.s32 $0x0;
	s4 =	smul.u32 $0xA, s26  }
0x6: {  	s1 =	sand.u32 $0x1, s1;
	[smem:$0x7FF] =	sst s3;
	s12 =	smul.u32 $0x4E000, s26  }
0x7: {  	s5 =	sadd.s32 $0x2600, s0;
	s6 =	sadd.s32 $0x39800, s0;
	s13 =	smul.u32 $0x2700, s26  }
0x8: {  	s24 =	smul.u32 $0x13800, s26;
	p1 =	sne.s32 s26, $0xF;
	s17 =	sshll.u32 s26, $0x6  }
0x9: {  	p2 =	seq.s32 s26, $0xF;
	s26 =	simm.s32 $0x1;
	_ =	strace $0x8000004D  }
0xa: {  	s10 =	ssub.s32 $0x2, s1;
	s14 =	smul.u32 $0x138800, s1;
	p0 =	seq.s32 s1, $0x1  }
0xb: {  	s18 =	sor.u32 $0x1C03, s17;
	s7 =	sor.u32 s1, s4;
	s4 =	sadd.s32 $0x12600, s0  }
0xc: {  	s11 =	sshrl.u32 s10, $0x1;
	s23 =	sshrl.u32 s12, $0x2;
	s9 =	sshll.u32 s7, $0xB  }
0xd: {  	s11 =	ssub.s32 s10, s11;
	s7 =	sshll.u32 s7, $0xE;
	s1 =	sadd.s32 s23, s2  }
0xe: {  	s25 =	sadd.s32 s4, s13;
	s10 =	sadd.s32 $0x138000, s2;
	s13 =	sadd.s32 s6, s13  }
0xf: {  	s30 =	sadd.s32 s24, s14;
	s14 =	sshrl.u32 s14, $0x3;
	s23 =	simm.s32 $0x4100  }
0x10: {  	s24 =	simm.s32 $0x6900;
	s8 =	sadd.s32 s9, s0;
	[dreg:$0x3] =	wrdreg s25  }
0x11: {  	s0 =	sadd.s32 $0x97A00, s0;
	[dreg:$0x4] =	wrdreg s13;
	s12 =	sadd.s32 s5, s9  }
0x12: {  	s31 =	sshrl.u32 s30, $0x3;
	s15 =	smax.u32 s11, $0x1;
	s19 =	sshrl.u32 s1, $0x3  }
0x13: {  	s20 =	sshrl.u32 s10, $0x3;
	s25 =	simm.s32 $0x4080;
	s14 =	sadd.s32 s0, s14  }
0x14: {  	s8 =	sadd.s32 $0x87A00, s8;
	s13 =	sadd.s32 s0, s31;
	s14 =	sadd.s32 $0x27000, s14  }
.LBB2_1:
.Ltmp0:
0x15: {  	(pc) =	sbr.rel @!p0 .LBB2_2-.Ltmp0, $4  }
0x16: {  	[tilespmem:s3], [sflag:$0x3] =	stream.linear.gather [hbm4b:s8+s3], $0x3E80, $0x38;
	[tilespmem:$0x1C980] =	vst v63  }
0x17: {  	_ =	swait.ge [sflag:s16], $0x3E80  }
0x18: {  	[sflag:s16] =	ssyncset.done $0x0  }
0x19: {  	[sflag:s16] =	ssyncadd.s32 $0xFFFFC180  }
0x1a: {  	s0 =	rddreg [dreg:$0x4]  }
0x1b: {  	[spmem:s19], [sflag:s18] =	dma.local [hbm:s0], $0x2700  }
.Ltmp1:
0x1c: {  	_ = 	snop;
	(pc) =	sbr.rel @p1 .LBB2_5-.Ltmp1, $4  }
.Ltmp2:
0x1d: {  	_ = 	snop;
	(pc) =	sbr.rel @!p1 .LBB2_4-.Ltmp2, $4  }
0x1e: {  	_ =	swait.ge [sflag:s16], $0x2700  }
0x1f: {  	[sflag:s16] =	ssyncset.done $0x0  }
0x20: {  	s1 =	smov.u32 s6;
	s0 =	smov.u32 s18;
	[sflag:s16] =	ssyncadd.s32 $0xFFFFD900  }
0x21: {  	_ = 	snop  }
.LBB2_2:
.Ltmp3:
0x22: {  	s0 =	sor.u32 $0x1C03, s17;
	s1 =	rddreg [dreg:$0x3];
	(pc) =	sbr.rel @!p2 .LBB2_5-.Ltmp3, $4  }
0x23: {  	[spmem:s19], [sflag:s0] =	dma.local [hbm:s1], $0x2700  }
0x24: {  	_ =	swait.ge [sflag:s16], $0x2700  }
0x25: {  	[sflag:s16] =	ssyncset.done $0x0  }
0x26: {  	s1 =	smov.u32 s4;
	[sflag:s16] =	ssyncadd.s32 $0xFFFFD900  }
.LBB2_4:
0x27: {  	s1 =	sadd.s32 $0x27000, s1  }
0x28: {  	[spmem:s20], [sflag:s0] =	dma.local [hbm:s1], $0x100  }
0x29: {  	_ =	swait.ge [sflag:s16], $0x100  }
0x2a: {  	[sflag:s16] =	ssyncset.done $0x0  }
0x2b: {  	[sflag:s16] =	ssyncadd.s32 $0xFFFFFF00  }
.LBB2_5:
0x2c: {  	[bflag:$0x0] =	sbarrier.arrive $0xFFFF;
	s0 =	simm.s32 $0x80;
	s1 =	simm.s32 $0x0  }
0x2d: {  	[tilespmem:s21], [sflag:$0x2] =	stream.linear.gather [hbm4b:s12+s3], $0x80, $0x38;
	[tilespmem:$0x1C980] =	vst v63  }
0x2e: {  	s0 =	sand.u32 $0x380, s0;
	s1 =	sand.u32 $0x3C00, s1  }
0x2f: {  	s0 =	sor.u32 s0, s1  }
0x30: {  	[tilespmem:s23], [sflag:$0x1] =	stream.indirect.gather [hbm4b:s4+s22], $0x80, s3, s22, $0xb8;
	[tilespmem:$0x1C980] =	vst v63  }
0x31: {  	s0 =	sor.u32 s7, s0  }
0x32: {  	s9 =	simm.s32 $0x80;
	s0 =	sshrl.u32 s0, $0x3  }
0x33: {  	[tilespmem:s24], [sflag:$0x1] =	stream.indirect.gather [hbm4b:s4+s22], $0x80, s9, s22, $0xb8;
	[tilespmem:$0x1C980] =	vst v63  }
0x34: {  	s0 =	sadd.s32 s5, s0  }
0x35: {  	[tilespmem:s25], [sflag:$0x2] =	stream.linear.gather [hbm4b:s0+s3], $0x80, $0x38;
	[tilespmem:$0x1C980] =	vst v63  }
0x36: {  	_ =	swait.ge [sflag:s26], $0x2800  }
0x37: {  	[sflag:s26] =	ssyncset.done $0x0  }
0x38: {  	[sflag:s26] =	ssyncadd.s32 $0xFFFFD800  }
0x39: {  	_ =	swait.ge [sflag:s28], $0x80  }
0x3a: {  	s11 =	simm.s32 $0x100;
	[sflag:s28] =	ssyncset.done $0x0  }
0x3b: {  	s9 =	sand.u32 $0x7C00, s11;
	[sflag:s28] =	ssyncadd.s32 $0xFFFFFF80  }
0x3c: {  	[spmem:s2] =	stream.indirect.scatter.add.f32 [tilespmem:s23], [sflag:$0x3], $0x80, s21, s22, $0xb8;
	[tilespmem:$0x1C980] =	vst v63  }
0x3d: {  	s1 =	sadd.s32 s7, s9;
	s0 =	sand.u32 $0x300, s11;
	_ =	swait.ge [sflag:s16], $0x2800  }
0x3e: {  	s0 =	sor.u32 s0, s1;
	[sflag:s16] =	ssyncset.done $0x0  }
0x3f: {  	s11 =	simm.s32 $0x100;
	s0 =	sshrl.u32 s0, $0x3;
	[sflag:s16] =	ssyncadd.s32 $0xFFFFD800  }
0x40: {  	[tilespmem:s23], [sflag:$0x1] =	stream.indirect.gather [hbm4b:s4+s22], $0x80, s11, s22, $0xb8;
	[tilespmem:$0x1C980] =	vst v63  }
0x41: {  	s0 =	sadd.s32 s5, s0  }
0x42: {  	[tilespmem:s21], [sflag:$0x2] =	stream.linear.gather [hbm4b:s0+s3], $0x80, $0x38;
	[tilespmem:$0x1C980] =	vst v63  }
0x43: {  	_ =	swait.ge [sflag:s26], $0x2800  }
0x44: {  	[sflag:s26] =	ssyncset.done $0x0  }
0x45: {  	[sflag:s26] =	ssyncadd.s32 $0xFFFFD800  }
0x46: {  	s31 =	simm.s32 $0x200;
	_ =	swait.ge [sflag:s28], $0x80  }
0x47: {  	s30 =	simm.s32 $0x180;
	s9 =	simm.s32 $0x180;
	[sflag:s28] =	ssyncset.done $0x0  }
0x48: {  	s9 =	sand.u32 $0x380, s9;
	s11 =	simm.s32 $0x100;
	[sflag:s28] =	ssyncadd.s32 $0xFFFFFF80  }
0x49: {  	[spmem:s2] =	stream.indirect.scatter.add.f32 [tilespmem:s24], [sflag:$0x3], $0x80, s25, s22, $0xb8;
	[tilespmem:$0x1C980] =	vst v63  }
0x4a: {  	s1 =	simm.s32 $0x300;
	s11 =	sand.u32 $0x3C00, s11;
	_ =	swait.ge [sflag:s16], $0x2800  }
.LBB2_6:
0x4b: {  	s9 =	sor.u32 s9, s11  }
0x4c: {  	[sflag:s16] =	ssyncset.done $0x0;
	s11 =	smov.u32 s1;
	s0 =	sadd.s32 $0x100, s1  }
0x4d: {  	p3 =	sne.s32 s1, $0x3E00;
	s1 =	sor.u32 s7, s9;
	[sflag:s16] =	ssyncadd.s32 $0xFFFFD800  }
0x4e: {  	[tilespmem:s24], [sflag:$0x1] =	stream.indirect.gather [hbm4b:s4+s22], $0x80, s30, s22, $0xb8;
	[tilespmem:$0x1C980] =	vst v63  }
0x4f: {  	s1 =	sshrl.u32 s1, $0x3  }
0x50: {  	s1 =	sadd.s32 s5, s1  }
0x51: {  	[tilespmem:s25], [sflag:$0x2] =	stream.linear.gather [hbm4b:s1+s3], $0x80, $0x38;
	[tilespmem:$0x1C980] =	vst v63  }
0x52: {  	_ =	swait.ge [sflag:s26], $0x2800  }
0x53: {  	[sflag:s26] =	ssyncset.done $0x0  }
0x54: {  	[sflag:s26] =	ssyncadd.s32 $0xFFFFD800  }
0x55: {  	_ =	swait.ge [sflag:s28], $0x80  }
0x56: {  	[sflag:s28] =	ssyncset.done $0x0  }
0x57: {  	s1 =	sand.u32 $0x7C00, s31;
	[sflag:s28] =	ssyncadd.s32 $0xFFFFFF80  }
0x58: {  	[spmem:s2] =	stream.indirect.scatter.add.f32 [tilespmem:s23], [sflag:$0x3], $0x80, s21, s22, $0xb8;
	[tilespmem:$0x1C980] =	vst v63  }
0x59: {  	s9 =	sand.u32 $0x300, s31;
	s1 =	sadd.s32 s7, s1;
	_ =	swait.ge [sflag:s16], $0x2800  }
0x5a: {  	s31 =	smov.u32 s11;
	s1 =	sor.u32 s9, s1;
	[sflag:s16] =	ssyncset.done $0x0  }
0x5b: {  	s9 =	sadd.s32 $0x80, s30;
	s1 =	sshrl.u32 s1, $0x3;
	[sflag:s16] =	ssyncadd.s32 $0xFFFFD800  }
0x5c: {  	[tilespmem:s23], [sflag:$0x1] =	stream.indirect.gather [hbm4b:s4+s22], $0x80, s9, s22, $0xb8;
	[tilespmem:$0x1C980] =	vst v63  }
0x5d: {  	s1 =	sadd.s32 s5, s1  }
0x5e: {  	[tilespmem:s21], [sflag:$0x2] =	stream.linear.gather [hbm4b:s1+s3], $0x80, $0x38;
	[tilespmem:$0x1C980] =	vst v63  }
0x5f: {  	_ =	swait.ge [sflag:s26], $0x2800  }
0x60: {  	[sflag:s26] =	ssyncset.done $0x0  }
0x61: {  	[sflag:s26] =	ssyncadd.s32 $0xFFFFD800  }
.Ltmp4:
0x62: {  	_ =	swait.ge [sflag:s28], $0x80;
	(pc) =	sbr.rel @p3 .LBB2_6-.Ltmp4, $4  }
0x63: {  	s11 =	sadd.s32 $0xFFFFFF00, s31;
	s30 =	sadd.s32 $0x100, s30;
	[sflag:s28] =	ssyncset.done $0x0  }
0x64: {  	s11 =	sand.u32 $0x3C00, s11;
	s1 =	sadd.s32 $0xFFFFFF80, s31;
	[sflag:s28] =	ssyncadd.s32 $0xFFFFFF80  }
0x65: {  	[spmem:s2] =	stream.indirect.scatter.add.f32 [tilespmem:s24], [sflag:$0x3], $0x80, s25, s22, $0xb8;
	[tilespmem:$0x1C980] =	vst v63  }
0x66: {  	s9 =	sand.u32 $0x380, s1;
	s1 =	smov.u32 s0;
	_ =	swait.ge [sflag:s16], $0x2800  }
0x67: {  	s0 =	sor.u32 s9, s11;
	[sflag:s16] =	ssyncset.done $0x0  }
0x68: {  	s0 =	sor.u32 s7, s0;
	[sflag:s16] =	ssyncadd.s32 $0xFFFFD800  }
0x69: {  	[tilespmem:s24], [sflag:$0x1] =	stream.indirect.gather [hbm4b:s4+s22], $0x80, s30, s22, $0xb8;
	[tilespmem:$0x1C980] =	vst v63  }
0x6a: {  	s0 =	sshrl.u32 s0, $0x3  }
0x6b: {  	s0 =	sadd.s32 s5, s0  }
0x6c: {  	[tilespmem:s25], [sflag:$0x2] =	stream.linear.gather [hbm4b:s0+s3], $0x80, $0x38;
	[tilespmem:$0x1C980] =	vst v63  }
0x6d: {  	_ =	swait.ge [sflag:s26], $0x2800  }
0x6e: {  	[sflag:s26] =	ssyncset.done $0x0  }
0x6f: {  	[sflag:s26] =	ssyncadd.s32 $0xFFFFD800  }
0x70: {  	_ =	swait.ge [sflag:s28], $0x80  }
0x71: {  	[sflag:s28] =	ssyncset.done $0x0  }
0x72: {  	s11 =	sand.u32 $0x7C00, s31;
	[sflag:s28] =	ssyncadd.s32 $0xFFFFFF80  }
0x73: {  	[spmem:s2] =	stream.indirect.scatter.add.f32 [tilespmem:s23], [sflag:$0x3], $0x80, s21, s22, $0xb8;
	[tilespmem:$0x1C980] =	vst v63  }
0x74: {  	s1 =	sand.u32 $0x300, s31;
	s0 =	sadd.s32 s7, s11;
	_ =	swait.ge [sflag:s16], $0x2800  }
0x75: {  	s0 =	sor.u32 s1, s0;
	[sflag:s16] =	ssyncset.done $0x0  }
0x76: {  	s31 =	sadd.s32 $0x80, s30;
	s0 =	sshrl.u32 s0, $0x3;
	[sflag:s16] =	ssyncadd.s32 $0xFFFFD800  }
0x77: {  	[tilespmem:s23], [sflag:$0x1] =	stream.indirect.gather [hbm4b:s4+s22], $0x80, s31, s22, $0xb8;
	[tilespmem:$0x1C980] =	vst v63  }
0x78: {  	s0 =	sadd.s32 s5, s0  }
0x79: {  	[tilespmem:s21], [sflag:$0x2] =	stream.linear.gather [hbm4b:s0+s3], $0x80, $0x38;
	[tilespmem:$0x1C980] =	vst v63  }
0x7a: {  	_ =	swait.ge [sflag:s26], $0x2800  }
0x7b: {  	[sflag:s26] =	ssyncset.done $0x0  }
0x7c: {  	[sflag:s26] =	ssyncadd.s32 $0xFFFFD800  }
0x7d: {  	_ =	swait.ge [sflag:s28], $0x80  }
0x7e: {  	[sflag:s28] =	ssyncset.done $0x0  }
0x7f: {  	[sflag:s28] =	ssyncadd.s32 $0xFFFFFF80  }
0x80: {  	[spmem:s2] =	stream.indirect.scatter.add.f32 [tilespmem:s24], [sflag:$0x3], $0x80, s25, s22, $0xb8;
	[tilespmem:$0x1C980] =	vst v63  }
0x81: {  	_ =	swait.ge [sflag:s16], $0x2800  }
0x82: {  	[sflag:s16] =	ssyncset.done $0x0  }
0x83: {  	[sflag:s16] =	ssyncadd.s32 $0xFFFFD800  }
0x84: {  	_ =	swait.ge [sflag:s26], $0x2800  }
0x85: {  	[sflag:s26] =	ssyncset.done $0x0  }
0x86: {  	[sflag:s26] =	ssyncadd.s32 $0xFFFFD800  }
0x87: {  	_ =	swait.ge [sflag:s28], $0x80  }
0x88: {  	[sflag:s28] =	ssyncset.done $0x0  }
0x89: {  	[sflag:s28] =	ssyncadd.s32 $0xFFFFFF80  }
0x8a: {  	[spmem:s2] =	stream.indirect.scatter.add.f32 [tilespmem:s23], [sflag:$0x3], $0x80, s21, s22, $0xb8;
	[tilespmem:$0x1C980] =	vst v63  }
0x8b: {  	_ =	swait.ge [sflag:s16], $0x2800  }
0x8c: {  	[sflag:s16] =	ssyncset.done $0x0  }
0x8d: {  	[sflag:s16] =	ssyncadd.s32 $0xFFFFD800  }
0x8e: {  	s0 =	sor.u32 $0x1C03, s17;
	[bflag:$0x0] =	sbarrier.arrive $0xFFFF  }
0x8f: {  	[hbm:s13], [sflag:s0] =	dma.local [spmem:s19], $0x2700  }
0x90: {  	_ =	swait.ge [sflag:s16], $0x2700  }
0x91: {  	s29 =	sadd.s32 $0x1, s29;
	[sflag:s16] =	ssyncset.done $0x0  }
0x92: {  	p3 =	sne.s32 s29, s15;
	s1 =	sshrl.u32 @!p1 s10, $0x3;
	[sflag:s16] =	ssyncadd.s32 $0xFFFFD900  }
0x93: {  	[hbm:s14], [sflag:s0] =	dma.local @!p1 [spmem:s1], $0x100  }
.Ltmp5:
0x94: {  	_ = 	snop;
	(pc) =	sbr.rel @p3 .LBB2_1-.Ltmp5, $4  }
0x95: {  	s0 =	simm.s32 @!p1 $0x3  }
0x96: {  	_ =	swait.ge @!p1 [sflag:s0], $0x100  }
0x97: {  	[sflag:s0] =	ssyncset.done @!p1 $0x0  }
0x98: {  	[sflag:s0] =	ssyncadd.s32 @!p1 $0xFFFFFF00  }
0x99: {  	_ =	sfence.sel $0x180000  }
0x9a: {  	[bflag:$0x0] =	sbarrier.arrive $0xFFFF  }
0x9b: {  	_ =	strace $0x9000004D  }
0x9c: {  	s0 =	stileid.u32;
	[bflag:$0x2] =	sbarrier.arrive $0xFFFF  }
0x9d: {  	p0 =	sne.s32 s0, $0x0;
	s0 =	rddreg [dreg:$0x2]  }
0x9e: {  	s0 =	sadd.s32 @!p0 $0x100000, s0  }
0x9f: {  	[sflag:s0] =	ssyncadd.tile.s32 @!p0 $0x1;
	_ =	shalt  }
.Lfunc_end2:
_tile_overlayer_lowered:
.L_overlay_start_2:
0xa0: {  	(tag) =	ssettag $0x2  }
0xa1: {  	s0 =	rddreg [dreg:$0x0];
	s2 =	stileid.u32  }
0xa2: {  	s1 =	rddreg [dreg:$0x1];
	p0 =	sne.s32 s2, $0x0  }
0xa3: {  	s3 =	rddreg [dreg:$0x2];
	[bflag:$0x3] =	sbarrier.arrive $0xFFFF;
	s2 =	simm.s32 @!p0 $0x1C03  }
0xa4: {  	[timem:s3], [sflag:s2] =	dma.local @!p0 [hbm:s0], s1  }
0xa5: {  	s0 =	simm.s32 @!p0 $0x3  }
0xa6: {  	_ =	swait.ge @!p0 [sflag:s0], s1  }
0xa7: {  	s1 =	ssub.s32 @!p0 $0x0, s1;
	[sflag:s0] =	ssyncset.done @!p0 $0x0  }
0xa8: {  	[sflag:s0] =	ssyncadd.s32 @!p0 s1  }
0xa9: {  	[bflag:$0x3] =	sbarrier.arrive $0xFFFF  }
0xaa: {  	_ =	shalt  }

// kernel: kernel.19.cloned.1.call-start
scs
__scs_entry_jumppad:
0x0: {  	(pc) =	sbr.rel $0x88, $3  }
0x1: {  	(tag) =	ssettag $0x0;
	lr =	simm.s32 $0x1  }
0x2: {  	[smem:$0x3F98] =	sst lr;
	_ =	strace $0xD0000000  }
0x3: {  	_ = 	snop  }
0x4: {  	_ = 	snop  }
0x5: {  	_ = 	snop  }
0x6: {  	_ = 	snop  }
0x7: {  	_ = 	snop  }
__scs_overlays_trampoline_lowered:
0x8: {  	[smem:$0x3FA7] =	sst s0  }
0x9: {  	[smem:$0x3FA8] =	sst s1  }
0xa: {  	[smem:$0x3FA9] =	sst s2  }
0xb: {  	[smem:$0x3FAA] =	sst s3  }
0xc: {  	[smem:$0x3FAB] =	sst s4  }
0xd: {  	[smem:$0x3FAC] =	sst s5  }
0xe: {  	[smem:$0x3FAD] =	sst s6  }
0xf: {  	[smem:$0x3FAE] =	sst s7  }
0x10: {  	[smem:$0x3FAF] =	sst s8  }
0x11: {  	[smem:$0x3FB0] =	sst s9;
	s0 =	simm.s32 @!p0 $0x0  }
0x12: {  	s1 =	sld [smem:$0x3F96];
	s0 =	simm.s32 @p0 $0x1  }
0x13: {  	[smem:$0x3FB1] =	sst s0;
	s0 =	simm.s32 @!p1 $0x0  }
0x14: {  	s2 =	sld [smem:$0x3F95];
	s0 =	simm.s32 @p1 $0x1  }
0x15: {  	[smem:$0x3FB2] =	sst s0;
	s0 =	simm.s32 @!p2 $0x0  }
0x16: {  	s3 =	sld [smem:$0x3FDB];
	s0 =	simm.s32 @p2 $0x1  }
0x17: {  	s4 =	simm.s32 $0x1BF5;
	[smem:$0x3FB4] =	sst s0  }
0x18: {  	s0 =	sld [smem:$0x3F97];
	_ =	swait.ge [sflag:s4], $0x0  }
0x19: {  	s7 =	sld [smem:$0x3F98]  }
0x1a: {  	s8 =	sadd.s32 $0xFFFFE003, lr  }
0x1b: {  	s9 =	sadd.s32 $0xFFFFFEF7, lr;
	s5 =	simm.s32 $0xFFFFFFFF;
	p2 =	slt.u32 s8, $0xFFFFF086  }
0x1c: {  	p1 =	slt.u32 s9, $0xF7A;
	s5 =	simm.s32 @!p2 $0x0  }
0x1d: {  	s5 =	simm.s32 @p1 $0x1;
	p0 =	seq.s32 s7, s2  }
0x1e: {  	s7 =	smul.u32 @!p0 $0xF7A, s2;
	p2 =	seq.s32 @!p0 s5, $0x0  }
0x1f: {  	s9 =	smul.u32 $0xF7A, s1;
	s8 =	simm.s32 @!p0 $0x1BF5;
	p2 =	por !p2, p0  }
0x20: {  	[sflag:s8] =	ssyncset.s32 @!p0 $0xFFFFF086;
	s6 =	sadd.s32 @!p0 s3, s7;
	s7 =	simm.s32 @!p0 $0x108  }
0x21: {  	s3 =	sadd.s32 s3, s9;
	s6 =	sadd.s32 @!p0 $0x88, s6;
	s7 =	simm.s32 @p2 $0x1082  }
0x22: {  	[simem:s7], [sflag:s8] =	dma.local @!p0 [hbm:s6], $0xF7A  }
0x23: {  	s9 =	sor.u32 $0xD0000000, s2;
	s6 =	simm.s32 $0x108;
	_ =	swait.ge @!p0 [sflag:s8], $0x0  }
0x24: {  	s3 =	sadd.s32 $0x88, s3;
	s6 =	simm.s32 @!p1 $0x1082;
	[sflag:s4] =	ssyncset.s32 $0xFFFFF086  }
0x25: {  	[simem:s6], [sflag:s4] =	dma.local [hbm:s3], $0xF7A  }
0x26: {  	[smem:$0x3F98] =	sst s1;
	(tag) =	ssettag s2;
	_ =	strace s9  }
0x27: {  	s1 =	sld [smem:$0x3FA8]  }
0x28: {  	s2 =	sld [smem:$0x3FA9]  }
0x29: {  	s4 =	sld [smem:$0x3FAB]  }
0x2a: {  	p0 =	seq.s32 s5, $0x0;
	s5 =	sld [smem:$0x3FAC]  }
0x2b: {  	s6 =	sld [smem:$0x3FAD]  }
0x2c: {  	s7 =	sld [smem:$0x3FAE]  }
0x2d: {  	s3 =	simm.s32 $0x108;
	s8 =	sld [smem:$0x3FAF]  }
0x2e: {  	s3 =	simm.s32 @!p0 $0x1082;
	s9 =	sld [smem:$0x3FB0]  }
0x2f: {  	lr =	sadd.s32 s0, s3;
	s0 =	sld [smem:$0x3FA7]  }
0x30: {  	s3 =	sld [smem:$0x3FAA]  }
0x31: {  	[smem:$0x3FB3] =	sst s10  }
0x32: {  	s10 =	sld [smem:$0x3FB1];
	_ =	sdelay $0x3  }
0x33: {  	p0 =	seq.s32 s10, $0x1;
	s10 =	sld [smem:$0x3FB3];
	_ =	sdelay $0x3  }
0x34: {  	[smem:$0x3FB3] =	sst s10  }
0x35: {  	s10 =	sld [smem:$0x3FB2];
	_ =	sdelay $0x3  }
0x36: {  	p1 =	seq.s32 s10, $0x1;
	s10 =	sld [smem:$0x3FB3];
	_ =	sdelay $0x3  }
0x37: {  	[smem:$0x3FB3] =	sst s10  }
0x38: {  	s10 =	sld [smem:$0x3FB4]  }
0x39: {  	_ = 	snop;
	(pc) =	sbr.ind lr, $3  }
0x3a: {  	_ = 	snop  }
0x3b: {  	_ = 	snop  }
0x3c: {  	p2 =	seq.s32 s10, $0x1;
	s10 =	sld [smem:$0x3FB3]  }
0x3d: {  	_ =	shalt  }
0x3e: {  	_ =	shalt  }
0x3f: {  	_ =	shalt  }
0x40: {  	_ =	shalt  }
0x41: {  	_ =	shalt  }
0x42: {  	_ =	shalt  }
0x43: {  	_ =	shalt  }
0x44: {  	_ =	shalt  }
0x45: {  	_ =	shalt  }
0x46: {  	_ =	shalt  }
0x47: {  	_ =	shalt  }
0x48: {  	_ =	shalt  }
0x49: {  	_ =	shalt  }
0x4a: {  	_ =	shalt  }
0x4b: {  	_ =	shalt  }
0x4c: {  	_ =	shalt  }
0x4d: {  	_ =	shalt  }
0x4e: {  	_ =	shalt  }
0x4f: {  	_ =	shalt  }
0x50: {  	_ =	shalt  }
0x51: {  	_ =	shalt  }
0x52: {  	_ =	shalt  }
0x53: {  	_ =	shalt  }
0x54: {  	_ =	shalt  }
0x55: {  	_ =	shalt  }
0x56: {  	_ =	shalt  }
0x57: {  	_ =	shalt  }
0x58: {  	_ =	shalt  }
0x59: {  	_ =	shalt  }
0x5a: {  	_ =	shalt  }
0x5b: {  	_ =	shalt  }
0x5c: {  	_ =	shalt  }
0x5d: {  	_ =	shalt  }
0x5e: {  	_ =	shalt  }
0x5f: {  	_ =	shalt  }
0x60: {  	_ =	shalt  }
0x61: {  	_ =	shalt  }
0x62: {  	_ =	shalt  }
0x63: {  	_ =	shalt  }
0x64: {  	_ =	shalt  }
0x65: {  	_ =	shalt  }
0x66: {  	_ =	shalt  }
0x67: {  	_ =	shalt  }
0x68: {  	_ =	shalt  }
0x69: {  	_ =	shalt  }
0x6a: {  	_ =	shalt  }
0x6b: {  	_ =	shalt  }
0x6c: {  	_ =	shalt  }
0x6d: {  	_ =	shalt  }
0x6e: {  	_ =	shalt  }
0x6f: {  	_ =	shalt  }
0x70: {  	_ =	shalt  }
0x71: {  	_ =	shalt  }
0x72: {  	_ =	shalt  }
0x73: {  	_ =	shalt  }
0x74: {  	_ =	shalt  }
0x75: {  	_ =	shalt  }
0x76: {  	_ =	shalt  }
0x77: {  	_ =	shalt  }
0x78: {  	_ =	shalt  }
0x79: {  	_ =	shalt  }
0x7a: {  	_ =	shalt  }
0x7b: {  	_ =	shalt  }
0x7c: {  	_ =	shalt  }
0x7d: {  	_ =	shalt  }
0x7e: {  	_ =	shalt  }
0x7f: {  	_ =	shalt  }
0x80: {  	_ =	shalt  }
0x81: {  	_ =	shalt  }
0x82: {  	_ =	shalt  }
0x83: {  	_ =	shalt  }
0x84: {  	_ =	shalt  }
0x85: {  	_ =	shalt  }
0x86: {  	_ =	shalt  }
0x87: {  	_ =	shalt  }
.Lfunc_end0:
.L_simem_size_0:
called_computation.3_lowered:
.L_overlay_start_0:
0x88: {  	s2 =	sld [smem:$0x3FD9]  }
0x89: {  	s3 =	sld [smem:$0x3FFE];
	_ =	sdelay $0x1  }
0x8a: {  	s1 =	srdreg.scid  }
0x8b: {  	s0 =	sand.u32 $0x1, s1  }
0x8c: {  	s16 =	sshll.u32 s0, $0xA;
	s2 =	sadd.s32 s3, s2  }
0x8d: {  	s2 =	sadd.s32 s2, s16  }
0x8e: {  	[smem:$0x3FBF] =	sst s2  }
0x8f: {  	_ = 	snop  }
0x90: {  	(tm) =	ssettm $0x1  }
0x91: {  	s17 =	sld [smem:$0x3FFB];
	_ =	sdelay $0x3  }
0x92: {  	_ =	strace s17  }
0x93: {  	s2 =	sld [smem:$0x3FFC];
	_ =	sdelay $0x3  }
0x94: {  	_ =	strace s2  }
0x95: {  	s2 =	sld [smem:$0x3FFD];
	_ =	sdelay $0x3  }
0x96: {  	_ =	strace s2  }
0x97: {  	_ =	strace $0x8FFFFFFF  }
0x98: {  	s18 =	sld [smem:$0x3FDB];
	_ =	sdelay $0x1  }
0x99: {  	s19 =	simm.s32 $_scs_section_size  }
0x9a: {  	s4 =	simm.s32 $_size__tile_overlayer_lowered;
	s5 =	simm.s32 $_tile_overlayer_lowered  }
0x9b: {  	s22 =	simm.s32 $0x1BFF;
	s21 =	sshll.u32 s5, $0x1;
	s2 =	sadd.s32 s19, s18  }
0x9c: {  	s6 =	simm.s32 $0x0;
	s20 =	sshll.u32 s4, $0x1;
	s4 =	sadd.s32 s21, s2  }
0x9d: {  	[timem:s6], [sflag:s22] =	dma.local [hbm:s4], s20  }
0x9e: {  	_ =	swait.ge [sflag:s22], s20  }
0x9f: {  	s3 =	ssub.s32 $0x0, s20;
	[sflag:s22] =	ssyncset.done $0x0  }
0xa0: {  	[sflag:s22] =	ssyncadd.s32 s3;
	_ =	sdelay $0x1  }
0xa1: {  	s23 =	simm.s32 $0x1B8B  }
0xa2: {  	_ =	swait.ge [sflag:s23], $0x1  }
0xa3: {  	[sflag:s23] =	ssyncset.done $0x0  }
0xa4: {  	s25 =	simm.s32 $0x1B8E;
	s24 =	sld [smem:$0x3FFE];
	[sflag:s23] =	ssyncadd.s32 $0xFFFFFFFF  }
0xa5: {  	s26 =	simm.s32 $execute0_lowered;
	[smem:$0x3FD2] =	sst s25  }
0xa6: {  	s4 =	sshll.u32 s26, $0x1;
	_ =	strace $0x8000004F;
	[dreg:$0x1] =	wrdreg $0xFFFFFFFF  }
0xa7: {  	s28 =	simm.s32 $_size_execute0_lowered;
	s2 =	sadd.s32 s2, s4;
	[dreg:$0x0] =	wrdreg $0x0  }
0xa8: {  	s4 =	sshll.u32 s28, $0x1;
	[dreg:$0x2] =	wrdreg s2  }
0xa9: {  	[dreg:$0x3] =	wrdreg s4  }
0xaa: {  	[dreg:$0x4] =	wrdreg $0xC0  }
0xab: {  	_ =	task [dreg:s6], $0x5FFFF  }
0xac: {  	[dreg:$0x1] =	wrdreg $0xFFFFFFFF  }
0xad: {  	[dreg:$0x0] =	wrdreg $0x60  }
0xae: {  	[dreg:$0x2] =	wrdreg s24  }
0xaf: {  	[dreg:$0x3] =	wrdreg $0x91000  }
0xb0: {  	[dreg:$0x4] =	wrdreg $0x9  }
0xb1: {  	_ =	task.clear_ibuf [dreg:s6], $0x5FFFF;
	_ =	strace $0x9000004F  }
0xb2: {  	s29 =	simm.s32 $0x9;
	_ =	strace $0x80000051  }
0xb3: {  	_ =	swait.ge [sflag:s29], $0x1  }
0xb4: {  	[sflag:s29] =	ssyncadd.s32 $0xFFFFFFFF  }
0xb5: {  	_ =	strace $0x90000051  }
0xb6: {  	_ =	sfence  }
0xb7: {  	s30 =	sld [smem:$0x0];
	_ =	sdelay $0x2  }
0xb8: {  	s31 =	sshll.u32 s1, $0xD;
	s1 =	sshrl.u32 s1, $0x2  }
0xb9: {  	s3 =	sand.u32 $0x4000, s31;
	s1 =	sadd.s32 s1, s30  }
0xba: {  	s0 =	sor.u32 s3, s0;
	s1 =	sshll.u32 s1, $0x11  }
0xbb: {  	s0 =	sor.u32 s1, s0  }
0xbc: {  	s0 =	sadd.s32 $0x8F2B, s0  }
0xbd: {  	[sflag:s0] =	ssyncadd.remote.s32 $0x1  }
0xbe: {  	_ =	sfence.sel $0xFFFF  }
0xbf: {  	[dreg:$0x0] =	wrdreg $0xFFFFFFFF;
	(pc) =	sbr.abs _section_cstart, $3  }
0xc0: {  	[dreg:$0x1] =	wrdreg $0xFFFFFFFF  }
0xc1: {  	_ =	task.clear_ibuf [dreg:s6], $0x2FFFF;
	_ =	strace $0x9FFFFFFF  }
0xc2: {  	(tm) =	ssettm $0x7FFFFFFF  }
0xc3: {  	_ =	shalt  }
tec
execute0_lowered:
.L_overlay_start_1:
0x0: {  	(tag) =	ssettag $0x1  }
0x1: {  	s0 =	rddreg [dreg:$0x0]  }
0x2: {  	s2 =	rddreg [dreg:$0x1]  }
0x3: {  	s26 =	stileid.u32;
	s1 =	srdreg.scid;
	s3 =	simm.s32 $0x0  }
0x4: {  	s16 =	simm.s32 $0x3;
	s21 =	simm.s32 $0x4000;
	s22 =	simm.s32 $0x50  }
0x5: {  	s28 =	simm.s32 $0x2;
	s29 =	simm.s32 $0x0;
	s4 =	smul.u32 $0xA, s26  }
0x6: {  	s1 =	sand.u32 $0x1, s1;
	[smem:$0x7FF] =	sst s3;
	s12 =	smul.u32 $0x4E000, s26  }
0x7: {  	s5 =	sadd.s32 $0x2600, s0;
	s6 =	sadd.s32 $0x39800, s0;
	s13 =	smul.u32 $0x2700, s26  }
0x8: {  	s24 =	smul.u32 $0x13800, s26;
	p1 =	sne.s32 s26, $0xF;
	s17 =	sshll.u32 s26, $0x6  }
0x9: {  	p2 =	seq.s32 s26, $0xF;
	s26 =	simm.s32 $0x1;
	_ =	strace $0x80000050  }
0xa: {  	s10 =	ssub.s32 $0x2, s1;
	s14 =	smul.u32 $0x138800, s1;
	p0 =	seq.s32 s1, $0x1  }
0xb: {  	s18 =	sor.u32 $0x1C03, s17;
	s7 =	sor.u32 s1, s4;
	s4 =	sadd.s32 $0x12600, s0  }
0xc: {  	s11 =	sshrl.u32 s10, $0x1;
	s23 =	sshrl.u32 s12, $0x2;
	s9 =	sshll.u32 s7, $0xB  }
0xd: {  	s11 =	ssub.s32 s10, s11;
	s7 =	sshll.u32 s7, $0xE;
	s1 =	sadd.s32 s23, s2  }
0xe: {  	s25 =	sadd.s32 s4, s13;
	s10 =	sadd.s32 $0x138000, s2;
	s13 =	sadd.s32 s6, s13  }
0xf: {  	s30 =	sadd.s32 s24, s14;
	s14 =	sshrl.u32 s14, $0x3;
	s23 =	simm.s32 $0x4100  }
0x10: {  	s24 =	simm.s32 $0x6900;
	s8 =	sadd.s32 s9, s0;
	[dreg:$0x3] =	wrdreg s25  }
0x11: {  	s0 =	sadd.s32 $0x97A00, s0;
	[dreg:$0x4] =	wrdreg s13;
	s12 =	sadd.s32 s5, s9  }
0x12: {  	s31 =	sshrl.u32 s30, $0x3;
	s15 =	smax.u32 s11, $0x1;
	s19 =	sshrl.u32 s1, $0x3  }
0x13: {  	s20 =	sshrl.u32 s10, $0x3;
	s25 =	simm.s32 $0x4080;
	s14 =	sadd.s32 s0, s14  }
0x14: {  	s8 =	sadd.s32 $0x87A00, s8;
	s13 =	sadd.s32 s0, s31;
	s14 =	sadd.s32 $0x27000, s14  }
.LBB2_1:
.Ltmp0:
0x15: {  	(pc) =	sbr.rel @!p0 .LBB2_2-.Ltmp0, $4  }
0x16: {  	[tilespmem:s3], [sflag:$0x3] =	stream.linear.gather [hbm4b:s8+s3], $0x3E80, $0x38;
	[tilespmem:$0x1C980] =	vst v63  }
0x17: {  	_ =	swait.ge [sflag:s16], $0x3E80  }
0x18: {  	[sflag:s16] =	ssyncset.done $0x0  }
0x19: {  	[sflag:s16] =	ssyncadd.s32 $0xFFFFC180  }
0x1a: {  	s0 =	rddreg [dreg:$0x4]  }
0x1b: {  	[spmem:s19], [sflag:s18] =	dma.local [hbm:s0], $0x2700  }
.Ltmp1:
0x1c: {  	_ = 	snop;
	(pc) =	sbr.rel @p1 .LBB2_5-.Ltmp1, $4  }
.Ltmp2:
0x1d: {  	_ = 	snop;
	(pc) =	sbr.rel @!p1 .LBB2_4-.Ltmp2, $4  }
0x1e: {  	_ =	swait.ge [sflag:s16], $0x2700  }
0x1f: {  	[sflag:s16] =	ssyncset.done $0x0  }
0x20: {  	s1 =	smov.u32 s6;
	s0 =	smov.u32 s18;
	[sflag:s16] =	ssyncadd.s32 $0xFFFFD900  }
0x21: {  	_ = 	snop  }
.LBB2_2:
.Ltmp3:
0x22: {  	s0 =	sor.u32 $0x1C03, s17;
	s1 =	rddreg [dreg:$0x3];
	(pc) =	sbr.rel @!p2 .LBB2_5-.Ltmp3, $4  }
0x23: {  	[spmem:s19], [sflag:s0] =	dma.local [hbm:s1], $0x2700  }
0x24: {  	_ =	swait.ge [sflag:s16], $0x2700  }
0x25: {  	[sflag:s16] =	ssyncset.done $0x0  }
0x26: {  	s1 =	smov.u32 s4;
	[sflag:s16] =	ssyncadd.s32 $0xFFFFD900  }
.LBB2_4:
0x27: {  	s1 =	sadd.s32 $0x27000, s1  }
0x28: {  	[spmem:s20], [sflag:s0] =	dma.local [hbm:s1], $0x100  }
0x29: {  	_ =	swait.ge [sflag:s16], $0x100  }
0x2a: {  	[sflag:s16] =	ssyncset.done $0x0  }
0x2b: {  	[sflag:s16] =	ssyncadd.s32 $0xFFFFFF00  }
.LBB2_5:
0x2c: {  	[bflag:$0x0] =	sbarrier.arrive $0xFFFF;
	s0 =	simm.s32 $0x80;
	s1 =	simm.s32 $0x0  }
0x2d: {  	[tilespmem:s21], [sflag:$0x2] =	stream.linear.gather [hbm4b:s12+s3], $0x80, $0x38;
	[tilespmem:$0x1C980] =	vst v63  }
0x2e: {  	s0 =	sand.u32 $0x380, s0;
	s1 =	sand.u32 $0x3C00, s1  }
0x2f: {  	s0 =	sor.u32 s0, s1  }
0x30: {  	[tilespmem:s23], [sflag:$0x1] =	stream.indirect.gather [hbm4b:s4+s22], $0x80, s3, s22, $0xb8;
	[tilespmem:$0x1C980] =	vst v63  }
0x31: {  	s0 =	sor.u32 s7, s0  }
0x32: {  	s9 =	simm.s32 $0x80;
	s0 =	sshrl.u32 s0, $0x3  }
0x33: {  	[tilespmem:s24], [sflag:$0x1] =	stream.indirect.gather [hbm4b:s4+s22], $0x80, s9, s22, $0xb8;
	[tilespmem:$0x1C980] =	vst v63  }
0x34: {  	s0 =	sadd.s32 s5, s0  }
0x35: {  	[tilespmem:s25], [sflag:$0x2] =	stream.linear.gather [hbm4b:s0+s3], $0x80, $0x38;
	[tilespmem:$0x1C980] =	vst v63  }
0x36: {  	_ =	swait.ge [sflag:s26], $0x2800  }
0x37: {  	[sflag:s26] =	ssyncset.done $0x0  }
0x38: {  	[sflag:s26] =	ssyncadd.s32 $0xFFFFD800  }
0x39: {  	_ =	swait.ge [sflag:s28], $0x80  }
0x3a: {  	s11 =	simm.s32 $0x100;
	[sflag:s28] =	ssyncset.done $0x0  }
0x3b: {  	s9 =	sand.u32 $0x7C00, s11;
	[sflag:s28] =	ssyncadd.s32 $0xFFFFFF80  }
0x3c: {  	[spmem:s2] =	stream.indirect.scatter.add.f32 [tilespmem:s23], [sflag:$0x3], $0x80, s21, s22, $0xb8;
	[tilespmem:$0x1C980] =	vst v63  }
0x3d: {  	s1 =	sadd.s32 s7, s9;
	s0 =	sand.u32 $0x300, s11;
	_ =	swait.ge [sflag:s16], $0x2800  }
0x3e: {  	s0 =	sor.u32 s0, s1;
	[sflag:s16] =	ssyncset.done $0x0  }
0x3f: {  	s11 =	simm.s32 $0x100;
	s0 =	sshrl.u32 s0, $0x3;
	[sflag:s16] =	ssyncadd.s32 $0xFFFFD800  }
0x40: {  	[tilespmem:s23], [sflag:$0x1] =	stream.indirect.gather [hbm4b:s4+s22], $0x80, s11, s22, $0xb8;
	[tilespmem:$0x1C980] =	vst v63  }
0x41: {  	s0 =	sadd.s32 s5, s0  }
0x42: {  	[tilespmem:s21], [sflag:$0x2] =	stream.linear.gather [hbm4b:s0+s3], $0x80, $0x38;
	[tilespmem:$0x1C980] =	vst v63  }
0x43: {  	_ =	swait.ge [sflag:s26], $0x2800  }
0x44: {  	[sflag:s26] =	ssyncset.done $0x0  }
0x45: {  	[sflag:s26] =	ssyncadd.s32 $0xFFFFD800  }
0x46: {  	s31 =	simm.s32 $0x200;
	_ =	swait.ge [sflag:s28], $0x80  }
0x47: {  	s30 =	simm.s32 $0x180;
	s9 =	simm.s32 $0x180;
	[sflag:s28] =	ssyncset.done $0x0  }
0x48: {  	s9 =	sand.u32 $0x380, s9;
	s11 =	simm.s32 $0x100;
	[sflag:s28] =	ssyncadd.s32 $0xFFFFFF80  }
0x49: {  	[spmem:s2] =	stream.indirect.scatter.add.f32 [tilespmem:s24], [sflag:$0x3], $0x80, s25, s22, $0xb8;
	[tilespmem:$0x1C980] =	vst v63  }
0x4a: {  	s1 =	simm.s32 $0x300;
	s11 =	sand.u32 $0x3C00, s11;
	_ =	swait.ge [sflag:s16], $0x2800  }
.LBB2_6:
0x4b: {  	s9 =	sor.u32 s9, s11  }
0x4c: {  	[sflag:s16] =	ssyncset.done $0x0;
	s11 =	smov.u32 s1;
	s0 =	sadd.s32 $0x100, s1  }
0x4d: {  	p3 =	sne.s32 s1, $0x3E00;
	s1 =	sor.u32 s7, s9;
	[sflag:s16] =	ssyncadd.s32 $0xFFFFD800  }
0x4e: {  	[tilespmem:s24], [sflag:$0x1] =	stream.indirect.gather [hbm4b:s4+s22], $0x80, s30, s22, $0xb8;
	[tilespmem:$0x1C980] =	vst v63  }
0x4f: {  	s1 =	sshrl.u32 s1, $0x3  }
0x50: {  	s1 =	sadd.s32 s5, s1  }
0x51: {  	[tilespmem:s25], [sflag:$0x2] =	stream.linear.gather [hbm4b:s1+s3], $0x80, $0x38;
	[tilespmem:$0x1C980] =	vst v63  }
0x52: {  	_ =	swait.ge [sflag:s26], $0x2800  }
0x53: {  	[sflag:s26] =	ssyncset.done $0x0  }
0x54: {  	[sflag:s26] =	ssyncadd.s32 $0xFFFFD800  }
0x55: {  	_ =	swait.ge [sflag:s28], $0x80  }
0x56: {  	[sflag:s28] =	ssyncset.done $0x0  }
0x57: {  	s1 =	sand.u32 $0x7C00, s31;
	[sflag:s28] =	ssyncadd.s32 $0xFFFFFF80  }
0x58: {  	[spmem:s2] =	stream.indirect.scatter.add.f32 [tilespmem:s23], [sflag:$0x3], $0x80, s21, s22, $0xb8;
	[tilespmem:$0x1C980] =	vst v63  }
0x59: {  	s9 =	sand.u32 $0x300, s31;
	s1 =	sadd.s32 s7, s1;
	_ =	swait.ge [sflag:s16], $0x2800  }
0x5a: {  	s31 =	smov.u32 s11;
	s1 =	sor.u32 s9, s1;
	[sflag:s16] =	ssyncset.done $0x0  }
0x5b: {  	s9 =	sadd.s32 $0x80, s30;
	s1 =	sshrl.u32 s1, $0x3;
	[sflag:s16] =	ssyncadd.s32 $0xFFFFD800  }
0x5c: {  	[tilespmem:s23], [sflag:$0x1] =	stream.indirect.gather [hbm4b:s4+s22], $0x80, s9, s22, $0xb8;
	[tilespmem:$0x1C980] =	vst v63  }
0x5d: {  	s1 =	sadd.s32 s5, s1  }
0x5e: {  	[tilespmem:s21], [sflag:$0x2] =	stream.linear.gather [hbm4b:s1+s3], $0x80, $0x38;
	[tilespmem:$0x1C980] =	vst v63  }
0x5f: {  	_ =	swait.ge [sflag:s26], $0x2800  }
0x60: {  	[sflag:s26] =	ssyncset.done $0x0  }
0x61: {  	[sflag:s26] =	ssyncadd.s32 $0xFFFFD800  }
.Ltmp4:
0x62: {  	_ =	swait.ge [sflag:s28], $0x80;
	(pc) =	sbr.rel @p3 .LBB2_6-.Ltmp4, $4  }
0x63: {  	s11 =	sadd.s32 $0xFFFFFF00, s31;
	s30 =	sadd.s32 $0x100, s30;
	[sflag:s28] =	ssyncset.done $0x0  }
0x64: {  	s11 =	sand.u32 $0x3C00, s11;
	s1 =	sadd.s32 $0xFFFFFF80, s31;
	[sflag:s28] =	ssyncadd.s32 $0xFFFFFF80  }
0x65: {  	[spmem:s2] =	stream.indirect.scatter.add.f32 [tilespmem:s24], [sflag:$0x3], $0x80, s25, s22, $0xb8;
	[tilespmem:$0x1C980] =	vst v63  }
0x66: {  	s9 =	sand.u32 $0x380, s1;
	s1 =	smov.u32 s0;
	_ =	swait.ge [sflag:s16], $0x2800  }
0x67: {  	s0 =	sor.u32 s9, s11;
	[sflag:s16] =	ssyncset.done $0x0  }
0x68: {  	s0 =	sor.u32 s7, s0;
	[sflag:s16] =	ssyncadd.s32 $0xFFFFD800  }
0x69: {  	[tilespmem:s24], [sflag:$0x1] =	stream.indirect.gather [hbm4b:s4+s22], $0x80, s30, s22, $0xb8;
	[tilespmem:$0x1C980] =	vst v63  }
0x6a: {  	s0 =	sshrl.u32 s0, $0x3  }
0x6b: {  	s0 =	sadd.s32 s5, s0  }
0x6c: {  	[tilespmem:s25], [sflag:$0x2] =	stream.linear.gather [hbm4b:s0+s3], $0x80, $0x38;
	[tilespmem:$0x1C980] =	vst v63  }
0x6d: {  	_ =	swait.ge [sflag:s26], $0x2800  }
0x6e: {  	[sflag:s26] =	ssyncset.done $0x0  }
0x6f: {  	[sflag:s26] =	ssyncadd.s32 $0xFFFFD800  }
0x70: {  	_ =	swait.ge [sflag:s28], $0x80  }
0x71: {  	[sflag:s28] =	ssyncset.done $0x0  }
0x72: {  	s11 =	sand.u32 $0x7C00, s31;
	[sflag:s28] =	ssyncadd.s32 $0xFFFFFF80  }
0x73: {  	[spmem:s2] =	stream.indirect.scatter.add.f32 [tilespmem:s23], [sflag:$0x3], $0x80, s21, s22, $0xb8;
	[tilespmem:$0x1C980] =	vst v63  }
0x74: {  	s1 =	sand.u32 $0x300, s31;
	s0 =	sadd.s32 s7, s11;
	_ =	swait.ge [sflag:s16], $0x2800  }
0x75: {  	s0 =	sor.u32 s1, s0;
	[sflag:s16] =	ssyncset.done $0x0  }
0x76: {  	s31 =	sadd.s32 $0x80, s30;
	s0 =	sshrl.u32 s0, $0x3;
	[sflag:s16] =	ssyncadd.s32 $0xFFFFD800  }
0x77: {  	[tilespmem:s23], [sflag:$0x1] =	stream.indirect.gather [hbm4b:s4+s22], $0x80, s31, s22, $0xb8;
	[tilespmem:$0x1C980] =	vst v63  }
0x78: {  	s0 =	sadd.s32 s5, s0  }
0x79: {  	[tilespmem:s21], [sflag:$0x2] =	stream.linear.gather [hbm4b:s0+s3], $0x80, $0x38;
	[tilespmem:$0x1C980] =	vst v63  }
0x7a: {  	_ =	swait.ge [sflag:s26], $0x2800  }
0x7b: {  	[sflag:s26] =	ssyncset.done $0x0  }
0x7c: {  	[sflag:s26] =	ssyncadd.s32 $0xFFFFD800  }
0x7d: {  	_ =	swait.ge [sflag:s28], $0x80  }
0x7e: {  	[sflag:s28] =	ssyncset.done $0x0  }
0x7f: {  	[sflag:s28] =	ssyncadd.s32 $0xFFFFFF80  }
0x80: {  	[spmem:s2] =	stream.indirect.scatter.add.f32 [tilespmem:s24], [sflag:$0x3], $0x80, s25, s22, $0xb8;
	[tilespmem:$0x1C980] =	vst v63  }
0x81: {  	_ =	swait.ge [sflag:s16], $0x2800  }
0x82: {  	[sflag:s16] =	ssyncset.done $0x0  }
0x83: {  	[sflag:s16] =	ssyncadd.s32 $0xFFFFD800  }
0x84: {  	_ =	swait.ge [sflag:s26], $0x2800  }
0x85: {  	[sflag:s26] =	ssyncset.done $0x0  }
0x86: {  	[sflag:s26] =	ssyncadd.s32 $0xFFFFD800  }
0x87: {  	_ =	swait.ge [sflag:s28], $0x80  }
0x88: {  	[sflag:s28] =	ssyncset.done $0x0  }
0x89: {  	[sflag:s28] =	ssyncadd.s32 $0xFFFFFF80  }
0x8a: {  	[spmem:s2] =	stream.indirect.scatter.add.f32 [tilespmem:s23], [sflag:$0x3], $0x80, s21, s22, $0xb8;
	[tilespmem:$0x1C980] =	vst v63  }
0x8b: {  	_ =	swait.ge [sflag:s16], $0x2800  }
0x8c: {  	[sflag:s16] =	ssyncset.done $0x0  }
0x8d: {  	[sflag:s16] =	ssyncadd.s32 $0xFFFFD800  }
0x8e: {  	s0 =	sor.u32 $0x1C03, s17;
	[bflag:$0x0] =	sbarrier.arrive $0xFFFF  }
0x8f: {  	[hbm:s13], [sflag:s0] =	dma.local [spmem:s19], $0x2700  }
0x90: {  	_ =	swait.ge [sflag:s16], $0x2700  }
0x91: {  	s29 =	sadd.s32 $0x1, s29;
	[sflag:s16] =	ssyncset.done $0x0  }
0x92: {  	p3 =	sne.s32 s29, s15;
	s1 =	sshrl.u32 @!p1 s10, $0x3;
	[sflag:s16] =	ssyncadd.s32 $0xFFFFD900  }
0x93: {  	[hbm:s14], [sflag:s0] =	dma.local @!p1 [spmem:s1], $0x100  }
.Ltmp5:
0x94: {  	_ = 	snop;
	(pc) =	sbr.rel @p3 .LBB2_1-.Ltmp5, $4  }
0x95: {  	s0 =	simm.s32 @!p1 $0x3  }
0x96: {  	_ =	swait.ge @!p1 [sflag:s0], $0x100  }
0x97: {  	[sflag:s0] =	ssyncset.done @!p1 $0x0  }
0x98: {  	[sflag:s0] =	ssyncadd.s32 @!p1 $0xFFFFFF00  }
0x99: {  	_ =	sfence.sel $0x180000  }
0x9a: {  	[bflag:$0x0] =	sbarrier.arrive $0xFFFF  }
0x9b: {  	_ =	strace $0x90000050  }
0x9c: {  	s0 =	stileid.u32;
	[bflag:$0x2] =	sbarrier.arrive $0xFFFF  }
0x9d: {  	p0 =	sne.s32 s0, $0x0;
	s0 =	rddreg [dreg:$0x2]  }
0x9e: {  	s0 =	sadd.s32 @!p0 $0x100000, s0  }
0x9f: {  	[sflag:s0] =	ssyncadd.tile.s32 @!p0 $0x1;
	_ =	shalt  }
.Lfunc_end2:
_tile_overlayer_lowered:
.L_overlay_start_2:
0xa0: {  	(tag) =	ssettag $0x2  }
0xa1: {  	s0 =	rddreg [dreg:$0x0];
	s2 =	stileid.u32  }
0xa2: {  	s1 =	rddreg [dreg:$0x1];
	p0 =	sne.s32 s2, $0x0  }
0xa3: {  	s3 =	rddreg [dreg:$0x2];
	[bflag:$0x3] =	sbarrier.arrive $0xFFFF;
	s2 =	simm.s32 @!p0 $0x1C03  }
0xa4: {  	[timem:s3], [sflag:s2] =	dma.local @!p0 [hbm:s0], s1  }
0xa5: {  	s0 =	simm.s32 @!p0 $0x3  }
0xa6: {  	_ =	swait.ge @!p0 [sflag:s0], s1  }
0xa7: {  	s1 =	ssub.s32 @!p0 $0x0, s1;
	[sflag:s0] =	ssyncset.done @!p0 $0x0  }
0xa8: {  	[sflag:s0] =	ssyncadd.s32 @!p0 s1  }
0xa9: {  	[bflag:$0x3] =	sbarrier.arrive $0xFFFF  }
0xaa: {  	_ =	shalt  }

</sc_bundles>
